<compile_context>
chip_gen: v7x
topology: tpu7x:2x2x1
jax: 0.10.2.dev20260603
libtpu: 0.0.44.dev20260713+nightly
codegen_flags: <defaults>
</compile_context>

<pallas_src>
import functools

import jax
import jax.numpy as jnp
from jax import lax
from jax.experimental import pallas as pl
from jax.experimental.pallas import tpu as pltpu
from jax.experimental.pallas import tpu_sc as plsc

_NUM_WORKERS = 32
_L = 16
_NB = 4


@jax.jit
def _gather_sc(table_t, sorted_r, order, dist):
    d, _ = table_t.shape
    b = sorted_r.shape[0]
    b_per_w = b // _NUM_WORKERS
    n_groups = b_per_w // _L
    nk = d // _L
    mesh = plsc.VectorSubcoreMesh(core_axis_name="c", subcore_axis_name="s")

    @functools.partial(
        pl.kernel,
        mesh=mesh,
        out_type=jax.ShapeDtypeStruct((b, d), jnp.float32),
        scratch_types=[
            pltpu.VMEM((b_per_w,), jnp.int32),
            pltpu.VMEM((b_per_w,), jnp.int32),
            pltpu.VMEM((b_per_w,), jnp.int32),
            pltpu.VMEM((_NB, d, 128), jnp.float32),
            pltpu.VMEM((_L, d), jnp.float32),
            [pltpu.SemaphoreType.DMA] * _NB,
            pltpu.SemaphoreType.DMA,
        ],
        compiler_params=pltpu.CompilerParams(needs_layout_passes=False),
    )
    def k(table_hbm, srt_hbm, ord_hbm, dist_hbm, out_hbm,
          srt_v, ord_v, dist_v, blk_v, row_v, bsems, osem):
        wid = lax.axis_index("s") * 2 + lax.axis_index("c")
        base = wid * b_per_w
        pltpu.async_copy(srt_hbm.at[pl.ds(base, b_per_w)], srt_v, osem)
        pltpu.async_copy(ord_hbm.at[pl.ds(base, b_per_w)], ord_v, osem)
        pltpu.async_copy(dist_hbm.at[pl.ds(base, b_per_w)], dist_v, osem)
        pltpu.make_async_copy(srt_hbm.at[pl.ds(0, b_per_w)], srt_v, osem).wait()
        pltpu.make_async_copy(srt_hbm.at[pl.ds(0, b_per_w)], ord_v, osem).wait()
        pltpu.make_async_copy(srt_hbm.at[pl.ds(0, b_per_w)], dist_v, osem).wait()
        lanes = [jnp.arange(_L, dtype=jnp.int32) + _L * kk for kk in range(nk)]
        iota = jnp.arange(_L, dtype=jnp.int32)

        def fetch(blkid, q):
            pltpu.async_copy(
                table_hbm.at[:, pl.ds(pl.multiple_of(blkid * 128, 128), 128)],
                blk_v.at[q],
                bsems[q],
            )

        def dist_at(n):
            nb16 = pl.multiple_of((n >> 4) << 4, _L)
            dvec = dist_v[pl.ds(nb16, _L)]
            return jnp.sum(jnp.where(iota == (n & (_L - 1)), dvec, 0))

        dvec0 = dist_v[pl.ds(0, _L)]
        for q in range(_NB - 1):
            fetch(dvec0[q], q)

        def group(g, carry):
            cur, rd = carry
            rvec = srt_v[pl.ds(g * _L, _L)]
            pvec = ord_v[pl.ds(g * _L, _L)]
            for j in range(_L):
                r = rvec[j]
                p = pvec[j]
                blk = r >> 7
                c = r & 127
                adv = blk != cur

                @pl.when(adv)
                def _():
                    nxt = jnp.minimum(rd + _NB - 1, b_per_w - 1)
                    blk_nxt = dist_at(nxt)
                    for qq in range(_NB):
                        @pl.when((rd & (_NB - 1)) == qq)
                        def _():
                            pltpu.make_async_copy(
                                table_hbm.at[:, pl.ds(0, 128)],
                                blk_v.at[qq],
                                bsems[qq],
                            ).wait()
                            fetch(blk_nxt, (qq + _NB - 1) % _NB)

                cur = jnp.where(adv, blk, cur)
                rd = jnp.where(adv, rd + 1, rd)
                cvec = jnp.full((_L,), c, dtype=jnp.int32)
                qvec = jnp.full((_L,), (rd - 1) & (_NB - 1), dtype=jnp.int32)
                for kk in range(nk):
                    row_v[j, pl.ds(kk * _L, _L)] = plsc.load_gather(
                        blk_v, [qvec, lanes[kk], cvec]
                    )
                pltpu.async_copy(
                    row_v.at[pl.ds(j, 1), :], out_hbm.at[pl.ds(p, 1), :], osem
                )
            pltpu.make_async_copy(out_hbm.at[pl.ds(0, _L), :], row_v, osem).wait()
            return cur, rd

        _, rd = lax.fori_loop(
            0, n_groups, group, (jnp.int32(-1), jnp.int32(0))
        )
        for qq in range(_NB):
            @pl.when(((rd - 1) & (_NB - 1)) != qq)
            def _():
                pltpu.make_async_copy(
                    table_hbm.at[:, pl.ds(0, 128)], blk_v.at[qq], bsems[qq]
                ).wait()

    return k(table_t, sorted_r, order, dist)


def kernel(tensor, index):
    idx = index.reshape(-1).astype(jnp.int32)
    n = idx.shape[0]
    bpw = n // _NUM_WORKERS
    pos = jnp.arange(n, dtype=jnp.int32)
    sorted_r, order = lax.sort((idx, pos), num_keys=1)
    blk = sorted_r >> 7
    seg_first = (pos % bpw) == 0
    newb = jnp.concatenate([jnp.ones((1,), bool), blk[1:] != blk[:-1]]) | seg_first
    big = jnp.int32(1 << 20)
    dist = jnp.sort(
        jnp.where(newb, blk, big).reshape(_NUM_WORKERS, bpw), axis=1
    ).reshape(-1)
    nblk = (tensor.shape[0] + 127) // 128
    dist = jnp.minimum(dist, nblk - 1).astype(jnp.int32)
    return _gather_sc(tensor.T, sorted_r, order, dist)

# --- scband reference (transcript-rebuilt; emitter-appended) ---
"""Pipeline reference for scband-index-select-wrapper-57672820851437 (READ-ONLY COPY).

The authoritative reference and input builder live on the scoring server;
editing this copy changes nothing except your own understanding.
"""

import jax, jax.numpy as jnp
import numpy as np

def setup_inputs(seed: int = 0) -> dict:
    key = jax.random.key(seed)
    k1, k2 = jax.random.split(key)
    tensor = jax.random.normal(k1, (1000000, 64), dtype=jnp.float32)
    index = jax.random.randint(k2, (16384,), 0, 1000000, dtype=jnp.int64)
    return {"tensor": tensor, "index": index}

def reference(tensor, index):
    # torch.index_select(tensor, 0, index.flatten())
    return jnp.take(tensor, index.reshape(-1), axis=0)

if __name__ == "__main__":
    import jax
    _d = setup_inputs()
    print(jax.jit(kernel)(*tuple(_d.values())))

</pallas_src>

<mosaic_0001>
#map = affine_map<(d0, d1) -> (0, 0)>
#map1 = affine_map<(d0, d1) -> (0)>
module attributes {stable_mosaic.version = 14 : i64} {
  func.func @k(%arg0: i32, %arg1: i32, %arg2: memref<64x1000000xf32, #tpu.memory_space<hbm>>, %arg3: memref<16384xi32, #tpu.memory_space<hbm>>, %arg4: memref<16384xi32, #tpu.memory_space<hbm>>, %arg5: memref<16384xi32, #tpu.memory_space<hbm>>, %arg6: memref<16384x64xf32, #tpu.memory_space<hbm>>, %arg7: memref<512xi32, #tpu.memory_space<vmem>>, %arg8: memref<512xi32, #tpu.memory_space<vmem>>, %arg9: memref<512xi32, #tpu.memory_space<vmem>>, %arg10: memref<4x64x128xf32, #tpu.memory_space<vmem>>, %arg11: memref<16x64xf32, #tpu.memory_space<vmem>>, %arg12: memref<!tpu.dma_semaphore, #tpu.memory_space<semaphore_mem>>, %arg13: memref<!tpu.dma_semaphore, #tpu.memory_space<semaphore_mem>>, %arg14: memref<!tpu.dma_semaphore, #tpu.memory_space<semaphore_mem>>, %arg15: memref<!tpu.dma_semaphore, #tpu.memory_space<semaphore_mem>>, %arg16: memref<!tpu.dma_semaphore, #tpu.memory_space<semaphore_mem>>) attributes {dimension_semantics = [#tpu.dimension_semantics<core_parallel>, #tpu.dimension_semantics<subcore_parallel>], iteration_bounds = array<i64: 2, 16>, scalar_prefetch = 0 : i64, scratch_operands = 10 : i64, tpu.core_type = #tpu.core_type<sc_vector_subcore>, window_params = [{transform_indices = #map}, {transform_indices = #map1}, {transform_indices = #map1}, {transform_indices = #map1}, {transform_indices = #map}]} {
    %mul3A = arith.constant 2 : i32
    %mul3A_0 = arith.muli %arg1, %mul3A : i32
    %add3A = arith.addi %mul3A_0, %arg0 : i32
    %mul3A_1 = arith.constant 512 : i32
    %mul3A_2 = arith.muli %add3A, %mul3A_1 : i32
    %dma_start3A = tpu.memref_slice %arg3[%mul3A_2] : memref<16384xi32, #tpu.memory_space<hbm>> -> memref<512xi32, #tpu.memory_space<hbm>>
    %dma_start3A_3 = tpu.memref_slice %arg3[%mul3A_2] : memref<16384xi32, #tpu.memory_space<hbm>> -> memref<512xi32, #tpu.memory_space<hbm>>
    tpu.enqueue_dma source(%dma_start3A_3 : memref<512xi32, #tpu.memory_space<hbm>>) target(%arg7 : memref<512xi32, #tpu.memory_space<vmem>>) target_semaphore(%arg16 : memref<!tpu.dma_semaphore, #tpu.memory_space<semaphore_mem>>)
    %dma_start3A_4 = tpu.memref_slice %arg4[%mul3A_2] : memref<16384xi32, #tpu.memory_space<hbm>> -> memref<512xi32, #tpu.memory_space<hbm>>
    %dma_start3A_5 = tpu.memref_slice %arg4[%mul3A_2] : memref<16384xi32, #tpu.memory_space<hbm>> -> memref<512xi32, #tpu.memory_space<hbm>>
    tpu.enqueue_dma source(%dma_start3A_5 : memref<512xi32, #tpu.memory_space<hbm>>) target(%arg8 : memref<512xi32, #tpu.memory_space<vmem>>) target_semaphore(%arg16 : memref<!tpu.dma_semaphore, #tpu.memory_space<semaphore_mem>>)
    %dma_start3A_6 = tpu.memref_slice %arg5[%mul3A_2] : memref<16384xi32, #tpu.memory_space<hbm>> -> memref<512xi32, #tpu.memory_space<hbm>>
    %dma_start3A_7 = tpu.memref_slice %arg5[%mul3A_2] : memref<16384xi32, #tpu.memory_space<hbm>> -> memref<512xi32, #tpu.memory_space<hbm>>
    tpu.enqueue_dma source(%dma_start3A_7 : memref<512xi32, #tpu.memory_space<hbm>>) target(%arg9 : memref<512xi32, #tpu.memory_space<vmem>>) target_semaphore(%arg16 : memref<!tpu.dma_semaphore, #tpu.memory_space<semaphore_mem>>)
    %dma_wait3A = arith.constant 0 : i32
    %dma_wait3A_8 = tpu.memref_slice %arg3[%dma_wait3A] : memref<16384xi32, #tpu.memory_space<hbm>> -> memref<512xi32, #tpu.memory_space<hbm>>
    %dma_wait3A_9 = arith.constant 0 : i32
    %dma_wait3A_10 = tpu.memref_slice %arg3[%dma_wait3A_9] : memref<16384xi32, #tpu.memory_space<hbm>> -> memref<512xi32, #tpu.memory_space<hbm>>
    tpu.wait_dma2 semaphore(%arg16 : memref<!tpu.dma_semaphore, #tpu.memory_space<semaphore_mem>>) src(%dma_wait3A_10 : memref<512xi32, #tpu.memory_space<hbm>>) dst(%arg7 : memref<512xi32, #tpu.memory_space<vmem>>)
    %dma_wait3A_11 = arith.constant 0 : i32
    %dma_wait3A_12 = tpu.memref_slice %arg3[%dma_wait3A_11] : memref<16384xi32, #tpu.memory_space<hbm>> -> memref<512xi32, #tpu.memory_space<hbm>>
    %dma_wait3A_13 = arith.constant 0 : i32
    %dma_wait3A_14 = tpu.memref_slice %arg3[%dma_wait3A_13] : memref<16384xi32, #tpu.memory_space<hbm>> -> memref<512xi32, #tpu.memory_space<hbm>>
    tpu.wait_dma2 semaphore(%arg16 : memref<!tpu.dma_semaphore, #tpu.memory_space<semaphore_mem>>) src(%dma_wait3A_14 : memref<512xi32, #tpu.memory_space<hbm>>) dst(%arg8 : memref<512xi32, #tpu.memory_space<vmem>>)
    %dma_wait3A_15 = arith.constant 0 : i32
    %dma_wait3A_16 = tpu.memref_slice %arg3[%dma_wait3A_15] : memref<16384xi32, #tpu.memory_space<hbm>> -> memref<512xi32, #tpu.memory_space<hbm>>
    %dma_wait3A_17 = arith.constant 0 : i32
    %dma_wait3A_18 = tpu.memref_slice %arg3[%dma_wait3A_17] : memref<16384xi32, #tpu.memory_space<hbm>> -> memref<512xi32, #tpu.memory_space<hbm>>
    tpu.wait_dma2 semaphore(%arg16 : memref<!tpu.dma_semaphore, #tpu.memory_space<semaphore_mem>>) src(%dma_wait3A_18 : memref<512xi32, #tpu.memory_space<hbm>>) dst(%arg9 : memref<512xi32, #tpu.memory_space<vmem>>)
    %iota3A = tpu.iota {dimensions = array<i32: 0>} : vector<16xi32>
    %add3A_19 = arith.constant 0 : i32
    %add3A_20 = vector.broadcast %add3A_19 : i32 to vector<16xi32>
    %add3A_21 = arith.addi %iota3A, %add3A_20 : vector<16xi32>
    %iota3A_22 = tpu.iota {dimensions = array<i32: 0>} : vector<16xi32>
    %add3A_23 = arith.constant 16 : i32
    %add3A_24 = vector.broadcast %add3A_23 : i32 to vector<16xi32>
    %add3A_25 = arith.addi %iota3A_22, %add3A_24 : vector<16xi32>
    %iota3A_26 = tpu.iota {dimensions = array<i32: 0>} : vector<16xi32>
    %add3A_27 = arith.constant 32 : i32
    %add3A_28 = vector.broadcast %add3A_27 : i32 to vector<16xi32>
    %add3A_29 = arith.addi %iota3A_26, %add3A_28 : vector<16xi32>
    %iota3A_30 = tpu.iota {dimensions = array<i32: 0>} : vector<16xi32>
    %add3A_31 = arith.constant 48 : i32
    %add3A_32 = vector.broadcast %add3A_31 : i32 to vector<16xi32>
    %add3A_33 = arith.addi %iota3A_30, %add3A_32 : vector<16xi32>
    %iota3A_34 = tpu.iota {dimensions = array<i32: 0>} : vector<16xi32>
    %get3A = arith.constant 0 : index
    %get3A_35 = tpu.vector_load %arg9[%get3A] {strides = array<i32>} : memref<512xi32, #tpu.memory_space<vmem>>, vector<16xi32>,
    %slice3A = vector.extract_strided_slice %get3A_35 {offsets = [0], sizes = [1], strides = [1]} : vector<16xi32> to vector<1xi32>
    %squeeze3A = vector.extract %slice3A[0] : i32 from vector<1xi32>
    %mul3A_36 = arith.constant 128 : i32
    %mul3A_37 = arith.muli %squeeze3A, %mul3A_36 : i32
    %multiple_of3A = tpu.assume_multiple %mul3A_37, 128 : i32
    %dma_start3A_38 = arith.constant 0 : i32
    %dma_start3A_39 = arith.constant 0 : i32
    %dma_start3A_40 = arith.constant 0 : i32
    %dma_start3A_41 = tpu.memref_slice %arg10[%dma_start3A_38, %dma_start3A_39, %dma_start3A_40] : memref<4x64x128xf32, #tpu.memory_space<vmem>> -> memref<1x64x128xf32, #tpu.memory_space<vmem>>
    %dma_start3A_42 = tpu.memref_squeeze %dma_start3A_41 : memref<1x64x128xf32, #tpu.memory_space<vmem>> -> memref<64x128xf32, #tpu.memory_space<vmem>>
    %dma_start3A_43 = arith.constant 0 : i32
    %dma_start3A_44 = tpu.memref_slice %arg2[%dma_start3A_43, %multiple_of3A] : memref<64x1000000xf32, #tpu.memory_space<hbm>> -> memref<64x128xf32, #tpu.memory_space<hbm>>
    %dma_start3A_45 = arith.constant 0 : i32
    %dma_start3A_46 = arith.constant 0 : i32
    %dma_start3A_47 = tpu.memref_slice %arg10[%dma_start3A_38, %dma_start3A_45, %dma_start3A_46] : memref<4x64x128xf32, #tpu.memory_space<vmem>> -> memref<1x64x128xf32, #tpu.memory_space<vmem>>
    %dma_start3A_48 = tpu.memref_squeeze %dma_start3A_47 : memref<1x64x128xf32, #tpu.memory_space<vmem>> -> memref<64x128xf32, #tpu.memory_space<vmem>>
    %dma_start3A_49 = arith.constant 0 : i32
    %dma_start3A_50 = tpu.memref_slice %arg2[%dma_start3A_49, %multiple_of3A] : memref<64x1000000xf32, #tpu.memory_space<hbm>> -> memref<64x128xf32, #tpu.memory_space<hbm>>
    tpu.enqueue_dma source(%dma_start3A_50 : memref<64x128xf32, #tpu.memory_space<hbm>>) target(%dma_start3A_48 : memref<64x128xf32, #tpu.memory_space<vmem>>) target_semaphore(%arg12 : memref<!tpu.dma_semaphore, #tpu.memory_space<semaphore_mem>>)
    %slice3A_51 = vector.extract_strided_slice %get3A_35 {offsets = [1], sizes = [1], strides = [1]} : vector<16xi32> to vector<1xi32>
    %squeeze3A_52 = vector.extract %slice3A_51[0] : i32 from vector<1xi32>
    %mul3A_53 = arith.constant 128 : i32
    %mul3A_54 = arith.muli %squeeze3A_52, %mul3A_53 : i32
    %multiple_of3A_55 = tpu.assume_multiple %mul3A_54, 128 : i32
    %dma_start3A_56 = arith.constant 1 : i32
    %dma_start3A_57 = arith.constant 0 : i32
    %dma_start3A_58 = arith.constant 0 : i32
    %dma_start3A_59 = tpu.memref_slice %arg10[%dma_start3A_56, %dma_start3A_57, %dma_start3A_58] : memref<4x64x128xf32, #tpu.memory_space<vmem>> -> memref<1x64x128xf32, #tpu.memory_space<vmem>>
    %dma_start3A_60 = tpu.memref_squeeze %dma_start3A_59 : memref<1x64x128xf32, #tpu.memory_space<vmem>> -> memref<64x128xf32, #tpu.memory_space<vmem>>
    %dma_start3A_61 = arith.constant 0 : i32
    %dma_start3A_62 = tpu.memref_slice %arg2[%dma_start3A_61, %multiple_of3A_55] : memref<64x1000000xf32, #tpu.memory_space<hbm>> -> memref<64x128xf32, #tpu.memory_space<hbm>>
    %dma_start3A_63 = arith.constant 0 : i32
    %dma_start3A_64 = arith.constant 0 : i32
    %dma_start3A_65 = tpu.memref_slice %arg10[%dma_start3A_56, %dma_start3A_63, %dma_start3A_64] : memref<4x64x128xf32, #tpu.memory_space<vmem>> -> memref<1x64x128xf32, #tpu.memory_space<vmem>>
    %dma_start3A_66 = tpu.memref_squeeze %dma_start3A_65 : memref<1x64x128xf32, #tpu.memory_space<vmem>> -> memref<64x128xf32, #tpu.memory_space<vmem>>
    %dma_start3A_67 = arith.constant 0 : i32
    %dma_start3A_68 = tpu.memref_slice %arg2[%dma_start3A_67, %multiple_of3A_55] : memref<64x1000000xf32, #tpu.memory_space<hbm>> -> memref<64x128xf32, #tpu.memory_space<hbm>>
    tpu.enqueue_dma source(%dma_start3A_68 : memref<64x128xf32, #tpu.memory_space<hbm>>) target(%dma_start3A_66 : memref<64x128xf32, #tpu.memory_space<vmem>>) target_semaphore(%arg13 : memref<!tpu.dma_semaphore, #tpu.memory_space<semaphore_mem>>)
    %slice3A_69 = vector.extract_strided_slice %get3A_35 {offsets = [2], sizes = [1], strides = [1]} : vector<16xi32> to vector<1xi32>
    %squeeze3A_70 = vector.extract %slice3A_69[0] : i32 from vector<1xi32>
    %mul3A_71 = arith.constant 128 : i32
    %mul3A_72 = arith.muli %squeeze3A_70, %mul3A_71 : i32
    %multiple_of3A_73 = tpu.assume_multiple %mul3A_72, 128 : i32
    %dma_start3A_74 = arith.constant 2 : i32
    %dma_start3A_75 = arith.constant 0 : i32
    %dma_start3A_76 = arith.constant 0 : i32
    %dma_start3A_77 = tpu.memref_slice %arg10[%dma_start3A_74, %dma_start3A_75, %dma_start3A_76] : memref<4x64x128xf32, #tpu.memory_space<vmem>> -> memref<1x64x128xf32, #tpu.memory_space<vmem>>
    %dma_start3A_78 = tpu.memref_squeeze %dma_start3A_77 : memref<1x64x128xf32, #tpu.memory_space<vmem>> -> memref<64x128xf32, #tpu.memory_space<vmem>>
    %dma_start3A_79 = arith.constant 0 : i32
    %dma_start3A_80 = tpu.memref_slice %arg2[%dma_start3A_79, %multiple_of3A_73] : memref<64x1000000xf32, #tpu.memory_space<hbm>> -> memref<64x128xf32, #tpu.memory_space<hbm>>
    %dma_start3A_81 = arith.constant 0 : i32
    %dma_start3A_82 = arith.constant 0 : i32
    %dma_start3A_83 = tpu.memref_slice %arg10[%dma_start3A_74, %dma_start3A_81, %dma_start3A_82] : memref<4x64x128xf32, #tpu.memory_space<vmem>> -> memref<1x64x128xf32, #tpu.memory_space<vmem>>
    %dma_start3A_84 = tpu.memref_squeeze %dma_start3A_83 : memref<1x64x128xf32, #tpu.memory_space<vmem>> -> memref<64x128xf32, #tpu.memory_space<vmem>>
    %dma_start3A_85 = arith.constant 0 : i32
    %dma_start3A_86 = tpu.memref_slice %arg2[%dma_start3A_85, %multiple_of3A_73] : memref<64x1000000xf32, #tpu.memory_space<hbm>> -> memref<64x128xf32, #tpu.memory_space<hbm>>
    tpu.enqueue_dma source(%dma_start3A_86 : memref<64x128xf32, #tpu.memory_space<hbm>>) target(%dma_start3A_84 : memref<64x128xf32, #tpu.memory_space<vmem>>) target_semaphore(%arg14 : memref<!tpu.dma_semaphore, #tpu.memory_space<semaphore_mem>>)
    %scan3A = arith.constant -1 : i32
    %scan3A_87 = arith.constant 0 : i32
    %scan3A_88 = arith.constant 0 : i32
    %scan3A_89 = arith.constant 32 : i32
    %scan3A_90 = arith.addi %scan3A_88, %scan3A_89 : i32
    %scan3A_91 = arith.constant 1 : i32
    %scan3A_92:2 = scf.for %scan3A_125 = %scan3A_88 to %scan3A_90 step %scan3A_91 iter_args(%scan3A_126 = %scan3A, %scan3A_127 = %scan3A_87) -> (i32, i32)  : i32 {
      %mul3A_128 = arith.constant 16 : i32
      %mul3A_129 = arith.muli %scan3A_125, %mul3A_128 : i32
      %get3A_130 = arith.index_cast %mul3A_129 : i32 to index
      %get3A_131 = tpu.vector_load %arg7[%get3A_130] {strides = array<i32>} : memref<512xi32, #tpu.memory_space<vmem>>, vector<16xi32>,
      %mul3A_132 = arith.constant 16 : i32
      %mul3A_133 = arith.muli %scan3A_125, %mul3A_132 : i32
      %get3A_134 = arith.index_cast %mul3A_133 : i32 to index
      %get3A_135 = tpu.vector_load %arg8[%get3A_134] {strides = array<i32>} : memref<512xi32, #tpu.memory_space<vmem>>, vector<16xi32>,
      %slice3A_136 = vector.extract_strided_slice %get3A_131 {offsets = [0], sizes = [1], strides = [1]} : vector<16xi32> to vector<1xi32>
      %squeeze3A_137 = vector.extract %slice3A_136[0] : i32 from vector<1xi32>
      %slice3A_138 = vector.extract_strided_slice %get3A_135 {offsets = [0], sizes = [1], strides = [1]} : vector<16xi32> to vector<1xi32>
      %squeeze3A_139 = vector.extract %slice3A_138[0] : i32 from vector<1xi32>
      %shift_right_arithmetic3A = arith.constant 7 : i32
      %shift_right_arithmetic3A_140 = arith.shrsi %squeeze3A_137, %shift_right_arithmetic3A : i32
      %and3A_141 = arith.constant 127 : i32
      %and3A_142 = arith.andi %squeeze3A_137, %and3A_141 : i32
      %ne3A_143 = arith.cmpi ne, %shift_right_arithmetic3A_140, %scan3A_126 : i32
      %convert_element_type3A_144 = arith.extui %ne3A_143 : i1 to i32
      %cond3A_145 = arith.constant 0 : i32
      %cond3A_146 = arith.cmpi ne, %convert_element_type3A_144, %cond3A_145 : i32
      scf.if %cond3A_146 {
        %add3A_969 = arith.constant 4 : i32
        %add3A_970 = arith.addi %scan3A_127, %add3A_969 : i32
        %sub3A_971 = arith.constant 1 : i32
        %sub3A_972 = arith.subi %add3A_970, %sub3A_971 : i32
        %min3A = arith.constant 511 : i32
        %min3A_973 = arith.minsi %sub3A_972, %min3A : i32
        %shift_right_arithmetic3A_974 = arith.constant 4 : i32
        %shift_right_arithmetic3A_975 = arith.shrsi %min3A_973, %shift_right_arithmetic3A_974 : i32
        %shift_left3A = arith.constant 4 : i32
        %shift_left3A_976 = arith.shli %shift_right_arithmetic3A_975, %shift_left3A : i32
        %multiple_of3A_977 = tpu.assume_multiple %shift_left3A_976, 16 : i32
        %get3A_978 = arith.index_cast %multiple_of3A_977 : i32 to index
        %get3A_979 = tpu.vector_load %arg9[%get3A_978] {strides = array<i32>} : memref<512xi32, #tpu.memory_space<vmem>>, vector<16xi32>,
        %and3A_980 = arith.constant 15 : i32
        %and3A_981 = arith.andi %min3A_973, %and3A_980 : i32
        %eq3A = vector.broadcast %and3A_981 : i32 to vector<16xi32>
        %eq3A_982 = arith.cmpi eq, %iota3A_34, %eq3A : vector<16xi32>
        %jit3A = arith.constant 0 : i32
        %broadcast_in_dim3A_983 = vector.broadcast %jit3A : i32 to vector<16xi32>
        %select_n3A_984 = arith.select %eq3A_982, %get3A_979, %broadcast_in_dim3A_983 : vector<16xi1>, vector<16xi32>
        %reduce_sum3A = arith.constant true
        %reduce_sum3A_985 = vector.broadcast %reduce_sum3A : i1 to vector<16xi1>
        %reduce_sum3A_986 = tpu.scan <sum>, %select_n3A_984 masked %reduce_sum3A_985 : vector<16xi32>, vector<16xi1> -> vector<16xi32>
        %reduce_sum3A_987 = vector.extract %reduce_sum3A_986[15] : i32 from vector<16xi32>
        %and3A_988 = arith.constant 3 : i32
        %and3A_989 = arith.andi %scan3A_127, %and3A_988 : i32
        %eq3A_990 = arith.constant 0 : i32
        %eq3A_991 = arith.cmpi eq, %and3A_989, %eq3A_990 : i32
        %convert_element_type3A_992 = arith.extui %eq3A_991 : i1 to i32
        %cond3A_993 = arith.constant 0 : i32
        %cond3A_994 = arith.cmpi ne, %convert_element_type3A_992, %cond3A_993 : i32
        scf.if %cond3A_994 {
          %dma_wait3A_1016 = arith.constant 0 : i32
          %dma_wait3A_1017 = arith.constant 0 : i32
          %dma_wait3A_1018 = arith.constant 0 : i32
          %dma_wait3A_1019 = tpu.memref_slice %arg10[%dma_wait3A_1016, %dma_wait3A_1017, %dma_wait3A_1018] : memref<4x64x128xf32, #tpu.memory_space<vmem>> -> memref<1x64x128xf32, #tpu.memory_space<vmem>>
          %dma_wait3A_1020 = tpu.memref_squeeze %dma_wait3A_1019 : memref<1x64x128xf32, #tpu.memory_space<vmem>> -> memref<64x128xf32, #tpu.memory_space<vmem>>
          %dma_wait3A_1021 = arith.constant 0 : i32
          %dma_wait3A_1022 = arith.constant 0 : i32
          %dma_wait3A_1023 = tpu.memref_slice %arg2[%dma_wait3A_1021, %dma_wait3A_1022] : memref<64x1000000xf32, #tpu.memory_space<hbm>> -> memref<64x128xf32, #tpu.memory_space<hbm>>
          %dma_wait3A_1024 = arith.constant 0 : i32
          %dma_wait3A_1025 = arith.constant 0 : i32
          %dma_wait3A_1026 = tpu.memref_slice %arg10[%dma_wait3A_1016, %dma_wait3A_1024, %dma_wait3A_1025] : memref<4x64x128xf32, #tpu.memory_space<vmem>> -> memref<1x64x128xf32, #tpu.memory_space<vmem>>
          %dma_wait3A_1027 = tpu.memref_squeeze %dma_wait3A_1026 : memref<1x64x128xf32, #tpu.memory_space<vmem>> -> memref<64x128xf32, #tpu.memory_space<vmem>>
          %dma_wait3A_1028 = arith.constant 0 : i32
          %dma_wait3A_1029 = arith.constant 0 : i32
          %dma_wait3A_1030 = tpu.memref_slice %arg2[%dma_wait3A_1028, %dma_wait3A_1029] : memref<64x1000000xf32, #tpu.memory_space<hbm>> -> memref<64x128xf32, #tpu.memory_space<hbm>>
          tpu.wait_dma2 semaphore(%arg12 : memref<!tpu.dma_semaphore, #tpu.memory_space<semaphore_mem>>) src(%dma_wait3A_1030 : memref<64x128xf32, #tpu.memory_space<hbm>>) dst(%dma_wait3A_1027 : memref<64x128xf32, #tpu.memory_space<vmem>>)
          %mul3A_1031 = arith.constant 128 : i32
          %mul3A_1032 = arith.muli %reduce_sum3A_987, %mul3A_1031 : i32
          %multiple_of3A_1033 = tpu.assume_multiple %mul3A_1032, 128 : i32
          %dma_start3A_1034 = arith.constant 3 : i32
          %dma_start3A_1035 = arith.constant 0 : i32
          %dma_start3A_1036 = arith.constant 0 : i32
          %dma_start3A_1037 = tpu.memref_slice %arg10[%dma_start3A_1034, %dma_start3A_1035, %dma_start3A_1036] : memref<4x64x128xf32, #tpu.memory_space<vmem>> -> memref<1x64x128xf32, #tpu.memory_space<vmem>>
          %dma_start3A_1038 = tpu.memref_squeeze %dma_start3A_1037 : memref<1x64x128xf32, #tpu.memory_space<vmem>> -> memref<64x128xf32, #tpu.memory_space<vmem>>
          %dma_start3A_1039 = arith.constant 0 : i32
          %dma_start3A_1040 = tpu.memref_slice %arg2[%dma_start3A_1039, %multiple_of3A_1033] : memref<64x1000000xf32, #tpu.memory_space<hbm>> -> memref<64x128xf32, #tpu.memory_space<hbm>>
          %dma_start3A_1041 = arith.constant 0 : i32
          %dma_start3A_1042 = arith.constant 0 : i32
          %dma_start3A_1043 = tpu.memref_slice %arg10[%dma_start3A_1034, %dma_start3A_1041, %dma_start3A_1042] : memref<4x64x128xf32, #tpu.memory_space<vmem>> -> memref<1x64x128xf32, #tpu.memory_space<vmem>>
          %dma_start3A_1044 = tpu.memref_squeeze %dma_start3A_1043 : memref<1x64x128xf32, #tpu.memory_space<vmem>> -> memref<64x128xf32, #tpu.memory_space<vmem>>
          %dma_start3A_1045 = arith.constant 0 : i32
          %dma_start3A_1046 = tpu.memref_slice %arg2[%dma_start3A_1045, %multiple_of3A_1033] : memref<64x1000000xf32, #tpu.memory_space<hbm>> -> memref<64x128xf32, #tpu.memory_space<hbm>>
          tpu.enqueue_dma source(%dma_start3A_1046 : memref<64x128xf32, #tpu.memory_space<hbm>>) target(%dma_start3A_1044 : memref<64x128xf32, #tpu.memory_space<vmem>>) target_semaphore(%arg15 : memref<!tpu.dma_semaphore, #tpu.memory_space<semaphore_mem>>)
        } else {
        }
        %and3A_995 = arith.constant 3 : i32
        %and3A_996 = arith.andi %scan3A_127, %and3A_995 : i32
        %eq3A_997 = arith.constant 1 : i32
        %eq3A_998 = arith.cmpi eq, %and3A_996, %eq3A_997 : i32
        %convert_element_type3A_999 = arith.extui %eq3A_998 : i1 to i32
        %cond3A_1000 = arith.constant 0 : i32
        %cond3A_1001 = arith.cmpi ne, %convert_element_type3A_999, %cond3A_1000 : i32
        scf.if %cond3A_1001 {
          %dma_wait3A_1016 = arith.constant 1 : i32
          %dma_wait3A_1017 = arith.constant 0 : i32
          %dma_wait3A_1018 = arith.constant 0 : i32
          %dma_wait3A_1019 = tpu.memref_slice %arg10[%dma_wait3A_1016, %dma_wait3A_1017, %dma_wait3A_1018] : memref<4x64x128xf32, #tpu.memory_space<vmem>> -> memref<1x64x128xf32, #tpu.memory_space<vmem>>
          %dma_wait3A_1020 = tpu.memref_squeeze %dma_wait3A_1019 : memref<1x64x128xf32, #tpu.memory_space<vmem>> -> memref<64x128xf32, #tpu.memory_space<vmem>>
          %dma_wait3A_1021 = arith.constant 0 : i32
          %dma_wait3A_1022 = arith.constant 0 : i32
          %dma_wait3A_1023 = tpu.memref_slice %arg2[%dma_wait3A_1021, %dma_wait3A_1022] : memref<64x1000000xf32, #tpu.memory_space<hbm>> -> memref<64x128xf32, #tpu.memory_space<hbm>>
          %dma_wait3A_1024 = arith.constant 0 : i32
          %dma_wait3A_1025 = arith.constant 0 : i32
          %dma_wait3A_1026 = tpu.memref_slice %arg10[%dma_wait3A_1016, %dma_wait3A_1024, %dma_wait3A_1025] : memref<4x64x128xf32, #tpu.memory_space<vmem>> -> memref<1x64x128xf32, #tpu.memory_space<vmem>>
          %dma_wait3A_1027 = tpu.memref_squeeze %dma_wait3A_1026 : memref<1x64x128xf32, #tpu.memory_space<vmem>> -> memref<64x128xf32, #tpu.memory_space<vmem>>
          %dma_wait3A_1028 = arith.constant 0 : i32
          %dma_wait3A_1029 = arith.constant 0 : i32
          %dma_wait3A_1030 = tpu.memref_slice %arg2[%dma_wait3A_1028, %dma_wait3A_1029] : memref<64x1000000xf32, #tpu.memory_space<hbm>> -> memref<64x128xf32, #tpu.memory_space<hbm>>
          tpu.wait_dma2 semaphore(%arg13 : memref<!tpu.dma_semaphore, #tpu.memory_space<semaphore_mem>>) src(%dma_wait3A_1030 : memref<64x128xf32, #tpu.memory_space<hbm>>) dst(%dma_wait3A_1027 : memref<64x128xf32, #tpu.memory_space<vmem>>)
          %mul3A_1031 = arith.constant 128 : i32
          %mul3A_1032 = arith.muli %reduce_sum3A_987, %mul3A_1031 : i32
          %multiple_of3A_1033 = tpu.assume_multiple %mul3A_1032, 128 : i32
          %dma_start3A_1034 = arith.constant 0 : i32
          %dma_start3A_1035 = arith.constant 0 : i32
          %dma_start3A_1036 = arith.constant 0 : i32
          %dma_start3A_1037 = tpu.memref_slice %arg10[%dma_start3A_1034, %dma_start3A_1035, %dma_start3A_1036] : memref<4x64x128xf32, #tpu.memory_space<vmem>> -> memref<1x64x128xf32, #tpu.memory_space<vmem>>
          %dma_start3A_1038 = tpu.memref_squeeze %dma_start3A_1037 : memref<1x64x128xf32, #tpu.memory_space<vmem>> -> memref<64x128xf32, #tpu.memory_space<vmem>>
          %dma_start3A_1039 = arith.constant 0 : i32
          %dma_start3A_1040 = tpu.memref_slice %arg2[%dma_start3A_1039, %multiple_of3A_1033] : memref<64x1000000xf32, #tpu.memory_space<hbm>> -> memref<64x128xf32, #tpu.memory_space<hbm>>
          %dma_start3A_1041 = arith.constant 0 : i32
          %dma_start3A_1042 = arith.constant 0 : i32
          %dma_start3A_1043 = tpu.memref_slice %arg10[%dma_start3A_1034, %dma_start3A_1041, %dma_start3A_1042] : memref<4x64x128xf32, #tpu.memory_space<vmem>> -> memref<1x64x128xf32, #tpu.memory_space<vmem>>
          %dma_start3A_1044 = tpu.memref_squeeze %dma_start3A_1043 : memref<1x64x128xf32, #tpu.memory_space<vmem>> -> memref<64x128xf32, #tpu.memory_space<vmem>>
          %dma_start3A_1045 = arith.constant 0 : i32
          %dma_start3A_1046 = tpu.memref_slice %arg2[%dma_start3A_1045, %multiple_of3A_1033] : memref<64x1000000xf32, #tpu.memory_space<hbm>> -> memref<64x128xf32, #tpu.memory_space<hbm>>
          tpu.enqueue_dma source(%dma_start3A_1046 : memref<64x128xf32, #tpu.memory_space<hbm>>) target(%dma_start3A_1044 : memref<64x128xf32, #tpu.memory_space<vmem>>) target_semaphore(%arg12 : memref<!tpu.dma_semaphore, #tpu.memory_space<semaphore_mem>>)
        } else {
        }
        %and3A_1002 = arith.constant 3 : i32
        %and3A_1003 = arith.andi %scan3A_127, %and3A_1002 : i32
        %eq3A_1004 = arith.constant 2 : i32
        %eq3A_1005 = arith.cmpi eq, %and3A_1003, %eq3A_1004 : i32
        %convert_element_type3A_1006 = arith.extui %eq3A_1005 : i1 to i32
        %cond3A_1007 = arith.constant 0 : i32
        %cond3A_1008 = arith.cmpi ne, %convert_element_type3A_1006, %cond3A_1007 : i32
        scf.if %cond3A_1008 {
          %dma_wait3A_1016 = arith.constant 2 : i32
          %dma_wait3A_1017 = arith.constant 0 : i32
          %dma_wait3A_1018 = arith.constant 0 : i32
          %dma_wait3A_1019 = tpu.memref_slice %arg10[%dma_wait3A_1016, %dma_wait3A_1017, %dma_wait3A_1018] : memref<4x64x128xf32, #tpu.memory_space<vmem>> -> memref<1x64x128xf32, #tpu.memory_space<vmem>>
          %dma_wait3A_1020 = tpu.memref_squeeze %dma_wait3A_1019 : memref<1x64x128xf32, #tpu.memory_space<vmem>> -> memref<64x128xf32, #tpu.memory_space<vmem>>
          %dma_wait3A_1021 = arith.constant 0 : i32
          %dma_wait3A_1022 = arith.constant 0 : i32
          %dma_wait3A_1023 = tpu.memref_slice %arg2[%dma_wait3A_1021, %dma_wait3A_1022] : memref<64x1000000xf32, #tpu.memory_space<hbm>> -> memref<64x128xf32, #tpu.memory_space<hbm>>
          %dma_wait3A_1024 = arith.constant 0 : i32
          %dma_wait3A_1025 = arith.constant 0 : i32
          %dma_wait3A_1026 = tpu.memref_slice %arg10[%dma_wait3A_1016, %dma_wait3A_1024, %dma_wait3A_1025] : memref<4x64x128xf32, #tpu.memory_space<vmem>> -> memref<1x64x128xf32, #tpu.memory_space<vmem>>
          %dma_wait3A_1027 = tpu.memref_squeeze %dma_wait3A_1026 : memref<1x64x128xf32, #tpu.memory_space<vmem>> -> memref<64x128xf32, #tpu.memory_space<vmem>>
          %dma_wait3A_1028 = arith.constant 0 : i32
          %dma_wait3A_1029 = arith.constant 0 : i32
          %dma_wait3A_1030 = tpu.memref_slice %arg2[%dma_wait3A_1028, %dma_wait3A_1029] : memref<64x1000000xf32, #tpu.memory_space<hbm>> -> memref<64x128xf32, #tpu.memory_space<hbm>>
          tpu.wait_dma2 semaphore(%arg14 : memref<!tpu.dma_semaphore, #tpu.memory_space<semaphore_mem>>) src(%dma_wait3A_1030 : memref<64x128xf32, #tpu.memory_space<hbm>>) dst(%dma_wait3A_1027 : memref<64x128xf32, #tpu.memory_space<vmem>>)
          %mul3A_1031 = arith.constant 128 : i32
          %mul3A_1032 = arith.muli %reduce_sum3A_987, %mul3A_1031 : i32
          %multiple_of3A_1033 = tpu.assume_multiple %mul3A_1032, 128 : i32
          %dma_start3A_1034 = arith.constant 1 : i32
          %dma_start3A_1035 = arith.constant 0 : i32
          %dma_start3A_1036 = arith.constant 0 : i32
          %dma_start3A_1037 = tpu.memref_slice %arg10[%dma_start3A_1034, %dma_start3A_1035, %dma_start3A_1036] : memref<4x64x128xf32, #tpu.memory_space<vmem>> -> memref<1x64x128xf32, #tpu.memory_space<vmem>>
          %dma_start3A_1038 = tpu.memref_squeeze %dma_start3A_1037 : memref<1x64x128xf32, #tpu.memory_space<vmem>> -> memref<64x128xf32, #tpu.memory_space<vmem>>
          %dma_start3A_1039 = arith.constant 0 : i32
          %dma_start3A_1040 = tpu.memref_slice %arg2[%dma_start3A_1039, %multiple_of3A_1033] : memref<64x1000000xf32, #tpu.memory_space<hbm>> -> memref<64x128xf32, #tpu.memory_space<hbm>>
          %dma_start3A_1041 = arith.constant 0 : i32
          %dma_start3A_1042 = arith.constant 0 : i32
          %dma_start3A_1043 = tpu.memref_slice %arg10[%dma_start3A_1034, %dma_start3A_1041, %dma_start3A_1042] : memref<4x64x128xf32, #tpu.memory_space<vmem>> -> memref<1x64x128xf32, #tpu.memory_space<vmem>>
          %dma_start3A_1044 = tpu.memref_squeeze %dma_start3A_1043 : memref<1x64x128xf32, #tpu.memory_space<vmem>> -> memref<64x128xf32, #tpu.memory_space<vmem>>
          %dma_start3A_1045 = arith.constant 0 : i32
          %dma_start3A_1046 = tpu.memref_slice %arg2[%dma_start3A_1045, %multiple_of3A_1033] : memref<64x1000000xf32, #tpu.memory_space<hbm>> -> memref<64x128xf32, #tpu.memory_space<hbm>>
          tpu.enqueue_dma source(%dma_start3A_1046 : memref<64x128xf32, #tpu.memory_space<hbm>>) target(%dma_start3A_1044 : memref<64x128xf32, #tpu.memory_space<vmem>>) target_semaphore(%arg13 : memref<!tpu.dma_semaphore, #tpu.memory_space<semaphore_mem>>)
        } else {
        }
        %and3A_1009 = arith.constant 3 : i32
        %and3A_1010 = arith.andi %scan3A_127, %and3A_1009 : i32
        %eq3A_1011 = arith.constant 3 : i32
        %eq3A_1012 = arith.cmpi eq, %and3A_1010, %eq3A_1011 : i32
        %convert_element_type3A_1013 = arith.extui %eq3A_1012 : i1 to i32
        %cond3A_1014 = arith.constant 0 : i32
        %cond3A_1015 = arith.cmpi ne, %convert_element_type3A_1013, %cond3A_1014 : i32
        scf.if %cond3A_1015 {
          %dma_wait3A_1016 = arith.constant 3 : i32
          %dma_wait3A_1017 = arith.constant 0 : i32
          %dma_wait3A_1018 = arith.constant 0 : i32
          %dma_wait3A_1019 = tpu.memref_slice %arg10[%dma_wait3A_1016, %dma_wait3A_1017, %dma_wait3A_1018] : memref<4x64x128xf32, #tpu.memory_space<vmem>> -> memref<1x64x128xf32, #tpu.memory_space<vmem>>
          %dma_wait3A_1020 = tpu.memref_squeeze %dma_wait3A_1019 : memref<1x64x128xf32, #tpu.memory_space<vmem>> -> memref<64x128xf32, #tpu.memory_space<vmem>>
          %dma_wait3A_1021 = arith.constant 0 : i32
          %dma_wait3A_1022 = arith.constant 0 : i32
          %dma_wait3A_1023 = tpu.memref_slice %arg2[%dma_wait3A_1021, %dma_wait3A_1022] : memref<64x1000000xf32, #tpu.memory_space<hbm>> -> memref<64x128xf32, #tpu.memory_space<hbm>>
          %dma_wait3A_1024 = arith.constant 0 : i32
          %dma_wait3A_1025 = arith.constant 0 : i32
          %dma_wait3A_1026 = tpu.memref_slice %arg10[%dma_wait3A_1016, %dma_wait3A_1024, %dma_wait3A_1025] : memref<4x64x128xf32, #tpu.memory_space<vmem>> -> memref<1x64x128xf32, #tpu.memory_space<vmem>>
          %dma_wait3A_1027 = tpu.memref_squeeze %dma_wait3A_1026 : memref<1x64x128xf32, #tpu.memory_space<vmem>> -> memref<64x128xf32, #tpu.memory_space<vmem>>
          %dma_wait3A_1028 = arith.constant 0 : i32
          %dma_wait3A_1029 = arith.constant 0 : i32
          %dma_wait3A_1030 = tpu.memref_slice %arg2[%dma_wait3A_1028, %dma_wait3A_1029] : memref<64x1000000xf32, #tpu.memory_space<hbm>> -> memref<64x128xf32, #tpu.memory_space<hbm>>
          tpu.wait_dma2 semaphore(%arg15 : memref<!tpu.dma_semaphore, #tpu.memory_space<semaphore_mem>>) src(%dma_wait3A_1030 : memref<64x128xf32, #tpu.memory_space<hbm>>) dst(%dma_wait3A_1027 : memref<64x128xf32, #tpu.memory_space<vmem>>)
          %mul3A_1031 = arith.constant 128 : i32
          %mul3A_1032 = arith.muli %reduce_sum3A_987, %mul3A_1031 : i32
          %multiple_of3A_1033 = tpu.assume_multiple %mul3A_1032, 128 : i32
          %dma_start3A_1034 = arith.constant 2 : i32
          %dma_start3A_1035 = arith.constant 0 : i32
          %dma_start3A_1036 = arith.constant 0 : i32
          %dma_start3A_1037 = tpu.memref_slice %arg10[%dma_start3A_1034, %dma_start3A_1035, %dma_start3A_1036] : memref<4x64x128xf32, #tpu.memory_space<vmem>> -> memref<1x64x128xf32, #tpu.memory_space<vmem>>
          %dma_start3A_1038 = tpu.memref_squeeze %dma_start3A_1037 : memref<1x64x128xf32, #tpu.memory_space<vmem>> -> memref<64x128xf32, #tpu.memory_space<vmem>>
          %dma_start3A_1039 = arith.constant 0 : i32
          %dma_start3A_1040 = tpu.memref_slice %arg2[%dma_start3A_1039, %multiple_of3A_1033] : memref<64x1000000xf32, #tpu.memory_space<hbm>> -> memref<64x128xf32, #tpu.memory_space<hbm>>
          %dma_start3A_1041 = arith.constant 0 : i32
          %dma_start3A_1042 = arith.constant 0 : i32
          %dma_start3A_1043 = tpu.memref_slice %arg10[%dma_start3A_1034, %dma_start3A_1041, %dma_start3A_1042] : memref<4x64x128xf32, #tpu.memory_space<vmem>> -> memref<1x64x128xf32, #tpu.memory_space<vmem>>
          %dma_start3A_1044 = tpu.memref_squeeze %dma_start3A_1043 : memref<1x64x128xf32, #tpu.memory_space<vmem>> -> memref<64x128xf32, #tpu.memory_space<vmem>>
          %dma_start3A_1045 = arith.constant 0 : i32
          %dma_start3A_1046 = tpu.memref_slice %arg2[%dma_start3A_1045, %multiple_of3A_1033] : memref<64x1000000xf32, #tpu.memory_space<hbm>> -> memref<64x128xf32, #tpu.memory_space<hbm>>
          tpu.enqueue_dma source(%dma_start3A_1046 : memref<64x128xf32, #tpu.memory_space<hbm>>) target(%dma_start3A_1044 : memref<64x128xf32, #tpu.memory_space<vmem>>) target_semaphore(%arg14 : memref<!tpu.dma_semaphore, #tpu.memory_space<semaphore_mem>>)
        } else {
        }
      } else {
      }
      %select_n3A = arith.select %ne3A_143, %shift_right_arithmetic3A_140, %scan3A_126 : i32
      %add3A_147 = arith.constant 1 : i32
      %add3A_148 = arith.addi %scan3A_127, %add3A_147 : i32
      %select_n3A_149 = arith.select %ne3A_143, %add3A_148, %scan3A_127 : i32
      %broadcast_in_dim3A = vector.broadcast %and3A_142 : i32 to vector<16xi32>
      %sub3A_150 = arith.constant 1 : i32
      %sub3A_151 = arith.subi %select_n3A_149, %sub3A_150 : i32
      %and3A_152 = arith.constant 3 : i32
      %and3A_153 = arith.andi %sub3A_151, %and3A_152 : i32
      %broadcast_in_dim3A_154 = vector.broadcast %and3A_153 : i32 to vector<16xi32>
      %gather3A = tpu.vector_load_idx %arg10[%broadcast_in_dim3A_154, %add3A_21, %broadcast_in_dim3A] : memref<4x64x128xf32, #tpu.memory_space<vmem>>[vector<16xi32>, vector<16xi32>, vector<16xi32>], vector<16xf32>,
      %swap3A = arith.constant 0 : i32
      %swap3A_155 = arith.index_cast %swap3A : i32 to index
      %swap3A_156 = arith.constant 0 : index
      %swap3A_157 = tpu.vector_load %arg11[%swap3A_155, %swap3A_156] {strides = array<i32>} : memref<16x64xf32, #tpu.memory_space<vmem>>, vector<16xf32>,
      tpu.vector_store %arg11[%swap3A_155, %swap3A_156], %gather3A {strides = array<i32>} : memref<16x64xf32, #tpu.memory_space<vmem>>, vector<16xf32>,
      %gather3A_158 = tpu.vector_load_idx %arg10[%broadcast_in_dim3A_154, %add3A_25, %broadcast_in_dim3A] : memref<4x64x128xf32, #tpu.memory_space<vmem>>[vector<16xi32>, vector<16xi32>, vector<16xi32>], vector<16xf32>,
      %swap3A_159 = arith.constant 0 : i32
      %swap3A_160 = arith.index_cast %swap3A_159 : i32 to index
      %swap3A_161 = arith.constant 16 : index
      %swap3A_162 = tpu.vector_load %arg11[%swap3A_160, %swap3A_161] {strides = array<i32>} : memref<16x64xf32, #tpu.memory_space<vmem>>, vector<16xf32>,
      tpu.vector_store %arg11[%swap3A_160, %swap3A_161], %gather3A_158 {strides = array<i32>} : memref<16x64xf32, #tpu.memory_space<vmem>>, vector<16xf32>,
      %gather3A_163 = tpu.vector_load_idx %arg10[%broadcast_in_dim3A_154, %add3A_29, %broadcast_in_dim3A] : memref<4x64x128xf32, #tpu.memory_space<vmem>>[vector<16xi32>, vector<16xi32>, vector<16xi32>], vector<16xf32>,
      %swap3A_164 = arith.constant 0 : i32
      %swap3A_165 = arith.index_cast %swap3A_164 : i32 to index
      %swap3A_166 = arith.constant 32 : index
      %swap3A_167 = tpu.vector_load %arg11[%swap3A_165, %swap3A_166] {strides = array<i32>} : memref<16x64xf32, #tpu.memory_space<vmem>>, vector<16xf32>,
      tpu.vector_store %arg11[%swap3A_165, %swap3A_166], %gather3A_163 {strides = array<i32>} : memref<16x64xf32, #tpu.memory_space<vmem>>, vector<16xf32>,
      %gather3A_168 = tpu.vector_load_idx %arg10[%broadcast_in_dim3A_154, %add3A_33, %broadcast_in_dim3A] : memref<4x64x128xf32, #tpu.memory_space<vmem>>[vector<16xi32>, vector<16xi32>, vector<16xi32>], vector<16xf32>,
      %swap3A_169 = arith.constant 0 : i32
      %swap3A_170 = arith.index_cast %swap3A_169 : i32 to index
      %swap3A_171 = arith.constant 48 : index
      %swap3A_172 = tpu.vector_load %arg11[%swap3A_170, %swap3A_171] {strides = array<i32>} : memref<16x64xf32, #tpu.memory_space<vmem>>, vector<16xf32>,
      tpu.vector_store %arg11[%swap3A_170, %swap3A_171], %gather3A_168 {strides = array<i32>} : memref<16x64xf32, #tpu.memory_space<vmem>>, vector<16xf32>,
      %dma_start3A_173 = arith.constant 0 : i32
      %dma_start3A_174 = arith.constant 0 : i32
      %dma_start3A_175 = tpu.memref_slice %arg11[%dma_start3A_173, %dma_start3A_174] : memref<16x64xf32, #tpu.memory_space<vmem>> -> memref<1x64xf32, #tpu.memory_space<vmem>>
      %dma_start3A_176 = arith.constant 0 : i32
      %dma_start3A_177 = tpu.memref_slice %arg6[%squeeze3A_139, %dma_start3A_176] : memref<16384x64xf32, #tpu.memory_space<hbm>> -> memref<1x64xf32, #tpu.memory_space<hbm>>
      %dma_start3A_178 = arith.constant 0 : i32
      %dma_start3A_179 = tpu.memref_slice %arg6[%squeeze3A_139, %dma_start3A_178] : memref<16384x64xf32, #tpu.memory_space<hbm>> -> memref<1x64xf32, #tpu.memory_space<hbm>>
      %dma_start3A_180 = arith.constant 0 : i32
      %dma_start3A_181 = arith.constant 0 : i32
      %dma_start3A_182 = tpu.memref_slice %arg11[%dma_start3A_180, %dma_start3A_181] : memref<16x64xf32, #tpu.memory_space<vmem>> -> memref<1x64xf32, #tpu.memory_space<vmem>>
      tpu.enqueue_dma source(%dma_start3A_182 : memref<1x64xf32, #tpu.memory_space<vmem>>) target(%dma_start3A_179 : memref<1x64xf32, #tpu.memory_space<hbm>>) target_semaphore(%arg16 : memref<!tpu.dma_semaphore, #tpu.memory_space<semaphore_mem>>)
      %slice3A_183 = vector.extract_strided_slice %get3A_131 {offsets = [1], sizes = [1], strides = [1]} : vector<16xi32> to vector<1xi32>
      %squeeze3A_184 = vector.extract %slice3A_183[0] : i32 from vector<1xi32>
      %slice3A_185 = vector.extract_strided_slice %get3A_135 {offsets = [1], sizes = [1], strides = [1]} : vector<16xi32> to vector<1xi32>
      %squeeze3A_186 = vector.extract %slice3A_185[0] : i32 from vector<1xi32>
      %shift_right_arithmetic3A_187 = arith.constant 7 : i32
      %shift_right_arithmetic3A_188 = arith.shrsi %squeeze3A_184, %shift_right_arithmetic3A_187 : i32
      %and3A_189 = arith.constant 127 : i32
      %and3A_190 = arith.andi %squeeze3A_184, %and3A_189 : i32
      %ne3A_191 = arith.cmpi ne, %shift_right_arithmetic3A_188, %select_n3A : i32
      %convert_element_type3A_192 = arith.extui %ne3A_191 : i1 to i32
      %cond3A_193 = arith.constant 0 : i32
      %cond3A_194 = arith.cmpi ne, %convert_element_type3A_192, %cond3A_193 : i32
      scf.if %cond3A_194 {
        %add3A_969 = arith.constant 4 : i32
        %add3A_970 = arith.addi %select_n3A_149, %add3A_969 : i32
        %sub3A_971 = arith.constant 1 : i32
        %sub3A_972 = arith.subi %add3A_970, %sub3A_971 : i32
        %min3A = arith.constant 511 : i32
        %min3A_973 = arith.minsi %sub3A_972, %min3A : i32
        %shift_right_arithmetic3A_974 = arith.constant 4 : i32
        %shift_right_arithmetic3A_975 = arith.shrsi %min3A_973, %shift_right_arithmetic3A_974 : i32
        %shift_left3A = arith.constant 4 : i32
        %shift_left3A_976 = arith.shli %shift_right_arithmetic3A_975, %shift_left3A : i32
        %multiple_of3A_977 = tpu.assume_multiple %shift_left3A_976, 16 : i32
        %get3A_978 = arith.index_cast %multiple_of3A_977 : i32 to index
        %get3A_979 = tpu.vector_load %arg9[%get3A_978] {strides = array<i32>} : memref<512xi32, #tpu.memory_space<vmem>>, vector<16xi32>,
        %and3A_980 = arith.constant 15 : i32
        %and3A_981 = arith.andi %min3A_973, %and3A_980 : i32
        %eq3A = vector.broadcast %and3A_981 : i32 to vector<16xi32>
        %eq3A_982 = arith.cmpi eq, %iota3A_34, %eq3A : vector<16xi32>
        %jit3A = arith.constant 0 : i32
        %broadcast_in_dim3A_983 = vector.broadcast %jit3A : i32 to vector<16xi32>
        %select_n3A_984 = arith.select %eq3A_982, %get3A_979, %broadcast_in_dim3A_983 : vector<16xi1>, vector<16xi32>
        %reduce_sum3A = arith.constant true
        %reduce_sum3A_985 = vector.broadcast %reduce_sum3A : i1 to vector<16xi1>
        %reduce_sum3A_986 = tpu.scan <sum>, %select_n3A_984 masked %reduce_sum3A_985 : vector<16xi32>, vector<16xi1> -> vector<16xi32>
        %reduce_sum3A_987 = vector.extract %reduce_sum3A_986[15] : i32 from vector<16xi32>
        %and3A_988 = arith.constant 3 : i32
        %and3A_989 = arith.andi %select_n3A_149, %and3A_988 : i32
        %eq3A_990 = arith.constant 0 : i32
        %eq3A_991 = arith.cmpi eq, %and3A_989, %eq3A_990 : i32
        %convert_element_type3A_992 = arith.extui %eq3A_991 : i1 to i32
        %cond3A_993 = arith.constant 0 : i32
        %cond3A_994 = arith.cmpi ne, %convert_element_type3A_992, %cond3A_993 : i32
        scf.if %cond3A_994 {
          %dma_wait3A_1016 = arith.constant 0 : i32
          %dma_wait3A_1017 = arith.constant 0 : i32
          %dma_wait3A_1018 = arith.constant 0 : i32
          %dma_wait3A_1019 = tpu.memref_slice %arg10[%dma_wait3A_1016, %dma_wait3A_1017, %dma_wait3A_1018] : memref<4x64x128xf32, #tpu.memory_space<vmem>> -> memref<1x64x128xf32, #tpu.memory_space<vmem>>
          %dma_wait3A_1020 = tpu.memref_squeeze %dma_wait3A_1019 : memref<1x64x128xf32, #tpu.memory_space<vmem>> -> memref<64x128xf32, #tpu.memory_space<vmem>>
          %dma_wait3A_1021 = arith.constant 0 : i32
          %dma_wait3A_1022 = arith.constant 0 : i32
          %dma_wait3A_1023 = tpu.memref_slice %arg2[%dma_wait3A_1021, %dma_wait3A_1022] : memref<64x1000000xf32, #tpu.memory_space<hbm>> -> memref<64x128xf32, #tpu.memory_space<hbm>>
          %dma_wait3A_1024 = arith.constant 0 : i32
          %dma_wait3A_1025 = arith.constant 0 : i32
          %dma_wait3A_1026 = tpu.memref_slice %arg10[%dma_wait3A_1016, %dma_wait3A_1024, %dma_wait3A_1025] : memref<4x64x128xf32, #tpu.memory_space<vmem>> -> memref<1x64x128xf32, #tpu.memory_space<vmem>>
          %dma_wait3A_1027 = tpu.memref_squeeze %dma_wait3A_1026 : memref<1x64x128xf32, #tpu.memory_space<vmem>> -> memref<64x128xf32, #tpu.memory_space<vmem>>
          %dma_wait3A_1028 = arith.constant 0 : i32
          %dma_wait3A_1029 = arith.constant 0 : i32
          %dma_wait3A_1030 = tpu.memref_slice %arg2[%dma_wait3A_1028, %dma_wait3A_1029] : memref<64x1000000xf32, #tpu.memory_space<hbm>> -> memref<64x128xf32, #tpu.memory_space<hbm>>
          tpu.wait_dma2 semaphore(%arg12 : memref<!tpu.dma_semaphore, #tpu.memory_space<semaphore_mem>>) src(%dma_wait3A_1030 : memref<64x128xf32, #tpu.memory_space<hbm>>) dst(%dma_wait3A_1027 : memref<64x128xf32, #tpu.memory_space<vmem>>)
          %mul3A_1031 = arith.constant 128 : i32
          %mul3A_1032 = arith.muli %reduce_sum3A_987, %mul3A_1031 : i32
          %multiple_of3A_1033 = tpu.assume_multiple %mul3A_1032, 128 : i32
          %dma_start3A_1034 = arith.constant 3 : i32
          %dma_start3A_1035 = arith.constant 0 : i32
          %dma_start3A_1036 = arith.constant 0 : i32
          %dma_start3A_1037 = tpu.memref_slice %arg10[%dma_start3A_1034, %dma_start3A_1035, %dma_start3A_1036] : memref<4x64x128xf32, #tpu.memory_space<vmem>> -> memref<1x64x128xf32, #tpu.memory_space<vmem>>
          %dma_start3A_1038 = tpu.memref_squeeze %dma_start3A_1037 : memref<1x64x128xf32, #tpu.memory_space<vmem>> -> memref<64x128xf32, #tpu.memory_space<vmem>>
          %dma_start3A_1039 = arith.constant 0 : i32
          %dma_start3A_1040 = tpu.memref_slice %arg2[%dma_start3A_1039, %multiple_of3A_1033] : memref<64x1000000xf32, #tpu.memory_space<hbm>> -> memref<64x128xf32, #tpu.memory_space<hbm>>
          %dma_start3A_1041 = arith.constant 0 : i32
          %dma_start3A_1042 = arith.constant 0 : i32
          %dma_start3A_1043 = tpu.memref_slice %arg10[%dma_start3A_1034, %dma_start3A_1041, %dma_start3A_1042] : memref<4x64x128xf32, #tpu.memory_space<vmem>> -> memref<1x64x128xf32, #tpu.memory_space<vmem>>
          %dma_start3A_1044 = tpu.memref_squeeze %dma_start3A_1043 : memref<1x64x128xf32, #tpu.memory_space<vmem>> -> memref<64x128xf32, #tpu.memory_space<vmem>>
          %dma_start3A_1045 = arith.constant 0 : i32
          %dma_start3A_1046 = tpu.memref_slice %arg2[%dma_start3A_1045, %multiple_of3A_1033] : memref<64x1000000xf32, #tpu.memory_space<hbm>> -> memref<64x128xf32, #tpu.memory_space<hbm>>
          tpu.enqueue_dma source(%dma_start3A_1046 : memref<64x128xf32, #tpu.memory_space<hbm>>) target(%dma_start3A_1044 : memref<64x128xf32, #tpu.memory_space<vmem>>) target_semaphore(%arg15 : memref<!tpu.dma_semaphore, #tpu.memory_space<semaphore_mem>>)
        } else {
        }
        %and3A_995 = arith.constant 3 : i32
        %and3A_996 = arith.andi %select_n3A_149, %and3A_995 : i32
        %eq3A_997 = arith.constant 1 : i32
        %eq3A_998 = arith.cmpi eq, %and3A_996, %eq3A_997 : i32
        %convert_element_type3A_999 = arith.extui %eq3A_998 : i1 to i32
        %cond3A_1000 = arith.constant 0 : i32
        %cond3A_1001 = arith.cmpi ne, %convert_element_type3A_999, %cond3A_1000 : i32
        scf.if %cond3A_1001 {
          %dma_wait3A_1016 = arith.constant 1 : i32
          %dma_wait3A_1017 = arith.constant 0 : i32
          %dma_wait3A_1018 = arith.constant 0 : i32
          %dma_wait3A_1019 = tpu.memref_slice %arg10[%dma_wait3A_1016, %dma_wait3A_1017, %dma_wait3A_1018] : memref<4x64x128xf32, #tpu.memory_space<vmem>> -> memref<1x64x128xf32, #tpu.memory_space<vmem>>
          %dma_wait3A_1020 = tpu.memref_squeeze %dma_wait3A_1019 : memref<1x64x128xf32, #tpu.memory_space<vmem>> -> memref<64x128xf32, #tpu.memory_space<vmem>>
          %dma_wait3A_1021 = arith.constant 0 : i32
          %dma_wait3A_1022 = arith.constant 0 : i32
          %dma_wait3A_1023 = tpu.memref_slice %arg2[%dma_wait3A_1021, %dma_wait3A_1022] : memref<64x1000000xf32, #tpu.memory_space<hbm>> -> memref<64x128xf32, #tpu.memory_space<hbm>>
          %dma_wait3A_1024 = arith.constant 0 : i32
          %dma_wait3A_1025 = arith.constant 0 : i32
          %dma_wait3A_1026 = tpu.memref_slice %arg10[%dma_wait3A_1016, %dma_wait3A_1024, %dma_wait3A_1025] : memref<4x64x128xf32, #tpu.memory_space<vmem>> -> memref<1x64x128xf32, #tpu.memory_space<vmem>>
          %dma_wait3A_1027 = tpu.memref_squeeze %dma_wait3A_1026 : memref<1x64x128xf32, #tpu.memory_space<vmem>> -> memref<64x128xf32, #tpu.memory_space<vmem>>
          %dma_wait3A_1028 = arith.constant 0 : i32
          %dma_wait3A_1029 = arith.constant 0 : i32
          %dma_wait3A_1030 = tpu.memref_slice %arg2[%dma_wait3A_1028, %dma_wait3A_1029] : memref<64x1000000xf32, #tpu.memory_space<hbm>> -> memref<64x128xf32, #tpu.memory_space<hbm>>
          tpu.wait_dma2 semaphore(%arg13 : memref<!tpu.dma_semaphore, #tpu.memory_space<semaphore_mem>>) src(%dma_wait3A_1030 : memref<64x128xf32, #tpu.memory_space<hbm>>) dst(%dma_wait3A_1027 : memref<64x128xf32, #tpu.memory_space<vmem>>)
          %mul3A_1031 = arith.constant 128 : i32
          %mul3A_1032 = arith.muli %reduce_sum3A_987, %mul3A_1031 : i32
          %multiple_of3A_1033 = tpu.assume_multiple %mul3A_1032, 128 : i32
          %dma_start3A_1034 = arith.constant 0 : i32
          %dma_start3A_1035 = arith.constant 0 : i32
          %dma_start3A_1036 = arith.constant 0 : i32
          %dma_start3A_1037 = tpu.memref_slice %arg10[%dma_start3A_1034, %dma_start3A_1035, %dma_start3A_1036] : memref<4x64x128xf32, #tpu.memory_space<vmem>> -> memref<1x64x128xf32, #tpu.memory_space<vmem>>
          %dma_start3A_1038 = tpu.memref_squeeze %dma_start3A_1037 : memref<1x64x128xf32, #tpu.memory_space<vmem>> -> memref<64x128xf32, #tpu.memory_space<vmem>>
          %dma_start3A_1039 = arith.constant 0 : i32
          %dma_start3A_1040 = tpu.memref_slice %arg2[%dma_start3A_1039, %multiple_of3A_1033] : memref<64x1000000xf32, #tpu.memory_space<hbm>> -> memref<64x128xf32, #tpu.memory_space<hbm>>
          %dma_start3A_1041 = arith.constant 0 : i32
          %dma_start3A_1042 = arith.constant 0 : i32
          %dma_start3A_1043 = tpu.memref_slice %arg10[%dma_start3A_1034, %dma_start3A_1041, %dma_start3A_1042] : memref<4x64x128xf32, #tpu.memory_space<vmem>> -> memref<1x64x128xf32, #tpu.memory_space<vmem>>
          %dma_start3A_1044 = tpu.memref_squeeze %dma_start3A_1043 : memref<1x64x128xf32, #tpu.memory_space<vmem>> -> memref<64x128xf32, #tpu.memory_space<vmem>>
          %dma_start3A_1045 = arith.constant 0 : i32
          %dma_start3A_1046 = tpu.memref_slice %arg2[%dma_start3A_1045, %multiple_of3A_1033] : memref<64x1000000xf32, #tpu.memory_space<hbm>> -> memref<64x128xf32, #tpu.memory_space<hbm>>
          tpu.enqueue_dma source(%dma_start3A_1046 : memref<64x128xf32, #tpu.memory_space<hbm>>) target(%dma_start3A_1044 : memref<64x128xf32, #tpu.memory_space<vmem>>) target_semaphore(%arg12 : memref<!tpu.dma_semaphore, #tpu.memory_space<semaphore_mem>>)
        } else {
        }
        %and3A_1002 = arith.constant 3 : i32
        %and3A_1003 = arith.andi %select_n3A_149, %and3A_1002 : i32
        %eq3A_1004 = arith.constant 2 : i32
        %eq3A_1005 = arith.cmpi eq, %and3A_1003, %eq3A_1004 : i32
        %convert_element_type3A_1006 = arith.extui %eq3A_1005 : i1 to i32
        %cond3A_1007 = arith.constant 0 : i32
        %cond3A_1008 = arith.cmpi ne, %convert_element_type3A_1006, %cond3A_1007 : i32
        scf.if %cond3A_1008 {
          %dma_wait3A_1016 = arith.constant 2 : i32
          %dma_wait3A_1017 = arith.constant 0 : i32
          %dma_wait3A_1018 = arith.constant 0 : i32
          %dma_wait3A_1019 = tpu.memref_slice %arg10[%dma_wait3A_1016, %dma_wait3A_1017, %dma_wait3A_1018] : memref<4x64x128xf32, #tpu.memory_space<vmem>> -> memref<1x64x128xf32, #tpu.memory_space<vmem>>
          %dma_wait3A_1020 = tpu.memref_squeeze %dma_wait3A_1019 : memref<1x64x128xf32, #tpu.memory_space<vmem>> -> memref<64x128xf32, #tpu.memory_space<vmem>>
          %dma_wait3A_1021 = arith.constant 0 : i32
          %dma_wait3A_1022 = arith.constant 0 : i32
          %dma_wait3A_1023 = tpu.memref_slice %arg2[%dma_wait3A_1021, %dma_wait3A_1022] : memref<64x1000000xf32, #tpu.memory_space<hbm>> -> memref<64x128xf32, #tpu.memory_space<hbm>>
          %dma_wait3A_1024 = arith.constant 0 : i32
          %dma_wait3A_1025 = arith.constant 0 : i32
          %dma_wait3A_1026 = tpu.memref_slice %arg10[%dma_wait3A_1016, %dma_wait3A_1024, %dma_wait3A_1025] : memref<4x64x128xf32, #tpu.memory_space<vmem>> -> memref<1x64x128xf32, #tpu.memory_space<vmem>>
          %dma_wait3A_1027 = tpu.memref_squeeze %dma_wait3A_1026 : memref<1x64x128xf32, #tpu.memory_space<vmem>> -> memref<64x128xf32, #tpu.memory_space<vmem>>
          %dma_wait3A_1028 = arith.constant 0 : i32
          %dma_wait3A_1029 = arith.constant 0 : i32
          %dma_wait3A_1030 = tpu.memref_slice %arg2[%dma_wait3A_1028, %dma_wait3A_1029] : memref<64x1000000xf32, #tpu.memory_space<hbm>> -> memref<64x128xf32, #tpu.memory_space<hbm>>
          tpu.wait_dma2 semaphore(%arg14 : memref<!tpu.dma_semaphore, #tpu.memory_space<semaphore_mem>>) src(%dma_wait3A_1030 : memref<64x128xf32, #tpu.memory_space<hbm>>) dst(%dma_wait3A_1027 : memref<64x128xf32, #tpu.memory_space<vmem>>)
          %mul3A_1031 = arith.constant 128 : i32
          %mul3A_1032 = arith.muli %reduce_sum3A_987, %mul3A_1031 : i32
          %multiple_of3A_1033 = tpu.assume_multiple %mul3A_1032, 128 : i32
          %dma_start3A_1034 = arith.constant 1 : i32
          %dma_start3A_1035 = arith.constant 0 : i32
          %dma_start3A_1036 = arith.constant 0 : i32
          %dma_start3A_1037 = tpu.memref_slice %arg10[%dma_start3A_1034, %dma_start3A_1035, %dma_start3A_1036] : memref<4x64x128xf32, #tpu.memory_space<vmem>> -> memref<1x64x128xf32, #tpu.memory_space<vmem>>
          %dma_start3A_1038 = tpu.memref_squeeze %dma_start3A_1037 : memref<1x64x128xf32, #tpu.memory_space<vmem>> -> memref<64x128xf32, #tpu.memory_space<vmem>>
          %dma_start3A_1039 = arith.constant 0 : i32
          %dma_start3A_1040 = tpu.memref_slice %arg2[%dma_start3A_1039, %multiple_of3A_1033] : memref<64x1000000xf32, #tpu.memory_space<hbm>> -> memref<64x128xf32, #tpu.memory_space<hbm>>
          %dma_start3A_1041 = arith.constant 0 : i32
          %dma_start3A_1042 = arith.constant 0 : i32
          %dma_start3A_1043 = tpu.memref_slice %arg10[%dma_start3A_1034, %dma_start3A_1041, %dma_start3A_1042] : memref<4x64x128xf32, #tpu.memory_space<vmem>> -> memref<1x64x128xf32, #tpu.memory_space<vmem>>
          %dma_start3A_1044 = tpu.memref_squeeze %dma_start3A_1043 : memref<1x64x128xf32, #tpu.memory_space<vmem>> -> memref<64x128xf32, #tpu.memory_space<vmem>>
          %dma_start3A_1045 = arith.constant 0 : i32
          %dma_start3A_1046 = tpu.memref_slice %arg2[%dma_start3A_1045, %multiple_of3A_1033] : memref<64x1000000xf32, #tpu.memory_space<hbm>> -> memref<64x128xf32, #tpu.memory_space<hbm>>
          tpu.enqueue_dma source(%dma_start3A_1046 : memref<64x128xf32, #tpu.memory_space<hbm>>) target(%dma_start3A_1044 : memref<64x128xf32, #tpu.memory_space<vmem>>) target_semaphore(%arg13 : memref<!tpu.dma_semaphore, #tpu.memory_space<semaphore_mem>>)
        } else {
        }
        %and3A_1009 = arith.constant 3 : i32
        %and3A_1010 = arith.andi %select_n3A_149, %and3A_1009 : i32
        %eq3A_1011 = arith.constant 3 : i32
        %eq3A_1012 = arith.cmpi eq, %and3A_1010, %eq3A_1011 : i32
        %convert_element_type3A_1013 = arith.extui %eq3A_1012 : i1 to i32
        %cond3A_1014 = arith.constant 0 : i32
        %cond3A_1015 = arith.cmpi ne, %convert_element_type3A_1013, %cond3A_1014 : i32
        scf.if %cond3A_1015 {
          %dma_wait3A_1016 = arith.constant 3 : i32
          %dma_wait3A_1017 = arith.constant 0 : i32
          %dma_wait3A_1018 = arith.constant 0 : i32
          %dma_wait3A_1019 = tpu.memref_slice %arg10[%dma_wait3A_1016, %dma_wait3A_1017, %dma_wait3A_1018] : memref<4x64x128xf32, #tpu.memory_space<vmem>> -> memref<1x64x128xf32, #tpu.memory_space<vmem>>
          %dma_wait3A_1020 = tpu.memref_squeeze %dma_wait3A_1019 : memref<1x64x128xf32, #tpu.memory_space<vmem>> -> memref<64x128xf32, #tpu.memory_space<vmem>>
          %dma_wait3A_1021 = arith.constant 0 : i32
          %dma_wait3A_1022 = arith.constant 0 : i32
          %dma_wait3A_1023 = tpu.memref_slice %arg2[%dma_wait3A_1021, %dma_wait3A_1022] : memref<64x1000000xf32, #tpu.memory_space<hbm>> -> memref<64x128xf32, #tpu.memory_space<hbm>>
          %dma_wait3A_1024 = arith.constant 0 : i32
          %dma_wait3A_1025 = arith.constant 0 : i32
          %dma_wait3A_1026 = tpu.memref_slice %arg10[%dma_wait3A_1016, %dma_wait3A_1024, %dma_wait3A_1025] : memref<4x64x128xf32, #tpu.memory_space<vmem>> -> memref<1x64x128xf32, #tpu.memory_space<vmem>>
          %dma_wait3A_1027 = tpu.memref_squeeze %dma_wait3A_1026 : memref<1x64x128xf32, #tpu.memory_space<vmem>> -> memref<64x128xf32, #tpu.memory_space<vmem>>
          %dma_wait3A_1028 = arith.constant 0 : i32
          %dma_wait3A_1029 = arith.constant 0 : i32
          %dma_wait3A_1030 = tpu.memref_slice %arg2[%dma_wait3A_1028, %dma_wait3A_1029] : memref<64x1000000xf32, #tpu.memory_space<hbm>> -> memref<64x128xf32, #tpu.memory_space<hbm>>
          tpu.wait_dma2 semaphore(%arg15 : memref<!tpu.dma_semaphore, #tpu.memory_space<semaphore_mem>>) src(%dma_wait3A_1030 : memref<64x128xf32, #tpu.memory_space<hbm>>) dst(%dma_wait3A_1027 : memref<64x128xf32, #tpu.memory_space<vmem>>)
          %mul3A_1031 = arith.constant 128 : i32
          %mul3A_1032 = arith.muli %reduce_sum3A_987, %mul3A_1031 : i32
          %multiple_of3A_1033 = tpu.assume_multiple %mul3A_1032, 128 : i32
          %dma_start3A_1034 = arith.constant 2 : i32
          %dma_start3A_1035 = arith.constant 0 : i32
          %dma_start3A_1036 = arith.constant 0 : i32
          %dma_start3A_1037 = tpu.memref_slice %arg10[%dma_start3A_1034, %dma_start3A_1035, %dma_start3A_1036] : memref<4x64x128xf32, #tpu.memory_space<vmem>> -> memref<1x64x128xf32, #tpu.memory_space<vmem>>
          %dma_start3A_1038 = tpu.memref_squeeze %dma_start3A_1037 : memref<1x64x128xf32, #tpu.memory_space<vmem>> -> memref<64x128xf32, #tpu.memory_space<vmem>>
          %dma_start3A_1039 = arith.constant 0 : i32
          %dma_start3A_1040 = tpu.memref_slice %arg2[%dma_start3A_1039, %multiple_of3A_1033] : memref<64x1000000xf32, #tpu.memory_space<hbm>> -> memref<64x128xf32, #tpu.memory_space<hbm>>
          %dma_start3A_1041 = arith.constant 0 : i32
          %dma_start3A_1042 = arith.constant 0 : i32
          %dma_start3A_1043 = tpu.memref_slice %arg10[%dma_start3A_1034, %dma_start3A_1041, %dma_start3A_1042] : memref<4x64x128xf32, #tpu.memory_space<vmem>> -> memref<1x64x128xf32, #tpu.memory_space<vmem>>
          %dma_start3A_1044 = tpu.memref_squeeze %dma_start3A_1043 : memref<1x64x128xf32, #tpu.memory_space<vmem>> -> memref<64x128xf32, #tpu.memory_space<vmem>>
          %dma_start3A_1045 = arith.constant 0 : i32
          %dma_start3A_1046 = tpu.memref_slice %arg2[%dma_start3A_1045, %multiple_of3A_1033] : memref<64x1000000xf32, #tpu.memory_space<hbm>> -> memref<64x128xf32, #tpu.memory_space<hbm>>
          tpu.enqueue_dma source(%dma_start3A_1046 : memref<64x128xf32, #tpu.memory_space<hbm>>) target(%dma_start3A_1044 : memref<64x128xf32, #tpu.memory_space<vmem>>) target_semaphore(%arg14 : memref<!tpu.dma_semaphore, #tpu.memory_space<semaphore_mem>>)
        } else {
        }
      } else {
      }
      %select_n3A_195 = arith.select %ne3A_191, %shift_right_arithmetic3A_188, %select_n3A : i32
      %add3A_196 = arith.constant 1 : i32
      %add3A_197 = arith.addi %select_n3A_149, %add3A_196 : i32
      %select_n3A_198 = arith.select %ne3A_191, %add3A_197, %select_n3A_149 : i32
      %broadcast_in_dim3A_199 = vector.broadcast %and3A_190 : i32 to vector<16xi32>
      %sub3A_200 = arith.constant 1 : i32
      %sub3A_201 = arith.subi %select_n3A_198, %sub3A_200 : i32
      %and3A_202 = arith.constant 3 : i32
      %and3A_203 = arith.andi %sub3A_201, %and3A_202 : i32
      %broadcast_in_dim3A_204 = vector.broadcast %and3A_203 : i32 to vector<16xi32>
      %gather3A_205 = tpu.vector_load_idx %arg10[%broadcast_in_dim3A_204, %add3A_21, %broadcast_in_dim3A_199] : memref<4x64x128xf32, #tpu.memory_space<vmem>>[vector<16xi32>, vector<16xi32>, vector<16xi32>], vector<16xf32>,
      %swap3A_206 = arith.constant 1 : i32
      %swap3A_207 = arith.index_cast %swap3A_206 : i32 to index
      %swap3A_208 = arith.constant 0 : index
      %swap3A_209 = tpu.vector_load %arg11[%swap3A_207, %swap3A_208] {strides = array<i32>} : memref<16x64xf32, #tpu.memory_space<vmem>>, vector<16xf32>,
      tpu.vector_store %arg11[%swap3A_207, %swap3A_208], %gather3A_205 {strides = array<i32>} : memref<16x64xf32, #tpu.memory_space<vmem>>, vector<16xf32>,
      %gather3A_210 = tpu.vector_load_idx %arg10[%broadcast_in_dim3A_204, %add3A_25, %broadcast_in_dim3A_199] : memref<4x64x128xf32, #tpu.memory_space<vmem>>[vector<16xi32>, vector<16xi32>, vector<16xi32>], vector<16xf32>,
      %swap3A_211 = arith.constant 1 : i32
      %swap3A_212 = arith.index_cast %swap3A_211 : i32 to index
      %swap3A_213 = arith.constant 16 : index
      %swap3A_214 = tpu.vector_load %arg11[%swap3A_212, %swap3A_213] {strides = array<i32>} : memref<16x64xf32, #tpu.memory_space<vmem>>, vector<16xf32>,
      tpu.vector_store %arg11[%swap3A_212, %swap3A_213], %gather3A_210 {strides = array<i32>} : memref<16x64xf32, #tpu.memory_space<vmem>>, vector<16xf32>,
      %gather3A_215 = tpu.vector_load_idx %arg10[%broadcast_in_dim3A_204, %add3A_29, %broadcast_in_dim3A_199] : memref<4x64x128xf32, #tpu.memory_space<vmem>>[vector<16xi32>, vector<16xi32>, vector<16xi32>], vector<16xf32>,
      %swap3A_216 = arith.constant 1 : i32
      %swap3A_217 = arith.index_cast %swap3A_216 : i32 to index
      %swap3A_218 = arith.constant 32 : index
      %swap3A_219 = tpu.vector_load %arg11[%swap3A_217, %swap3A_218] {strides = array<i32>} : memref<16x64xf32, #tpu.memory_space<vmem>>, vector<16xf32>,
      tpu.vector_store %arg11[%swap3A_217, %swap3A_218], %gather3A_215 {strides = array<i32>} : memref<16x64xf32, #tpu.memory_space<vmem>>, vector<16xf32>,
      %gather3A_220 = tpu.vector_load_idx %arg10[%broadcast_in_dim3A_204, %add3A_33, %broadcast_in_dim3A_199] : memref<4x64x128xf32, #tpu.memory_space<vmem>>[vector<16xi32>, vector<16xi32>, vector<16xi32>], vector<16xf32>,
      %swap3A_221 = arith.constant 1 : i32
      %swap3A_222 = arith.index_cast %swap3A_221 : i32 to index
      %swap3A_223 = arith.constant 48 : index
      %swap3A_224 = tpu.vector_load %arg11[%swap3A_222, %swap3A_223] {strides = array<i32>} : memref<16x64xf32, #tpu.memory_space<vmem>>, vector<16xf32>,
      tpu.vector_store %arg11[%swap3A_222, %swap3A_223], %gather3A_220 {strides = array<i32>} : memref<16x64xf32, #tpu.memory_space<vmem>>, vector<16xf32>,
      %dma_start3A_225 = arith.constant 1 : i32
      %dma_start3A_226 = arith.constant 0 : i32
      %dma_start3A_227 = tpu.memref_slice %arg11[%dma_start3A_225, %dma_start3A_226] : memref<16x64xf32, #tpu.memory_space<vmem>> -> memref<1x64xf32, #tpu.memory_space<vmem>>
      %dma_start3A_228 = arith.constant 0 : i32
      %dma_start3A_229 = tpu.memref_slice %arg6[%squeeze3A_186, %dma_start3A_228] : memref<16384x64xf32, #tpu.memory_space<hbm>> -> memref<1x64xf32, #tpu.memory_space<hbm>>
      %dma_start3A_230 = arith.constant 0 : i32
      %dma_start3A_231 = tpu.memref_slice %arg6[%squeeze3A_186, %dma_start3A_230] : memref<16384x64xf32, #tpu.memory_space<hbm>> -> memref<1x64xf32, #tpu.memory_space<hbm>>
      %dma_start3A_232 = arith.constant 1 : i32
      %dma_start3A_233 = arith.constant 0 : i32
      %dma_start3A_234 = tpu.memref_slice %arg11[%dma_start3A_232, %dma_start3A_233] : memref<16x64xf32, #tpu.memory_space<vmem>> -> memref<1x64xf32, #tpu.memory_space<vmem>>
      tpu.enqueue_dma source(%dma_start3A_234 : memref<1x64xf32, #tpu.memory_space<vmem>>) target(%dma_start3A_231 : memref<1x64xf32, #tpu.memory_space<hbm>>) target_semaphore(%arg16 : memref<!tpu.dma_semaphore, #tpu.memory_space<semaphore_mem>>)
      %slice3A_235 = vector.extract_strided_slice %get3A_131 {offsets = [2], sizes = [1], strides = [1]} : vector<16xi32> to vector<1xi32>
      %squeeze3A_236 = vector.extract %slice3A_235[0] : i32 from vector<1xi32>
      %slice3A_237 = vector.extract_strided_slice %get3A_135 {offsets = [2], sizes = [1], strides = [1]} : vector<16xi32> to vector<1xi32>
      %squeeze3A_238 = vector.extract %slice3A_237[0] : i32 from vector<1xi32>
      %shift_right_arithmetic3A_239 = arith.constant 7 : i32
      %shift_right_arithmetic3A_240 = arith.shrsi %squeeze3A_236, %shift_right_arithmetic3A_239 : i32
      %and3A_241 = arith.constant 127 : i32
      %and3A_242 = arith.andi %squeeze3A_236, %and3A_241 : i32
      %ne3A_243 = arith.cmpi ne, %shift_right_arithmetic3A_240, %select_n3A_195 : i32
      %convert_element_type3A_244 = arith.extui %ne3A_243 : i1 to i32
      %cond3A_245 = arith.constant 0 : i32
      %cond3A_246 = arith.cmpi ne, %convert_element_type3A_244, %cond3A_245 : i32
      scf.if %cond3A_246 {
        %add3A_969 = arith.constant 4 : i32
        %add3A_970 = arith.addi %select_n3A_198, %add3A_969 : i32
        %sub3A_971 = arith.constant 1 : i32
        %sub3A_972 = arith.subi %add3A_970, %sub3A_971 : i32
        %min3A = arith.constant 511 : i32
        %min3A_973 = arith.minsi %sub3A_972, %min3A : i32
        %shift_right_arithmetic3A_974 = arith.constant 4 : i32
        %shift_right_arithmetic3A_975 = arith.shrsi %min3A_973, %shift_right_arithmetic3A_974 : i32
        %shift_left3A = arith.constant 4 : i32
        %shift_left3A_976 = arith.shli %shift_right_arithmetic3A_975, %shift_left3A : i32
        %multiple_of3A_977 = tpu.assume_multiple %shift_left3A_976, 16 : i32
        %get3A_978 = arith.index_cast %multiple_of3A_977 : i32 to index
        %get3A_979 = tpu.vector_load %arg9[%get3A_978] {strides = array<i32>} : memref<512xi32, #tpu.memory_space<vmem>>, vector<16xi32>,
        %and3A_980 = arith.constant 15 : i32
        %and3A_981 = arith.andi %min3A_973, %and3A_980 : i32
        %eq3A = vector.broadcast %and3A_981 : i32 to vector<16xi32>
        %eq3A_982 = arith.cmpi eq, %iota3A_34, %eq3A : vector<16xi32>
        %jit3A = arith.constant 0 : i32
        %broadcast_in_dim3A_983 = vector.broadcast %jit3A : i32 to vector<16xi32>
        %select_n3A_984 = arith.select %eq3A_982, %get3A_979, %broadcast_in_dim3A_983 : vector<16xi1>, vector<16xi32>
        %reduce_sum3A = arith.constant true
        %reduce_sum3A_985 = vector.broadcast %reduce_sum3A : i1 to vector<16xi1>
        %reduce_sum3A_986 = tpu.scan <sum>, %select_n3A_984 masked %reduce_sum3A_985 : vector<16xi32>, vector<16xi1> -> vector<16xi32>
        %reduce_sum3A_987 = vector.extract %reduce_sum3A_986[15] : i32 from vector<16xi32>
        %and3A_988 = arith.constant 3 : i32
        %and3A_989 = arith.andi %select_n3A_198, %and3A_988 : i32
        %eq3A_990 = arith.constant 0 : i32
        %eq3A_991 = arith.cmpi eq, %and3A_989, %eq3A_990 : i32
        %convert_element_type3A_992 = arith.extui %eq3A_991 : i1 to i32
        %cond3A_993 = arith.constant 0 : i32
        %cond3A_994 = arith.cmpi ne, %convert_element_type3A_992, %cond3A_993 : i32
        scf.if %cond3A_994 {
          %dma_wait3A_1016 = arith.constant 0 : i32
          %dma_wait3A_1017 = arith.constant 0 : i32
          %dma_wait3A_1018 = arith.constant 0 : i32
          %dma_wait3A_1019 = tpu.memref_slice %arg10[%dma_wait3A_1016, %dma_wait3A_1017, %dma_wait3A_1018] : memref<4x64x128xf32, #tpu.memory_space<vmem>> -> memref<1x64x128xf32, #tpu.memory_space<vmem>>
          %dma_wait3A_1020 = tpu.memref_squeeze %dma_wait3A_1019 : memref<1x64x128xf32, #tpu.memory_space<vmem>> -> memref<64x128xf32, #tpu.memory_space<vmem>>
          %dma_wait3A_1021 = arith.constant 0 : i32
          %dma_wait3A_1022 = arith.constant 0 : i32
          %dma_wait3A_1023 = tpu.memref_slice %arg2[%dma_wait3A_1021, %dma_wait3A_1022] : memref<64x1000000xf32, #tpu.memory_space<hbm>> -> memref<64x128xf32, #tpu.memory_space<hbm>>
          %dma_wait3A_1024 = arith.constant 0 : i32
          %dma_wait3A_1025 = arith.constant 0 : i32
          %dma_wait3A_1026 = tpu.memref_slice %arg10[%dma_wait3A_1016, %dma_wait3A_1024, %dma_wait3A_1025] : memref<4x64x128xf32, #tpu.memory_space<vmem>> -> memref<1x64x128xf32, #tpu.memory_space<vmem>>
          %dma_wait3A_1027 = tpu.memref_squeeze %dma_wait3A_1026 : memref<1x64x128xf32, #tpu.memory_space<vmem>> -> memref<64x128xf32, #tpu.memory_space<vmem>>
          %dma_wait3A_1028 = arith.constant 0 : i32
          %dma_wait3A_1029 = arith.constant 0 : i32
          %dma_wait3A_1030 = tpu.memref_slice %arg2[%dma_wait3A_1028, %dma_wait3A_1029] : memref<64x1000000xf32, #tpu.memory_space<hbm>> -> memref<64x128xf32, #tpu.memory_space<hbm>>
          tpu.wait_dma2 semaphore(%arg12 : memref<!tpu.dma_semaphore, #tpu.memory_space<semaphore_mem>>) src(%dma_wait3A_1030 : memref<64x128xf32, #tpu.memory_space<hbm>>) dst(%dma_wait3A_1027 : memref<64x128xf32, #tpu.memory_space<vmem>>)
          %mul3A_1031 = arith.constant 128 : i32
          %mul3A_1032 = arith.muli %reduce_sum3A_987, %mul3A_1031 : i32
          %multiple_of3A_1033 = tpu.assume_multiple %mul3A_1032, 128 : i32
          %dma_start3A_1034 = arith.constant 3 : i32
          %dma_start3A_1035 = arith.constant 0 : i32
          %dma_start3A_1036 = arith.constant 0 : i32
          %dma_start3A_1037 = tpu.memref_slice %arg10[%dma_start3A_1034, %dma_start3A_1035, %dma_start3A_1036] : memref<4x64x128xf32, #tpu.memory_space<vmem>> -> memref<1x64x128xf32, #tpu.memory_space<vmem>>
          %dma_start3A_1038 = tpu.memref_squeeze %dma_start3A_1037 : memref<1x64x128xf32, #tpu.memory_space<vmem>> -> memref<64x128xf32, #tpu.memory_space<vmem>>
          %dma_start3A_1039 = arith.constant 0 : i32
          %dma_start3A_1040 = tpu.memref_slice %arg2[%dma_start3A_1039, %multiple_of3A_1033] : memref<64x1000000xf32, #tpu.memory_space<hbm>> -> memref<64x128xf32, #tpu.memory_space<hbm>>
          %dma_start3A_1041 = arith.constant 0 : i32
          %dma_start3A_1042 = arith.constant 0 : i32
          %dma_start3A_1043 = tpu.memref_slice %arg10[%dma_start3A_1034, %dma_start3A_1041, %dma_start3A_1042] : memref<4x64x128xf32, #tpu.memory_space<vmem>> -> memref<1x64x128xf32, #tpu.memory_space<vmem>>
          %dma_start3A_1044 = tpu.memref_squeeze %dma_start3A_1043 : memref<1x64x128xf32, #tpu.memory_space<vmem>> -> memref<64x128xf32, #tpu.memory_space<vmem>>
          %dma_start3A_1045 = arith.constant 0 : i32
          %dma_start3A_1046 = tpu.memref_slice %arg2[%dma_start3A_1045, %multiple_of3A_1033] : memref<64x1000000xf32, #tpu.memory_space<hbm>> -> memref<64x128xf32, #tpu.memory_space<hbm>>
          tpu.enqueue_dma source(%dma_start3A_1046 : memref<64x128xf32, #tpu.memory_space<hbm>>) target(%dma_start3A_1044 : memref<64x128xf32, #tpu.memory_space<vmem>>) target_semaphore(%arg15 : memref<!tpu.dma_semaphore, #tpu.memory_space<semaphore_mem>>)
        } else {
        }
        %and3A_995 = arith.constant 3 : i32
        %and3A_996 = arith.andi %select_n3A_198, %and3A_995 : i32
        %eq3A_997 = arith.constant 1 : i32
        %eq3A_998 = arith.cmpi eq, %and3A_996, %eq3A_997 : i32
        %convert_element_type3A_999 = arith.extui %eq3A_998 : i1 to i32
        %cond3A_1000 = arith.constant 0 : i32
        %cond3A_1001 = arith.cmpi ne, %convert_element_type3A_999, %cond3A_1000 : i32
        scf.if %cond3A_1001 {
          %dma_wait3A_1016 = arith.constant 1 : i32
          %dma_wait3A_1017 = arith.constant 0 : i32
          %dma_wait3A_1018 = arith.constant 0 : i32
          %dma_wait3A_1019 = tpu.memref_slice %arg10[%dma_wait3A_1016, %dma_wait3A_1017, %dma_wait3A_1018] : memref<4x64x128xf32, #tpu.memory_space<vmem>> -> memref<1x64x128xf32, #tpu.memory_space<vmem>>
          %dma_wait3A_1020 = tpu.memref_squeeze %dma_wait3A_1019 : memref<1x64x128xf32, #tpu.memory_space<vmem>> -> memref<64x128xf32, #tpu.memory_space<vmem>>
          %dma_wait3A_1021 = arith.constant 0 : i32
          %dma_wait3A_1022 = arith.constant 0 : i32
          %dma_wait3A_1023 = tpu.memref_slice %arg2[%dma_wait3A_1021, %dma_wait3A_1022] : memref<64x1000000xf32, #tpu.memory_space<hbm>> -> memref<64x128xf32, #tpu.memory_space<hbm>>
          %dma_wait3A_1024 = arith.constant 0 : i32
          %dma_wait3A_1025 = arith.constant 0 : i32
          %dma_wait3A_1026 = tpu.memref_slice %arg10[%dma_wait3A_1016, %dma_wait3A_1024, %dma_wait3A_1025] : memref<4x64x128xf32, #tpu.memory_space<vmem>> -> memref<1x64x128xf32, #tpu.memory_space<vmem>>
          %dma_wait3A_1027 = tpu.memref_squeeze %dma_wait3A_1026 : memref<1x64x128xf32, #tpu.memory_space<vmem>> -> memref<64x128xf32, #tpu.memory_space<vmem>>
          %dma_wait3A_1028 = arith.constant 0 : i32
          %dma_wait3A_1029 = arith.constant 0 : i32
          %dma_wait3A_1030 = tpu.memref_slice %arg2[%dma_wait3A_1028, %dma_wait3A_1029] : memref<64x1000000xf32, #tpu.memory_space<hbm>> -> memref<64x128xf32, #tpu.memory_space<hbm>>
          tpu.wait_dma2 semaphore(%arg13 : memref<!tpu.dma_semaphore, #tpu.memory_space<semaphore_mem>>) src(%dma_wait3A_1030 : memref<64x128xf32, #tpu.memory_space<hbm>>) dst(%dma_wait3A_1027 : memref<64x128xf32, #tpu.memory_space<vmem>>)
          %mul3A_1031 = arith.constant 128 : i32
          %mul3A_1032 = arith.muli %reduce_sum3A_987, %mul3A_1031 : i32
          %multiple_of3A_1033 = tpu.assume_multiple %mul3A_1032, 128 : i32
          %dma_start3A_1034 = arith.constant 0 : i32
          %dma_start3A_1035 = arith.constant 0 : i32
          %dma_start3A_1036 = arith.constant 0 : i32
          %dma_start3A_1037 = tpu.memref_slice %arg10[%dma_start3A_1034, %dma_start3A_1035, %dma_start3A_1036] : memref<4x64x128xf32, #tpu.memory_space<vmem>> -> memref<1x64x128xf32, #tpu.memory_space<vmem>>
          %dma_start3A_1038 = tpu.memref_squeeze %dma_start3A_1037 : memref<1x64x128xf32, #tpu.memory_space<vmem>> -> memref<64x128xf32, #tpu.memory_space<vmem>>
          %dma_start3A_1039 = arith.constant 0 : i32
          %dma_start3A_1040 = tpu.memref_slice %arg2[%dma_start3A_1039, %multiple_of3A_1033] : memref<64x1000000xf32, #tpu.memory_space<hbm>> -> memref<64x128xf32, #tpu.memory_space<hbm>>
          %dma_start3A_1041 = arith.constant 0 : i32
          %dma_start3A_1042 = arith.constant 0 : i32
          %dma_start3A_1043 = tpu.memref_slice %arg10[%dma_start3A_1034, %dma_start3A_1041, %dma_start3A_1042] : memref<4x64x128xf32, #tpu.memory_space<vmem>> -> memref<1x64x128xf32, #tpu.memory_space<vmem>>
          %dma_start3A_1044 = tpu.memref_squeeze %dma_start3A_1043 : memref<1x64x128xf32, #tpu.memory_space<vmem>> -> memref<64x128xf32, #tpu.memory_space<vmem>>
          %dma_start3A_1045 = arith.constant 0 : i32
          %dma_start3A_1046 = tpu.memref_slice %arg2[%dma_start3A_1045, %multiple_of3A_1033] : memref<64x1000000xf32, #tpu.memory_space<hbm>> -> memref<64x128xf32, #tpu.memory_space<hbm>>
          tpu.enqueue_dma source(%dma_start3A_1046 : memref<64x128xf32, #tpu.memory_space<hbm>>) target(%dma_start3A_1044 : memref<64x128xf32, #tpu.memory_space<vmem>>) target_semaphore(%arg12 : memref<!tpu.dma_semaphore, #tpu.memory_space<semaphore_mem>>)
        } else {
        }
        %and3A_1002 = arith.constant 3 : i32
        %and3A_1003 = arith.andi %select_n3A_198, %and3A_1002 : i32
        %eq3A_1004 = arith.constant 2 : i32
        %eq3A_1005 = arith.cmpi eq, %and3A_1003, %eq3A_1004 : i32
        %convert_element_type3A_1006 = arith.extui %eq3A_1005 : i1 to i32
        %cond3A_1007 = arith.constant 0 : i32
        %cond3A_1008 = arith.cmpi ne, %convert_element_type3A_1006, %cond3A_1007 : i32
        scf.if %cond3A_1008 {
          %dma_wait3A_1016 = arith.constant 2 : i32
          %dma_wait3A_1017 = arith.constant 0 : i32
          %dma_wait3A_1018 = arith.constant 0 : i32
          %dma_wait3A_1019 = tpu.memref_slice %arg10[%dma_wait3A_1016, %dma_wait3A_1017, %dma_wait3A_1018] : memref<4x64x128xf32, #tpu.memory_space<vmem>> -> memref<1x64x128xf32, #tpu.memory_space<vmem>>
          %dma_wait3A_1020 = tpu.memref_squeeze %dma_wait3A_1019 : memref<1x64x128xf32, #tpu.memory_space<vmem>> -> memref<64x128xf32, #tpu.memory_space<vmem>>
          %dma_wait3A_1021 = arith.constant 0 : i32
          %dma_wait3A_1022 = arith.constant 0 : i32
          %dma_wait3A_1023 = tpu.memref_slice %arg2[%dma_wait3A_1021, %dma_wait3A_1022] : memref<64x1000000xf32, #tpu.memory_space<hbm>> -> memref<64x128xf32, #tpu.memory_space<hbm>>
          %dma_wait3A_1024 = arith.constant 0 : i32
          %dma_wait3A_1025 = arith.constant 0 : i32
          %dma_wait3A_1026 = tpu.memref_slice %arg10[%dma_wait3A_1016, %dma_wait3A_1024, %dma_wait3A_1025] : memref<4x64x128xf32, #tpu.memory_space<vmem>> -> memref<1x64x128xf32, #tpu.memory_space<vmem>>
          %dma_wait3A_1027 = tpu.memref_squeeze %dma_wait3A_1026 : memref<1x64x128xf32, #tpu.memory_space<vmem>> -> memref<64x128xf32, #tpu.memory_space<vmem>>
          %dma_wait3A_1028 = arith.constant 0 : i32
          %dma_wait3A_1029 = arith.constant 0 : i32
          %dma_wait3A_1030 = tpu.memref_slice %arg2[%dma_wait3A_1028, %dma_wait3A_1029] : memref<64x1000000xf32, #tpu.memory_space<hbm>> -> memref<64x128xf32, #tpu.memory_space<hbm>>
          tpu.wait_dma2 semaphore(%arg14 : memref<!tpu.dma_semaphore, #tpu.memory_space<semaphore_mem>>) src(%dma_wait3A_1030 : memref<64x128xf32, #tpu.memory_space<hbm>>) dst(%dma_wait3A_1027 : memref<64x128xf32, #tpu.memory_space<vmem>>)
          %mul3A_1031 = arith.constant 128 : i32
          %mul3A_1032 = arith.muli %reduce_sum3A_987, %mul3A_1031 : i32
          %multiple_of3A_1033 = tpu.assume_multiple %mul3A_1032, 128 : i32
          %dma_start3A_1034 = arith.constant 1 : i32
          %dma_start3A_1035 = arith.constant 0 : i32
          %dma_start3A_1036 = arith.constant 0 : i32
          %dma_start3A_1037 = tpu.memref_slice %arg10[%dma_start3A_1034, %dma_start3A_1035, %dma_start3A_1036] : memref<4x64x128xf32, #tpu.memory_space<vmem>> -> memref<1x64x128xf32, #tpu.memory_space<vmem>>
          %dma_start3A_1038 = tpu.memref_squeeze %dma_start3A_1037 : memref<1x64x128xf32, #tpu.memory_space<vmem>> -> memref<64x128xf32, #tpu.memory_space<vmem>>
          %dma_start3A_1039 = arith.constant 0 : i32
          %dma_start3A_1040 = tpu.memref_slice %arg2[%dma_start3A_1039, %multiple_of3A_1033] : memref<64x1000000xf32, #tpu.memory_space<hbm>> -> memref<64x128xf32, #tpu.memory_space<hbm>>
          %dma_start3A_1041 = arith.constant 0 : i32
          %dma_start3A_1042 = arith.constant 0 : i32
          %dma_start3A_1043 = tpu.memref_slice %arg10[%dma_start3A_1034, %dma_start3A_1041, %dma_start3A_1042] : memref<4x64x128xf32, #tpu.memory_space<vmem>> -> memref<1x64x128xf32, #tpu.memory_space<vmem>>
          %dma_start3A_1044 = tpu.memref_squeeze %dma_start3A_1043 : memref<1x64x128xf32, #tpu.memory_space<vmem>> -> memref<64x128xf32, #tpu.memory_space<vmem>>
          %dma_start3A_1045 = arith.constant 0 : i32
          %dma_start3A_1046 = tpu.memref_slice %arg2[%dma_start3A_1045, %multiple_of3A_1033] : memref<64x1000000xf32, #tpu.memory_space<hbm>> -> memref<64x128xf32, #tpu.memory_space<hbm>>
          tpu.enqueue_dma source(%dma_start3A_1046 : memref<64x128xf32, #tpu.memory_space<hbm>>) target(%dma_start3A_1044 : memref<64x128xf32, #tpu.memory_space<vmem>>) target_semaphore(%arg13 : memref<!tpu.dma_semaphore, #tpu.memory_space<semaphore_mem>>)
        } else {
        }
        %and3A_1009 = arith.constant 3 : i32
        %and3A_1010 = arith.andi %select_n3A_198, %and3A_1009 : i32
        %eq3A_1011 = arith.constant 3 : i32
        %eq3A_1012 = arith.cmpi eq, %and3A_1010, %eq3A_1011 : i32
        %convert_element_type3A_1013 = arith.extui %eq3A_1012 : i1 to i32
        %cond3A_1014 = arith.constant 0 : i32
        %cond3A_1015 = arith.cmpi ne, %convert_element_type3A_1013, %cond3A_1014 : i32
        scf.if %cond3A_1015 {
          %dma_wait3A_1016 = arith.constant 3 : i32
          %dma_wait3A_1017 = arith.constant 0 : i32
          %dma_wait3A_1018 = arith.constant 0 : i32
          %dma_wait3A_1019 = tpu.memref_slice %arg10[%dma_wait3A_1016, %dma_wait3A_1017, %dma_wait3A_1018] : memref<4x64x128xf32, #tpu.memory_space<vmem>> -> memref<1x64x128xf32, #tpu.memory_space<vmem>>
          %dma_wait3A_1020 = tpu.memref_squeeze %dma_wait3A_1019 : memref<1x64x128xf32, #tpu.memory_space<vmem>> -> memref<64x128xf32, #tpu.memory_space<vmem>>
          %dma_wait3A_1021 = arith.constant 0 : i32
          %dma_wait3A_1022 = arith.constant 0 : i32
          %dma_wait3A_1023 = tpu.memref_slice %arg2[%dma_wait3A_1021, %dma_wait3A_1022] : memref<64x1000000xf32, #tpu.memory_space<hbm>> -> memref<64x128xf32, #tpu.memory_space<hbm>>
          %dma_wait3A_1024 = arith.constant 0 : i32
          %dma_wait3A_1025 = arith.constant 0 : i32
          %dma_wait3A_1026 = tpu.memref_slice %arg10[%dma_wait3A_1016, %dma_wait3A_1024, %dma_wait3A_1025] : memref<4x64x128xf32, #tpu.memory_space<vmem>> -> memref<1x64x128xf32, #tpu.memory_space<vmem>>
          %dma_wait3A_1027 = tpu.memref_squeeze %dma_wait3A_1026 : memref<1x64x128xf32, #tpu.memory_space<vmem>> -> memref<64x128xf32, #tpu.memory_space<vmem>>
          %dma_wait3A_1028 = arith.constant 0 : i32
          %dma_wait3A_1029 = arith.constant 0 : i32
          %dma_wait3A_1030 = tpu.memref_slice %arg2[%dma_wait3A_1028, %dma_wait3A_1029] : memref<64x1000000xf32, #tpu.memory_space<hbm>> -> memref<64x128xf32, #tpu.memory_space<hbm>>
          tpu.wait_dma2 semaphore(%arg15 : memref<!tpu.dma_semaphore, #tpu.memory_space<semaphore_mem>>) src(%dma_wait3A_1030 : memref<64x128xf32, #tpu.memory_space<hbm>>) dst(%dma_wait3A_1027 : memref<64x128xf32, #tpu.memory_space<vmem>>)
          %mul3A_1031 = arith.constant 128 : i32
          %mul3A_1032 = arith.muli %reduce_sum3A_987, %mul3A_1031 : i32
          %multiple_of3A_1033 = tpu.assume_multiple %mul3A_1032, 128 : i32
          %dma_start3A_1034 = arith.constant 2 : i32
          %dma_start3A_1035 = arith.constant 0 : i32
          %dma_start3A_1036 = arith.constant 0 : i32
          %dma_start3A_1037 = tpu.memref_slice %arg10[%dma_start3A_1034, %dma_start3A_1035, %dma_start3A_1036] : memref<4x64x128xf32, #tpu.memory_space<vmem>> -> memref<1x64x128xf32, #tpu.memory_space<vmem>>
          %dma_start3A_1038 = tpu.memref_squeeze %dma_start3A_1037 : memref<1x64x128xf32, #tpu.memory_space<vmem>> -> memref<64x128xf32, #tpu.memory_space<vmem>>
          %dma_start3A_1039 = arith.constant 0 : i32
          %dma_start3A_1040 = tpu.memref_slice %arg2[%dma_start3A_1039, %multiple_of3A_1033] : memref<64x1000000xf32, #tpu.memory_space<hbm>> -> memref<64x128xf32, #tpu.memory_space<hbm>>
          %dma_start3A_1041 = arith.constant 0 : i32
          %dma_start3A_1042 = arith.constant 0 : i32
          %dma_start3A_1043 = tpu.memref_slice %arg10[%dma_start3A_1034, %dma_start3A_1041, %dma_start3A_1042] : memref<4x64x128xf32, #tpu.memory_space<vmem>> -> memref<1x64x128xf32, #tpu.memory_space<vmem>>
          %dma_start3A_1044 = tpu.memref_squeeze %dma_start3A_1043 : memref<1x64x128xf32, #tpu.memory_space<vmem>> -> memref<64x128xf32, #tpu.memory_space<vmem>>
          %dma_start3A_1045 = arith.constant 0 : i32
          %dma_start3A_1046 = tpu.memref_slice %arg2[%dma_start3A_1045, %multiple_of3A_1033] : memref<64x1000000xf32, #tpu.memory_space<hbm>> -> memref<64x128xf32, #tpu.memory_space<hbm>>
          tpu.enqueue_dma source(%dma_start3A_1046 : memref<64x128xf32, #tpu.memory_space<hbm>>) target(%dma_start3A_1044 : memref<64x128xf32, #tpu.memory_space<vmem>>) target_semaphore(%arg14 : memref<!tpu.dma_semaphore, #tpu.memory_space<semaphore_mem>>)
        } else {
        }
      } else {
      }
      %select_n3A_247 = arith.select %ne3A_243, %shift_right_arithmetic3A_240, %select_n3A_195 : i32
      %add3A_248 = arith.constant 1 : i32
      %add3A_249 = arith.addi %select_n3A_198, %add3A_248 : i32
      %select_n3A_250 = arith.select %ne3A_243, %add3A_249, %select_n3A_198 : i32
      %broadcast_in_dim3A_251 = vector.broadcast %and3A_242 : i32 to vector<16xi32>
      %sub3A_252 = arith.constant 1 : i32
      %sub3A_253 = arith.subi %select_n3A_250, %sub3A_252 : i32
      %and3A_254 = arith.constant 3 : i32
      %and3A_255 = arith.andi %sub3A_253, %and3A_254 : i32
      %broadcast_in_dim3A_256 = vector.broadcast %and3A_255 : i32 to vector<16xi32>
      %gather3A_257 = tpu.vector_load_idx %arg10[%broadcast_in_dim3A_256, %add3A_21, %broadcast_in_dim3A_251] : memref<4x64x128xf32, #tpu.memory_space<vmem>>[vector<16xi32>, vector<16xi32>, vector<16xi32>], vector<16xf32>,
      %swap3A_258 = arith.constant 2 : i32
      %swap3A_259 = arith.index_cast %swap3A_258 : i32 to index
      %swap3A_260 = arith.constant 0 : index
      %swap3A_261 = tpu.vector_load %arg11[%swap3A_259, %swap3A_260] {strides = array<i32>} : memref<16x64xf32, #tpu.memory_space<vmem>>, vector<16xf32>,
      tpu.vector_store %arg11[%swap3A_259, %swap3A_260], %gather3A_257 {strides = array<i32>} : memref<16x64xf32, #tpu.memory_space<vmem>>, vector<16xf32>,
      %gather3A_262 = tpu.vector_load_idx %arg10[%broadcast_in_dim3A_256, %add3A_25, %broadcast_in_dim3A_251] : memref<4x64x128xf32, #tpu.memory_space<vmem>>[vector<16xi32>, vector<16xi32>, vector<16xi32>], vector<16xf32>,
      %swap3A_263 = arith.constant 2 : i32
      %swap3A_264 = arith.index_cast %swap3A_263 : i32 to index
      %swap3A_265 = arith.constant 16 : index
      %swap3A_266 = tpu.vector_load %arg11[%swap3A_264, %swap3A_265] {strides = array<i32>} : memref<16x64xf32, #tpu.memory_space<vmem>>, vector<16xf32>,
      tpu.vector_store %arg11[%swap3A_264, %swap3A_265], %gather3A_262 {strides = array<i32>} : memref<16x64xf32, #tpu.memory_space<vmem>>, vector<16xf32>,
      %gather3A_267 = tpu.vector_load_idx %arg10[%broadcast_in_dim3A_256, %add3A_29, %broadcast_in_dim3A_251] : memref<4x64x128xf32, #tpu.memory_space<vmem>>[vector<16xi32>, vector<16xi32>, vector<16xi32>], vector<16xf32>,
      %swap3A_268 = arith.constant 2 : i32
      %swap3A_269 = arith.index_cast %swap3A_268 : i32 to index
      %swap3A_270 = arith.constant 32 : index
      %swap3A_271 = tpu.vector_load %arg11[%swap3A_269, %swap3A_270] {strides = array<i32>} : memref<16x64xf32, #tpu.memory_space<vmem>>, vector<16xf32>,
      tpu.vector_store %arg11[%swap3A_269, %swap3A_270], %gather3A_267 {strides = array<i32>} : memref<16x64xf32, #tpu.memory_space<vmem>>, vector<16xf32>,
      %gather3A_272 = tpu.vector_load_idx %arg10[%broadcast_in_dim3A_256, %add3A_33, %broadcast_in_dim3A_251] : memref<4x64x128xf32, #tpu.memory_space<vmem>>[vector<16xi32>, vector<16xi32>, vector<16xi32>], vector<16xf32>,
      %swap3A_273 = arith.constant 2 : i32
      %swap3A_274 = arith.index_cast %swap3A_273 : i32 to index
      %swap3A_275 = arith.constant 48 : index
      %swap3A_276 = tpu.vector_load %arg11[%swap3A_274, %swap3A_275] {strides = array<i32>} : memref<16x64xf32, #tpu.memory_space<vmem>>, vector<16xf32>,
      tpu.vector_store %arg11[%swap3A_274, %swap3A_275], %gather3A_272 {strides = array<i32>} : memref<16x64xf32, #tpu.memory_space<vmem>>, vector<16xf32>,
      %dma_start3A_277 = arith.constant 2 : i32
      %dma_start3A_278 = arith.constant 0 : i32
      %dma_start3A_279 = tpu.memref_slice %arg11[%dma_start3A_277, %dma_start3A_278] : memref<16x64xf32, #tpu.memory_space<vmem>> -> memref<1x64xf32, #tpu.memory_space<vmem>>
      %dma_start3A_280 = arith.constant 0 : i32
      %dma_start3A_281 = tpu.memref_slice %arg6[%squeeze3A_238, %dma_start3A_280] : memref<16384x64xf32, #tpu.memory_space<hbm>> -> memref<1x64xf32, #tpu.memory_space<hbm>>
      %dma_start3A_282 = arith.constant 0 : i32
      %dma_start3A_283 = tpu.memref_slice %arg6[%squeeze3A_238, %dma_start3A_282] : memref<16384x64xf32, #tpu.memory_space<hbm>> -> memref<1x64xf32, #tpu.memory_space<hbm>>
      %dma_start3A_284 = arith.constant 2 : i32
      %dma_start3A_285 = arith.constant 0 : i32
      %dma_start3A_286 = tpu.memref_slice %arg11[%dma_start3A_284, %dma_start3A_285] : memref<16x64xf32, #tpu.memory_space<vmem>> -> memref<1x64xf32, #tpu.memory_space<vmem>>
      tpu.enqueue_dma source(%dma_start3A_286 : memref<1x64xf32, #tpu.memory_space<vmem>>) target(%dma_start3A_283 : memref<1x64xf32, #tpu.memory_space<hbm>>) target_semaphore(%arg16 : memref<!tpu.dma_semaphore, #tpu.memory_space<semaphore_mem>>)
      %slice3A_287 = vector.extract_strided_slice %get3A_131 {offsets = [3], sizes = [1], strides = [1]} : vector<16xi32> to vector<1xi32>
      %squeeze3A_288 = vector.extract %slice3A_287[0] : i32 from vector<1xi32>
      %slice3A_289 = vector.extract_strided_slice %get3A_135 {offsets = [3], sizes = [1], strides = [1]} : vector<16xi32> to vector<1xi32>
      %squeeze3A_290 = vector.extract %slice3A_289[0] : i32 from vector<1xi32>
      %shift_right_arithmetic3A_291 = arith.constant 7 : i32
      %shift_right_arithmetic3A_292 = arith.shrsi %squeeze3A_288, %shift_right_arithmetic3A_291 : i32
      %and3A_293 = arith.constant 127 : i32
      %and3A_294 = arith.andi %squeeze3A_288, %and3A_293 : i32
      %ne3A_295 = arith.cmpi ne, %shift_right_arithmetic3A_292, %select_n3A_247 : i32
      %convert_element_type3A_296 = arith.extui %ne3A_295 : i1 to i32
      %cond3A_297 = arith.constant 0 : i32
      %cond3A_298 = arith.cmpi ne, %convert_element_type3A_296, %cond3A_297 : i32
      scf.if %cond3A_298 {
        %add3A_969 = arith.constant 4 : i32
        %add3A_970 = arith.addi %select_n3A_250, %add3A_969 : i32
        %sub3A_971 = arith.constant 1 : i32
        %sub3A_972 = arith.subi %add3A_970, %sub3A_971 : i32
        %min3A = arith.constant 511 : i32
        %min3A_973 = arith.minsi %sub3A_972, %min3A : i32
        %shift_right_arithmetic3A_974 = arith.constant 4 : i32
        %shift_right_arithmetic3A_975 = arith.shrsi %min3A_973, %shift_right_arithmetic3A_974 : i32
        %shift_left3A = arith.constant 4 : i32
        %shift_left3A_976 = arith.shli %shift_right_arithmetic3A_975, %shift_left3A : i32
        %multiple_of3A_977 = tpu.assume_multiple %shift_left3A_976, 16 : i32
        %get3A_978 = arith.index_cast %multiple_of3A_977 : i32 to index
        %get3A_979 = tpu.vector_load %arg9[%get3A_978] {strides = array<i32>} : memref<512xi32, #tpu.memory_space<vmem>>, vector<16xi32>,
        %and3A_980 = arith.constant 15 : i32
        %and3A_981 = arith.andi %min3A_973, %and3A_980 : i32
        %eq3A = vector.broadcast %and3A_981 : i32 to vector<16xi32>
        %eq3A_982 = arith.cmpi eq, %iota3A_34, %eq3A : vector<16xi32>
        %jit3A = arith.constant 0 : i32
        %broadcast_in_dim3A_983 = vector.broadcast %jit3A : i32 to vector<16xi32>
        %select_n3A_984 = arith.select %eq3A_982, %get3A_979, %broadcast_in_dim3A_983 : vector<16xi1>, vector<16xi32>
        %reduce_sum3A = arith.constant true
        %reduce_sum3A_985 = vector.broadcast %reduce_sum3A : i1 to vector<16xi1>
        %reduce_sum3A_986 = tpu.scan <sum>, %select_n3A_984 masked %reduce_sum3A_985 : vector<16xi32>, vector<16xi1> -> vector<16xi32>
        %reduce_sum3A_987 = vector.extract %reduce_sum3A_986[15] : i32 from vector<16xi32>
        %and3A_988 = arith.constant 3 : i32
        %and3A_989 = arith.andi %select_n3A_250, %and3A_988 : i32
        %eq3A_990 = arith.constant 0 : i32
        %eq3A_991 = arith.cmpi eq, %and3A_989, %eq3A_990 : i32
        %convert_element_type3A_992 = arith.extui %eq3A_991 : i1 to i32
        %cond3A_993 = arith.constant 0 : i32
        %cond3A_994 = arith.cmpi ne, %convert_element_type3A_992, %cond3A_993 : i32
        scf.if %cond3A_994 {
          %dma_wait3A_1016 = arith.constant 0 : i32
          %dma_wait3A_1017 = arith.constant 0 : i32
          %dma_wait3A_1018 = arith.constant 0 : i32
          %dma_wait3A_1019 = tpu.memref_slice %arg10[%dma_wait3A_1016, %dma_wait3A_1017, %dma_wait3A_1018] : memref<4x64x128xf32, #tpu.memory_space<vmem>> -> memref<1x64x128xf32, #tpu.memory_space<vmem>>
          %dma_wait3A_1020 = tpu.memref_squeeze %dma_wait3A_1019 : memref<1x64x128xf32, #tpu.memory_space<vmem>> -> memref<64x128xf32, #tpu.memory_space<vmem>>
          %dma_wait3A_1021 = arith.constant 0 : i32
          %dma_wait3A_1022 = arith.constant 0 : i32
          %dma_wait3A_1023 = tpu.memref_slice %arg2[%dma_wait3A_1021, %dma_wait3A_1022] : memref<64x1000000xf32, #tpu.memory_space<hbm>> -> memref<64x128xf32, #tpu.memory_space<hbm>>
          %dma_wait3A_1024 = arith.constant 0 : i32
          %dma_wait3A_1025 = arith.constant 0 : i32
          %dma_wait3A_1026 = tpu.memref_slice %arg10[%dma_wait3A_1016, %dma_wait3A_1024, %dma_wait3A_1025] : memref<4x64x128xf32, #tpu.memory_space<vmem>> -> memref<1x64x128xf32, #tpu.memory_space<vmem>>
          %dma_wait3A_1027 = tpu.memref_squeeze %dma_wait3A_1026 : memref<1x64x128xf32, #tpu.memory_space<vmem>> -> memref<64x128xf32, #tpu.memory_space<vmem>>
          %dma_wait3A_1028 = arith.constant 0 : i32
          %dma_wait3A_1029 = arith.constant 0 : i32
          %dma_wait3A_1030 = tpu.memref_slice %arg2[%dma_wait3A_1028, %dma_wait3A_1029] : memref<64x1000000xf32, #tpu.memory_space<hbm>> -> memref<64x128xf32, #tpu.memory_space<hbm>>
          tpu.wait_dma2 semaphore(%arg12 : memref<!tpu.dma_semaphore, #tpu.memory_space<semaphore_mem>>) src(%dma_wait3A_1030 : memref<64x128xf32, #tpu.memory_space<hbm>>) dst(%dma_wait3A_1027 : memref<64x128xf32, #tpu.memory_space<vmem>>)
          %mul3A_1031 = arith.constant 128 : i32
          %mul3A_1032 = arith.muli %reduce_sum3A_987, %mul3A_1031 : i32
          %multiple_of3A_1033 = tpu.assume_multiple %mul3A_1032, 128 : i32
          %dma_start3A_1034 = arith.constant 3 : i32
          %dma_start3A_1035 = arith.constant 0 : i32
          %dma_start3A_1036 = arith.constant 0 : i32
          %dma_start3A_1037 = tpu.memref_slice %arg10[%dma_start3A_1034, %dma_start3A_1035, %dma_start3A_1036] : memref<4x64x128xf32, #tpu.memory_space<vmem>> -> memref<1x64x128xf32, #tpu.memory_space<vmem>>
          %dma_start3A_1038 = tpu.memref_squeeze %dma_start3A_1037 : memref<1x64x128xf32, #tpu.memory_space<vmem>> -> memref<64x128xf32, #tpu.memory_space<vmem>>
          %dma_start3A_1039 = arith.constant 0 : i32
          %dma_start3A_1040 = tpu.memref_slice %arg2[%dma_start3A_1039, %multiple_of3A_1033] : memref<64x1000000xf32, #tpu.memory_space<hbm>> -> memref<64x128xf32, #tpu.memory_space<hbm>>
          %dma_start3A_1041 = arith.constant 0 : i32
          %dma_start3A_1042 = arith.constant 0 : i32
          %dma_start3A_1043 = tpu.memref_slice %arg10[%dma_start3A_1034, %dma_start3A_1041, %dma_start3A_1042] : memref<4x64x128xf32, #tpu.memory_space<vmem>> -> memref<1x64x128xf32, #tpu.memory_space<vmem>>
          %dma_start3A_1044 = tpu.memref_squeeze %dma_start3A_1043 : memref<1x64x128xf32, #tpu.memory_space<vmem>> -> memref<64x128xf32, #tpu.memory_space<vmem>>
          %dma_start3A_1045 = arith.constant 0 : i32
          %dma_start3A_1046 = tpu.memref_slice %arg2[%dma_start3A_1045, %multiple_of3A_1033] : memref<64x1000000xf32, #tpu.memory_space<hbm>> -> memref<64x128xf32, #tpu.memory_space<hbm>>
          tpu.enqueue_dma source(%dma_start3A_1046 : memref<64x128xf32, #tpu.memory_space<hbm>>) target(%dma_start3A_1044 : memref<64x128xf32, #tpu.memory_space<vmem>>) target_semaphore(%arg15 : memref<!tpu.dma_semaphore, #tpu.memory_space<semaphore_mem>>)
        } else {
        }
        %and3A_995 = arith.constant 3 : i32
        %and3A_996 = arith.andi %select_n3A_250, %and3A_995 : i32
        %eq3A_997 = arith.constant 1 : i32
        %eq3A_998 = arith.cmpi eq, %and3A_996, %eq3A_997 : i32
        %convert_element_type3A_999 = arith.extui %eq3A_998 : i1 to i32
        %cond3A_1000 = arith.constant 0 : i32
        %cond3A_1001 = arith.cmpi ne, %convert_element_type3A_999, %cond3A_1000 : i32
        scf.if %cond3A_1001 {
          %dma_wait3A_1016 = arith.constant 1 : i32
          %dma_wait3A_1017 = arith.constant 0 : i32
          %dma_wait3A_1018 = arith.constant 0 : i32
          %dma_wait3A_1019 = tpu.memref_slice %arg10[%dma_wait3A_1016, %dma_wait3A_1017, %dma_wait3A_1018] : memref<4x64x128xf32, #tpu.memory_space<vmem>> -> memref<1x64x128xf32, #tpu.memory_space<vmem>>
          %dma_wait3A_1020 = tpu.memref_squeeze %dma_wait3A_1019 : memref<1x64x128xf32, #tpu.memory_space<vmem>> -> memref<64x128xf32, #tpu.memory_space<vmem>>
          %dma_wait3A_1021 = arith.constant 0 : i32
          %dma_wait3A_1022 = arith.constant 0 : i32
          %dma_wait3A_1023 = tpu.memref_slice %arg2[%dma_wait3A_1021, %dma_wait3A_1022] : memref<64x1000000xf32, #tpu.memory_space<hbm>> -> memref<64x128xf32, #tpu.memory_space<hbm>>
          %dma_wait3A_1024 = arith.constant 0 : i32
          %dma_wait3A_1025 = arith.constant 0 : i32
          %dma_wait3A_1026 = tpu.memref_slice %arg10[%dma_wait3A_1016, %dma_wait3A_1024, %dma_wait3A_1025] : memref<4x64x128xf32, #tpu.memory_space<vmem>> -> memref<1x64x128xf32, #tpu.memory_space<vmem>>
          %dma_wait3A_1027 = tpu.memref_squeeze %dma_wait3A_1026 : memref<1x64x128xf32, #tpu.memory_space<vmem>> -> memref<64x128xf32, #tpu.memory_space<vmem>>
          %dma_wait3A_1028 = arith.constant 0 : i32
          %dma_wait3A_1029 = arith.constant 0 : i32
          %dma_wait3A_1030 = tpu.memref_slice %arg2[%dma_wait3A_1028, %dma_wait3A_1029] : memref<64x1000000xf32, #tpu.memory_space<hbm>> -> memref<64x128xf32, #tpu.memory_space<hbm>>
          tpu.wait_dma2 semaphore(%arg13 : memref<!tpu.dma_semaphore, #tpu.memory_space<semaphore_mem>>) src(%dma_wait3A_1030 : memref<64x128xf32, #tpu.memory_space<hbm>>) dst(%dma_wait3A_1027 : memref<64x128xf32, #tpu.memory_space<vmem>>)
          %mul3A_1031 = arith.constant 128 : i32
          %mul3A_1032 = arith.muli %reduce_sum3A_987, %mul3A_1031 : i32
          %multiple_of3A_1033 = tpu.assume_multiple %mul3A_1032, 128 : i32
          %dma_start3A_1034 = arith.constant 0 : i32
          %dma_start3A_1035 = arith.constant 0 : i32
          %dma_start3A_1036 = arith.constant 0 : i32
          %dma_start3A_1037 = tpu.memref_slice %arg10[%dma_start3A_1034, %dma_start3A_1035, %dma_start3A_1036] : memref<4x64x128xf32, #tpu.memory_space<vmem>> -> memref<1x64x128xf32, #tpu.memory_space<vmem>>
          %dma_start3A_1038 = tpu.memref_squeeze %dma_start3A_1037 : memref<1x64x128xf32, #tpu.memory_space<vmem>> -> memref<64x128xf32, #tpu.memory_space<vmem>>
          %dma_start3A_1039 = arith.constant 0 : i32
          %dma_start3A_1040 = tpu.memref_slice %arg2[%dma_start3A_1039, %multiple_of3A_1033] : memref<64x1000000xf32, #tpu.memory_space<hbm>> -> memref<64x128xf32, #tpu.memory_space<hbm>>
          %dma_start3A_1041 = arith.constant 0 : i32
          %dma_start3A_1042 = arith.constant 0 : i32
          %dma_start3A_1043 = tpu.memref_slice %arg10[%dma_start3A_1034, %dma_start3A_1041, %dma_start3A_1042] : memref<4x64x128xf32, #tpu.memory_space<vmem>> -> memref<1x64x128xf32, #tpu.memory_space<vmem>>
          %dma_start3A_1044 = tpu.memref_squeeze %dma_start3A_1043 : memref<1x64x128xf32, #tpu.memory_space<vmem>> -> memref<64x128xf32, #tpu.memory_space<vmem>>
          %dma_start3A_1045 = arith.constant 0 : i32
          %dma_start3A_1046 = tpu.memref_slice %arg2[%dma_start3A_1045, %multiple_of3A_1033] : memref<64x1000000xf32, #tpu.memory_space<hbm>> -> memref<64x128xf32, #tpu.memory_space<hbm>>
          tpu.enqueue_dma source(%dma_start3A_1046 : memref<64x128xf32, #tpu.memory_space<hbm>>) target(%dma_start3A_1044 : memref<64x128xf32, #tpu.memory_space<vmem>>) target_semaphore(%arg12 : memref<!tpu.dma_semaphore, #tpu.memory_space<semaphore_mem>>)
        } else {
        }
        %and3A_1002 = arith.constant 3 : i32
        %and3A_1003 = arith.andi %select_n3A_250, %and3A_1002 : i32
        %eq3A_1004 = arith.constant 2 : i32
        %eq3A_1005 = arith.cmpi eq, %and3A_1003, %eq3A_1004 : i32
        %convert_element_type3A_1006 = arith.extui %eq3A_1005 : i1 to i32
        %cond3A_1007 = arith.constant 0 : i32
        %cond3A_1008 = arith.cmpi ne, %convert_element_type3A_1006, %cond3A_1007 : i32
        scf.if %cond3A_1008 {
          %dma_wait3A_1016 = arith.constant 2 : i32
          %dma_wait3A_1017 = arith.constant 0 : i32
          %dma_wait3A_1018 = arith.constant 0 : i32
          %dma_wait3A_1019 = tpu.memref_slice %arg10[%dma_wait3A_1016, %dma_wait3A_1017, %dma_wait3A_1018] : memref<4x64x128xf32, #tpu.memory_space<vmem>> -> memref<1x64x128xf32, #tpu.memory_space<vmem>>
          %dma_wait3A_1020 = tpu.memref_squeeze %dma_wait3A_1019 : memref<1x64x128xf32, #tpu.memory_space<vmem>> -> memref<64x128xf32, #tpu.memory_space<vmem>>
          %dma_wait3A_1021 = arith.constant 0 : i32
          %dma_wait3A_1022 = arith.constant 0 : i32
          %dma_wait3A_1023 = tpu.memref_slice %arg2[%dma_wait3A_1021, %dma_wait3A_1022] : memref<64x1000000xf32, #tpu.memory_space<hbm>> -> memref<64x128xf32, #tpu.memory_space<hbm>>
          %dma_wait3A_1024 = arith.constant 0 : i32
          %dma_wait3A_1025 = arith.constant 0 : i32
          %dma_wait3A_1026 = tpu.memref_slice %arg10[%dma_wait3A_1016, %dma_wait3A_1024, %dma_wait3A_1025] : memref<4x64x128xf32, #tpu.memory_space<vmem>> -> memref<1x64x128xf32, #tpu.memory_space<vmem>>
          %dma_wait3A_1027 = tpu.memref_squeeze %dma_wait3A_1026 : memref<1x64x128xf32, #tpu.memory_space<vmem>> -> memref<64x128xf32, #tpu.memory_space<vmem>>
          %dma_wait3A_1028 = arith.constant 0 : i32
          %dma_wait3A_1029 = arith.constant 0 : i32
          %dma_wait3A_1030 = tpu.memref_slice %arg2[%dma_wait3A_1028, %dma_wait3A_1029] : memref<64x1000000xf32, #tpu.memory_space<hbm>> -> memref<64x128xf32, #tpu.memory_space<hbm>>
          tpu.wait_dma2 semaphore(%arg14 : memref<!tpu.dma_semaphore, #tpu.memory_space<semaphore_mem>>) src(%dma_wait3A_1030 : memref<64x128xf32, #tpu.memory_space<hbm>>) dst(%dma_wait3A_1027 : memref<64x128xf32, #tpu.memory_space<vmem>>)
          %mul3A_1031 = arith.constant 128 : i32
          %mul3A_1032 = arith.muli %reduce_sum3A_987, %mul3A_1031 : i32
          %multiple_of3A_1033 = tpu.assume_multiple %mul3A_1032, 128 : i32
          %dma_start3A_1034 = arith.constant 1 : i32
          %dma_start3A_1035 = arith.constant 0 : i32
          %dma_start3A_1036 = arith.constant 0 : i32
          %dma_start3A_1037 = tpu.memref_slice %arg10[%dma_start3A_1034, %dma_start3A_1035, %dma_start3A_1036] : memref<4x64x128xf32, #tpu.memory_space<vmem>> -> memref<1x64x128xf32, #tpu.memory_space<vmem>>
          %dma_start3A_1038 = tpu.memref_squeeze %dma_start3A_1037 : memref<1x64x128xf32, #tpu.memory_space<vmem>> -> memref<64x128xf32, #tpu.memory_space<vmem>>
          %dma_start3A_1039 = arith.constant 0 : i32
          %dma_start3A_1040 = tpu.memref_slice %arg2[%dma_start3A_1039, %multiple_of3A_1033] : memref<64x1000000xf32, #tpu.memory_space<hbm>> -> memref<64x128xf32, #tpu.memory_space<hbm>>
          %dma_start3A_1041 = arith.constant 0 : i32
          %dma_start3A_1042 = arith.constant 0 : i32
          %dma_start3A_1043 = tpu.memref_slice %arg10[%dma_start3A_1034, %dma_start3A_1041, %dma_start3A_1042] : memref<4x64x128xf32, #tpu.memory_space<vmem>> -> memref<1x64x128xf32, #tpu.memory_space<vmem>>
          %dma_start3A_1044 = tpu.memref_squeeze %dma_start3A_1043 : memref<1x64x128xf32, #tpu.memory_space<vmem>> -> memref<64x128xf32, #tpu.memory_space<vmem>>
          %dma_start3A_1045 = arith.constant 0 : i32
          %dma_start3A_1046 = tpu.memref_slice %arg2[%dma_start3A_1045, %multiple_of3A_1033] : memref<64x1000000xf32, #tpu.memory_space<hbm>> -> memref<64x128xf32, #tpu.memory_space<hbm>>
          tpu.enqueue_dma source(%dma_start3A_1046 : memref<64x128xf32, #tpu.memory_space<hbm>>) target(%dma_start3A_1044 : memref<64x128xf32, #tpu.memory_space<vmem>>) target_semaphore(%arg13 : memref<!tpu.dma_semaphore, #tpu.memory_space<semaphore_mem>>)
        } else {
        }
        %and3A_1009 = arith.constant 3 : i32
        %and3A_1010 = arith.andi %select_n3A_250, %and3A_1009 : i32
        %eq3A_1011 = arith.constant 3 : i32
        %eq3A_1012 = arith.cmpi eq, %and3A_1010, %eq3A_1011 : i32
        %convert_element_type3A_1013 = arith.extui %eq3A_1012 : i1 to i32
        %cond3A_1014 = arith.constant 0 : i32
        %cond3A_1015 = arith.cmpi ne, %convert_element_type3A_1013, %cond3A_1014 : i32
        scf.if %cond3A_1015 {
          %dma_wait3A_1016 = arith.constant 3 : i32
          %dma_wait3A_1017 = arith.constant 0 : i32
          %dma_wait3A_1018 = arith.constant 0 : i32
          %dma_wait3A_1019 = tpu.memref_slice %arg10[%dma_wait3A_1016, %dma_wait3A_1017, %dma_wait3A_1018] : memref<4x64x128xf32, #tpu.memory_space<vmem>> -> memref<1x64x128xf32, #tpu.memory_space<vmem>>
          %dma_wait3A_1020 = tpu.memref_squeeze %dma_wait3A_1019 : memref<1x64x128xf32, #tpu.memory_space<vmem>> -> memref<64x128xf32, #tpu.memory_space<vmem>>
          %dma_wait3A_1021 = arith.constant 0 : i32
          %dma_wait3A_1022 = arith.constant 0 : i32
          %dma_wait3A_1023 = tpu.memref_slice %arg2[%dma_wait3A_1021, %dma_wait3A_1022] : memref<64x1000000xf32, #tpu.memory_space<hbm>> -> memref<64x128xf32, #tpu.memory_space<hbm>>
          %dma_wait3A_1024 = arith.constant 0 : i32
          %dma_wait3A_1025 = arith.constant 0 : i32
          %dma_wait3A_1026 = tpu.memref_slice %arg10[%dma_wait3A_1016, %dma_wait3A_1024, %dma_wait3A_1025] : memref<4x64x128xf32, #tpu.memory_space<vmem>> -> memref<1x64x128xf32, #tpu.memory_space<vmem>>
          %dma_wait3A_1027 = tpu.memref_squeeze %dma_wait3A_1026 : memref<1x64x128xf32, #tpu.memory_space<vmem>> -> memref<64x128xf32, #tpu.memory_space<vmem>>
          %dma_wait3A_1028 = arith.constant 0 : i32
          %dma_wait3A_1029 = arith.constant 0 : i32
          %dma_wait3A_1030 = tpu.memref_slice %arg2[%dma_wait3A_1028, %dma_wait3A_1029] : memref<64x1000000xf32, #tpu.memory_space<hbm>> -> memref<64x128xf32, #tpu.memory_space<hbm>>
          tpu.wait_dma2 semaphore(%arg15 : memref<!tpu.dma_semaphore, #tpu.memory_space<semaphore_mem>>) src(%dma_wait3A_1030 : memref<64x128xf32, #tpu.memory_space<hbm>>) dst(%dma_wait3A_1027 : memref<64x128xf32, #tpu.memory_space<vmem>>)
          %mul3A_1031 = arith.constant 128 : i32
          %mul3A_1032 = arith.muli %reduce_sum3A_987, %mul3A_1031 : i32
          %multiple_of3A_1033 = tpu.assume_multiple %mul3A_1032, 128 : i32
          %dma_start3A_1034 = arith.constant 2 : i32
          %dma_start3A_1035 = arith.constant 0 : i32
          %dma_start3A_1036 = arith.constant 0 : i32
          %dma_start3A_1037 = tpu.memref_slice %arg10[%dma_start3A_1034, %dma_start3A_1035, %dma_start3A_1036] : memref<4x64x128xf32, #tpu.memory_space<vmem>> -> memref<1x64x128xf32, #tpu.memory_space<vmem>>
          %dma_start3A_1038 = tpu.memref_squeeze %dma_start3A_1037 : memref<1x64x128xf32, #tpu.memory_space<vmem>> -> memref<64x128xf32, #tpu.memory_space<vmem>>
          %dma_start3A_1039 = arith.constant 0 : i32
          %dma_start3A_1040 = tpu.memref_slice %arg2[%dma_start3A_1039, %multiple_of3A_1033] : memref<64x1000000xf32, #tpu.memory_space<hbm>> -> memref<64x128xf32, #tpu.memory_space<hbm>>
          %dma_start3A_1041 = arith.constant 0 : i32
          %dma_start3A_1042 = arith.constant 0 : i32
          %dma_start3A_1043 = tpu.memref_slice %arg10[%dma_start3A_1034, %dma_start3A_1041, %dma_start3A_1042] : memref<4x64x128xf32, #tpu.memory_space<vmem>> -> memref<1x64x128xf32, #tpu.memory_space<vmem>>
          %dma_start3A_1044 = tpu.memref_squeeze %dma_start3A_1043 : memref<1x64x128xf32, #tpu.memory_space<vmem>> -> memref<64x128xf32, #tpu.memory_space<vmem>>
          %dma_start3A_1045 = arith.constant 0 : i32
          %dma_start3A_1046 = tpu.memref_slice %arg2[%dma_start3A_1045, %multiple_of3A_1033] : memref<64x1000000xf32, #tpu.memory_space<hbm>> -> memref<64x128xf32, #tpu.memory_space<hbm>>
          tpu.enqueue_dma source(%dma_start3A_1046 : memref<64x128xf32, #tpu.memory_space<hbm>>) target(%dma_start3A_1044 : memref<64x128xf32, #tpu.memory_space<vmem>>) target_semaphore(%arg14 : memref<!tpu.dma_semaphore, #tpu.memory_space<semaphore_mem>>)
        } else {
        }
      } else {
      }
      %select_n3A_299 = arith.select %ne3A_295, %shift_right_arithmetic3A_292, %select_n3A_247 : i32
      %add3A_300 = arith.constant 1 : i32
      %add3A_301 = arith.addi %select_n3A_250, %add3A_300 : i32
      %select_n3A_302 = arith.select %ne3A_295, %add3A_301, %select_n3A_250 : i32
      %broadcast_in_dim3A_303 = vector.broadcast %and3A_294 : i32 to vector<16xi32>
      %sub3A_304 = arith.constant 1 : i32
      %sub3A_305 = arith.subi %select_n3A_302, %sub3A_304 : i32
      %and3A_306 = arith.constant 3 : i32
      %and3A_307 = arith.andi %sub3A_305, %and3A_306 : i32
      %broadcast_in_dim3A_308 = vector.broadcast %and3A_307 : i32 to vector<16xi32>
      %gather3A_309 = tpu.vector_load_idx %arg10[%broadcast_in_dim3A_308, %add3A_21, %broadcast_in_dim3A_303] : memref<4x64x128xf32, #tpu.memory_space<vmem>>[vector<16xi32>, vector<16xi32>, vector<16xi32>], vector<16xf32>,
      %swap3A_310 = arith.constant 3 : i32
      %swap3A_311 = arith.index_cast %swap3A_310 : i32 to index
      %swap3A_312 = arith.constant 0 : index
      %swap3A_313 = tpu.vector_load %arg11[%swap3A_311, %swap3A_312] {strides = array<i32>} : memref<16x64xf32, #tpu.memory_space<vmem>>, vector<16xf32>,
      tpu.vector_store %arg11[%swap3A_311, %swap3A_312], %gather3A_309 {strides = array<i32>} : memref<16x64xf32, #tpu.memory_space<vmem>>, vector<16xf32>,
      %gather3A_314 = tpu.vector_load_idx %arg10[%broadcast_in_dim3A_308, %add3A_25, %broadcast_in_dim3A_303] : memref<4x64x128xf32, #tpu.memory_space<vmem>>[vector<16xi32>, vector<16xi32>, vector<16xi32>], vector<16xf32>,
      %swap3A_315 = arith.constant 3 : i32
      %swap3A_316 = arith.index_cast %swap3A_315 : i32 to index
      %swap3A_317 = arith.constant 16 : index
      %swap3A_318 = tpu.vector_load %arg11[%swap3A_316, %swap3A_317] {strides = array<i32>} : memref<16x64xf32, #tpu.memory_space<vmem>>, vector<16xf32>,
      tpu.vector_store %arg11[%swap3A_316, %swap3A_317], %gather3A_314 {strides = array<i32>} : memref<16x64xf32, #tpu.memory_space<vmem>>, vector<16xf32>,
      %gather3A_319 = tpu.vector_load_idx %arg10[%broadcast_in_dim3A_308, %add3A_29, %broadcast_in_dim3A_303] : memref<4x64x128xf32, #tpu.memory_space<vmem>>[vector<16xi32>, vector<16xi32>, vector<16xi32>], vector<16xf32>,
      %swap3A_320 = arith.constant 3 : i32
      %swap3A_321 = arith.index_cast %swap3A_320 : i32 to index
      %swap3A_322 = arith.constant 32 : index
      %swap3A_323 = tpu.vector_load %arg11[%swap3A_321, %swap3A_322] {strides = array<i32>} : memref<16x64xf32, #tpu.memory_space<vmem>>, vector<16xf32>,
      tpu.vector_store %arg11[%swap3A_321, %swap3A_322], %gather3A_319 {strides = array<i32>} : memref<16x64xf32, #tpu.memory_space<vmem>>, vector<16xf32>,
      %gather3A_324 = tpu.vector_load_idx %arg10[%broadcast_in_dim3A_308, %add3A_33, %broadcast_in_dim3A_303] : memref<4x64x128xf32, #tpu.memory_space<vmem>>[vector<16xi32>, vector<16xi32>, vector<16xi32>], vector<16xf32>,
      %swap3A_325 = arith.constant 3 : i32
      %swap3A_326 = arith.index_cast %swap3A_325 : i32 to index
      %swap3A_327 = arith.constant 48 : index
      %swap3A_328 = tpu.vector_load %arg11[%swap3A_326, %swap3A_327] {strides = array<i32>} : memref<16x64xf32, #tpu.memory_space<vmem>>, vector<16xf32>,
      tpu.vector_store %arg11[%swap3A_326, %swap3A_327], %gather3A_324 {strides = array<i32>} : memref<16x64xf32, #tpu.memory_space<vmem>>, vector<16xf32>,
      %dma_start3A_329 = arith.constant 3 : i32
      %dma_start3A_330 = arith.constant 0 : i32
      %dma_start3A_331 = tpu.memref_slice %arg11[%dma_start3A_329, %dma_start3A_330] : memref<16x64xf32, #tpu.memory_space<vmem>> -> memref<1x64xf32, #tpu.memory_space<vmem>>
      %dma_start3A_332 = arith.constant 0 : i32
      %dma_start3A_333 = tpu.memref_slice %arg6[%squeeze3A_290, %dma_start3A_332] : memref<16384x64xf32, #tpu.memory_space<hbm>> -> memref<1x64xf32, #tpu.memory_space<hbm>>
      %dma_start3A_334 = arith.constant 0 : i32
      %dma_start3A_335 = tpu.memref_slice %arg6[%squeeze3A_290, %dma_start3A_334] : memref<16384x64xf32, #tpu.memory_space<hbm>> -> memref<1x64xf32, #tpu.memory_space<hbm>>
      %dma_start3A_336 = arith.constant 3 : i32
      %dma_start3A_337 = arith.constant 0 : i32
      %dma_start3A_338 = tpu.memref_slice %arg11[%dma_start3A_336, %dma_start3A_337] : memref<16x64xf32, #tpu.memory_space<vmem>> -> memref<1x64xf32, #tpu.memory_space<vmem>>
      tpu.enqueue_dma source(%dma_start3A_338 : memref<1x64xf32, #tpu.memory_space<vmem>>) target(%dma_start3A_335 : memref<1x64xf32, #tpu.memory_space<hbm>>) target_semaphore(%arg16 : memref<!tpu.dma_semaphore, #tpu.memory_space<semaphore_mem>>)
      %slice3A_339 = vector.extract_strided_slice %get3A_131 {offsets = [4], sizes = [1], strides = [1]} : vector<16xi32> to vector<1xi32>
      %squeeze3A_340 = vector.extract %slice3A_339[0] : i32 from vector<1xi32>
      %slice3A_341 = vector.extract_strided_slice %get3A_135 {offsets = [4], sizes = [1], strides = [1]} : vector<16xi32> to vector<1xi32>
      %squeeze3A_342 = vector.extract %slice3A_341[0] : i32 from vector<1xi32>
      %shift_right_arithmetic3A_343 = arith.constant 7 : i32
      %shift_right_arithmetic3A_344 = arith.shrsi %squeeze3A_340, %shift_right_arithmetic3A_343 : i32
      %and3A_345 = arith.constant 127 : i32
      %and3A_346 = arith.andi %squeeze3A_340, %and3A_345 : i32
      %ne3A_347 = arith.cmpi ne, %shift_right_arithmetic3A_344, %select_n3A_299 : i32
      %convert_element_type3A_348 = arith.extui %ne3A_347 : i1 to i32
      %cond3A_349 = arith.constant 0 : i32
      %cond3A_350 = arith.cmpi ne, %convert_element_type3A_348, %cond3A_349 : i32
      scf.if %cond3A_350 {
        %add3A_969 = arith.constant 4 : i32
        %add3A_970 = arith.addi %select_n3A_302, %add3A_969 : i32
        %sub3A_971 = arith.constant 1 : i32
        %sub3A_972 = arith.subi %add3A_970, %sub3A_971 : i32
        %min3A = arith.constant 511 : i32
        %min3A_973 = arith.minsi %sub3A_972, %min3A : i32
        %shift_right_arithmetic3A_974 = arith.constant 4 : i32
        %shift_right_arithmetic3A_975 = arith.shrsi %min3A_973, %shift_right_arithmetic3A_974 : i32
        %shift_left3A = arith.constant 4 : i32
        %shift_left3A_976 = arith.shli %shift_right_arithmetic3A_975, %shift_left3A : i32
        %multiple_of3A_977 = tpu.assume_multiple %shift_left3A_976, 16 : i32
        %get3A_978 = arith.index_cast %multiple_of3A_977 : i32 to index
        %get3A_979 = tpu.vector_load %arg9[%get3A_978] {strides = array<i32>} : memref<512xi32, #tpu.memory_space<vmem>>, vector<16xi32>,
        %and3A_980 = arith.constant 15 : i32
        %and3A_981 = arith.andi %min3A_973, %and3A_980 : i32
        %eq3A = vector.broadcast %and3A_981 : i32 to vector<16xi32>
        %eq3A_982 = arith.cmpi eq, %iota3A_34, %eq3A : vector<16xi32>
        %jit3A = arith.constant 0 : i32
        %broadcast_in_dim3A_983 = vector.broadcast %jit3A : i32 to vector<16xi32>
        %select_n3A_984 = arith.select %eq3A_982, %get3A_979, %broadcast_in_dim3A_983 : vector<16xi1>, vector<16xi32>
        %reduce_sum3A = arith.constant true
        %reduce_sum3A_985 = vector.broadcast %reduce_sum3A : i1 to vector<16xi1>
        %reduce_sum3A_986 = tpu.scan <sum>, %select_n3A_984 masked %reduce_sum3A_985 : vector<16xi32>, vector<16xi1> -> vector<16xi32>
        %reduce_sum3A_987 = vector.extract %reduce_sum3A_986[15] : i32 from vector<16xi32>
        %and3A_988 = arith.constant 3 : i32
        %and3A_989 = arith.andi %select_n3A_302, %and3A_988 : i32
        %eq3A_990 = arith.constant 0 : i32
        %eq3A_991 = arith.cmpi eq, %and3A_989, %eq3A_990 : i32
        %convert_element_type3A_992 = arith.extui %eq3A_991 : i1 to i32
        %cond3A_993 = arith.constant 0 : i32
        %cond3A_994 = arith.cmpi ne, %convert_element_type3A_992, %cond3A_993 : i32
        scf.if %cond3A_994 {
          %dma_wait3A_1016 = arith.constant 0 : i32
          %dma_wait3A_1017 = arith.constant 0 : i32
          %dma_wait3A_1018 = arith.constant 0 : i32
          %dma_wait3A_1019 = tpu.memref_slice %arg10[%dma_wait3A_1016, %dma_wait3A_1017, %dma_wait3A_1018] : memref<4x64x128xf32, #tpu.memory_space<vmem>> -> memref<1x64x128xf32, #tpu.memory_space<vmem>>
          %dma_wait3A_1020 = tpu.memref_squeeze %dma_wait3A_1019 : memref<1x64x128xf32, #tpu.memory_space<vmem>> -> memref<64x128xf32, #tpu.memory_space<vmem>>
          %dma_wait3A_1021 = arith.constant 0 : i32
          %dma_wait3A_1022 = arith.constant 0 : i32
          %dma_wait3A_1023 = tpu.memref_slice %arg2[%dma_wait3A_1021, %dma_wait3A_1022] : memref<64x1000000xf32, #tpu.memory_space<hbm>> -> memref<64x128xf32, #tpu.memory_space<hbm>>
          %dma_wait3A_1024 = arith.constant 0 : i32
          %dma_wait3A_1025 = arith.constant 0 : i32
          %dma_wait3A_1026 = tpu.memref_slice %arg10[%dma_wait3A_1016, %dma_wait3A_1024, %dma_wait3A_1025] : memref<4x64x128xf32, #tpu.memory_space<vmem>> -> memref<1x64x128xf32, #tpu.memory_space<vmem>>
          %dma_wait3A_1027 = tpu.memref_squeeze %dma_wait3A_1026 : memref<1x64x128xf32, #tpu.memory_space<vmem>> -> memref<64x128xf32, #tpu.memory_space<vmem>>
          %dma_wait3A_1028 = arith.constant 0 : i32
          %dma_wait3A_1029 = arith.constant 0 : i32
          %dma_wait3A_1030 = tpu.memref_slice %arg2[%dma_wait3A_1028, %dma_wait3A_1029] : memref<64x1000000xf32, #tpu.memory_space<hbm>> -> memref<64x128xf32, #tpu.memory_space<hbm>>
          tpu.wait_dma2 semaphore(%arg12 : memref<!tpu.dma_semaphore, #tpu.memory_space<semaphore_mem>>) src(%dma_wait3A_1030 : memref<64x128xf32, #tpu.memory_space<hbm>>) dst(%dma_wait3A_1027 : memref<64x128xf32, #tpu.memory_space<vmem>>)
          %mul3A_1031 = arith.constant 128 : i32
          %mul3A_1032 = arith.muli %reduce_sum3A_987, %mul3A_1031 : i32
          %multiple_of3A_1033 = tpu.assume_multiple %mul3A_1032, 128 : i32
          %dma_start3A_1034 = arith.constant 3 : i32
          %dma_start3A_1035 = arith.constant 0 : i32
          %dma_start3A_1036 = arith.constant 0 : i32
          %dma_start3A_1037 = tpu.memref_slice %arg10[%dma_start3A_1034, %dma_start3A_1035, %dma_start3A_1036] : memref<4x64x128xf32, #tpu.memory_space<vmem>> -> memref<1x64x128xf32, #tpu.memory_space<vmem>>
          %dma_start3A_1038 = tpu.memref_squeeze %dma_start3A_1037 : memref<1x64x128xf32, #tpu.memory_space<vmem>> -> memref<64x128xf32, #tpu.memory_space<vmem>>
          %dma_start3A_1039 = arith.constant 0 : i32
          %dma_start3A_1040 = tpu.memref_slice %arg2[%dma_start3A_1039, %multiple_of3A_1033] : memref<64x1000000xf32, #tpu.memory_space<hbm>> -> memref<64x128xf32, #tpu.memory_space<hbm>>
          %dma_start3A_1041 = arith.constant 0 : i32
          %dma_start3A_1042 = arith.constant 0 : i32
          %dma_start3A_1043 = tpu.memref_slice %arg10[%dma_start3A_1034, %dma_start3A_1041, %dma_start3A_1042] : memref<4x64x128xf32, #tpu.memory_space<vmem>> -> memref<1x64x128xf32, #tpu.memory_space<vmem>>
          %dma_start3A_1044 = tpu.memref_squeeze %dma_start3A_1043 : memref<1x64x128xf32, #tpu.memory_space<vmem>> -> memref<64x128xf32, #tpu.memory_space<vmem>>
          %dma_start3A_1045 = arith.constant 0 : i32
          %dma_start3A_1046 = tpu.memref_slice %arg2[%dma_start3A_1045, %multiple_of3A_1033] : memref<64x1000000xf32, #tpu.memory_space<hbm>> -> memref<64x128xf32, #tpu.memory_space<hbm>>
          tpu.enqueue_dma source(%dma_start3A_1046 : memref<64x128xf32, #tpu.memory_space<hbm>>) target(%dma_start3A_1044 : memref<64x128xf32, #tpu.memory_space<vmem>>) target_semaphore(%arg15 : memref<!tpu.dma_semaphore, #tpu.memory_space<semaphore_mem>>)
        } else {
        }
        %and3A_995 = arith.constant 3 : i32
        %and3A_996 = arith.andi %select_n3A_302, %and3A_995 : i32
        %eq3A_997 = arith.constant 1 : i32
        %eq3A_998 = arith.cmpi eq, %and3A_996, %eq3A_997 : i32
        %convert_element_type3A_999 = arith.extui %eq3A_998 : i1 to i32
        %cond3A_1000 = arith.constant 0 : i32
        %cond3A_1001 = arith.cmpi ne, %convert_element_type3A_999, %cond3A_1000 : i32
        scf.if %cond3A_1001 {
          %dma_wait3A_1016 = arith.constant 1 : i32
          %dma_wait3A_1017 = arith.constant 0 : i32
          %dma_wait3A_1018 = arith.constant 0 : i32
          %dma_wait3A_1019 = tpu.memref_slice %arg10[%dma_wait3A_1016, %dma_wait3A_1017, %dma_wait3A_1018] : memref<4x64x128xf32, #tpu.memory_space<vmem>> -> memref<1x64x128xf32, #tpu.memory_space<vmem>>
          %dma_wait3A_1020 = tpu.memref_squeeze %dma_wait3A_1019 : memref<1x64x128xf32, #tpu.memory_space<vmem>> -> memref<64x128xf32, #tpu.memory_space<vmem>>
          %dma_wait3A_1021 = arith.constant 0 : i32
          %dma_wait3A_1022 = arith.constant 0 : i32
          %dma_wait3A_1023 = tpu.memref_slice %arg2[%dma_wait3A_1021, %dma_wait3A_1022] : memref<64x1000000xf32, #tpu.memory_space<hbm>> -> memref<64x128xf32, #tpu.memory_space<hbm>>
          %dma_wait3A_1024 = arith.constant 0 : i32
          %dma_wait3A_1025 = arith.constant 0 : i32
          %dma_wait3A_1026 = tpu.memref_slice %arg10[%dma_wait3A_1016, %dma_wait3A_1024, %dma_wait3A_1025] : memref<4x64x128xf32, #tpu.memory_space<vmem>> -> memref<1x64x128xf32, #tpu.memory_space<vmem>>
          %dma_wait3A_1027 = tpu.memref_squeeze %dma_wait3A_1026 : memref<1x64x128xf32, #tpu.memory_space<vmem>> -> memref<64x128xf32, #tpu.memory_space<vmem>>
          %dma_wait3A_1028 = arith.constant 0 : i32
          %dma_wait3A_1029 = arith.constant 0 : i32
          %dma_wait3A_1030 = tpu.memref_slice %arg2[%dma_wait3A_1028, %dma_wait3A_1029] : memref<64x1000000xf32, #tpu.memory_space<hbm>> -> memref<64x128xf32, #tpu.memory_space<hbm>>
          tpu.wait_dma2 semaphore(%arg13 : memref<!tpu.dma_semaphore, #tpu.memory_space<semaphore_mem>>) src(%dma_wait3A_1030 : memref<64x128xf32, #tpu.memory_space<hbm>>) dst(%dma_wait3A_1027 : memref<64x128xf32, #tpu.memory_space<vmem>>)
          %mul3A_1031 = arith.constant 128 : i32
          %mul3A_1032 = arith.muli %reduce_sum3A_987, %mul3A_1031 : i32
          %multiple_of3A_1033 = tpu.assume_multiple %mul3A_1032, 128 : i32
          %dma_start3A_1034 = arith.constant 0 : i32
          %dma_start3A_1035 = arith.constant 0 : i32
          %dma_start3A_1036 = arith.constant 0 : i32
          %dma_start3A_1037 = tpu.memref_slice %arg10[%dma_start3A_1034, %dma_start3A_1035, %dma_start3A_1036] : memref<4x64x128xf32, #tpu.memory_space<vmem>> -> memref<1x64x128xf32, #tpu.memory_space<vmem>>
          %dma_start3A_1038 = tpu.memref_squeeze %dma_start3A_1037 : memref<1x64x128xf32, #tpu.memory_space<vmem>> -> memref<64x128xf32, #tpu.memory_space<vmem>>
          %dma_start3A_1039 = arith.constant 0 : i32
          %dma_start3A_1040 = tpu.memref_slice %arg2[%dma_start3A_1039, %multiple_of3A_1033] : memref<64x1000000xf32, #tpu.memory_space<hbm>> -> memref<64x128xf32, #tpu.memory_space<hbm>>
          %dma_start3A_1041 = arith.constant 0 : i32
          %dma_start3A_1042 = arith.constant 0 : i32
          %dma_start3A_1043 = tpu.memref_slice %arg10[%dma_start3A_1034, %dma_start3A_1041, %dma_start3A_1042] : memref<4x64x128xf32, #tpu.memory_space<vmem>> -> memref<1x64x128xf32, #tpu.memory_space<vmem>>
          %dma_start3A_1044 = tpu.memref_squeeze %dma_start3A_1043 : memref<1x64x128xf32, #tpu.memory_space<vmem>> -> memref<64x128xf32, #tpu.memory_space<vmem>>
          %dma_start3A_1045 = arith.constant 0 : i32
          %dma_start3A_1046 = tpu.memref_slice %arg2[%dma_start3A_1045, %multiple_of3A_1033] : memref<64x1000000xf32, #tpu.memory_space<hbm>> -> memref<64x128xf32, #tpu.memory_space<hbm>>
          tpu.enqueue_dma source(%dma_start3A_1046 : memref<64x128xf32, #tpu.memory_space<hbm>>) target(%dma_start3A_1044 : memref<64x128xf32, #tpu.memory_space<vmem>>) target_semaphore(%arg12 : memref<!tpu.dma_semaphore, #tpu.memory_space<semaphore_mem>>)
        } else {
        }
        %and3A_1002 = arith.constant 3 : i32
        %and3A_1003 = arith.andi %select_n3A_302, %and3A_1002 : i32
        %eq3A_1004 = arith.constant 2 : i32
        %eq3A_1005 = arith.cmpi eq, %and3A_1003, %eq3A_1004 : i32
        %convert_element_type3A_1006 = arith.extui %eq3A_1005 : i1 to i32
        %cond3A_1007 = arith.constant 0 : i32
        %cond3A_1008 = arith.cmpi ne, %convert_element_type3A_1006, %cond3A_1007 : i32
        scf.if %cond3A_1008 {
          %dma_wait3A_1016 = arith.constant 2 : i32
          %dma_wait3A_1017 = arith.constant 0 : i32
          %dma_wait3A_1018 = arith.constant 0 : i32
          %dma_wait3A_1019 = tpu.memref_slice %arg10[%dma_wait3A_1016, %dma_wait3A_1017, %dma_wait3A_1018] : memref<4x64x128xf32, #tpu.memory_space<vmem>> -> memref<1x64x128xf32, #tpu.memory_space<vmem>>
          %dma_wait3A_1020 = tpu.memref_squeeze %dma_wait3A_1019 : memref<1x64x128xf32, #tpu.memory_space<vmem>> -> memref<64x128xf32, #tpu.memory_space<vmem>>
          %dma_wait3A_1021 = arith.constant 0 : i32
          %dma_wait3A_1022 = arith.constant 0 : i32
          %dma_wait3A_1023 = tpu.memref_slice %arg2[%dma_wait3A_1021, %dma_wait3A_1022] : memref<64x1000000xf32, #tpu.memory_space<hbm>> -> memref<64x128xf32, #tpu.memory_space<hbm>>
          %dma_wait3A_1024 = arith.constant 0 : i32
          %dma_wait3A_1025 = arith.constant 0 : i32
          %dma_wait3A_1026 = tpu.memref_slice %arg10[%dma_wait3A_1016, %dma_wait3A_1024, %dma_wait3A_1025] : memref<4x64x128xf32, #tpu.memory_space<vmem>> -> memref<1x64x128xf32, #tpu.memory_space<vmem>>
          %dma_wait3A_1027 = tpu.memref_squeeze %dma_wait3A_1026 : memref<1x64x128xf32, #tpu.memory_space<vmem>> -> memref<64x128xf32, #tpu.memory_space<vmem>>
          %dma_wait3A_1028 = arith.constant 0 : i32
          %dma_wait3A_1029 = arith.constant 0 : i32
          %dma_wait3A_1030 = tpu.memref_slice %arg2[%dma_wait3A_1028, %dma_wait3A_1029] : memref<64x1000000xf32, #tpu.memory_space<hbm>> -> memref<64x128xf32, #tpu.memory_space<hbm>>
          tpu.wait_dma2 semaphore(%arg14 : memref<!tpu.dma_semaphore, #tpu.memory_space<semaphore_mem>>) src(%dma_wait3A_1030 : memref<64x128xf32, #tpu.memory_space<hbm>>) dst(%dma_wait3A_1027 : memref<64x128xf32, #tpu.memory_space<vmem>>)
          %mul3A_1031 = arith.constant 128 : i32
          %mul3A_1032 = arith.muli %reduce_sum3A_987, %mul3A_1031 : i32
          %multiple_of3A_1033 = tpu.assume_multiple %mul3A_1032, 128 : i32
          %dma_start3A_1034 = arith.constant 1 : i32
          %dma_start3A_1035 = arith.constant 0 : i32
          %dma_start3A_1036 = arith.constant 0 : i32
          %dma_start3A_1037 = tpu.memref_slice %arg10[%dma_start3A_1034, %dma_start3A_1035, %dma_start3A_1036] : memref<4x64x128xf32, #tpu.memory_space<vmem>> -> memref<1x64x128xf32, #tpu.memory_space<vmem>>
          %dma_start3A_1038 = tpu.memref_squeeze %dma_start3A_1037 : memref<1x64x128xf32, #tpu.memory_space<vmem>> -> memref<64x128xf32, #tpu.memory_space<vmem>>
          %dma_start3A_1039 = arith.constant 0 : i32
          %dma_start3A_1040 = tpu.memref_slice %arg2[%dma_start3A_1039, %multiple_of3A_1033] : memref<64x1000000xf32, #tpu.memory_space<hbm>> -> memref<64x128xf32, #tpu.memory_space<hbm>>
          %dma_start3A_1041 = arith.constant 0 : i32
          %dma_start3A_1042 = arith.constant 0 : i32
          %dma_start3A_1043 = tpu.memref_slice %arg10[%dma_start3A_1034, %dma_start3A_1041, %dma_start3A_1042] : memref<4x64x128xf32, #tpu.memory_space<vmem>> -> memref<1x64x128xf32, #tpu.memory_space<vmem>>
          %dma_start3A_1044 = tpu.memref_squeeze %dma_start3A_1043 : memref<1x64x128xf32, #tpu.memory_space<vmem>> -> memref<64x128xf32, #tpu.memory_space<vmem>>
          %dma_start3A_1045 = arith.constant 0 : i32
          %dma_start3A_1046 = tpu.memref_slice %arg2[%dma_start3A_1045, %multiple_of3A_1033] : memref<64x1000000xf32, #tpu.memory_space<hbm>> -> memref<64x128xf32, #tpu.memory_space<hbm>>
          tpu.enqueue_dma source(%dma_start3A_1046 : memref<64x128xf32, #tpu.memory_space<hbm>>) target(%dma_start3A_1044 : memref<64x128xf32, #tpu.memory_space<vmem>>) target_semaphore(%arg13 : memref<!tpu.dma_semaphore, #tpu.memory_space<semaphore_mem>>)
        } else {
        }
        %and3A_1009 = arith.constant 3 : i32
        %and3A_1010 = arith.andi %select_n3A_302, %and3A_1009 : i32
        %eq3A_1011 = arith.constant 3 : i32
        %eq3A_1012 = arith.cmpi eq, %and3A_1010, %eq3A_1011 : i32
        %convert_element_type3A_1013 = arith.extui %eq3A_1012 : i1 to i32
        %cond3A_1014 = arith.constant 0 : i32
        %cond3A_1015 = arith.cmpi ne, %convert_element_type3A_1013, %cond3A_1014 : i32
        scf.if %cond3A_1015 {
          %dma_wait3A_1016 = arith.constant 3 : i32
          %dma_wait3A_1017 = arith.constant 0 : i32
          %dma_wait3A_1018 = arith.constant 0 : i32
          %dma_wait3A_1019 = tpu.memref_slice %arg10[%dma_wait3A_1016, %dma_wait3A_1017, %dma_wait3A_1018] : memref<4x64x128xf32, #tpu.memory_space<vmem>> -> memref<1x64x128xf32, #tpu.memory_space<vmem>>
          %dma_wait3A_1020 = tpu.memref_squeeze %dma_wait3A_1019 : memref<1x64x128xf32, #tpu.memory_space<vmem>> -> memref<64x128xf32, #tpu.memory_space<vmem>>
          %dma_wait3A_1021 = arith.constant 0 : i32
          %dma_wait3A_1022 = arith.constant 0 : i32
          %dma_wait3A_1023 = tpu.memref_slice %arg2[%dma_wait3A_1021, %dma_wait3A_1022] : memref<64x1000000xf32, #tpu.memory_space<hbm>> -> memref<64x128xf32, #tpu.memory_space<hbm>>
          %dma_wait3A_1024 = arith.constant 0 : i32
          %dma_wait3A_1025 = arith.constant 0 : i32
          %dma_wait3A_1026 = tpu.memref_slice %arg10[%dma_wait3A_1016, %dma_wait3A_1024, %dma_wait3A_1025] : memref<4x64x128xf32, #tpu.memory_space<vmem>> -> memref<1x64x128xf32, #tpu.memory_space<vmem>>
          %dma_wait3A_1027 = tpu.memref_squeeze %dma_wait3A_1026 : memref<1x64x128xf32, #tpu.memory_space<vmem>> -> memref<64x128xf32, #tpu.memory_space<vmem>>
          %dma_wait3A_1028 = arith.constant 0 : i32
          %dma_wait3A_1029 = arith.constant 0 : i32
          %dma_wait3A_1030 = tpu.memref_slice %arg2[%dma_wait3A_1028, %dma_wait3A_1029] : memref<64x1000000xf32, #tpu.memory_space<hbm>> -> memref<64x128xf32, #tpu.memory_space<hbm>>
          tpu.wait_dma2 semaphore(%arg15 : memref<!tpu.dma_semaphore, #tpu.memory_space<semaphore_mem>>) src(%dma_wait3A_1030 : memref<64x128xf32, #tpu.memory_space<hbm>>) dst(%dma_wait3A_1027 : memref<64x128xf32, #tpu.memory_space<vmem>>)
          %mul3A_1031 = arith.constant 128 : i32
          %mul3A_1032 = arith.muli %reduce_sum3A_987, %mul3A_1031 : i32
          %multiple_of3A_1033 = tpu.assume_multiple %mul3A_1032, 128 : i32
          %dma_start3A_1034 = arith.constant 2 : i32
          %dma_start3A_1035 = arith.constant 0 : i32
          %dma_start3A_1036 = arith.constant 0 : i32
          %dma_start3A_1037 = tpu.memref_slice %arg10[%dma_start3A_1034, %dma_start3A_1035, %dma_start3A_1036] : memref<4x64x128xf32, #tpu.memory_space<vmem>> -> memref<1x64x128xf32, #tpu.memory_space<vmem>>
          %dma_start3A_1038 = tpu.memref_squeeze %dma_start3A_1037 : memref<1x64x128xf32, #tpu.memory_space<vmem>> -> memref<64x128xf32, #tpu.memory_space<vmem>>
          %dma_start3A_1039 = arith.constant 0 : i32
          %dma_start3A_1040 = tpu.memref_slice %arg2[%dma_start3A_1039, %multiple_of3A_1033] : memref<64x1000000xf32, #tpu.memory_space<hbm>> -> memref<64x128xf32, #tpu.memory_space<hbm>>
          %dma_start3A_1041 = arith.constant 0 : i32
          %dma_start3A_1042 = arith.constant 0 : i32
          %dma_start3A_1043 = tpu.memref_slice %arg10[%dma_start3A_1034, %dma_start3A_1041, %dma_start3A_1042] : memref<4x64x128xf32, #tpu.memory_space<vmem>> -> memref<1x64x128xf32, #tpu.memory_space<vmem>>
          %dma_start3A_1044 = tpu.memref_squeeze %dma_start3A_1043 : memref<1x64x128xf32, #tpu.memory_space<vmem>> -> memref<64x128xf32, #tpu.memory_space<vmem>>
          %dma_start3A_1045 = arith.constant 0 : i32
          %dma_start3A_1046 = tpu.memref_slice %arg2[%dma_start3A_1045, %multiple_of3A_1033] : memref<64x1000000xf32, #tpu.memory_space<hbm>> -> memref<64x128xf32, #tpu.memory_space<hbm>>
          tpu.enqueue_dma source(%dma_start3A_1046 : memref<64x128xf32, #tpu.memory_space<hbm>>) target(%dma_start3A_1044 : memref<64x128xf32, #tpu.memory_space<vmem>>) target_semaphore(%arg14 : memref<!tpu.dma_semaphore, #tpu.memory_space<semaphore_mem>>)
        } else {
        }
      } else {
      }
      %select_n3A_351 = arith.select %ne3A_347, %shift_right_arithmetic3A_344, %select_n3A_299 : i32
      %add3A_352 = arith.constant 1 : i32
      %add3A_353 = arith.addi %select_n3A_302, %add3A_352 : i32
      %select_n3A_354 = arith.select %ne3A_347, %add3A_353, %select_n3A_302 : i32
      %broadcast_in_dim3A_355 = vector.broadcast %and3A_346 : i32 to vector<16xi32>
      %sub3A_356 = arith.constant 1 : i32
      %sub3A_357 = arith.subi %select_n3A_354, %sub3A_356 : i32
      %and3A_358 = arith.constant 3 : i32
      %and3A_359 = arith.andi %sub3A_357, %and3A_358 : i32
      %broadcast_in_dim3A_360 = vector.broadcast %and3A_359 : i32 to vector<16xi32>
      %gather3A_361 = tpu.vector_load_idx %arg10[%broadcast_in_dim3A_360, %add3A_21, %broadcast_in_dim3A_355] : memref<4x64x128xf32, #tpu.memory_space<vmem>>[vector<16xi32>, vector<16xi32>, vector<16xi32>], vector<16xf32>,
      %swap3A_362 = arith.constant 4 : i32
      %swap3A_363 = arith.index_cast %swap3A_362 : i32 to index
      %swap3A_364 = arith.constant 0 : index
      %swap3A_365 = tpu.vector_load %arg11[%swap3A_363, %swap3A_364] {strides = array<i32>} : memref<16x64xf32, #tpu.memory_space<vmem>>, vector<16xf32>,
      tpu.vector_store %arg11[%swap3A_363, %swap3A_364], %gather3A_361 {strides = array<i32>} : memref<16x64xf32, #tpu.memory_space<vmem>>, vector<16xf32>,
      %gather3A_366 = tpu.vector_load_idx %arg10[%broadcast_in_dim3A_360, %add3A_25, %broadcast_in_dim3A_355] : memref<4x64x128xf32, #tpu.memory_space<vmem>>[vector<16xi32>, vector<16xi32>, vector<16xi32>], vector<16xf32>,
      %swap3A_367 = arith.constant 4 : i32
      %swap3A_368 = arith.index_cast %swap3A_367 : i32 to index
      %swap3A_369 = arith.constant 16 : index
      %swap3A_370 = tpu.vector_load %arg11[%swap3A_368, %swap3A_369] {strides = array<i32>} : memref<16x64xf32, #tpu.memory_space<vmem>>, vector<16xf32>,
      tpu.vector_store %arg11[%swap3A_368, %swap3A_369], %gather3A_366 {strides = array<i32>} : memref<16x64xf32, #tpu.memory_space<vmem>>, vector<16xf32>,
      %gather3A_371 = tpu.vector_load_idx %arg10[%broadcast_in_dim3A_360, %add3A_29, %broadcast_in_dim3A_355] : memref<4x64x128xf32, #tpu.memory_space<vmem>>[vector<16xi32>, vector<16xi32>, vector<16xi32>], vector<16xf32>,
      %swap3A_372 = arith.constant 4 : i32
      %swap3A_373 = arith.index_cast %swap3A_372 : i32 to index
      %swap3A_374 = arith.constant 32 : index
      %swap3A_375 = tpu.vector_load %arg11[%swap3A_373, %swap3A_374] {strides = array<i32>} : memref<16x64xf32, #tpu.memory_space<vmem>>, vector<16xf32>,
      tpu.vector_store %arg11[%swap3A_373, %swap3A_374], %gather3A_371 {strides = array<i32>} : memref<16x64xf32, #tpu.memory_space<vmem>>, vector<16xf32>,
      %gather3A_376 = tpu.vector_load_idx %arg10[%broadcast_in_dim3A_360, %add3A_33, %broadcast_in_dim3A_355] : memref<4x64x128xf32, #tpu.memory_space<vmem>>[vector<16xi32>, vector<16xi32>, vector<16xi32>], vector<16xf32>,
      %swap3A_377 = arith.constant 4 : i32
      %swap3A_378 = arith.index_cast %swap3A_377 : i32 to index
      %swap3A_379 = arith.constant 48 : index
      %swap3A_380 = tpu.vector_load %arg11[%swap3A_378, %swap3A_379] {strides = array<i32>} : memref<16x64xf32, #tpu.memory_space<vmem>>, vector<16xf32>,
      tpu.vector_store %arg11[%swap3A_378, %swap3A_379], %gather3A_376 {strides = array<i32>} : memref<16x64xf32, #tpu.memory_space<vmem>>, vector<16xf32>,
      %dma_start3A_381 = arith.constant 4 : i32
      %dma_start3A_382 = arith.constant 0 : i32
      %dma_start3A_383 = tpu.memref_slice %arg11[%dma_start3A_381, %dma_start3A_382] : memref<16x64xf32, #tpu.memory_space<vmem>> -> memref<1x64xf32, #tpu.memory_space<vmem>>
      %dma_start3A_384 = arith.constant 0 : i32
      %dma_start3A_385 = tpu.memref_slice %arg6[%squeeze3A_342, %dma_start3A_384] : memref<16384x64xf32, #tpu.memory_space<hbm>> -> memref<1x64xf32, #tpu.memory_space<hbm>>
      %dma_start3A_386 = arith.constant 0 : i32
      %dma_start3A_387 = tpu.memref_slice %arg6[%squeeze3A_342, %dma_start3A_386] : memref<16384x64xf32, #tpu.memory_space<hbm>> -> memref<1x64xf32, #tpu.memory_space<hbm>>
      %dma_start3A_388 = arith.constant 4 : i32
      %dma_start3A_389 = arith.constant 0 : i32
      %dma_start3A_390 = tpu.memref_slice %arg11[%dma_start3A_388, %dma_start3A_389] : memref<16x64xf32, #tpu.memory_space<vmem>> -> memref<1x64xf32, #tpu.memory_space<vmem>>
      tpu.enqueue_dma source(%dma_start3A_390 : memref<1x64xf32, #tpu.memory_space<vmem>>) target(%dma_start3A_387 : memref<1x64xf32, #tpu.memory_space<hbm>>) target_semaphore(%arg16 : memref<!tpu.dma_semaphore, #tpu.memory_space<semaphore_mem>>)
      %slice3A_391 = vector.extract_strided_slice %get3A_131 {offsets = [5], sizes = [1], strides = [1]} : vector<16xi32> to vector<1xi32>
      %squeeze3A_392 = vector.extract %slice3A_391[0] : i32 from vector<1xi32>
      %slice3A_393 = vector.extract_strided_slice %get3A_135 {offsets = [5], sizes = [1], strides = [1]} : vector<16xi32> to vector<1xi32>
      %squeeze3A_394 = vector.extract %slice3A_393[0] : i32 from vector<1xi32>
      %shift_right_arithmetic3A_395 = arith.constant 7 : i32
      %shift_right_arithmetic3A_396 = arith.shrsi %squeeze3A_392, %shift_right_arithmetic3A_395 : i32
      %and3A_397 = arith.constant 127 : i32
      %and3A_398 = arith.andi %squeeze3A_392, %and3A_397 : i32
      %ne3A_399 = arith.cmpi ne, %shift_right_arithmetic3A_396, %select_n3A_351 : i32
      %convert_element_type3A_400 = arith.extui %ne3A_399 : i1 to i32
      %cond3A_401 = arith.constant 0 : i32
      %cond3A_402 = arith.cmpi ne, %convert_element_type3A_400, %cond3A_401 : i32
      scf.if %cond3A_402 {
        %add3A_969 = arith.constant 4 : i32
        %add3A_970 = arith.addi %select_n3A_354, %add3A_969 : i32
        %sub3A_971 = arith.constant 1 : i32
        %sub3A_972 = arith.subi %add3A_970, %sub3A_971 : i32
        %min3A = arith.constant 511 : i32
        %min3A_973 = arith.minsi %sub3A_972, %min3A : i32
        %shift_right_arithmetic3A_974 = arith.constant 4 : i32
        %shift_right_arithmetic3A_975 = arith.shrsi %min3A_973, %shift_right_arithmetic3A_974 : i32
        %shift_left3A = arith.constant 4 : i32
        %shift_left3A_976 = arith.shli %shift_right_arithmetic3A_975, %shift_left3A : i32
        %multiple_of3A_977 = tpu.assume_multiple %shift_left3A_976, 16 : i32
        %get3A_978 = arith.index_cast %multiple_of3A_977 : i32 to index
        %get3A_979 = tpu.vector_load %arg9[%get3A_978] {strides = array<i32>} : memref<512xi32, #tpu.memory_space<vmem>>, vector<16xi32>,
        %and3A_980 = arith.constant 15 : i32
        %and3A_981 = arith.andi %min3A_973, %and3A_980 : i32
        %eq3A = vector.broadcast %and3A_981 : i32 to vector<16xi32>
        %eq3A_982 = arith.cmpi eq, %iota3A_34, %eq3A : vector<16xi32>
        %jit3A = arith.constant 0 : i32
        %broadcast_in_dim3A_983 = vector.broadcast %jit3A : i32 to vector<16xi32>
        %select_n3A_984 = arith.select %eq3A_982, %get3A_979, %broadcast_in_dim3A_983 : vector<16xi1>, vector<16xi32>
        %reduce_sum3A = arith.constant true
        %reduce_sum3A_985 = vector.broadcast %reduce_sum3A : i1 to vector<16xi1>
        %reduce_sum3A_986 = tpu.scan <sum>, %select_n3A_984 masked %reduce_sum3A_985 : vector<16xi32>, vector<16xi1> -> vector<16xi32>
        %reduce_sum3A_987 = vector.extract %reduce_sum3A_986[15] : i32 from vector<16xi32>
        %and3A_988 = arith.constant 3 : i32
        %and3A_989 = arith.andi %select_n3A_354, %and3A_988 : i32
        %eq3A_990 = arith.constant 0 : i32
        %eq3A_991 = arith.cmpi eq, %and3A_989, %eq3A_990 : i32
        %convert_element_type3A_992 = arith.extui %eq3A_991 : i1 to i32
        %cond3A_993 = arith.constant 0 : i32
        %cond3A_994 = arith.cmpi ne, %convert_element_type3A_992, %cond3A_993 : i32
        scf.if %cond3A_994 {
          %dma_wait3A_1016 = arith.constant 0 : i32
          %dma_wait3A_1017 = arith.constant 0 : i32
          %dma_wait3A_1018 = arith.constant 0 : i32
          %dma_wait3A_1019 = tpu.memref_slice %arg10[%dma_wait3A_1016, %dma_wait3A_1017, %dma_wait3A_1018] : memref<4x64x128xf32, #tpu.memory_space<vmem>> -> memref<1x64x128xf32, #tpu.memory_space<vmem>>
          %dma_wait3A_1020 = tpu.memref_squeeze %dma_wait3A_1019 : memref<1x64x128xf32, #tpu.memory_space<vmem>> -> memref<64x128xf32, #tpu.memory_space<vmem>>
          %dma_wait3A_1021 = arith.constant 0 : i32
          %dma_wait3A_1022 = arith.constant 0 : i32
          %dma_wait3A_1023 = tpu.memref_slice %arg2[%dma_wait3A_1021, %dma_wait3A_1022] : memref<64x1000000xf32, #tpu.memory_space<hbm>> -> memref<64x128xf32, #tpu.memory_space<hbm>>
          %dma_wait3A_1024 = arith.constant 0 : i32
          %dma_wait3A_1025 = arith.constant 0 : i32
          %dma_wait3A_1026 = tpu.memref_slice %arg10[%dma_wait3A_1016, %dma_wait3A_1024, %dma_wait3A_1025] : memref<4x64x128xf32, #tpu.memory_space<vmem>> -> memref<1x64x128xf32, #tpu.memory_space<vmem>>
          %dma_wait3A_1027 = tpu.memref_squeeze %dma_wait3A_1026 : memref<1x64x128xf32, #tpu.memory_space<vmem>> -> memref<64x128xf32, #tpu.memory_space<vmem>>
          %dma_wait3A_1028 = arith.constant 0 : i32
          %dma_wait3A_1029 = arith.constant 0 : i32
          %dma_wait3A_1030 = tpu.memref_slice %arg2[%dma_wait3A_1028, %dma_wait3A_1029] : memref<64x1000000xf32, #tpu.memory_space<hbm>> -> memref<64x128xf32, #tpu.memory_space<hbm>>
          tpu.wait_dma2 semaphore(%arg12 : memref<!tpu.dma_semaphore, #tpu.memory_space<semaphore_mem>>) src(%dma_wait3A_1030 : memref<64x128xf32, #tpu.memory_space<hbm>>) dst(%dma_wait3A_1027 : memref<64x128xf32, #tpu.memory_space<vmem>>)
          %mul3A_1031 = arith.constant 128 : i32
          %mul3A_1032 = arith.muli %reduce_sum3A_987, %mul3A_1031 : i32
          %multiple_of3A_1033 = tpu.assume_multiple %mul3A_1032, 128 : i32
          %dma_start3A_1034 = arith.constant 3 : i32
          %dma_start3A_1035 = arith.constant 0 : i32
          %dma_start3A_1036 = arith.constant 0 : i32
          %dma_start3A_1037 = tpu.memref_slice %arg10[%dma_start3A_1034, %dma_start3A_1035, %dma_start3A_1036] : memref<4x64x128xf32, #tpu.memory_space<vmem>> -> memref<1x64x128xf32, #tpu.memory_space<vmem>>
          %dma_start3A_1038 = tpu.memref_squeeze %dma_start3A_1037 : memref<1x64x128xf32, #tpu.memory_space<vmem>> -> memref<64x128xf32, #tpu.memory_space<vmem>>
          %dma_start3A_1039 = arith.constant 0 : i32
          %dma_start3A_1040 = tpu.memref_slice %arg2[%dma_start3A_1039, %multiple_of3A_1033] : memref<64x1000000xf32, #tpu.memory_space<hbm>> -> memref<64x128xf32, #tpu.memory_space<hbm>>
          %dma_start3A_1041 = arith.constant 0 : i32
          %dma_start3A_1042 = arith.constant 0 : i32
          %dma_start3A_1043 = tpu.memref_slice %arg10[%dma_start3A_1034, %dma_start3A_1041, %dma_start3A_1042] : memref<4x64x128xf32, #tpu.memory_space<vmem>> -> memref<1x64x128xf32, #tpu.memory_space<vmem>>
          %dma_start3A_1044 = tpu.memref_squeeze %dma_start3A_1043 : memref<1x64x128xf32, #tpu.memory_space<vmem>> -> memref<64x128xf32, #tpu.memory_space<vmem>>
          %dma_start3A_1045 = arith.constant 0 : i32
          %dma_start3A_1046 = tpu.memref_slice %arg2[%dma_start3A_1045, %multiple_of3A_1033] : memref<64x1000000xf32, #tpu.memory_space<hbm>> -> memref<64x128xf32, #tpu.memory_space<hbm>>
          tpu.enqueue_dma source(%dma_start3A_1046 : memref<64x128xf32, #tpu.memory_space<hbm>>) target(%dma_start3A_1044 : memref<64x128xf32, #tpu.memory_space<vmem>>) target_semaphore(%arg15 : memref<!tpu.dma_semaphore, #tpu.memory_space<semaphore_mem>>)
        } else {
        }
        %and3A_995 = arith.constant 3 : i32
        %and3A_996 = arith.andi %select_n3A_354, %and3A_995 : i32
        %eq3A_997 = arith.constant 1 : i32
        %eq3A_998 = arith.cmpi eq, %and3A_996, %eq3A_997 : i32
        %convert_element_type3A_999 = arith.extui %eq3A_998 : i1 to i32
        %cond3A_1000 = arith.constant 0 : i32
        %cond3A_1001 = arith.cmpi ne, %convert_element_type3A_999, %cond3A_1000 : i32
        scf.if %cond3A_1001 {
          %dma_wait3A_1016 = arith.constant 1 : i32
          %dma_wait3A_1017 = arith.constant 0 : i32
          %dma_wait3A_1018 = arith.constant 0 : i32
          %dma_wait3A_1019 = tpu.memref_slice %arg10[%dma_wait3A_1016, %dma_wait3A_1017, %dma_wait3A_1018] : memref<4x64x128xf32, #tpu.memory_space<vmem>> -> memref<1x64x128xf32, #tpu.memory_space<vmem>>
          %dma_wait3A_1020 = tpu.memref_squeeze %dma_wait3A_1019 : memref<1x64x128xf32, #tpu.memory_space<vmem>> -> memref<64x128xf32, #tpu.memory_space<vmem>>
          %dma_wait3A_1021 = arith.constant 0 : i32
          %dma_wait3A_1022 = arith.constant 0 : i32
          %dma_wait3A_1023 = tpu.memref_slice %arg2[%dma_wait3A_1021, %dma_wait3A_1022] : memref<64x1000000xf32, #tpu.memory_space<hbm>> -> memref<64x128xf32, #tpu.memory_space<hbm>>
          %dma_wait3A_1024 = arith.constant 0 : i32
          %dma_wait3A_1025 = arith.constant 0 : i32
          %dma_wait3A_1026 = tpu.memref_slice %arg10[%dma_wait3A_1016, %dma_wait3A_1024, %dma_wait3A_1025] : memref<4x64x128xf32, #tpu.memory_space<vmem>> -> memref<1x64x128xf32, #tpu.memory_space<vmem>>
          %dma_wait3A_1027 = tpu.memref_squeeze %dma_wait3A_1026 : memref<1x64x128xf32, #tpu.memory_space<vmem>> -> memref<64x128xf32, #tpu.memory_space<vmem>>
          %dma_wait3A_1028 = arith.constant 0 : i32
          %dma_wait3A_1029 = arith.constant 0 : i32
          %dma_wait3A_1030 = tpu.memref_slice %arg2[%dma_wait3A_1028, %dma_wait3A_1029] : memref<64x1000000xf32, #tpu.memory_space<hbm>> -> memref<64x128xf32, #tpu.memory_space<hbm>>
          tpu.wait_dma2 semaphore(%arg13 : memref<!tpu.dma_semaphore, #tpu.memory_space<semaphore_mem>>) src(%dma_wait3A_1030 : memref<64x128xf32, #tpu.memory_space<hbm>>) dst(%dma_wait3A_1027 : memref<64x128xf32, #tpu.memory_space<vmem>>)
          %mul3A_1031 = arith.constant 128 : i32
          %mul3A_1032 = arith.muli %reduce_sum3A_987, %mul3A_1031 : i32
          %multiple_of3A_1033 = tpu.assume_multiple %mul3A_1032, 128 : i32
          %dma_start3A_1034 = arith.constant 0 : i32
          %dma_start3A_1035 = arith.constant 0 : i32
          %dma_start3A_1036 = arith.constant 0 : i32
          %dma_start3A_1037 = tpu.memref_slice %arg10[%dma_start3A_1034, %dma_start3A_1035, %dma_start3A_1036] : memref<4x64x128xf32, #tpu.memory_space<vmem>> -> memref<1x64x128xf32, #tpu.memory_space<vmem>>
          %dma_start3A_1038 = tpu.memref_squeeze %dma_start3A_1037 : memref<1x64x128xf32, #tpu.memory_space<vmem>> -> memref<64x128xf32, #tpu.memory_space<vmem>>
          %dma_start3A_1039 = arith.constant 0 : i32
          %dma_start3A_1040 = tpu.memref_slice %arg2[%dma_start3A_1039, %multiple_of3A_1033] : memref<64x1000000xf32, #tpu.memory_space<hbm>> -> memref<64x128xf32, #tpu.memory_space<hbm>>
          %dma_start3A_1041 = arith.constant 0 : i32
          %dma_start3A_1042 = arith.constant 0 : i32
          %dma_start3A_1043 = tpu.memref_slice %arg10[%dma_start3A_1034, %dma_start3A_1041, %dma_start3A_1042] : memref<4x64x128xf32, #tpu.memory_space<vmem>> -> memref<1x64x128xf32, #tpu.memory_space<vmem>>
          %dma_start3A_1044 = tpu.memref_squeeze %dma_start3A_1043 : memref<1x64x128xf32, #tpu.memory_space<vmem>> -> memref<64x128xf32, #tpu.memory_space<vmem>>
          %dma_start3A_1045 = arith.constant 0 : i32
          %dma_start3A_1046 = tpu.memref_slice %arg2[%dma_start3A_1045, %multiple_of3A_1033] : memref<64x1000000xf32, #tpu.memory_space<hbm>> -> memref<64x128xf32, #tpu.memory_space<hbm>>
          tpu.enqueue_dma source(%dma_start3A_1046 : memref<64x128xf32, #tpu.memory_space<hbm>>) target(%dma_start3A_1044 : memref<64x128xf32, #tpu.memory_space<vmem>>) target_semaphore(%arg12 : memref<!tpu.dma_semaphore, #tpu.memory_space<semaphore_mem>>)
        } else {
        }
        %and3A_1002 = arith.constant 3 : i32
        %and3A_1003 = arith.andi %select_n3A_354, %and3A_1002 : i32
        %eq3A_1004 = arith.constant 2 : i32
        %eq3A_1005 = arith.cmpi eq, %and3A_1003, %eq3A_1004 : i32
        %convert_element_type3A_1006 = arith.extui %eq3A_1005 : i1 to i32
        %cond3A_1007 = arith.constant 0 : i32
        %cond3A_1008 = arith.cmpi ne, %convert_element_type3A_1006, %cond3A_1007 : i32
        scf.if %cond3A_1008 {
          %dma_wait3A_1016 = arith.constant 2 : i32
          %dma_wait3A_1017 = arith.constant 0 : i32
          %dma_wait3A_1018 = arith.constant 0 : i32
          %dma_wait3A_1019 = tpu.memref_slice %arg10[%dma_wait3A_1016, %dma_wait3A_1017, %dma_wait3A_1018] : memref<4x64x128xf32, #tpu.memory_space<vmem>> -> memref<1x64x128xf32, #tpu.memory_space<vmem>>
          %dma_wait3A_1020 = tpu.memref_squeeze %dma_wait3A_1019 : memref<1x64x128xf32, #tpu.memory_space<vmem>> -> memref<64x128xf32, #tpu.memory_space<vmem>>
          %dma_wait3A_1021 = arith.constant 0 : i32
          %dma_wait3A_1022 = arith.constant 0 : i32
          %dma_wait3A_1023 = tpu.memref_slice %arg2[%dma_wait3A_1021, %dma_wait3A_1022] : memref<64x1000000xf32, #tpu.memory_space<hbm>> -> memref<64x128xf32, #tpu.memory_space<hbm>>
          %dma_wait3A_1024 = arith.constant 0 : i32
          %dma_wait3A_1025 = arith.constant 0 : i32
          %dma_wait3A_1026 = tpu.memref_slice %arg10[%dma_wait3A_1016, %dma_wait3A_1024, %dma_wait3A_1025] : memref<4x64x128xf32, #tpu.memory_space<vmem>> -> memref<1x64x128xf32, #tpu.memory_space<vmem>>
          %dma_wait3A_1027 = tpu.memref_squeeze %dma_wait3A_1026 : memref<1x64x128xf32, #tpu.memory_space<vmem>> -> memref<64x128xf32, #tpu.memory_space<vmem>>
          %dma_wait3A_1028 = arith.constant 0 : i32
          %dma_wait3A_1029 = arith.constant 0 : i32
          %dma_wait3A_1030 = tpu.memref_slice %arg2[%dma_wait3A_1028, %dma_wait3A_1029] : memref<64x1000000xf32, #tpu.memory_space<hbm>> -> memref<64x128xf32, #tpu.memory_space<hbm>>
          tpu.wait_dma2 semaphore(%arg14 : memref<!tpu.dma_semaphore, #tpu.memory_space<semaphore_mem>>) src(%dma_wait3A_1030 : memref<64x128xf32, #tpu.memory_space<hbm>>) dst(%dma_wait3A_1027 : memref<64x128xf32, #tpu.memory_space<vmem>>)
          %mul3A_1031 = arith.constant 128 : i32
          %mul3A_1032 = arith.muli %reduce_sum3A_987, %mul3A_1031 : i32
          %multiple_of3A_1033 = tpu.assume_multiple %mul3A_1032, 128 : i32
          %dma_start3A_1034 = arith.constant 1 : i32
          %dma_start3A_1035 = arith.constant 0 : i32
          %dma_start3A_1036 = arith.constant 0 : i32
          %dma_start3A_1037 = tpu.memref_slice %arg10[%dma_start3A_1034, %dma_start3A_1035, %dma_start3A_1036] : memref<4x64x128xf32, #tpu.memory_space<vmem>> -> memref<1x64x128xf32, #tpu.memory_space<vmem>>
          %dma_start3A_1038 = tpu.memref_squeeze %dma_start3A_1037 : memref<1x64x128xf32, #tpu.memory_space<vmem>> -> memref<64x128xf32, #tpu.memory_space<vmem>>
          %dma_start3A_1039 = arith.constant 0 : i32
          %dma_start3A_1040 = tpu.memref_slice %arg2[%dma_start3A_1039, %multiple_of3A_1033] : memref<64x1000000xf32, #tpu.memory_space<hbm>> -> memref<64x128xf32, #tpu.memory_space<hbm>>
          %dma_start3A_1041 = arith.constant 0 : i32
          %dma_start3A_1042 = arith.constant 0 : i32
          %dma_start3A_1043 = tpu.memref_slice %arg10[%dma_start3A_1034, %dma_start3A_1041, %dma_start3A_1042] : memref<4x64x128xf32, #tpu.memory_space<vmem>> -> memref<1x64x128xf32, #tpu.memory_space<vmem>>
          %dma_start3A_1044 = tpu.memref_squeeze %dma_start3A_1043 : memref<1x64x128xf32, #tpu.memory_space<vmem>> -> memref<64x128xf32, #tpu.memory_space<vmem>>
          %dma_start3A_1045 = arith.constant 0 : i32
          %dma_start3A_1046 = tpu.memref_slice %arg2[%dma_start3A_1045, %multiple_of3A_1033] : memref<64x1000000xf32, #tpu.memory_space<hbm>> -> memref<64x128xf32, #tpu.memory_space<hbm>>
          tpu.enqueue_dma source(%dma_start3A_1046 : memref<64x128xf32, #tpu.memory_space<hbm>>) target(%dma_start3A_1044 : memref<64x128xf32, #tpu.memory_space<vmem>>) target_semaphore(%arg13 : memref<!tpu.dma_semaphore, #tpu.memory_space<semaphore_mem>>)
        } else {
        }
        %and3A_1009 = arith.constant 3 : i32
        %and3A_1010 = arith.andi %select_n3A_354, %and3A_1009 : i32
        %eq3A_1011 = arith.constant 3 : i32
        %eq3A_1012 = arith.cmpi eq, %and3A_1010, %eq3A_1011 : i32
        %convert_element_type3A_1013 = arith.extui %eq3A_1012 : i1 to i32
        %cond3A_1014 = arith.constant 0 : i32
        %cond3A_1015 = arith.cmpi ne, %convert_element_type3A_1013, %cond3A_1014 : i32
        scf.if %cond3A_1015 {
          %dma_wait3A_1016 = arith.constant 3 : i32
          %dma_wait3A_1017 = arith.constant 0 : i32
          %dma_wait3A_1018 = arith.constant 0 : i32
          %dma_wait3A_1019 = tpu.memref_slice %arg10[%dma_wait3A_1016, %dma_wait3A_1017, %dma_wait3A_1018] : memref<4x64x128xf32, #tpu.memory_space<vmem>> -> memref<1x64x128xf32, #tpu.memory_space<vmem>>
          %dma_wait3A_1020 = tpu.memref_squeeze %dma_wait3A_1019 : memref<1x64x128xf32, #tpu.memory_space<vmem>> -> memref<64x128xf32, #tpu.memory_space<vmem>>
          %dma_wait3A_1021 = arith.constant 0 : i32
          %dma_wait3A_1022 = arith.constant 0 : i32
          %dma_wait3A_1023 = tpu.memref_slice %arg2[%dma_wait3A_1021, %dma_wait3A_1022] : memref<64x1000000xf32, #tpu.memory_space<hbm>> -> memref<64x128xf32, #tpu.memory_space<hbm>>
          %dma_wait3A_1024 = arith.constant 0 : i32
          %dma_wait3A_1025 = arith.constant 0 : i32
          %dma_wait3A_1026 = tpu.memref_slice %arg10[%dma_wait3A_1016, %dma_wait3A_1024, %dma_wait3A_1025] : memref<4x64x128xf32, #tpu.memory_space<vmem>> -> memref<1x64x128xf32, #tpu.memory_space<vmem>>
          %dma_wait3A_1027 = tpu.memref_squeeze %dma_wait3A_1026 : memref<1x64x128xf32, #tpu.memory_space<vmem>> -> memref<64x128xf32, #tpu.memory_space<vmem>>
          %dma_wait3A_1028 = arith.constant 0 : i32
          %dma_wait3A_1029 = arith.constant 0 : i32
          %dma_wait3A_1030 = tpu.memref_slice %arg2[%dma_wait3A_1028, %dma_wait3A_1029] : memref<64x1000000xf32, #tpu.memory_space<hbm>> -> memref<64x128xf32, #tpu.memory_space<hbm>>
          tpu.wait_dma2 semaphore(%arg15 : memref<!tpu.dma_semaphore, #tpu.memory_space<semaphore_mem>>) src(%dma_wait3A_1030 : memref<64x128xf32, #tpu.memory_space<hbm>>) dst(%dma_wait3A_1027 : memref<64x128xf32, #tpu.memory_space<vmem>>)
          %mul3A_1031 = arith.constant 128 : i32
          %mul3A_1032 = arith.muli %reduce_sum3A_987, %mul3A_1031 : i32
          %multiple_of3A_1033 = tpu.assume_multiple %mul3A_1032, 128 : i32
          %dma_start3A_1034 = arith.constant 2 : i32
          %dma_start3A_1035 = arith.constant 0 : i32
          %dma_start3A_1036 = arith.constant 0 : i32
          %dma_start3A_1037 = tpu.memref_slice %arg10[%dma_start3A_1034, %dma_start3A_1035, %dma_start3A_1036] : memref<4x64x128xf32, #tpu.memory_space<vmem>> -> memref<1x64x128xf32, #tpu.memory_space<vmem>>
          %dma_start3A_1038 = tpu.memref_squeeze %dma_start3A_1037 : memref<1x64x128xf32, #tpu.memory_space<vmem>> -> memref<64x128xf32, #tpu.memory_space<vmem>>
          %dma_start3A_1039 = arith.constant 0 : i32
          %dma_start3A_1040 = tpu.memref_slice %arg2[%dma_start3A_1039, %multiple_of3A_1033] : memref<64x1000000xf32, #tpu.memory_space<hbm>> -> memref<64x128xf32, #tpu.memory_space<hbm>>
          %dma_start3A_1041 = arith.constant 0 : i32
          %dma_start3A_1042 = arith.constant 0 : i32
          %dma_start3A_1043 = tpu.memref_slice %arg10[%dma_start3A_1034, %dma_start3A_1041, %dma_start3A_1042] : memref<4x64x128xf32, #tpu.memory_space<vmem>> -> memref<1x64x128xf32, #tpu.memory_space<vmem>>
          %dma_start3A_1044 = tpu.memref_squeeze %dma_start3A_1043 : memref<1x64x128xf32, #tpu.memory_space<vmem>> -> memref<64x128xf32, #tpu.memory_space<vmem>>
          %dma_start3A_1045 = arith.constant 0 : i32
          %dma_start3A_1046 = tpu.memref_slice %arg2[%dma_start3A_1045, %multiple_of3A_1033] : memref<64x1000000xf32, #tpu.memory_space<hbm>> -> memref<64x128xf32, #tpu.memory_space<hbm>>
          tpu.enqueue_dma source(%dma_start3A_1046 : memref<64x128xf32, #tpu.memory_space<hbm>>) target(%dma_start3A_1044 : memref<64x128xf32, #tpu.memory_space<vmem>>) target_semaphore(%arg14 : memref<!tpu.dma_semaphore, #tpu.memory_space<semaphore_mem>>)
        } else {
        }
      } else {
      }
      %select_n3A_403 = arith.select %ne3A_399, %shift_right_arithmetic3A_396, %select_n3A_351 : i32
      %add3A_404 = arith.constant 1 : i32
      %add3A_405 = arith.addi %select_n3A_354, %add3A_404 : i32
      %select_n3A_406 = arith.select %ne3A_399, %add3A_405, %select_n3A_354 : i32
      %broadcast_in_dim3A_407 = vector.broadcast %and3A_398 : i32 to vector<16xi32>
      %sub3A_408 = arith.constant 1 : i32
      %sub3A_409 = arith.subi %select_n3A_406, %sub3A_408 : i32
      %and3A_410 = arith.constant 3 : i32
      %and3A_411 = arith.andi %sub3A_409, %and3A_410 : i32
      %broadcast_in_dim3A_412 = vector.broadcast %and3A_411 : i32 to vector<16xi32>
      %gather3A_413 = tpu.vector_load_idx %arg10[%broadcast_in_dim3A_412, %add3A_21, %broadcast_in_dim3A_407] : memref<4x64x128xf32, #tpu.memory_space<vmem>>[vector<16xi32>, vector<16xi32>, vector<16xi32>], vector<16xf32>,
      %swap3A_414 = arith.constant 5 : i32
      %swap3A_415 = arith.index_cast %swap3A_414 : i32 to index
      %swap3A_416 = arith.constant 0 : index
      %swap3A_417 = tpu.vector_load %arg11[%swap3A_415, %swap3A_416] {strides = array<i32>} : memref<16x64xf32, #tpu.memory_space<vmem>>, vector<16xf32>,
      tpu.vector_store %arg11[%swap3A_415, %swap3A_416], %gather3A_413 {strides = array<i32>} : memref<16x64xf32, #tpu.memory_space<vmem>>, vector<16xf32>,
      %gather3A_418 = tpu.vector_load_idx %arg10[%broadcast_in_dim3A_412, %add3A_25, %broadcast_in_dim3A_407] : memref<4x64x128xf32, #tpu.memory_space<vmem>>[vector<16xi32>, vector<16xi32>, vector<16xi32>], vector<16xf32>,
      %swap3A_419 = arith.constant 5 : i32
      %swap3A_420 = arith.index_cast %swap3A_419 : i32 to index
      %swap3A_421 = arith.constant 16 : index
      %swap3A_422 = tpu.vector_load %arg11[%swap3A_420, %swap3A_421] {strides = array<i32>} : memref<16x64xf32, #tpu.memory_space<vmem>>, vector<16xf32>,
      tpu.vector_store %arg11[%swap3A_420, %swap3A_421], %gather3A_418 {strides = array<i32>} : memref<16x64xf32, #tpu.memory_space<vmem>>, vector<16xf32>,
      %gather3A_423 = tpu.vector_load_idx %arg10[%broadcast_in_dim3A_412, %add3A_29, %broadcast_in_dim3A_407] : memref<4x64x128xf32, #tpu.memory_space<vmem>>[vector<16xi32>, vector<16xi32>, vector<16xi32>], vector<16xf32>,
      %swap3A_424 = arith.constant 5 : i32
      %swap3A_425 = arith.index_cast %swap3A_424 : i32 to index
      %swap3A_426 = arith.constant 32 : index
      %swap3A_427 = tpu.vector_load %arg11[%swap3A_425, %swap3A_426] {strides = array<i32>} : memref<16x64xf32, #tpu.memory_space<vmem>>, vector<16xf32>,
      tpu.vector_store %arg11[%swap3A_425, %swap3A_426], %gather3A_423 {strides = array<i32>} : memref<16x64xf32, #tpu.memory_space<vmem>>, vector<16xf32>,
      %gather3A_428 = tpu.vector_load_idx %arg10[%broadcast_in_dim3A_412, %add3A_33, %broadcast_in_dim3A_407] : memref<4x64x128xf32, #tpu.memory_space<vmem>>[vector<16xi32>, vector<16xi32>, vector<16xi32>], vector<16xf32>,
      %swap3A_429 = arith.constant 5 : i32
      %swap3A_430 = arith.index_cast %swap3A_429 : i32 to index
      %swap3A_431 = arith.constant 48 : index
      %swap3A_432 = tpu.vector_load %arg11[%swap3A_430, %swap3A_431] {strides = array<i32>} : memref<16x64xf32, #tpu.memory_space<vmem>>, vector<16xf32>,
      tpu.vector_store %arg11[%swap3A_430, %swap3A_431], %gather3A_428 {strides = array<i32>} : memref<16x64xf32, #tpu.memory_space<vmem>>, vector<16xf32>,
      %dma_start3A_433 = arith.constant 5 : i32
      %dma_start3A_434 = arith.constant 0 : i32
      %dma_start3A_435 = tpu.memref_slice %arg11[%dma_start3A_433, %dma_start3A_434] : memref<16x64xf32, #tpu.memory_space<vmem>> -> memref<1x64xf32, #tpu.memory_space<vmem>>
      %dma_start3A_436 = arith.constant 0 : i32
      %dma_start3A_437 = tpu.memref_slice %arg6[%squeeze3A_394, %dma_start3A_436] : memref<16384x64xf32, #tpu.memory_space<hbm>> -> memref<1x64xf32, #tpu.memory_space<hbm>>
      %dma_start3A_438 = arith.constant 0 : i32
      %dma_start3A_439 = tpu.memref_slice %arg6[%squeeze3A_394, %dma_start3A_438] : memref<16384x64xf32, #tpu.memory_space<hbm>> -> memref<1x64xf32, #tpu.memory_space<hbm>>
      %dma_start3A_440 = arith.constant 5 : i32
      %dma_start3A_441 = arith.constant 0 : i32
      %dma_start3A_442 = tpu.memref_slice %arg11[%dma_start3A_440, %dma_start3A_441] : memref<16x64xf32, #tpu.memory_space<vmem>> -> memref<1x64xf32, #tpu.memory_space<vmem>>
      tpu.enqueue_dma source(%dma_start3A_442 : memref<1x64xf32, #tpu.memory_space<vmem>>) target(%dma_start3A_439 : memref<1x64xf32, #tpu.memory_space<hbm>>) target_semaphore(%arg16 : memref<!tpu.dma_semaphore, #tpu.memory_space<semaphore_mem>>)
      %slice3A_443 = vector.extract_strided_slice %get3A_131 {offsets = [6], sizes = [1], strides = [1]} : vector<16xi32> to vector<1xi32>
      %squeeze3A_444 = vector.extract %slice3A_443[0] : i32 from vector<1xi32>
      %slice3A_445 = vector.extract_strided_slice %get3A_135 {offsets = [6], sizes = [1], strides = [1]} : vector<16xi32> to vector<1xi32>
      %squeeze3A_446 = vector.extract %slice3A_445[0] : i32 from vector<1xi32>
      %shift_right_arithmetic3A_447 = arith.constant 7 : i32
      %shift_right_arithmetic3A_448 = arith.shrsi %squeeze3A_444, %shift_right_arithmetic3A_447 : i32
      %and3A_449 = arith.constant 127 : i32
      %and3A_450 = arith.andi %squeeze3A_444, %and3A_449 : i32
      %ne3A_451 = arith.cmpi ne, %shift_right_arithmetic3A_448, %select_n3A_403 : i32
      %convert_element_type3A_452 = arith.extui %ne3A_451 : i1 to i32
      %cond3A_453 = arith.constant 0 : i32
      %cond3A_454 = arith.cmpi ne, %convert_element_type3A_452, %cond3A_453 : i32
      scf.if %cond3A_454 {
        %add3A_969 = arith.constant 4 : i32
        %add3A_970 = arith.addi %select_n3A_406, %add3A_969 : i32
        %sub3A_971 = arith.constant 1 : i32
        %sub3A_972 = arith.subi %add3A_970, %sub3A_971 : i32
        %min3A = arith.constant 511 : i32
        %min3A_973 = arith.minsi %sub3A_972, %min3A : i32
        %shift_right_arithmetic3A_974 = arith.constant 4 : i32
        %shift_right_arithmetic3A_975 = arith.shrsi %min3A_973, %shift_right_arithmetic3A_974 : i32
        %shift_left3A = arith.constant 4 : i32
        %shift_left3A_976 = arith.shli %shift_right_arithmetic3A_975, %shift_left3A : i32
        %multiple_of3A_977 = tpu.assume_multiple %shift_left3A_976, 16 : i32
        %get3A_978 = arith.index_cast %multiple_of3A_977 : i32 to index
        %get3A_979 = tpu.vector_load %arg9[%get3A_978] {strides = array<i32>} : memref<512xi32, #tpu.memory_space<vmem>>, vector<16xi32>,
        %and3A_980 = arith.constant 15 : i32
        %and3A_981 = arith.andi %min3A_973, %and3A_980 : i32
        %eq3A = vector.broadcast %and3A_981 : i32 to vector<16xi32>
        %eq3A_982 = arith.cmpi eq, %iota3A_34, %eq3A : vector<16xi32>
        %jit3A = arith.constant 0 : i32
        %broadcast_in_dim3A_983 = vector.broadcast %jit3A : i32 to vector<16xi32>
        %select_n3A_984 = arith.select %eq3A_982, %get3A_979, %broadcast_in_dim3A_983 : vector<16xi1>, vector<16xi32>
        %reduce_sum3A = arith.constant true
        %reduce_sum3A_985 = vector.broadcast %reduce_sum3A : i1 to vector<16xi1>
        %reduce_sum3A_986 = tpu.scan <sum>, %select_n3A_984 masked %reduce_sum3A_985 : vector<16xi32>, vector<16xi1> -> vector<16xi32>
        %reduce_sum3A_987 = vector.extract %reduce_sum3A_986[15] : i32 from vector<16xi32>
        %and3A_988 = arith.constant 3 : i32
        %and3A_989 = arith.andi %select_n3A_406, %and3A_988 : i32
        %eq3A_990 = arith.constant 0 : i32
        %eq3A_991 = arith.cmpi eq, %and3A_989, %eq3A_990 : i32
        %convert_element_type3A_992 = arith.extui %eq3A_991 : i1 to i32
        %cond3A_993 = arith.constant 0 : i32
        %cond3A_994 = arith.cmpi ne, %convert_element_type3A_992, %cond3A_993 : i32
        scf.if %cond3A_994 {
          %dma_wait3A_1016 = arith.constant 0 : i32
          %dma_wait3A_1017 = arith.constant 0 : i32
          %dma_wait3A_1018 = arith.constant 0 : i32
          %dma_wait3A_1019 = tpu.memref_slice %arg10[%dma_wait3A_1016, %dma_wait3A_1017, %dma_wait3A_1018] : memref<4x64x128xf32, #tpu.memory_space<vmem>> -> memref<1x64x128xf32, #tpu.memory_space<vmem>>
          %dma_wait3A_1020 = tpu.memref_squeeze %dma_wait3A_1019 : memref<1x64x128xf32, #tpu.memory_space<vmem>> -> memref<64x128xf32, #tpu.memory_space<vmem>>
          %dma_wait3A_1021 = arith.constant 0 : i32
          %dma_wait3A_1022 = arith.constant 0 : i32
          %dma_wait3A_1023 = tpu.memref_slice %arg2[%dma_wait3A_1021, %dma_wait3A_1022] : memref<64x1000000xf32, #tpu.memory_space<hbm>> -> memref<64x128xf32, #tpu.memory_space<hbm>>
          %dma_wait3A_1024 = arith.constant 0 : i32
          %dma_wait3A_1025 = arith.constant 0 : i32
          %dma_wait3A_1026 = tpu.memref_slice %arg10[%dma_wait3A_1016, %dma_wait3A_1024, %dma_wait3A_1025] : memref<4x64x128xf32, #tpu.memory_space<vmem>> -> memref<1x64x128xf32, #tpu.memory_space<vmem>>
          %dma_wait3A_1027 = tpu.memref_squeeze %dma_wait3A_1026 : memref<1x64x128xf32, #tpu.memory_space<vmem>> -> memref<64x128xf32, #tpu.memory_space<vmem>>
          %dma_wait3A_1028 = arith.constant 0 : i32
          %dma_wait3A_1029 = arith.constant 0 : i32
          %dma_wait3A_1030 = tpu.memref_slice %arg2[%dma_wait3A_1028, %dma_wait3A_1029] : memref<64x1000000xf32, #tpu.memory_space<hbm>> -> memref<64x128xf32, #tpu.memory_space<hbm>>
          tpu.wait_dma2 semaphore(%arg12 : memref<!tpu.dma_semaphore, #tpu.memory_space<semaphore_mem>>) src(%dma_wait3A_1030 : memref<64x128xf32, #tpu.memory_space<hbm>>) dst(%dma_wait3A_1027 : memref<64x128xf32, #tpu.memory_space<vmem>>)
          %mul3A_1031 = arith.constant 128 : i32
          %mul3A_1032 = arith.muli %reduce_sum3A_987, %mul3A_1031 : i32
          %multiple_of3A_1033 = tpu.assume_multiple %mul3A_1032, 128 : i32
          %dma_start3A_1034 = arith.constant 3 : i32
          %dma_start3A_1035 = arith.constant 0 : i32
          %dma_start3A_1036 = arith.constant 0 : i32
          %dma_start3A_1037 = tpu.memref_slice %arg10[%dma_start3A_1034, %dma_start3A_1035, %dma_start3A_1036] : memref<4x64x128xf32, #tpu.memory_space<vmem>> -> memref<1x64x128xf32, #tpu.memory_space<vmem>>
          %dma_start3A_1038 = tpu.memref_squeeze %dma_start3A_1037 : memref<1x64x128xf32, #tpu.memory_space<vmem>> -> memref<64x128xf32, #tpu.memory_space<vmem>>
          %dma_start3A_1039 = arith.constant 0 : i32
          %dma_start3A_1040 = tpu.memref_slice %arg2[%dma_start3A_1039, %multiple_of3A_1033] : memref<64x1000000xf32, #tpu.memory_space<hbm>> -> memref<64x128xf32, #tpu.memory_space<hbm>>
          %dma_start3A_1041 = arith.constant 0 : i32
          %dma_start3A_1042 = arith.constant 0 : i32
          %dma_start3A_1043 = tpu.memref_slice %arg10[%dma_start3A_1034, %dma_start3A_1041, %dma_start3A_1042] : memref<4x64x128xf32, #tpu.memory_space<vmem>> -> memref<1x64x128xf32, #tpu.memory_space<vmem>>
          %dma_start3A_1044 = tpu.memref_squeeze %dma_start3A_1043 : memref<1x64x128xf32, #tpu.memory_space<vmem>> -> memref<64x128xf32, #tpu.memory_space<vmem>>
          %dma_start3A_1045 = arith.constant 0 : i32
          %dma_start3A_1046 = tpu.memref_slice %arg2[%dma_start3A_1045, %multiple_of3A_1033] : memref<64x1000000xf32, #tpu.memory_space<hbm>> -> memref<64x128xf32, #tpu.memory_space<hbm>>
          tpu.enqueue_dma source(%dma_start3A_1046 : memref<64x128xf32, #tpu.memory_space<hbm>>) target(%dma_start3A_1044 : memref<64x128xf32, #tpu.memory_space<vmem>>) target_semaphore(%arg15 : memref<!tpu.dma_semaphore, #tpu.memory_space<semaphore_mem>>)
        } else {
        }
        %and3A_995 = arith.constant 3 : i32
        %and3A_996 = arith.andi %select_n3A_406, %and3A_995 : i32
        %eq3A_997 = arith.constant 1 : i32
        %eq3A_998 = arith.cmpi eq, %and3A_996, %eq3A_997 : i32
        %convert_element_type3A_999 = arith.extui %eq3A_998 : i1 to i32
        %cond3A_1000 = arith.constant 0 : i32
        %cond3A_1001 = arith.cmpi ne, %convert_element_type3A_999, %cond3A_1000 : i32
        scf.if %cond3A_1001 {
          %dma_wait3A_1016 = arith.constant 1 : i32
          %dma_wait3A_1017 = arith.constant 0 : i32
          %dma_wait3A_1018 = arith.constant 0 : i32
          %dma_wait3A_1019 = tpu.memref_slice %arg10[%dma_wait3A_1016, %dma_wait3A_1017, %dma_wait3A_1018] : memref<4x64x128xf32, #tpu.memory_space<vmem>> -> memref<1x64x128xf32, #tpu.memory_space<vmem>>
          %dma_wait3A_1020 = tpu.memref_squeeze %dma_wait3A_1019 : memref<1x64x128xf32, #tpu.memory_space<vmem>> -> memref<64x128xf32, #tpu.memory_space<vmem>>
          %dma_wait3A_1021 = arith.constant 0 : i32
          %dma_wait3A_1022 = arith.constant 0 : i32
          %dma_wait3A_1023 = tpu.memref_slice %arg2[%dma_wait3A_1021, %dma_wait3A_1022] : memref<64x1000000xf32, #tpu.memory_space<hbm>> -> memref<64x128xf32, #tpu.memory_space<hbm>>
          %dma_wait3A_1024 = arith.constant 0 : i32
          %dma_wait3A_1025 = arith.constant 0 : i32
          %dma_wait3A_1026 = tpu.memref_slice %arg10[%dma_wait3A_1016, %dma_wait3A_1024, %dma_wait3A_1025] : memref<4x64x128xf32, #tpu.memory_space<vmem>> -> memref<1x64x128xf32, #tpu.memory_space<vmem>>
          %dma_wait3A_1027 = tpu.memref_squeeze %dma_wait3A_1026 : memref<1x64x128xf32, #tpu.memory_space<vmem>> -> memref<64x128xf32, #tpu.memory_space<vmem>>
          %dma_wait3A_1028 = arith.constant 0 : i32
          %dma_wait3A_1029 = arith.constant 0 : i32
          %dma_wait3A_1030 = tpu.memref_slice %arg2[%dma_wait3A_1028, %dma_wait3A_1029] : memref<64x1000000xf32, #tpu.memory_space<hbm>> -> memref<64x128xf32, #tpu.memory_space<hbm>>
          tpu.wait_dma2 semaphore(%arg13 : memref<!tpu.dma_semaphore, #tpu.memory_space<semaphore_mem>>) src(%dma_wait3A_1030 : memref<64x128xf32, #tpu.memory_space<hbm>>) dst(%dma_wait3A_1027 : memref<64x128xf32, #tpu.memory_space<vmem>>)
          %mul3A_1031 = arith.constant 128 : i32
          %mul3A_1032 = arith.muli %reduce_sum3A_987, %mul3A_1031 : i32
          %multiple_of3A_1033 = tpu.assume_multiple %mul3A_1032, 128 : i32
          %dma_start3A_1034 = arith.constant 0 : i32
          %dma_start3A_1035 = arith.constant 0 : i32
          %dma_start3A_1036 = arith.constant 0 : i32
          %dma_start3A_1037 = tpu.memref_slice %arg10[%dma_start3A_1034, %dma_start3A_1035, %dma_start3A_1036] : memref<4x64x128xf32, #tpu.memory_space<vmem>> -> memref<1x64x128xf32, #tpu.memory_space<vmem>>
          %dma_start3A_1038 = tpu.memref_squeeze %dma_start3A_1037 : memref<1x64x128xf32, #tpu.memory_space<vmem>> -> memref<64x128xf32, #tpu.memory_space<vmem>>
          %dma_start3A_1039 = arith.constant 0 : i32
          %dma_start3A_1040 = tpu.memref_slice %arg2[%dma_start3A_1039, %multiple_of3A_1033] : memref<64x1000000xf32, #tpu.memory_space<hbm>> -> memref<64x128xf32, #tpu.memory_space<hbm>>
          %dma_start3A_1041 = arith.constant 0 : i32
          %dma_start3A_1042 = arith.constant 0 : i32
          %dma_start3A_1043 = tpu.memref_slice %arg10[%dma_start3A_1034, %dma_start3A_1041, %dma_start3A_1042] : memref<4x64x128xf32, #tpu.memory_space<vmem>> -> memref<1x64x128xf32, #tpu.memory_space<vmem>>
          %dma_start3A_1044 = tpu.memref_squeeze %dma_start3A_1043 : memref<1x64x128xf32, #tpu.memory_space<vmem>> -> memref<64x128xf32, #tpu.memory_space<vmem>>
          %dma_start3A_1045 = arith.constant 0 : i32
          %dma_start3A_1046 = tpu.memref_slice %arg2[%dma_start3A_1045, %multiple_of3A_1033] : memref<64x1000000xf32, #tpu.memory_space<hbm>> -> memref<64x128xf32, #tpu.memory_space<hbm>>
          tpu.enqueue_dma source(%dma_start3A_1046 : memref<64x128xf32, #tpu.memory_space<hbm>>) target(%dma_start3A_1044 : memref<64x128xf32, #tpu.memory_space<vmem>>) target_semaphore(%arg12 : memref<!tpu.dma_semaphore, #tpu.memory_space<semaphore_mem>>)
        } else {
        }
        %and3A_1002 = arith.constant 3 : i32
        %and3A_1003 = arith.andi %select_n3A_406, %and3A_1002 : i32
        %eq3A_1004 = arith.constant 2 : i32
        %eq3A_1005 = arith.cmpi eq, %and3A_1003, %eq3A_1004 : i32
        %convert_element_type3A_1006 = arith.extui %eq3A_1005 : i1 to i32
        %cond3A_1007 = arith.constant 0 : i32
        %cond3A_1008 = arith.cmpi ne, %convert_element_type3A_1006, %cond3A_1007 : i32
        scf.if %cond3A_1008 {
          %dma_wait3A_1016 = arith.constant 2 : i32
          %dma_wait3A_1017 = arith.constant 0 : i32
          %dma_wait3A_1018 = arith.constant 0 : i32
          %dma_wait3A_1019 = tpu.memref_slice %arg10[%dma_wait3A_1016, %dma_wait3A_1017, %dma_wait3A_1018] : memref<4x64x128xf32, #tpu.memory_space<vmem>> -> memref<1x64x128xf32, #tpu.memory_space<vmem>>
          %dma_wait3A_1020 = tpu.memref_squeeze %dma_wait3A_1019 : memref<1x64x128xf32, #tpu.memory_space<vmem>> -> memref<64x128xf32, #tpu.memory_space<vmem>>
          %dma_wait3A_1021 = arith.constant 0 : i32
          %dma_wait3A_1022 = arith.constant 0 : i32
          %dma_wait3A_1023 = tpu.memref_slice %arg2[%dma_wait3A_1021, %dma_wait3A_1022] : memref<64x1000000xf32, #tpu.memory_space<hbm>> -> memref<64x128xf32, #tpu.memory_space<hbm>>
          %dma_wait3A_1024 = arith.constant 0 : i32
          %dma_wait3A_1025 = arith.constant 0 : i32
          %dma_wait3A_1026 = tpu.memref_slice %arg10[%dma_wait3A_1016, %dma_wait3A_1024, %dma_wait3A_1025] : memref<4x64x128xf32, #tpu.memory_space<vmem>> -> memref<1x64x128xf32, #tpu.memory_space<vmem>>
          %dma_wait3A_1027 = tpu.memref_squeeze %dma_wait3A_1026 : memref<1x64x128xf32, #tpu.memory_space<vmem>> -> memref<64x128xf32, #tpu.memory_space<vmem>>
          %dma_wait3A_1028 = arith.constant 0 : i32
          %dma_wait3A_1029 = arith.constant 0 : i32
          %dma_wait3A_1030 = tpu.memref_slice %arg2[%dma_wait3A_1028, %dma_wait3A_1029] : memref<64x1000000xf32, #tpu.memory_space<hbm>> -> memref<64x128xf32, #tpu.memory_space<hbm>>
          tpu.wait_dma2 semaphore(%arg14 : memref<!tpu.dma_semaphore, #tpu.memory_space<semaphore_mem>>) src(%dma_wait3A_1030 : memref<64x128xf32, #tpu.memory_space<hbm>>) dst(%dma_wait3A_1027 : memref<64x128xf32, #tpu.memory_space<vmem>>)
          %mul3A_1031 = arith.constant 128 : i32
          %mul3A_1032 = arith.muli %reduce_sum3A_987, %mul3A_1031 : i32
          %multiple_of3A_1033 = tpu.assume_multiple %mul3A_1032, 128 : i32
          %dma_start3A_1034 = arith.constant 1 : i32
          %dma_start3A_1035 = arith.constant 0 : i32
          %dma_start3A_1036 = arith.constant 0 : i32
          %dma_start3A_1037 = tpu.memref_slice %arg10[%dma_start3A_1034, %dma_start3A_1035, %dma_start3A_1036] : memref<4x64x128xf32, #tpu.memory_space<vmem>> -> memref<1x64x128xf32, #tpu.memory_space<vmem>>
          %dma_start3A_1038 = tpu.memref_squeeze %dma_start3A_1037 : memref<1x64x128xf32, #tpu.memory_space<vmem>> -> memref<64x128xf32, #tpu.memory_space<vmem>>
          %dma_start3A_1039 = arith.constant 0 : i32
          %dma_start3A_1040 = tpu.memref_slice %arg2[%dma_start3A_1039, %multiple_of3A_1033] : memref<64x1000000xf32, #tpu.memory_space<hbm>> -> memref<64x128xf32, #tpu.memory_space<hbm>>
          %dma_start3A_1041 = arith.constant 0 : i32
          %dma_start3A_1042 = arith.constant 0 : i32
          %dma_start3A_1043 = tpu.memref_slice %arg10[%dma_start3A_1034, %dma_start3A_1041, %dma_start3A_1042] : memref<4x64x128xf32, #tpu.memory_space<vmem>> -> memref<1x64x128xf32, #tpu.memory_space<vmem>>
          %dma_start3A_1044 = tpu.memref_squeeze %dma_start3A_1043 : memref<1x64x128xf32, #tpu.memory_space<vmem>> -> memref<64x128xf32, #tpu.memory_space<vmem>>
          %dma_start3A_1045 = arith.constant 0 : i32
          %dma_start3A_1046 = tpu.memref_slice %arg2[%dma_start3A_1045, %multiple_of3A_1033] : memref<64x1000000xf32, #tpu.memory_space<hbm>> -> memref<64x128xf32, #tpu.memory_space<hbm>>
          tpu.enqueue_dma source(%dma_start3A_1046 : memref<64x128xf32, #tpu.memory_space<hbm>>) target(%dma_start3A_1044 : memref<64x128xf32, #tpu.memory_space<vmem>>) target_semaphore(%arg13 : memref<!tpu.dma_semaphore, #tpu.memory_space<semaphore_mem>>)
        } else {
        }
        %and3A_1009 = arith.constant 3 : i32
        %and3A_1010 = arith.andi %select_n3A_406, %and3A_1009 : i32
        %eq3A_1011 = arith.constant 3 : i32
        %eq3A_1012 = arith.cmpi eq, %and3A_1010, %eq3A_1011 : i32
        %convert_element_type3A_1013 = arith.extui %eq3A_1012 : i1 to i32
        %cond3A_1014 = arith.constant 0 : i32
        %cond3A_1015 = arith.cmpi ne, %convert_element_type3A_1013, %cond3A_1014 : i32
        scf.if %cond3A_1015 {
          %dma_wait3A_1016 = arith.constant 3 : i32
          %dma_wait3A_1017 = arith.constant 0 : i32
          %dma_wait3A_1018 = arith.constant 0 : i32
          %dma_wait3A_1019 = tpu.memref_slice %arg10[%dma_wait3A_1016, %dma_wait3A_1017, %dma_wait3A_1018] : memref<4x64x128xf32, #tpu.memory_space<vmem>> -> memref<1x64x128xf32, #tpu.memory_space<vmem>>
          %dma_wait3A_1020 = tpu.memref_squeeze %dma_wait3A_1019 : memref<1x64x128xf32, #tpu.memory_space<vmem>> -> memref<64x128xf32, #tpu.memory_space<vmem>>
          %dma_wait3A_1021 = arith.constant 0 : i32
          %dma_wait3A_1022 = arith.constant 0 : i32
          %dma_wait3A_1023 = tpu.memref_slice %arg2[%dma_wait3A_1021, %dma_wait3A_1022] : memref<64x1000000xf32, #tpu.memory_space<hbm>> -> memref<64x128xf32, #tpu.memory_space<hbm>>
          %dma_wait3A_1024 = arith.constant 0 : i32
          %dma_wait3A_1025 = arith.constant 0 : i32
          %dma_wait3A_1026 = tpu.memref_slice %arg10[%dma_wait3A_1016, %dma_wait3A_1024, %dma_wait3A_1025] : memref<4x64x128xf32, #tpu.memory_space<vmem>> -> memref<1x64x128xf32, #tpu.memory_space<vmem>>
          %dma_wait3A_1027 = tpu.memref_squeeze %dma_wait3A_1026 : memref<1x64x128xf32, #tpu.memory_space<vmem>> -> memref<64x128xf32, #tpu.memory_space<vmem>>
          %dma_wait3A_1028 = arith.constant 0 : i32
          %dma_wait3A_1029 = arith.constant 0 : i32
          %dma_wait3A_1030 = tpu.memref_slice %arg2[%dma_wait3A_1028, %dma_wait3A_1029] : memref<64x1000000xf32, #tpu.memory_space<hbm>> -> memref<64x128xf32, #tpu.memory_space<hbm>>
          tpu.wait_dma2 semaphore(%arg15 : memref<!tpu.dma_semaphore, #tpu.memory_space<semaphore_mem>>) src(%dma_wait3A_1030 : memref<64x128xf32, #tpu.memory_space<hbm>>) dst(%dma_wait3A_1027 : memref<64x128xf32, #tpu.memory_space<vmem>>)
          %mul3A_1031 = arith.constant 128 : i32
          %mul3A_1032 = arith.muli %reduce_sum3A_987, %mul3A_1031 : i32
          %multiple_of3A_1033 = tpu.assume_multiple %mul3A_1032, 128 : i32
          %dma_start3A_1034 = arith.constant 2 : i32
          %dma_start3A_1035 = arith.constant 0 : i32
          %dma_start3A_1036 = arith.constant 0 : i32
          %dma_start3A_1037 = tpu.memref_slice %arg10[%dma_start3A_1034, %dma_start3A_1035, %dma_start3A_1036] : memref<4x64x128xf32, #tpu.memory_space<vmem>> -> memref<1x64x128xf32, #tpu.memory_space<vmem>>
          %dma_start3A_1038 = tpu.memref_squeeze %dma_start3A_1037 : memref<1x64x128xf32, #tpu.memory_space<vmem>> -> memref<64x128xf32, #tpu.memory_space<vmem>>
          %dma_start3A_1039 = arith.constant 0 : i32
          %dma_start3A_1040 = tpu.memref_slice %arg2[%dma_start3A_1039, %multiple_of3A_1033] : memref<64x1000000xf32, #tpu.memory_space<hbm>> -> memref<64x128xf32, #tpu.memory_space<hbm>>
          %dma_start3A_1041 = arith.constant 0 : i32
          %dma_start3A_1042 = arith.constant 0 : i32
          %dma_start3A_1043 = tpu.memref_slice %arg10[%dma_start3A_1034, %dma_start3A_1041, %dma_start3A_1042] : memref<4x64x128xf32, #tpu.memory_space<vmem>> -> memref<1x64x128xf32, #tpu.memory_space<vmem>>
          %dma_start3A_1044 = tpu.memref_squeeze %dma_start3A_1043 : memref<1x64x128xf32, #tpu.memory_space<vmem>> -> memref<64x128xf32, #tpu.memory_space<vmem>>
          %dma_start3A_1045 = arith.constant 0 : i32
          %dma_start3A_1046 = tpu.memref_slice %arg2[%dma_start3A_1045, %multiple_of3A_1033] : memref<64x1000000xf32, #tpu.memory_space<hbm>> -> memref<64x128xf32, #tpu.memory_space<hbm>>
          tpu.enqueue_dma source(%dma_start3A_1046 : memref<64x128xf32, #tpu.memory_space<hbm>>) target(%dma_start3A_1044 : memref<64x128xf32, #tpu.memory_space<vmem>>) target_semaphore(%arg14 : memref<!tpu.dma_semaphore, #tpu.memory_space<semaphore_mem>>)
        } else {
        }
      } else {
      }
      %select_n3A_455 = arith.select %ne3A_451, %shift_right_arithmetic3A_448, %select_n3A_403 : i32
      %add3A_456 = arith.constant 1 : i32
      %add3A_457 = arith.addi %select_n3A_406, %add3A_456 : i32
      %select_n3A_458 = arith.select %ne3A_451, %add3A_457, %select_n3A_406 : i32
      %broadcast_in_dim3A_459 = vector.broadcast %and3A_450 : i32 to vector<16xi32>
      %sub3A_460 = arith.constant 1 : i32
      %sub3A_461 = arith.subi %select_n3A_458, %sub3A_460 : i32
      %and3A_462 = arith.constant 3 : i32
      %and3A_463 = arith.andi %sub3A_461, %and3A_462 : i32
      %broadcast_in_dim3A_464 = vector.broadcast %and3A_463 : i32 to vector<16xi32>
      %gather3A_465 = tpu.vector_load_idx %arg10[%broadcast_in_dim3A_464, %add3A_21, %broadcast_in_dim3A_459] : memref<4x64x128xf32, #tpu.memory_space<vmem>>[vector<16xi32>, vector<16xi32>, vector<16xi32>], vector<16xf32>,
      %swap3A_466 = arith.constant 6 : i32
      %swap3A_467 = arith.index_cast %swap3A_466 : i32 to index
      %swap3A_468 = arith.constant 0 : index
      %swap3A_469 = tpu.vector_load %arg11[%swap3A_467, %swap3A_468] {strides = array<i32>} : memref<16x64xf32, #tpu.memory_space<vmem>>, vector<16xf32>,
      tpu.vector_store %arg11[%swap3A_467, %swap3A_468], %gather3A_465 {strides = array<i32>} : memref<16x64xf32, #tpu.memory_space<vmem>>, vector<16xf32>,
      %gather3A_470 = tpu.vector_load_idx %arg10[%broadcast_in_dim3A_464, %add3A_25, %broadcast_in_dim3A_459] : memref<4x64x128xf32, #tpu.memory_space<vmem>>[vector<16xi32>, vector<16xi32>, vector<16xi32>], vector<16xf32>,
      %swap3A_471 = arith.constant 6 : i32
      %swap3A_472 = arith.index_cast %swap3A_471 : i32 to index
      %swap3A_473 = arith.constant 16 : index
      %swap3A_474 = tpu.vector_load %arg11[%swap3A_472, %swap3A_473] {strides = array<i32>} : memref<16x64xf32, #tpu.memory_space<vmem>>, vector<16xf32>,
      tpu.vector_store %arg11[%swap3A_472, %swap3A_473], %gather3A_470 {strides = array<i32>} : memref<16x64xf32, #tpu.memory_space<vmem>>, vector<16xf32>,
      %gather3A_475 = tpu.vector_load_idx %arg10[%broadcast_in_dim3A_464, %add3A_29, %broadcast_in_dim3A_459] : memref<4x64x128xf32, #tpu.memory_space<vmem>>[vector<16xi32>, vector<16xi32>, vector<16xi32>], vector<16xf32>,
      %swap3A_476 = arith.constant 6 : i32
      %swap3A_477 = arith.index_cast %swap3A_476 : i32 to index
      %swap3A_478 = arith.constant 32 : index
      %swap3A_479 = tpu.vector_load %arg11[%swap3A_477, %swap3A_478] {strides = array<i32>} : memref<16x64xf32, #tpu.memory_space<vmem>>, vector<16xf32>,
      tpu.vector_store %arg11[%swap3A_477, %swap3A_478], %gather3A_475 {strides = array<i32>} : memref<16x64xf32, #tpu.memory_space<vmem>>, vector<16xf32>,
      %gather3A_480 = tpu.vector_load_idx %arg10[%broadcast_in_dim3A_464, %add3A_33, %broadcast_in_dim3A_459] : memref<4x64x128xf32, #tpu.memory_space<vmem>>[vector<16xi32>, vector<16xi32>, vector<16xi32>], vector<16xf32>,
      %swap3A_481 = arith.constant 6 : i32
      %swap3A_482 = arith.index_cast %swap3A_481 : i32 to index
      %swap3A_483 = arith.constant 48 : index
      %swap3A_484 = tpu.vector_load %arg11[%swap3A_482, %swap3A_483] {strides = array<i32>} : memref<16x64xf32, #tpu.memory_space<vmem>>, vector<16xf32>,
      tpu.vector_store %arg11[%swap3A_482, %swap3A_483], %gather3A_480 {strides = array<i32>} : memref<16x64xf32, #tpu.memory_space<vmem>>, vector<16xf32>,
      %dma_start3A_485 = arith.constant 6 : i32
      %dma_start3A_486 = arith.constant 0 : i32
      %dma_start3A_487 = tpu.memref_slice %arg11[%dma_start3A_485, %dma_start3A_486] : memref<16x64xf32, #tpu.memory_space<vmem>> -> memref<1x64xf32, #tpu.memory_space<vmem>>
      %dma_start3A_488 = arith.constant 0 : i32
      %dma_start3A_489 = tpu.memref_slice %arg6[%squeeze3A_446, %dma_start3A_488] : memref<16384x64xf32, #tpu.memory_space<hbm>> -> memref<1x64xf32, #tpu.memory_space<hbm>>
      %dma_start3A_490 = arith.constant 0 : i32
      %dma_start3A_491 = tpu.memref_slice %arg6[%squeeze3A_446, %dma_start3A_490] : memref<16384x64xf32, #tpu.memory_space<hbm>> -> memref<1x64xf32, #tpu.memory_space<hbm>>
      %dma_start3A_492 = arith.constant 6 : i32
      %dma_start3A_493 = arith.constant 0 : i32
      %dma_start3A_494 = tpu.memref_slice %arg11[%dma_start3A_492, %dma_start3A_493] : memref<16x64xf32, #tpu.memory_space<vmem>> -> memref<1x64xf32, #tpu.memory_space<vmem>>
      tpu.enqueue_dma source(%dma_start3A_494 : memref<1x64xf32, #tpu.memory_space<vmem>>) target(%dma_start3A_491 : memref<1x64xf32, #tpu.memory_space<hbm>>) target_semaphore(%arg16 : memref<!tpu.dma_semaphore, #tpu.memory_space<semaphore_mem>>)
      %slice3A_495 = vector.extract_strided_slice %get3A_131 {offsets = [7], sizes = [1], strides = [1]} : vector<16xi32> to vector<1xi32>
      %squeeze3A_496 = vector.extract %slice3A_495[0] : i32 from vector<1xi32>
      %slice3A_497 = vector.extract_strided_slice %get3A_135 {offsets = [7], sizes = [1], strides = [1]} : vector<16xi32> to vector<1xi32>
      %squeeze3A_498 = vector.extract %slice3A_497[0] : i32 from vector<1xi32>
      %shift_right_arithmetic3A_499 = arith.constant 7 : i32
      %shift_right_arithmetic3A_500 = arith.shrsi %squeeze3A_496, %shift_right_arithmetic3A_499 : i32
      %and3A_501 = arith.constant 127 : i32
      %and3A_502 = arith.andi %squeeze3A_496, %and3A_501 : i32
      %ne3A_503 = arith.cmpi ne, %shift_right_arithmetic3A_500, %select_n3A_455 : i32
      %convert_element_type3A_504 = arith.extui %ne3A_503 : i1 to i32
      %cond3A_505 = arith.constant 0 : i32
      %cond3A_506 = arith.cmpi ne, %convert_element_type3A_504, %cond3A_505 : i32
      scf.if %cond3A_506 {
        %add3A_969 = arith.constant 4 : i32
        %add3A_970 = arith.addi %select_n3A_458, %add3A_969 : i32
        %sub3A_971 = arith.constant 1 : i32
        %sub3A_972 = arith.subi %add3A_970, %sub3A_971 : i32
        %min3A = arith.constant 511 : i32
        %min3A_973 = arith.minsi %sub3A_972, %min3A : i32
        %shift_right_arithmetic3A_974 = arith.constant 4 : i32
        %shift_right_arithmetic3A_975 = arith.shrsi %min3A_973, %shift_right_arithmetic3A_974 : i32
        %shift_left3A = arith.constant 4 : i32
        %shift_left3A_976 = arith.shli %shift_right_arithmetic3A_975, %shift_left3A : i32
        %multiple_of3A_977 = tpu.assume_multiple %shift_left3A_976, 16 : i32
        %get3A_978 = arith.index_cast %multiple_of3A_977 : i32 to index
        %get3A_979 = tpu.vector_load %arg9[%get3A_978] {strides = array<i32>} : memref<512xi32, #tpu.memory_space<vmem>>, vector<16xi32>,
        %and3A_980 = arith.constant 15 : i32
        %and3A_981 = arith.andi %min3A_973, %and3A_980 : i32
        %eq3A = vector.broadcast %and3A_981 : i32 to vector<16xi32>
        %eq3A_982 = arith.cmpi eq, %iota3A_34, %eq3A : vector<16xi32>
        %jit3A = arith.constant 0 : i32
        %broadcast_in_dim3A_983 = vector.broadcast %jit3A : i32 to vector<16xi32>
        %select_n3A_984 = arith.select %eq3A_982, %get3A_979, %broadcast_in_dim3A_983 : vector<16xi1>, vector<16xi32>
        %reduce_sum3A = arith.constant true
        %reduce_sum3A_985 = vector.broadcast %reduce_sum3A : i1 to vector<16xi1>
        %reduce_sum3A_986 = tpu.scan <sum>, %select_n3A_984 masked %reduce_sum3A_985 : vector<16xi32>, vector<16xi1> -> vector<16xi32>
        %reduce_sum3A_987 = vector.extract %reduce_sum3A_986[15] : i32 from vector<16xi32>
        %and3A_988 = arith.constant 3 : i32
        %and3A_989 = arith.andi %select_n3A_458, %and3A_988 : i32
        %eq3A_990 = arith.constant 0 : i32
        %eq3A_991 = arith.cmpi eq, %and3A_989, %eq3A_990 : i32
        %convert_element_type3A_992 = arith.extui %eq3A_991 : i1 to i32
        %cond3A_993 = arith.constant 0 : i32
        %cond3A_994 = arith.cmpi ne, %convert_element_type3A_992, %cond3A_993 : i32
        scf.if %cond3A_994 {
          %dma_wait3A_1016 = arith.constant 0 : i32
          %dma_wait3A_1017 = arith.constant 0 : i32
          %dma_wait3A_1018 = arith.constant 0 : i32
          %dma_wait3A_1019 = tpu.memref_slice %arg10[%dma_wait3A_1016, %dma_wait3A_1017, %dma_wait3A_1018] : memref<4x64x128xf32, #tpu.memory_space<vmem>> -> memref<1x64x128xf32, #tpu.memory_space<vmem>>
          %dma_wait3A_1020 = tpu.memref_squeeze %dma_wait3A_1019 : memref<1x64x128xf32, #tpu.memory_space<vmem>> -> memref<64x128xf32, #tpu.memory_space<vmem>>
          %dma_wait3A_1021 = arith.constant 0 : i32
          %dma_wait3A_1022 = arith.constant 0 : i32
          %dma_wait3A_1023 = tpu.memref_slice %arg2[%dma_wait3A_1021, %dma_wait3A_1022] : memref<64x1000000xf32, #tpu.memory_space<hbm>> -> memref<64x128xf32, #tpu.memory_space<hbm>>
          %dma_wait3A_1024 = arith.constant 0 : i32
          %dma_wait3A_1025 = arith.constant 0 : i32
          %dma_wait3A_1026 = tpu.memref_slice %arg10[%dma_wait3A_1016, %dma_wait3A_1024, %dma_wait3A_1025] : memref<4x64x128xf32, #tpu.memory_space<vmem>> -> memref<1x64x128xf32, #tpu.memory_space<vmem>>
          %dma_wait3A_1027 = tpu.memref_squeeze %dma_wait3A_1026 : memref<1x64x128xf32, #tpu.memory_space<vmem>> -> memref<64x128xf32, #tpu.memory_space<vmem>>
          %dma_wait3A_1028 = arith.constant 0 : i32
          %dma_wait3A_1029 = arith.constant 0 : i32
          %dma_wait3A_1030 = tpu.memref_slice %arg2[%dma_wait3A_1028, %dma_wait3A_1029] : memref<64x1000000xf32, #tpu.memory_space<hbm>> -> memref<64x128xf32, #tpu.memory_space<hbm>>
          tpu.wait_dma2 semaphore(%arg12 : memref<!tpu.dma_semaphore, #tpu.memory_space<semaphore_mem>>) src(%dma_wait3A_1030 : memref<64x128xf32, #tpu.memory_space<hbm>>) dst(%dma_wait3A_1027 : memref<64x128xf32, #tpu.memory_space<vmem>>)
          %mul3A_1031 = arith.constant 128 : i32
          %mul3A_1032 = arith.muli %reduce_sum3A_987, %mul3A_1031 : i32
          %multiple_of3A_1033 = tpu.assume_multiple %mul3A_1032, 128 : i32
          %dma_start3A_1034 = arith.constant 3 : i32
          %dma_start3A_1035 = arith.constant 0 : i32
          %dma_start3A_1036 = arith.constant 0 : i32
          %dma_start3A_1037 = tpu.memref_slice %arg10[%dma_start3A_1034, %dma_start3A_1035, %dma_start3A_1036] : memref<4x64x128xf32, #tpu.memory_space<vmem>> -> memref<1x64x128xf32, #tpu.memory_space<vmem>>
          %dma_start3A_1038 = tpu.memref_squeeze %dma_start3A_1037 : memref<1x64x128xf32, #tpu.memory_space<vmem>> -> memref<64x128xf32, #tpu.memory_space<vmem>>
          %dma_start3A_1039 = arith.constant 0 : i32
          %dma_start3A_1040 = tpu.memref_slice %arg2[%dma_start3A_1039, %multiple_of3A_1033] : memref<64x1000000xf32, #tpu.memory_space<hbm>> -> memref<64x128xf32, #tpu.memory_space<hbm>>
          %dma_start3A_1041 = arith.constant 0 : i32
          %dma_start3A_1042 = arith.constant 0 : i32
          %dma_start3A_1043 = tpu.memref_slice %arg10[%dma_start3A_1034, %dma_start3A_1041, %dma_start3A_1042] : memref<4x64x128xf32, #tpu.memory_space<vmem>> -> memref<1x64x128xf32, #tpu.memory_space<vmem>>
          %dma_start3A_1044 = tpu.memref_squeeze %dma_start3A_1043 : memref<1x64x128xf32, #tpu.memory_space<vmem>> -> memref<64x128xf32, #tpu.memory_space<vmem>>
          %dma_start3A_1045 = arith.constant 0 : i32
          %dma_start3A_1046 = tpu.memref_slice %arg2[%dma_start3A_1045, %multiple_of3A_1033] : memref<64x1000000xf32, #tpu.memory_space<hbm>> -> memref<64x128xf32, #tpu.memory_space<hbm>>
          tpu.enqueue_dma source(%dma_start3A_1046 : memref<64x128xf32, #tpu.memory_space<hbm>>) target(%dma_start3A_1044 : memref<64x128xf32, #tpu.memory_space<vmem>>) target_semaphore(%arg15 : memref<!tpu.dma_semaphore, #tpu.memory_space<semaphore_mem>>)
        } else {
        }
        %and3A_995 = arith.constant 3 : i32
        %and3A_996 = arith.andi %select_n3A_458, %and3A_995 : i32
        %eq3A_997 = arith.constant 1 : i32
        %eq3A_998 = arith.cmpi eq, %and3A_996, %eq3A_997 : i32
        %convert_element_type3A_999 = arith.extui %eq3A_998 : i1 to i32
        %cond3A_1000 = arith.constant 0 : i32
        %cond3A_1001 = arith.cmpi ne, %convert_element_type3A_999, %cond3A_1000 : i32
        scf.if %cond3A_1001 {
          %dma_wait3A_1016 = arith.constant 1 : i32
          %dma_wait3A_1017 = arith.constant 0 : i32
          %dma_wait3A_1018 = arith.constant 0 : i32
          %dma_wait3A_1019 = tpu.memref_slice %arg10[%dma_wait3A_1016, %dma_wait3A_1017, %dma_wait3A_1018] : memref<4x64x128xf32, #tpu.memory_space<vmem>> -> memref<1x64x128xf32, #tpu.memory_space<vmem>>
          %dma_wait3A_1020 = tpu.memref_squeeze %dma_wait3A_1019 : memref<1x64x128xf32, #tpu.memory_space<vmem>> -> memref<64x128xf32, #tpu.memory_space<vmem>>
          %dma_wait3A_1021 = arith.constant 0 : i32
          %dma_wait3A_1022 = arith.constant 0 : i32
          %dma_wait3A_1023 = tpu.memref_slice %arg2[%dma_wait3A_1021, %dma_wait3A_1022] : memref<64x1000000xf32, #tpu.memory_space<hbm>> -> memref<64x128xf32, #tpu.memory_space<hbm>>
          %dma_wait3A_1024 = arith.constant 0 : i32
          %dma_wait3A_1025 = arith.constant 0 : i32
          %dma_wait3A_1026 = tpu.memref_slice %arg10[%dma_wait3A_1016, %dma_wait3A_1024, %dma_wait3A_1025] : memref<4x64x128xf32, #tpu.memory_space<vmem>> -> memref<1x64x128xf32, #tpu.memory_space<vmem>>
          %dma_wait3A_1027 = tpu.memref_squeeze %dma_wait3A_1026 : memref<1x64x128xf32, #tpu.memory_space<vmem>> -> memref<64x128xf32, #tpu.memory_space<vmem>>
          %dma_wait3A_1028 = arith.constant 0 : i32
          %dma_wait3A_1029 = arith.constant 0 : i32
          %dma_wait3A_1030 = tpu.memref_slice %arg2[%dma_wait3A_1028, %dma_wait3A_1029] : memref<64x1000000xf32, #tpu.memory_space<hbm>> -> memref<64x128xf32, #tpu.memory_space<hbm>>
          tpu.wait_dma2 semaphore(%arg13 : memref<!tpu.dma_semaphore, #tpu.memory_space<semaphore_mem>>) src(%dma_wait3A_1030 : memref<64x128xf32, #tpu.memory_space<hbm>>) dst(%dma_wait3A_1027 : memref<64x128xf32, #tpu.memory_space<vmem>>)
          %mul3A_1031 = arith.constant 128 : i32
          %mul3A_1032 = arith.muli %reduce_sum3A_987, %mul3A_1031 : i32
          %multiple_of3A_1033 = tpu.assume_multiple %mul3A_1032, 128 : i32
          %dma_start3A_1034 = arith.constant 0 : i32
          %dma_start3A_1035 = arith.constant 0 : i32
          %dma_start3A_1036 = arith.constant 0 : i32
          %dma_start3A_1037 = tpu.memref_slice %arg10[%dma_start3A_1034, %dma_start3A_1035, %dma_start3A_1036] : memref<4x64x128xf32, #tpu.memory_space<vmem>> -> memref<1x64x128xf32, #tpu.memory_space<vmem>>
          %dma_start3A_1038 = tpu.memref_squeeze %dma_start3A_1037 : memref<1x64x128xf32, #tpu.memory_space<vmem>> -> memref<64x128xf32, #tpu.memory_space<vmem>>
          %dma_start3A_1039 = arith.constant 0 : i32
          %dma_start3A_1040 = tpu.memref_slice %arg2[%dma_start3A_1039, %multiple_of3A_1033] : memref<64x1000000xf32, #tpu.memory_space<hbm>> -> memref<64x128xf32, #tpu.memory_space<hbm>>
          %dma_start3A_1041 = arith.constant 0 : i32
          %dma_start3A_1042 = arith.constant 0 : i32
          %dma_start3A_1043 = tpu.memref_slice %arg10[%dma_start3A_1034, %dma_start3A_1041, %dma_start3A_1042] : memref<4x64x128xf32, #tpu.memory_space<vmem>> -> memref<1x64x128xf32, #tpu.memory_space<vmem>>
          %dma_start3A_1044 = tpu.memref_squeeze %dma_start3A_1043 : memref<1x64x128xf32, #tpu.memory_space<vmem>> -> memref<64x128xf32, #tpu.memory_space<vmem>>
          %dma_start3A_1045 = arith.constant 0 : i32
          %dma_start3A_1046 = tpu.memref_slice %arg2[%dma_start3A_1045, %multiple_of3A_1033] : memref<64x1000000xf32, #tpu.memory_space<hbm>> -> memref<64x128xf32, #tpu.memory_space<hbm>>
          tpu.enqueue_dma source(%dma_start3A_1046 : memref<64x128xf32, #tpu.memory_space<hbm>>) target(%dma_start3A_1044 : memref<64x128xf32, #tpu.memory_space<vmem>>) target_semaphore(%arg12 : memref<!tpu.dma_semaphore, #tpu.memory_space<semaphore_mem>>)
        } else {
        }
        %and3A_1002 = arith.constant 3 : i32
        %and3A_1003 = arith.andi %select_n3A_458, %and3A_1002 : i32
        %eq3A_1004 = arith.constant 2 : i32
        %eq3A_1005 = arith.cmpi eq, %and3A_1003, %eq3A_1004 : i32
        %convert_element_type3A_1006 = arith.extui %eq3A_1005 : i1 to i32
        %cond3A_1007 = arith.constant 0 : i32
        %cond3A_1008 = arith.cmpi ne, %convert_element_type3A_1006, %cond3A_1007 : i32
        scf.if %cond3A_1008 {
          %dma_wait3A_1016 = arith.constant 2 : i32
          %dma_wait3A_1017 = arith.constant 0 : i32
          %dma_wait3A_1018 = arith.constant 0 : i32
          %dma_wait3A_1019 = tpu.memref_slice %arg10[%dma_wait3A_1016, %dma_wait3A_1017, %dma_wait3A_1018] : memref<4x64x128xf32, #tpu.memory_space<vmem>> -> memref<1x64x128xf32, #tpu.memory_space<vmem>>
          %dma_wait3A_1020 = tpu.memref_squeeze %dma_wait3A_1019 : memref<1x64x128xf32, #tpu.memory_space<vmem>> -> memref<64x128xf32, #tpu.memory_space<vmem>>
          %dma_wait3A_1021 = arith.constant 0 : i32
          %dma_wait3A_1022 = arith.constant 0 : i32
          %dma_wait3A_1023 = tpu.memref_slice %arg2[%dma_wait3A_1021, %dma_wait3A_1022] : memref<64x1000000xf32, #tpu.memory_space<hbm>> -> memref<64x128xf32, #tpu.memory_space<hbm>>
          %dma_wait3A_1024 = arith.constant 0 : i32
          %dma_wait3A_1025 = arith.constant 0 : i32
          %dma_wait3A_1026 = tpu.memref_slice %arg10[%dma_wait3A_1016, %dma_wait3A_1024, %dma_wait3A_1025] : memref<4x64x128xf32, #tpu.memory_space<vmem>> -> memref<1x64x128xf32, #tpu.memory_space<vmem>>
          %dma_wait3A_1027 = tpu.memref_squeeze %dma_wait3A_1026 : memref<1x64x128xf32, #tpu.memory_space<vmem>> -> memref<64x128xf32, #tpu.memory_space<vmem>>
          %dma_wait3A_1028 = arith.constant 0 : i32
          %dma_wait3A_1029 = arith.constant 0 : i32
          %dma_wait3A_1030 = tpu.memref_slice %arg2[%dma_wait3A_1028, %dma_wait3A_1029] : memref<64x1000000xf32, #tpu.memory_space<hbm>> -> memref<64x128xf32, #tpu.memory_space<hbm>>
          tpu.wait_dma2 semaphore(%arg14 : memref<!tpu.dma_semaphore, #tpu.memory_space<semaphore_mem>>) src(%dma_wait3A_1030 : memref<64x128xf32, #tpu.memory_space<hbm>>) dst(%dma_wait3A_1027 : memref<64x128xf32, #tpu.memory_space<vmem>>)
          %mul3A_1031 = arith.constant 128 : i32
          %mul3A_1032 = arith.muli %reduce_sum3A_987, %mul3A_1031 : i32
          %multiple_of3A_1033 = tpu.assume_multiple %mul3A_1032, 128 : i32
          %dma_start3A_1034 = arith.constant 1 : i32
          %dma_start3A_1035 = arith.constant 0 : i32
          %dma_start3A_1036 = arith.constant 0 : i32
          %dma_start3A_1037 = tpu.memref_slice %arg10[%dma_start3A_1034, %dma_start3A_1035, %dma_start3A_1036] : memref<4x64x128xf32, #tpu.memory_space<vmem>> -> memref<1x64x128xf32, #tpu.memory_space<vmem>>
          %dma_start3A_1038 = tpu.memref_squeeze %dma_start3A_1037 : memref<1x64x128xf32, #tpu.memory_space<vmem>> -> memref<64x128xf32, #tpu.memory_space<vmem>>
          %dma_start3A_1039 = arith.constant 0 : i32
          %dma_start3A_1040 = tpu.memref_slice %arg2[%dma_start3A_1039, %multiple_of3A_1033] : memref<64x1000000xf32, #tpu.memory_space<hbm>> -> memref<64x128xf32, #tpu.memory_space<hbm>>
          %dma_start3A_1041 = arith.constant 0 : i32
          %dma_start3A_1042 = arith.constant 0 : i32
          %dma_start3A_1043 = tpu.memref_slice %arg10[%dma_start3A_1034, %dma_start3A_1041, %dma_start3A_1042] : memref<4x64x128xf32, #tpu.memory_space<vmem>> -> memref<1x64x128xf32, #tpu.memory_space<vmem>>
          %dma_start3A_1044 = tpu.memref_squeeze %dma_start3A_1043 : memref<1x64x128xf32, #tpu.memory_space<vmem>> -> memref<64x128xf32, #tpu.memory_space<vmem>>
          %dma_start3A_1045 = arith.constant 0 : i32
          %dma_start3A_1046 = tpu.memref_slice %arg2[%dma_start3A_1045, %multiple_of3A_1033] : memref<64x1000000xf32, #tpu.memory_space<hbm>> -> memref<64x128xf32, #tpu.memory_space<hbm>>
          tpu.enqueue_dma source(%dma_start3A_1046 : memref<64x128xf32, #tpu.memory_space<hbm>>) target(%dma_start3A_1044 : memref<64x128xf32, #tpu.memory_space<vmem>>) target_semaphore(%arg13 : memref<!tpu.dma_semaphore, #tpu.memory_space<semaphore_mem>>)
        } else {
        }
        %and3A_1009 = arith.constant 3 : i32
        %and3A_1010 = arith.andi %select_n3A_458, %and3A_1009 : i32
        %eq3A_1011 = arith.constant 3 : i32
        %eq3A_1012 = arith.cmpi eq, %and3A_1010, %eq3A_1011 : i32
        %convert_element_type3A_1013 = arith.extui %eq3A_1012 : i1 to i32
        %cond3A_1014 = arith.constant 0 : i32
        %cond3A_1015 = arith.cmpi ne, %convert_element_type3A_1013, %cond3A_1014 : i32
        scf.if %cond3A_1015 {
          %dma_wait3A_1016 = arith.constant 3 : i32
          %dma_wait3A_1017 = arith.constant 0 : i32
          %dma_wait3A_1018 = arith.constant 0 : i32
          %dma_wait3A_1019 = tpu.memref_slice %arg10[%dma_wait3A_1016, %dma_wait3A_1017, %dma_wait3A_1018] : memref<4x64x128xf32, #tpu.memory_space<vmem>> -> memref<1x64x128xf32, #tpu.memory_space<vmem>>
          %dma_wait3A_1020 = tpu.memref_squeeze %dma_wait3A_1019 : memref<1x64x128xf32, #tpu.memory_space<vmem>> -> memref<64x128xf32, #tpu.memory_space<vmem>>
          %dma_wait3A_1021 = arith.constant 0 : i32
          %dma_wait3A_1022 = arith.constant 0 : i32
          %dma_wait3A_1023 = tpu.memref_slice %arg2[%dma_wait3A_1021, %dma_wait3A_1022] : memref<64x1000000xf32, #tpu.memory_space<hbm>> -> memref<64x128xf32, #tpu.memory_space<hbm>>
          %dma_wait3A_1024 = arith.constant 0 : i32
          %dma_wait3A_1025 = arith.constant 0 : i32
          %dma_wait3A_1026 = tpu.memref_slice %arg10[%dma_wait3A_1016, %dma_wait3A_1024, %dma_wait3A_1025] : memref<4x64x128xf32, #tpu.memory_space<vmem>> -> memref<1x64x128xf32, #tpu.memory_space<vmem>>
          %dma_wait3A_1027 = tpu.memref_squeeze %dma_wait3A_1026 : memref<1x64x128xf32, #tpu.memory_space<vmem>> -> memref<64x128xf32, #tpu.memory_space<vmem>>
          %dma_wait3A_1028 = arith.constant 0 : i32
          %dma_wait3A_1029 = arith.constant 0 : i32
          %dma_wait3A_1030 = tpu.memref_slice %arg2[%dma_wait3A_1028, %dma_wait3A_1029] : memref<64x1000000xf32, #tpu.memory_space<hbm>> -> memref<64x128xf32, #tpu.memory_space<hbm>>
          tpu.wait_dma2 semaphore(%arg15 : memref<!tpu.dma_semaphore, #tpu.memory_space<semaphore_mem>>) src(%dma_wait3A_1030 : memref<64x128xf32, #tpu.memory_space<hbm>>) dst(%dma_wait3A_1027 : memref<64x128xf32, #tpu.memory_space<vmem>>)
          %mul3A_1031 = arith.constant 128 : i32
          %mul3A_1032 = arith.muli %reduce_sum3A_987, %mul3A_1031 : i32
          %multiple_of3A_1033 = tpu.assume_multiple %mul3A_1032, 128 : i32
          %dma_start3A_1034 = arith.constant 2 : i32
          %dma_start3A_1035 = arith.constant 0 : i32
          %dma_start3A_1036 = arith.constant 0 : i32
          %dma_start3A_1037 = tpu.memref_slice %arg10[%dma_start3A_1034, %dma_start3A_1035, %dma_start3A_1036] : memref<4x64x128xf32, #tpu.memory_space<vmem>> -> memref<1x64x128xf32, #tpu.memory_space<vmem>>
          %dma_start3A_1038 = tpu.memref_squeeze %dma_start3A_1037 : memref<1x64x128xf32, #tpu.memory_space<vmem>> -> memref<64x128xf32, #tpu.memory_space<vmem>>
          %dma_start3A_1039 = arith.constant 0 : i32
          %dma_start3A_1040 = tpu.memref_slice %arg2[%dma_start3A_1039, %multiple_of3A_1033] : memref<64x1000000xf32, #tpu.memory_space<hbm>> -> memref<64x128xf32, #tpu.memory_space<hbm>>
          %dma_start3A_1041 = arith.constant 0 : i32
          %dma_start3A_1042 = arith.constant 0 : i32
          %dma_start3A_1043 = tpu.memref_slice %arg10[%dma_start3A_1034, %dma_start3A_1041, %dma_start3A_1042] : memref<4x64x128xf32, #tpu.memory_space<vmem>> -> memref<1x64x128xf32, #tpu.memory_space<vmem>>
          %dma_start3A_1044 = tpu.memref_squeeze %dma_start3A_1043 : memref<1x64x128xf32, #tpu.memory_space<vmem>> -> memref<64x128xf32, #tpu.memory_space<vmem>>
          %dma_start3A_1045 = arith.constant 0 : i32
          %dma_start3A_1046 = tpu.memref_slice %arg2[%dma_start3A_1045, %multiple_of3A_1033] : memref<64x1000000xf32, #tpu.memory_space<hbm>> -> memref<64x128xf32, #tpu.memory_space<hbm>>
          tpu.enqueue_dma source(%dma_start3A_1046 : memref<64x128xf32, #tpu.memory_space<hbm>>) target(%dma_start3A_1044 : memref<64x128xf32, #tpu.memory_space<vmem>>) target_semaphore(%arg14 : memref<!tpu.dma_semaphore, #tpu.memory_space<semaphore_mem>>)
        } else {
        }
      } else {
      }
      %select_n3A_507 = arith.select %ne3A_503, %shift_right_arithmetic3A_500, %select_n3A_455 : i32
      %add3A_508 = arith.constant 1 : i32
      %add3A_509 = arith.addi %select_n3A_458, %add3A_508 : i32
      %select_n3A_510 = arith.select %ne3A_503, %add3A_509, %select_n3A_458 : i32
      %broadcast_in_dim3A_511 = vector.broadcast %and3A_502 : i32 to vector<16xi32>
      %sub3A_512 = arith.constant 1 : i32
      %sub3A_513 = arith.subi %select_n3A_510, %sub3A_512 : i32
      %and3A_514 = arith.constant 3 : i32
      %and3A_515 = arith.andi %sub3A_513, %and3A_514 : i32
      %broadcast_in_dim3A_516 = vector.broadcast %and3A_515 : i32 to vector<16xi32>
      %gather3A_517 = tpu.vector_load_idx %arg10[%broadcast_in_dim3A_516, %add3A_21, %broadcast_in_dim3A_511] : memref<4x64x128xf32, #tpu.memory_space<vmem>>[vector<16xi32>, vector<16xi32>, vector<16xi32>], vector<16xf32>,
      %swap3A_518 = arith.constant 7 : i32
      %swap3A_519 = arith.index_cast %swap3A_518 : i32 to index
      %swap3A_520 = arith.constant 0 : index
      %swap3A_521 = tpu.vector_load %arg11[%swap3A_519, %swap3A_520] {strides = array<i32>} : memref<16x64xf32, #tpu.memory_space<vmem>>, vector<16xf32>,
      tpu.vector_store %arg11[%swap3A_519, %swap3A_520], %gather3A_517 {strides = array<i32>} : memref<16x64xf32, #tpu.memory_space<vmem>>, vector<16xf32>,
      %gather3A_522 = tpu.vector_load_idx %arg10[%broadcast_in_dim3A_516, %add3A_25, %broadcast_in_dim3A_511] : memref<4x64x128xf32, #tpu.memory_space<vmem>>[vector<16xi32>, vector<16xi32>, vector<16xi32>], vector<16xf32>,
      %swap3A_523 = arith.constant 7 : i32
      %swap3A_524 = arith.index_cast %swap3A_523 : i32 to index
      %swap3A_525 = arith.constant 16 : index
      %swap3A_526 = tpu.vector_load %arg11[%swap3A_524, %swap3A_525] {strides = array<i32>} : memref<16x64xf32, #tpu.memory_space<vmem>>, vector<16xf32>,
      tpu.vector_store %arg11[%swap3A_524, %swap3A_525], %gather3A_522 {strides = array<i32>} : memref<16x64xf32, #tpu.memory_space<vmem>>, vector<16xf32>,
      %gather3A_527 = tpu.vector_load_idx %arg10[%broadcast_in_dim3A_516, %add3A_29, %broadcast_in_dim3A_511] : memref<4x64x128xf32, #tpu.memory_space<vmem>>[vector<16xi32>, vector<16xi32>, vector<16xi32>], vector<16xf32>,
      %swap3A_528 = arith.constant 7 : i32
      %swap3A_529 = arith.index_cast %swap3A_528 : i32 to index
      %swap3A_530 = arith.constant 32 : index
      %swap3A_531 = tpu.vector_load %arg11[%swap3A_529, %swap3A_530] {strides = array<i32>} : memref<16x64xf32, #tpu.memory_space<vmem>>, vector<16xf32>,
      tpu.vector_store %arg11[%swap3A_529, %swap3A_530], %gather3A_527 {strides = array<i32>} : memref<16x64xf32, #tpu.memory_space<vmem>>, vector<16xf32>,
      %gather3A_532 = tpu.vector_load_idx %arg10[%broadcast_in_dim3A_516, %add3A_33, %broadcast_in_dim3A_511] : memref<4x64x128xf32, #tpu.memory_space<vmem>>[vector<16xi32>, vector<16xi32>, vector<16xi32>], vector<16xf32>,
      %swap3A_533 = arith.constant 7 : i32
      %swap3A_534 = arith.index_cast %swap3A_533 : i32 to index
      %swap3A_535 = arith.constant 48 : index
      %swap3A_536 = tpu.vector_load %arg11[%swap3A_534, %swap3A_535] {strides = array<i32>} : memref<16x64xf32, #tpu.memory_space<vmem>>, vector<16xf32>,
      tpu.vector_store %arg11[%swap3A_534, %swap3A_535], %gather3A_532 {strides = array<i32>} : memref<16x64xf32, #tpu.memory_space<vmem>>, vector<16xf32>,
      %dma_start3A_537 = arith.constant 7 : i32
      %dma_start3A_538 = arith.constant 0 : i32
      %dma_start3A_539 = tpu.memref_slice %arg11[%dma_start3A_537, %dma_start3A_538] : memref<16x64xf32, #tpu.memory_space<vmem>> -> memref<1x64xf32, #tpu.memory_space<vmem>>
      %dma_start3A_540 = arith.constant 0 : i32
      %dma_start3A_541 = tpu.memref_slice %arg6[%squeeze3A_498, %dma_start3A_540] : memref<16384x64xf32, #tpu.memory_space<hbm>> -> memref<1x64xf32, #tpu.memory_space<hbm>>
      %dma_start3A_542 = arith.constant 0 : i32
      %dma_start3A_543 = tpu.memref_slice %arg6[%squeeze3A_498, %dma_start3A_542] : memref<16384x64xf32, #tpu.memory_space<hbm>> -> memref<1x64xf32, #tpu.memory_space<hbm>>
      %dma_start3A_544 = arith.constant 7 : i32
      %dma_start3A_545 = arith.constant 0 : i32
      %dma_start3A_546 = tpu.memref_slice %arg11[%dma_start3A_544, %dma_start3A_545] : memref<16x64xf32, #tpu.memory_space<vmem>> -> memref<1x64xf32, #tpu.memory_space<vmem>>
      tpu.enqueue_dma source(%dma_start3A_546 : memref<1x64xf32, #tpu.memory_space<vmem>>) target(%dma_start3A_543 : memref<1x64xf32, #tpu.memory_space<hbm>>) target_semaphore(%arg16 : memref<!tpu.dma_semaphore, #tpu.memory_space<semaphore_mem>>)
      %slice3A_547 = vector.extract_strided_slice %get3A_131 {offsets = [8], sizes = [1], strides = [1]} : vector<16xi32> to vector<1xi32>
      %squeeze3A_548 = vector.extract %slice3A_547[0] : i32 from vector<1xi32>
      %slice3A_549 = vector.extract_strided_slice %get3A_135 {offsets = [8], sizes = [1], strides = [1]} : vector<16xi32> to vector<1xi32>
      %squeeze3A_550 = vector.extract %slice3A_549[0] : i32 from vector<1xi32>
      %shift_right_arithmetic3A_551 = arith.constant 7 : i32
      %shift_right_arithmetic3A_552 = arith.shrsi %squeeze3A_548, %shift_right_arithmetic3A_551 : i32
      %and3A_553 = arith.constant 127 : i32
      %and3A_554 = arith.andi %squeeze3A_548, %and3A_553 : i32
      %ne3A_555 = arith.cmpi ne, %shift_right_arithmetic3A_552, %select_n3A_507 : i32
      %convert_element_type3A_556 = arith.extui %ne3A_555 : i1 to i32
      %cond3A_557 = arith.constant 0 : i32
      %cond3A_558 = arith.cmpi ne, %convert_element_type3A_556, %cond3A_557 : i32
      scf.if %cond3A_558 {
        %add3A_969 = arith.constant 4 : i32
        %add3A_970 = arith.addi %select_n3A_510, %add3A_969 : i32
        %sub3A_971 = arith.constant 1 : i32
        %sub3A_972 = arith.subi %add3A_970, %sub3A_971 : i32
        %min3A = arith.constant 511 : i32
        %min3A_973 = arith.minsi %sub3A_972, %min3A : i32
        %shift_right_arithmetic3A_974 = arith.constant 4 : i32
        %shift_right_arithmetic3A_975 = arith.shrsi %min3A_973, %shift_right_arithmetic3A_974 : i32
        %shift_left3A = arith.constant 4 : i32
        %shift_left3A_976 = arith.shli %shift_right_arithmetic3A_975, %shift_left3A : i32
        %multiple_of3A_977 = tpu.assume_multiple %shift_left3A_976, 16 : i32
        %get3A_978 = arith.index_cast %multiple_of3A_977 : i32 to index
        %get3A_979 = tpu.vector_load %arg9[%get3A_978] {strides = array<i32>} : memref<512xi32, #tpu.memory_space<vmem>>, vector<16xi32>,
        %and3A_980 = arith.constant 15 : i32
        %and3A_981 = arith.andi %min3A_973, %and3A_980 : i32
        %eq3A = vector.broadcast %and3A_981 : i32 to vector<16xi32>
        %eq3A_982 = arith.cmpi eq, %iota3A_34, %eq3A : vector<16xi32>
        %jit3A = arith.constant 0 : i32
        %broadcast_in_dim3A_983 = vector.broadcast %jit3A : i32 to vector<16xi32>
        %select_n3A_984 = arith.select %eq3A_982, %get3A_979, %broadcast_in_dim3A_983 : vector<16xi1>, vector<16xi32>
        %reduce_sum3A = arith.constant true
        %reduce_sum3A_985 = vector.broadcast %reduce_sum3A : i1 to vector<16xi1>
        %reduce_sum3A_986 = tpu.scan <sum>, %select_n3A_984 masked %reduce_sum3A_985 : vector<16xi32>, vector<16xi1> -> vector<16xi32>
        %reduce_sum3A_987 = vector.extract %reduce_sum3A_986[15] : i32 from vector<16xi32>
        %and3A_988 = arith.constant 3 : i32
        %and3A_989 = arith.andi %select_n3A_510, %and3A_988 : i32
        %eq3A_990 = arith.constant 0 : i32
        %eq3A_991 = arith.cmpi eq, %and3A_989, %eq3A_990 : i32
        %convert_element_type3A_992 = arith.extui %eq3A_991 : i1 to i32
        %cond3A_993 = arith.constant 0 : i32
        %cond3A_994 = arith.cmpi ne, %convert_element_type3A_992, %cond3A_993 : i32
        scf.if %cond3A_994 {
          %dma_wait3A_1016 = arith.constant 0 : i32
          %dma_wait3A_1017 = arith.constant 0 : i32
          %dma_wait3A_1018 = arith.constant 0 : i32
          %dma_wait3A_1019 = tpu.memref_slice %arg10[%dma_wait3A_1016, %dma_wait3A_1017, %dma_wait3A_1018] : memref<4x64x128xf32, #tpu.memory_space<vmem>> -> memref<1x64x128xf32, #tpu.memory_space<vmem>>
          %dma_wait3A_1020 = tpu.memref_squeeze %dma_wait3A_1019 : memref<1x64x128xf32, #tpu.memory_space<vmem>> -> memref<64x128xf32, #tpu.memory_space<vmem>>
          %dma_wait3A_1021 = arith.constant 0 : i32
          %dma_wait3A_1022 = arith.constant 0 : i32
          %dma_wait3A_1023 = tpu.memref_slice %arg2[%dma_wait3A_1021, %dma_wait3A_1022] : memref<64x1000000xf32, #tpu.memory_space<hbm>> -> memref<64x128xf32, #tpu.memory_space<hbm>>
          %dma_wait3A_1024 = arith.constant 0 : i32
          %dma_wait3A_1025 = arith.constant 0 : i32
          %dma_wait3A_1026 = tpu.memref_slice %arg10[%dma_wait3A_1016, %dma_wait3A_1024, %dma_wait3A_1025] : memref<4x64x128xf32, #tpu.memory_space<vmem>> -> memref<1x64x128xf32, #tpu.memory_space<vmem>>
          %dma_wait3A_1027 = tpu.memref_squeeze %dma_wait3A_1026 : memref<1x64x128xf32, #tpu.memory_space<vmem>> -> memref<64x128xf32, #tpu.memory_space<vmem>>
          %dma_wait3A_1028 = arith.constant 0 : i32
          %dma_wait3A_1029 = arith.constant 0 : i32
          %dma_wait3A_1030 = tpu.memref_slice %arg2[%dma_wait3A_1028, %dma_wait3A_1029] : memref<64x1000000xf32, #tpu.memory_space<hbm>> -> memref<64x128xf32, #tpu.memory_space<hbm>>
          tpu.wait_dma2 semaphore(%arg12 : memref<!tpu.dma_semaphore, #tpu.memory_space<semaphore_mem>>) src(%dma_wait3A_1030 : memref<64x128xf32, #tpu.memory_space<hbm>>) dst(%dma_wait3A_1027 : memref<64x128xf32, #tpu.memory_space<vmem>>)
          %mul3A_1031 = arith.constant 128 : i32
          %mul3A_1032 = arith.muli %reduce_sum3A_987, %mul3A_1031 : i32
          %multiple_of3A_1033 = tpu.assume_multiple %mul3A_1032, 128 : i32
          %dma_start3A_1034 = arith.constant 3 : i32
          %dma_start3A_1035 = arith.constant 0 : i32
          %dma_start3A_1036 = arith.constant 0 : i32
          %dma_start3A_1037 = tpu.memref_slice %arg10[%dma_start3A_1034, %dma_start3A_1035, %dma_start3A_1036] : memref<4x64x128xf32, #tpu.memory_space<vmem>> -> memref<1x64x128xf32, #tpu.memory_space<vmem>>
          %dma_start3A_1038 = tpu.memref_squeeze %dma_start3A_1037 : memref<1x64x128xf32, #tpu.memory_space<vmem>> -> memref<64x128xf32, #tpu.memory_space<vmem>>
          %dma_start3A_1039 = arith.constant 0 : i32
          %dma_start3A_1040 = tpu.memref_slice %arg2[%dma_start3A_1039, %multiple_of3A_1033] : memref<64x1000000xf32, #tpu.memory_space<hbm>> -> memref<64x128xf32, #tpu.memory_space<hbm>>
          %dma_start3A_1041 = arith.constant 0 : i32
          %dma_start3A_1042 = arith.constant 0 : i32
          %dma_start3A_1043 = tpu.memref_slice %arg10[%dma_start3A_1034, %dma_start3A_1041, %dma_start3A_1042] : memref<4x64x128xf32, #tpu.memory_space<vmem>> -> memref<1x64x128xf32, #tpu.memory_space<vmem>>
          %dma_start3A_1044 = tpu.memref_squeeze %dma_start3A_1043 : memref<1x64x128xf32, #tpu.memory_space<vmem>> -> memref<64x128xf32, #tpu.memory_space<vmem>>
          %dma_start3A_1045 = arith.constant 0 : i32
          %dma_start3A_1046 = tpu.memref_slice %arg2[%dma_start3A_1045, %multiple_of3A_1033] : memref<64x1000000xf32, #tpu.memory_space<hbm>> -> memref<64x128xf32, #tpu.memory_space<hbm>>
          tpu.enqueue_dma source(%dma_start3A_1046 : memref<64x128xf32, #tpu.memory_space<hbm>>) target(%dma_start3A_1044 : memref<64x128xf32, #tpu.memory_space<vmem>>) target_semaphore(%arg15 : memref<!tpu.dma_semaphore, #tpu.memory_space<semaphore_mem>>)
        } else {
        }
        %and3A_995 = arith.constant 3 : i32
        %and3A_996 = arith.andi %select_n3A_510, %and3A_995 : i32
        %eq3A_997 = arith.constant 1 : i32
        %eq3A_998 = arith.cmpi eq, %and3A_996, %eq3A_997 : i32
        %convert_element_type3A_999 = arith.extui %eq3A_998 : i1 to i32
        %cond3A_1000 = arith.constant 0 : i32
        %cond3A_1001 = arith.cmpi ne, %convert_element_type3A_999, %cond3A_1000 : i32
        scf.if %cond3A_1001 {
          %dma_wait3A_1016 = arith.constant 1 : i32
          %dma_wait3A_1017 = arith.constant 0 : i32
          %dma_wait3A_1018 = arith.constant 0 : i32
          %dma_wait3A_1019 = tpu.memref_slice %arg10[%dma_wait3A_1016, %dma_wait3A_1017, %dma_wait3A_1018] : memref<4x64x128xf32, #tpu.memory_space<vmem>> -> memref<1x64x128xf32, #tpu.memory_space<vmem>>
          %dma_wait3A_1020 = tpu.memref_squeeze %dma_wait3A_1019 : memref<1x64x128xf32, #tpu.memory_space<vmem>> -> memref<64x128xf32, #tpu.memory_space<vmem>>
          %dma_wait3A_1021 = arith.constant 0 : i32
          %dma_wait3A_1022 = arith.constant 0 : i32
          %dma_wait3A_1023 = tpu.memref_slice %arg2[%dma_wait3A_1021, %dma_wait3A_1022] : memref<64x1000000xf32, #tpu.memory_space<hbm>> -> memref<64x128xf32, #tpu.memory_space<hbm>>
          %dma_wait3A_1024 = arith.constant 0 : i32
          %dma_wait3A_1025 = arith.constant 0 : i32
          %dma_wait3A_1026 = tpu.memref_slice %arg10[%dma_wait3A_1016, %dma_wait3A_1024, %dma_wait3A_1025] : memref<4x64x128xf32, #tpu.memory_space<vmem>> -> memref<1x64x128xf32, #tpu.memory_space<vmem>>
          %dma_wait3A_1027 = tpu.memref_squeeze %dma_wait3A_1026 : memref<1x64x128xf32, #tpu.memory_space<vmem>> -> memref<64x128xf32, #tpu.memory_space<vmem>>
          %dma_wait3A_1028 = arith.constant 0 : i32
          %dma_wait3A_1029 = arith.constant 0 : i32
          %dma_wait3A_1030 = tpu.memref_slice %arg2[%dma_wait3A_1028, %dma_wait3A_1029] : memref<64x1000000xf32, #tpu.memory_space<hbm>> -> memref<64x128xf32, #tpu.memory_space<hbm>>
          tpu.wait_dma2 semaphore(%arg13 : memref<!tpu.dma_semaphore, #tpu.memory_space<semaphore_mem>>) src(%dma_wait3A_1030 : memref<64x128xf32, #tpu.memory_space<hbm>>) dst(%dma_wait3A_1027 : memref<64x128xf32, #tpu.memory_space<vmem>>)
          %mul3A_1031 = arith.constant 128 : i32
          %mul3A_1032 = arith.muli %reduce_sum3A_987, %mul3A_1031 : i32
          %multiple_of3A_1033 = tpu.assume_multiple %mul3A_1032, 128 : i32
          %dma_start3A_1034 = arith.constant 0 : i32
          %dma_start3A_1035 = arith.constant 0 : i32
          %dma_start3A_1036 = arith.constant 0 : i32
          %dma_start3A_1037 = tpu.memref_slice %arg10[%dma_start3A_1034, %dma_start3A_1035, %dma_start3A_1036] : memref<4x64x128xf32, #tpu.memory_space<vmem>> -> memref<1x64x128xf32, #tpu.memory_space<vmem>>
          %dma_start3A_1038 = tpu.memref_squeeze %dma_start3A_1037 : memref<1x64x128xf32, #tpu.memory_space<vmem>> -> memref<64x128xf32, #tpu.memory_space<vmem>>
          %dma_start3A_1039 = arith.constant 0 : i32
          %dma_start3A_1040 = tpu.memref_slice %arg2[%dma_start3A_1039, %multiple_of3A_1033] : memref<64x1000000xf32, #tpu.memory_space<hbm>> -> memref<64x128xf32, #tpu.memory_space<hbm>>
          %dma_start3A_1041 = arith.constant 0 : i32
          %dma_start3A_1042 = arith.constant 0 : i32
          %dma_start3A_1043 = tpu.memref_slice %arg10[%dma_start3A_1034, %dma_start3A_1041, %dma_start3A_1042] : memref<4x64x128xf32, #tpu.memory_space<vmem>> -> memref<1x64x128xf32, #tpu.memory_space<vmem>>
          %dma_start3A_1044 = tpu.memref_squeeze %dma_start3A_1043 : memref<1x64x128xf32, #tpu.memory_space<vmem>> -> memref<64x128xf32, #tpu.memory_space<vmem>>
          %dma_start3A_1045 = arith.constant 0 : i32
          %dma_start3A_1046 = tpu.memref_slice %arg2[%dma_start3A_1045, %multiple_of3A_1033] : memref<64x1000000xf32, #tpu.memory_space<hbm>> -> memref<64x128xf32, #tpu.memory_space<hbm>>
          tpu.enqueue_dma source(%dma_start3A_1046 : memref<64x128xf32, #tpu.memory_space<hbm>>) target(%dma_start3A_1044 : memref<64x128xf32, #tpu.memory_space<vmem>>) target_semaphore(%arg12 : memref<!tpu.dma_semaphore, #tpu.memory_space<semaphore_mem>>)
        } else {
        }
        %and3A_1002 = arith.constant 3 : i32
        %and3A_1003 = arith.andi %select_n3A_510, %and3A_1002 : i32
        %eq3A_1004 = arith.constant 2 : i32
        %eq3A_1005 = arith.cmpi eq, %and3A_1003, %eq3A_1004 : i32
        %convert_element_type3A_1006 = arith.extui %eq3A_1005 : i1 to i32
        %cond3A_1007 = arith.constant 0 : i32
        %cond3A_1008 = arith.cmpi ne, %convert_element_type3A_1006, %cond3A_1007 : i32
        scf.if %cond3A_1008 {
          %dma_wait3A_1016 = arith.constant 2 : i32
          %dma_wait3A_1017 = arith.constant 0 : i32
          %dma_wait3A_1018 = arith.constant 0 : i32
          %dma_wait3A_1019 = tpu.memref_slice %arg10[%dma_wait3A_1016, %dma_wait3A_1017, %dma_wait3A_1018] : memref<4x64x128xf32, #tpu.memory_space<vmem>> -> memref<1x64x128xf32, #tpu.memory_space<vmem>>
          %dma_wait3A_1020 = tpu.memref_squeeze %dma_wait3A_1019 : memref<1x64x128xf32, #tpu.memory_space<vmem>> -> memref<64x128xf32, #tpu.memory_space<vmem>>
          %dma_wait3A_1021 = arith.constant 0 : i32
          %dma_wait3A_1022 = arith.constant 0 : i32
          %dma_wait3A_1023 = tpu.memref_slice %arg2[%dma_wait3A_1021, %dma_wait3A_1022] : memref<64x1000000xf32, #tpu.memory_space<hbm>> -> memref<64x128xf32, #tpu.memory_space<hbm>>
          %dma_wait3A_1024 = arith.constant 0 : i32
          %dma_wait3A_1025 = arith.constant 0 : i32
          %dma_wait3A_1026 = tpu.memref_slice %arg10[%dma_wait3A_1016, %dma_wait3A_1024, %dma_wait3A_1025] : memref<4x64x128xf32, #tpu.memory_space<vmem>> -> memref<1x64x128xf32, #tpu.memory_space<vmem>>
          %dma_wait3A_1027 = tpu.memref_squeeze %dma_wait3A_1026 : memref<1x64x128xf32, #tpu.memory_space<vmem>> -> memref<64x128xf32, #tpu.memory_space<vmem>>
          %dma_wait3A_1028 = arith.constant 0 : i32
          %dma_wait3A_1029 = arith.constant 0 : i32
          %dma_wait3A_1030 = tpu.memref_slice %arg2[%dma_wait3A_1028, %dma_wait3A_1029] : memref<64x1000000xf32, #tpu.memory_space<hbm>> -> memref<64x128xf32, #tpu.memory_space<hbm>>
          tpu.wait_dma2 semaphore(%arg14 : memref<!tpu.dma_semaphore, #tpu.memory_space<semaphore_mem>>) src(%dma_wait3A_1030 : memref<64x128xf32, #tpu.memory_space<hbm>>) dst(%dma_wait3A_1027 : memref<64x128xf32, #tpu.memory_space<vmem>>)
          %mul3A_1031 = arith.constant 128 : i32
          %mul3A_1032 = arith.muli %reduce_sum3A_987, %mul3A_1031 : i32
          %multiple_of3A_1033 = tpu.assume_multiple %mul3A_1032, 128 : i32
          %dma_start3A_1034 = arith.constant 1 : i32
          %dma_start3A_1035 = arith.constant 0 : i32
          %dma_start3A_1036 = arith.constant 0 : i32
          %dma_start3A_1037 = tpu.memref_slice %arg10[%dma_start3A_1034, %dma_start3A_1035, %dma_start3A_1036] : memref<4x64x128xf32, #tpu.memory_space<vmem>> -> memref<1x64x128xf32, #tpu.memory_space<vmem>>
          %dma_start3A_1038 = tpu.memref_squeeze %dma_start3A_1037 : memref<1x64x128xf32, #tpu.memory_space<vmem>> -> memref<64x128xf32, #tpu.memory_space<vmem>>
          %dma_start3A_1039 = arith.constant 0 : i32
          %dma_start3A_1040 = tpu.memref_slice %arg2[%dma_start3A_1039, %multiple_of3A_1033] : memref<64x1000000xf32, #tpu.memory_space<hbm>> -> memref<64x128xf32, #tpu.memory_space<hbm>>
          %dma_start3A_1041 = arith.constant 0 : i32
          %dma_start3A_1042 = arith.constant 0 : i32
          %dma_start3A_1043 = tpu.memref_slice %arg10[%dma_start3A_1034, %dma_start3A_1041, %dma_start3A_1042] : memref<4x64x128xf32, #tpu.memory_space<vmem>> -> memref<1x64x128xf32, #tpu.memory_space<vmem>>
          %dma_start3A_1044 = tpu.memref_squeeze %dma_start3A_1043 : memref<1x64x128xf32, #tpu.memory_space<vmem>> -> memref<64x128xf32, #tpu.memory_space<vmem>>
          %dma_start3A_1045 = arith.constant 0 : i32
          %dma_start3A_1046 = tpu.memref_slice %arg2[%dma_start3A_1045, %multiple_of3A_1033] : memref<64x1000000xf32, #tpu.memory_space<hbm>> -> memref<64x128xf32, #tpu.memory_space<hbm>>
          tpu.enqueue_dma source(%dma_start3A_1046 : memref<64x128xf32, #tpu.memory_space<hbm>>) target(%dma_start3A_1044 : memref<64x128xf32, #tpu.memory_space<vmem>>) target_semaphore(%arg13 : memref<!tpu.dma_semaphore, #tpu.memory_space<semaphore_mem>>)
        } else {
        }
        %and3A_1009 = arith.constant 3 : i32
        %and3A_1010 = arith.andi %select_n3A_510, %and3A_1009 : i32
        %eq3A_1011 = arith.constant 3 : i32
        %eq3A_1012 = arith.cmpi eq, %and3A_1010, %eq3A_1011 : i32
        %convert_element_type3A_1013 = arith.extui %eq3A_1012 : i1 to i32
        %cond3A_1014 = arith.constant 0 : i32
        %cond3A_1015 = arith.cmpi ne, %convert_element_type3A_1013, %cond3A_1014 : i32
        scf.if %cond3A_1015 {
          %dma_wait3A_1016 = arith.constant 3 : i32
          %dma_wait3A_1017 = arith.constant 0 : i32
          %dma_wait3A_1018 = arith.constant 0 : i32
          %dma_wait3A_1019 = tpu.memref_slice %arg10[%dma_wait3A_1016, %dma_wait3A_1017, %dma_wait3A_1018] : memref<4x64x128xf32, #tpu.memory_space<vmem>> -> memref<1x64x128xf32, #tpu.memory_space<vmem>>
          %dma_wait3A_1020 = tpu.memref_squeeze %dma_wait3A_1019 : memref<1x64x128xf32, #tpu.memory_space<vmem>> -> memref<64x128xf32, #tpu.memory_space<vmem>>
          %dma_wait3A_1021 = arith.constant 0 : i32
          %dma_wait3A_1022 = arith.constant 0 : i32
          %dma_wait3A_1023 = tpu.memref_slice %arg2[%dma_wait3A_1021, %dma_wait3A_1022] : memref<64x1000000xf32, #tpu.memory_space<hbm>> -> memref<64x128xf32, #tpu.memory_space<hbm>>
          %dma_wait3A_1024 = arith.constant 0 : i32
          %dma_wait3A_1025 = arith.constant 0 : i32
          %dma_wait3A_1026 = tpu.memref_slice %arg10[%dma_wait3A_1016, %dma_wait3A_1024, %dma_wait3A_1025] : memref<4x64x128xf32, #tpu.memory_space<vmem>> -> memref<1x64x128xf32, #tpu.memory_space<vmem>>
          %dma_wait3A_1027 = tpu.memref_squeeze %dma_wait3A_1026 : memref<1x64x128xf32, #tpu.memory_space<vmem>> -> memref<64x128xf32, #tpu.memory_space<vmem>>
          %dma_wait3A_1028 = arith.constant 0 : i32
          %dma_wait3A_1029 = arith.constant 0 : i32
          %dma_wait3A_1030 = tpu.memref_slice %arg2[%dma_wait3A_1028, %dma_wait3A_1029] : memref<64x1000000xf32, #tpu.memory_space<hbm>> -> memref<64x128xf32, #tpu.memory_space<hbm>>
          tpu.wait_dma2 semaphore(%arg15 : memref<!tpu.dma_semaphore, #tpu.memory_space<semaphore_mem>>) src(%dma_wait3A_1030 : memref<64x128xf32, #tpu.memory_space<hbm>>) dst(%dma_wait3A_1027 : memref<64x128xf32, #tpu.memory_space<vmem>>)
          %mul3A_1031 = arith.constant 128 : i32
          %mul3A_1032 = arith.muli %reduce_sum3A_987, %mul3A_1031 : i32
          %multiple_of3A_1033 = tpu.assume_multiple %mul3A_1032, 128 : i32
          %dma_start3A_1034 = arith.constant 2 : i32
          %dma_start3A_1035 = arith.constant 0 : i32
          %dma_start3A_1036 = arith.constant 0 : i32
          %dma_start3A_1037 = tpu.memref_slice %arg10[%dma_start3A_1034, %dma_start3A_1035, %dma_start3A_1036] : memref<4x64x128xf32, #tpu.memory_space<vmem>> -> memref<1x64x128xf32, #tpu.memory_space<vmem>>
          %dma_start3A_1038 = tpu.memref_squeeze %dma_start3A_1037 : memref<1x64x128xf32, #tpu.memory_space<vmem>> -> memref<64x128xf32, #tpu.memory_space<vmem>>
          %dma_start3A_1039 = arith.constant 0 : i32
          %dma_start3A_1040 = tpu.memref_slice %arg2[%dma_start3A_1039, %multiple_of3A_1033] : memref<64x1000000xf32, #tpu.memory_space<hbm>> -> memref<64x128xf32, #tpu.memory_space<hbm>>
          %dma_start3A_1041 = arith.constant 0 : i32
          %dma_start3A_1042 = arith.constant 0 : i32
          %dma_start3A_1043 = tpu.memref_slice %arg10[%dma_start3A_1034, %dma_start3A_1041, %dma_start3A_1042] : memref<4x64x128xf32, #tpu.memory_space<vmem>> -> memref<1x64x128xf32, #tpu.memory_space<vmem>>
          %dma_start3A_1044 = tpu.memref_squeeze %dma_start3A_1043 : memref<1x64x128xf32, #tpu.memory_space<vmem>> -> memref<64x128xf32, #tpu.memory_space<vmem>>
          %dma_start3A_1045 = arith.constant 0 : i32
          %dma_start3A_1046 = tpu.memref_slice %arg2[%dma_start3A_1045, %multiple_of3A_1033] : memref<64x1000000xf32, #tpu.memory_space<hbm>> -> memref<64x128xf32, #tpu.memory_space<hbm>>
          tpu.enqueue_dma source(%dma_start3A_1046 : memref<64x128xf32, #tpu.memory_space<hbm>>) target(%dma_start3A_1044 : memref<64x128xf32, #tpu.memory_space<vmem>>) target_semaphore(%arg14 : memref<!tpu.dma_semaphore, #tpu.memory_space<semaphore_mem>>)
        } else {
        }
      } else {
      }
      %select_n3A_559 = arith.select %ne3A_555, %shift_right_arithmetic3A_552, %select_n3A_507 : i32
      %add3A_560 = arith.constant 1 : i32
      %add3A_561 = arith.addi %select_n3A_510, %add3A_560 : i32
      %select_n3A_562 = arith.select %ne3A_555, %add3A_561, %select_n3A_510 : i32
      %broadcast_in_dim3A_563 = vector.broadcast %and3A_554 : i32 to vector<16xi32>
      %sub3A_564 = arith.constant 1 : i32
      %sub3A_565 = arith.subi %select_n3A_562, %sub3A_564 : i32
      %and3A_566 = arith.constant 3 : i32
      %and3A_567 = arith.andi %sub3A_565, %and3A_566 : i32
      %broadcast_in_dim3A_568 = vector.broadcast %and3A_567 : i32 to vector<16xi32>
      %gather3A_569 = tpu.vector_load_idx %arg10[%broadcast_in_dim3A_568, %add3A_21, %broadcast_in_dim3A_563] : memref<4x64x128xf32, #tpu.memory_space<vmem>>[vector<16xi32>, vector<16xi32>, vector<16xi32>], vector<16xf32>,
      %swap3A_570 = arith.constant 8 : i32
      %swap3A_571 = arith.index_cast %swap3A_570 : i32 to index
      %swap3A_572 = arith.constant 0 : index
      %swap3A_573 = tpu.vector_load %arg11[%swap3A_571, %swap3A_572] {strides = array<i32>} : memref<16x64xf32, #tpu.memory_space<vmem>>, vector<16xf32>,
      tpu.vector_store %arg11[%swap3A_571, %swap3A_572], %gather3A_569 {strides = array<i32>} : memref<16x64xf32, #tpu.memory_space<vmem>>, vector<16xf32>,
      %gather3A_574 = tpu.vector_load_idx %arg10[%broadcast_in_dim3A_568, %add3A_25, %broadcast_in_dim3A_563] : memref<4x64x128xf32, #tpu.memory_space<vmem>>[vector<16xi32>, vector<16xi32>, vector<16xi32>], vector<16xf32>,
      %swap3A_575 = arith.constant 8 : i32
      %swap3A_576 = arith.index_cast %swap3A_575 : i32 to index
      %swap3A_577 = arith.constant 16 : index
      %swap3A_578 = tpu.vector_load %arg11[%swap3A_576, %swap3A_577] {strides = array<i32>} : memref<16x64xf32, #tpu.memory_space<vmem>>, vector<16xf32>,
      tpu.vector_store %arg11[%swap3A_576, %swap3A_577], %gather3A_574 {strides = array<i32>} : memref<16x64xf32, #tpu.memory_space<vmem>>, vector<16xf32>,
      %gather3A_579 = tpu.vector_load_idx %arg10[%broadcast_in_dim3A_568, %add3A_29, %broadcast_in_dim3A_563] : memref<4x64x128xf32, #tpu.memory_space<vmem>>[vector<16xi32>, vector<16xi32>, vector<16xi32>], vector<16xf32>,
      %swap3A_580 = arith.constant 8 : i32
      %swap3A_581 = arith.index_cast %swap3A_580 : i32 to index
      %swap3A_582 = arith.constant 32 : index
      %swap3A_583 = tpu.vector_load %arg11[%swap3A_581, %swap3A_582] {strides = array<i32>} : memref<16x64xf32, #tpu.memory_space<vmem>>, vector<16xf32>,
      tpu.vector_store %arg11[%swap3A_581, %swap3A_582], %gather3A_579 {strides = array<i32>} : memref<16x64xf32, #tpu.memory_space<vmem>>, vector<16xf32>,
      %gather3A_584 = tpu.vector_load_idx %arg10[%broadcast_in_dim3A_568, %add3A_33, %broadcast_in_dim3A_563] : memref<4x64x128xf32, #tpu.memory_space<vmem>>[vector<16xi32>, vector<16xi32>, vector<16xi32>], vector<16xf32>,
      %swap3A_585 = arith.constant 8 : i32
      %swap3A_586 = arith.index_cast %swap3A_585 : i32 to index
      %swap3A_587 = arith.constant 48 : index
      %swap3A_588 = tpu.vector_load %arg11[%swap3A_586, %swap3A_587] {strides = array<i32>} : memref<16x64xf32, #tpu.memory_space<vmem>>, vector<16xf32>,
      tpu.vector_store %arg11[%swap3A_586, %swap3A_587], %gather3A_584 {strides = array<i32>} : memref<16x64xf32, #tpu.memory_space<vmem>>, vector<16xf32>,
      %dma_start3A_589 = arith.constant 8 : i32
      %dma_start3A_590 = arith.constant 0 : i32
      %dma_start3A_591 = tpu.memref_slice %arg11[%dma_start3A_589, %dma_start3A_590] : memref<16x64xf32, #tpu.memory_space<vmem>> -> memref<1x64xf32, #tpu.memory_space<vmem>>
      %dma_start3A_592 = arith.constant 0 : i32
      %dma_start3A_593 = tpu.memref_slice %arg6[%squeeze3A_550, %dma_start3A_592] : memref<16384x64xf32, #tpu.memory_space<hbm>> -> memref<1x64xf32, #tpu.memory_space<hbm>>
      %dma_start3A_594 = arith.constant 0 : i32
      %dma_start3A_595 = tpu.memref_slice %arg6[%squeeze3A_550, %dma_start3A_594] : memref<16384x64xf32, #tpu.memory_space<hbm>> -> memref<1x64xf32, #tpu.memory_space<hbm>>
      %dma_start3A_596 = arith.constant 8 : i32
      %dma_start3A_597 = arith.constant 0 : i32
      %dma_start3A_598 = tpu.memref_slice %arg11[%dma_start3A_596, %dma_start3A_597] : memref<16x64xf32, #tpu.memory_space<vmem>> -> memref<1x64xf32, #tpu.memory_space<vmem>>
      tpu.enqueue_dma source(%dma_start3A_598 : memref<1x64xf32, #tpu.memory_space<vmem>>) target(%dma_start3A_595 : memref<1x64xf32, #tpu.memory_space<hbm>>) target_semaphore(%arg16 : memref<!tpu.dma_semaphore, #tpu.memory_space<semaphore_mem>>)
      %slice3A_599 = vector.extract_strided_slice %get3A_131 {offsets = [9], sizes = [1], strides = [1]} : vector<16xi32> to vector<1xi32>
      %squeeze3A_600 = vector.extract %slice3A_599[0] : i32 from vector<1xi32>
      %slice3A_601 = vector.extract_strided_slice %get3A_135 {offsets = [9], sizes = [1], strides = [1]} : vector<16xi32> to vector<1xi32>
      %squeeze3A_602 = vector.extract %slice3A_601[0] : i32 from vector<1xi32>
      %shift_right_arithmetic3A_603 = arith.constant 7 : i32
      %shift_right_arithmetic3A_604 = arith.shrsi %squeeze3A_600, %shift_right_arithmetic3A_603 : i32
      %and3A_605 = arith.constant 127 : i32
      %and3A_606 = arith.andi %squeeze3A_600, %and3A_605 : i32
      %ne3A_607 = arith.cmpi ne, %shift_right_arithmetic3A_604, %select_n3A_559 : i32
      %convert_element_type3A_608 = arith.extui %ne3A_607 : i1 to i32
      %cond3A_609 = arith.constant 0 : i32
      %cond3A_610 = arith.cmpi ne, %convert_element_type3A_608, %cond3A_609 : i32
      scf.if %cond3A_610 {
        %add3A_969 = arith.constant 4 : i32
        %add3A_970 = arith.addi %select_n3A_562, %add3A_969 : i32
        %sub3A_971 = arith.constant 1 : i32
        %sub3A_972 = arith.subi %add3A_970, %sub3A_971 : i32
        %min3A = arith.constant 511 : i32
        %min3A_973 = arith.minsi %sub3A_972, %min3A : i32
        %shift_right_arithmetic3A_974 = arith.constant 4 : i32
        %shift_right_arithmetic3A_975 = arith.shrsi %min3A_973, %shift_right_arithmetic3A_974 : i32
        %shift_left3A = arith.constant 4 : i32
        %shift_left3A_976 = arith.shli %shift_right_arithmetic3A_975, %shift_left3A : i32
        %multiple_of3A_977 = tpu.assume_multiple %shift_left3A_976, 16 : i32
        %get3A_978 = arith.index_cast %multiple_of3A_977 : i32 to index
        %get3A_979 = tpu.vector_load %arg9[%get3A_978] {strides = array<i32>} : memref<512xi32, #tpu.memory_space<vmem>>, vector<16xi32>,
        %and3A_980 = arith.constant 15 : i32
        %and3A_981 = arith.andi %min3A_973, %and3A_980 : i32
        %eq3A = vector.broadcast %and3A_981 : i32 to vector<16xi32>
        %eq3A_982 = arith.cmpi eq, %iota3A_34, %eq3A : vector<16xi32>
        %jit3A = arith.constant 0 : i32
        %broadcast_in_dim3A_983 = vector.broadcast %jit3A : i32 to vector<16xi32>
        %select_n3A_984 = arith.select %eq3A_982, %get3A_979, %broadcast_in_dim3A_983 : vector<16xi1>, vector<16xi32>
        %reduce_sum3A = arith.constant true
        %reduce_sum3A_985 = vector.broadcast %reduce_sum3A : i1 to vector<16xi1>
        %reduce_sum3A_986 = tpu.scan <sum>, %select_n3A_984 masked %reduce_sum3A_985 : vector<16xi32>, vector<16xi1> -> vector<16xi32>
        %reduce_sum3A_987 = vector.extract %reduce_sum3A_986[15] : i32 from vector<16xi32>
        %and3A_988 = arith.constant 3 : i32
        %and3A_989 = arith.andi %select_n3A_562, %and3A_988 : i32
        %eq3A_990 = arith.constant 0 : i32
        %eq3A_991 = arith.cmpi eq, %and3A_989, %eq3A_990 : i32
        %convert_element_type3A_992 = arith.extui %eq3A_991 : i1 to i32
        %cond3A_993 = arith.constant 0 : i32
        %cond3A_994 = arith.cmpi ne, %convert_element_type3A_992, %cond3A_993 : i32
        scf.if %cond3A_994 {
          %dma_wait3A_1016 = arith.constant 0 : i32
          %dma_wait3A_1017 = arith.constant 0 : i32
          %dma_wait3A_1018 = arith.constant 0 : i32
          %dma_wait3A_1019 = tpu.memref_slice %arg10[%dma_wait3A_1016, %dma_wait3A_1017, %dma_wait3A_1018] : memref<4x64x128xf32, #tpu.memory_space<vmem>> -> memref<1x64x128xf32, #tpu.memory_space<vmem>>
          %dma_wait3A_1020 = tpu.memref_squeeze %dma_wait3A_1019 : memref<1x64x128xf32, #tpu.memory_space<vmem>> -> memref<64x128xf32, #tpu.memory_space<vmem>>
          %dma_wait3A_1021 = arith.constant 0 : i32
          %dma_wait3A_1022 = arith.constant 0 : i32
          %dma_wait3A_1023 = tpu.memref_slice %arg2[%dma_wait3A_1021, %dma_wait3A_1022] : memref<64x1000000xf32, #tpu.memory_space<hbm>> -> memref<64x128xf32, #tpu.memory_space<hbm>>
          %dma_wait3A_1024 = arith.constant 0 : i32
          %dma_wait3A_1025 = arith.constant 0 : i32
          %dma_wait3A_1026 = tpu.memref_slice %arg10[%dma_wait3A_1016, %dma_wait3A_1024, %dma_wait3A_1025] : memref<4x64x128xf32, #tpu.memory_space<vmem>> -> memref<1x64x128xf32, #tpu.memory_space<vmem>>
          %dma_wait3A_1027 = tpu.memref_squeeze %dma_wait3A_1026 : memref<1x64x128xf32, #tpu.memory_space<vmem>> -> memref<64x128xf32, #tpu.memory_space<vmem>>
          %dma_wait3A_1028 = arith.constant 0 : i32
          %dma_wait3A_1029 = arith.constant 0 : i32
          %dma_wait3A_1030 = tpu.memref_slice %arg2[%dma_wait3A_1028, %dma_wait3A_1029] : memref<64x1000000xf32, #tpu.memory_space<hbm>> -> memref<64x128xf32, #tpu.memory_space<hbm>>
          tpu.wait_dma2 semaphore(%arg12 : memref<!tpu.dma_semaphore, #tpu.memory_space<semaphore_mem>>) src(%dma_wait3A_1030 : memref<64x128xf32, #tpu.memory_space<hbm>>) dst(%dma_wait3A_1027 : memref<64x128xf32, #tpu.memory_space<vmem>>)
          %mul3A_1031 = arith.constant 128 : i32
          %mul3A_1032 = arith.muli %reduce_sum3A_987, %mul3A_1031 : i32
          %multiple_of3A_1033 = tpu.assume_multiple %mul3A_1032, 128 : i32
          %dma_start3A_1034 = arith.constant 3 : i32
          %dma_start3A_1035 = arith.constant 0 : i32
          %dma_start3A_1036 = arith.constant 0 : i32
          %dma_start3A_1037 = tpu.memref_slice %arg10[%dma_start3A_1034, %dma_start3A_1035, %dma_start3A_1036] : memref<4x64x128xf32, #tpu.memory_space<vmem>> -> memref<1x64x128xf32, #tpu.memory_space<vmem>>
          %dma_start3A_1038 = tpu.memref_squeeze %dma_start3A_1037 : memref<1x64x128xf32, #tpu.memory_space<vmem>> -> memref<64x128xf32, #tpu.memory_space<vmem>>
          %dma_start3A_1039 = arith.constant 0 : i32
          %dma_start3A_1040 = tpu.memref_slice %arg2[%dma_start3A_1039, %multiple_of3A_1033] : memref<64x1000000xf32, #tpu.memory_space<hbm>> -> memref<64x128xf32, #tpu.memory_space<hbm>>
          %dma_start3A_1041 = arith.constant 0 : i32
          %dma_start3A_1042 = arith.constant 0 : i32
          %dma_start3A_1043 = tpu.memref_slice %arg10[%dma_start3A_1034, %dma_start3A_1041, %dma_start3A_1042] : memref<4x64x128xf32, #tpu.memory_space<vmem>> -> memref<1x64x128xf32, #tpu.memory_space<vmem>>
          %dma_start3A_1044 = tpu.memref_squeeze %dma_start3A_1043 : memref<1x64x128xf32, #tpu.memory_space<vmem>> -> memref<64x128xf32, #tpu.memory_space<vmem>>
          %dma_start3A_1045 = arith.constant 0 : i32
          %dma_start3A_1046 = tpu.memref_slice %arg2[%dma_start3A_1045, %multiple_of3A_1033] : memref<64x1000000xf32, #tpu.memory_space<hbm>> -> memref<64x128xf32, #tpu.memory_space<hbm>>
          tpu.enqueue_dma source(%dma_start3A_1046 : memref<64x128xf32, #tpu.memory_space<hbm>>) target(%dma_start3A_1044 : memref<64x128xf32, #tpu.memory_space<vmem>>) target_semaphore(%arg15 : memref<!tpu.dma_semaphore, #tpu.memory_space<semaphore_mem>>)
        } else {
        }
        %and3A_995 = arith.constant 3 : i32
        %and3A_996 = arith.andi %select_n3A_562, %and3A_995 : i32
        %eq3A_997 = arith.constant 1 : i32
        %eq3A_998 = arith.cmpi eq, %and3A_996, %eq3A_997 : i32
        %convert_element_type3A_999 = arith.extui %eq3A_998 : i1 to i32
        %cond3A_1000 = arith.constant 0 : i32
        %cond3A_1001 = arith.cmpi ne, %convert_element_type3A_999, %cond3A_1000 : i32
        scf.if %cond3A_1001 {
          %dma_wait3A_1016 = arith.constant 1 : i32
          %dma_wait3A_1017 = arith.constant 0 : i32
          %dma_wait3A_1018 = arith.constant 0 : i32
          %dma_wait3A_1019 = tpu.memref_slice %arg10[%dma_wait3A_1016, %dma_wait3A_1017, %dma_wait3A_1018] : memref<4x64x128xf32, #tpu.memory_space<vmem>> -> memref<1x64x128xf32, #tpu.memory_space<vmem>>
          %dma_wait3A_1020 = tpu.memref_squeeze %dma_wait3A_1019 : memref<1x64x128xf32, #tpu.memory_space<vmem>> -> memref<64x128xf32, #tpu.memory_space<vmem>>
          %dma_wait3A_1021 = arith.constant 0 : i32
          %dma_wait3A_1022 = arith.constant 0 : i32
          %dma_wait3A_1023 = tpu.memref_slice %arg2[%dma_wait3A_1021, %dma_wait3A_1022] : memref<64x1000000xf32, #tpu.memory_space<hbm>> -> memref<64x128xf32, #tpu.memory_space<hbm>>
          %dma_wait3A_1024 = arith.constant 0 : i32
          %dma_wait3A_1025 = arith.constant 0 : i32
          %dma_wait3A_1026 = tpu.memref_slice %arg10[%dma_wait3A_1016, %dma_wait3A_1024, %dma_wait3A_1025] : memref<4x64x128xf32, #tpu.memory_space<vmem>> -> memref<1x64x128xf32, #tpu.memory_space<vmem>>
          %dma_wait3A_1027 = tpu.memref_squeeze %dma_wait3A_1026 : memref<1x64x128xf32, #tpu.memory_space<vmem>> -> memref<64x128xf32, #tpu.memory_space<vmem>>
          %dma_wait3A_1028 = arith.constant 0 : i32
          %dma_wait3A_1029 = arith.constant 0 : i32
          %dma_wait3A_1030 = tpu.memref_slice %arg2[%dma_wait3A_1028, %dma_wait3A_1029] : memref<64x1000000xf32, #tpu.memory_space<hbm>> -> memref<64x128xf32, #tpu.memory_space<hbm>>
          tpu.wait_dma2 semaphore(%arg13 : memref<!tpu.dma_semaphore, #tpu.memory_space<semaphore_mem>>) src(%dma_wait3A_1030 : memref<64x128xf32, #tpu.memory_space<hbm>>) dst(%dma_wait3A_1027 : memref<64x128xf32, #tpu.memory_space<vmem>>)
          %mul3A_1031 = arith.constant 128 : i32
          %mul3A_1032 = arith.muli %reduce_sum3A_987, %mul3A_1031 : i32
          %multiple_of3A_1033 = tpu.assume_multiple %mul3A_1032, 128 : i32
          %dma_start3A_1034 = arith.constant 0 : i32
          %dma_start3A_1035 = arith.constant 0 : i32
          %dma_start3A_1036 = arith.constant 0 : i32
          %dma_start3A_1037 = tpu.memref_slice %arg10[%dma_start3A_1034, %dma_start3A_1035, %dma_start3A_1036] : memref<4x64x128xf32, #tpu.memory_space<vmem>> -> memref<1x64x128xf32, #tpu.memory_space<vmem>>
          %dma_start3A_1038 = tpu.memref_squeeze %dma_start3A_1037 : memref<1x64x128xf32, #tpu.memory_space<vmem>> -> memref<64x128xf32, #tpu.memory_space<vmem>>
          %dma_start3A_1039 = arith.constant 0 : i32
          %dma_start3A_1040 = tpu.memref_slice %arg2[%dma_start3A_1039, %multiple_of3A_1033] : memref<64x1000000xf32, #tpu.memory_space<hbm>> -> memref<64x128xf32, #tpu.memory_space<hbm>>
          %dma_start3A_1041 = arith.constant 0 : i32
          %dma_start3A_1042 = arith.constant 0 : i32
          %dma_start3A_1043 = tpu.memref_slice %arg10[%dma_start3A_1034, %dma_start3A_1041, %dma_start3A_1042] : memref<4x64x128xf32, #tpu.memory_space<vmem>> -> memref<1x64x128xf32, #tpu.memory_space<vmem>>
          %dma_start3A_1044 = tpu.memref_squeeze %dma_start3A_1043 : memref<1x64x128xf32, #tpu.memory_space<vmem>> -> memref<64x128xf32, #tpu.memory_space<vmem>>
          %dma_start3A_1045 = arith.constant 0 : i32
          %dma_start3A_1046 = tpu.memref_slice %arg2[%dma_start3A_1045, %multiple_of3A_1033] : memref<64x1000000xf32, #tpu.memory_space<hbm>> -> memref<64x128xf32, #tpu.memory_space<hbm>>
          tpu.enqueue_dma source(%dma_start3A_1046 : memref<64x128xf32, #tpu.memory_space<hbm>>) target(%dma_start3A_1044 : memref<64x128xf32, #tpu.memory_space<vmem>>) target_semaphore(%arg12 : memref<!tpu.dma_semaphore, #tpu.memory_space<semaphore_mem>>)
        } else {
        }
        %and3A_1002 = arith.constant 3 : i32
        %and3A_1003 = arith.andi %select_n3A_562, %and3A_1002 : i32
        %eq3A_1004 = arith.constant 2 : i32
        %eq3A_1005 = arith.cmpi eq, %and3A_1003, %eq3A_1004 : i32
        %convert_element_type3A_1006 = arith.extui %eq3A_1005 : i1 to i32
        %cond3A_1007 = arith.constant 0 : i32
        %cond3A_1008 = arith.cmpi ne, %convert_element_type3A_1006, %cond3A_1007 : i32
        scf.if %cond3A_1008 {
          %dma_wait3A_1016 = arith.constant 2 : i32
          %dma_wait3A_1017 = arith.constant 0 : i32
          %dma_wait3A_1018 = arith.constant 0 : i32
          %dma_wait3A_1019 = tpu.memref_slice %arg10[%dma_wait3A_1016, %dma_wait3A_1017, %dma_wait3A_1018] : memref<4x64x128xf32, #tpu.memory_space<vmem>> -> memref<1x64x128xf32, #tpu.memory_space<vmem>>
          %dma_wait3A_1020 = tpu.memref_squeeze %dma_wait3A_1019 : memref<1x64x128xf32, #tpu.memory_space<vmem>> -> memref<64x128xf32, #tpu.memory_space<vmem>>
          %dma_wait3A_1021 = arith.constant 0 : i32
          %dma_wait3A_1022 = arith.constant 0 : i32
          %dma_wait3A_1023 = tpu.memref_slice %arg2[%dma_wait3A_1021, %dma_wait3A_1022] : memref<64x1000000xf32, #tpu.memory_space<hbm>> -> memref<64x128xf32, #tpu.memory_space<hbm>>
          %dma_wait3A_1024 = arith.constant 0 : i32
          %dma_wait3A_1025 = arith.constant 0 : i32
          %dma_wait3A_1026 = tpu.memref_slice %arg10[%dma_wait3A_1016, %dma_wait3A_1024, %dma_wait3A_1025] : memref<4x64x128xf32, #tpu.memory_space<vmem>> -> memref<1x64x128xf32, #tpu.memory_space<vmem>>
          %dma_wait3A_1027 = tpu.memref_squeeze %dma_wait3A_1026 : memref<1x64x128xf32, #tpu.memory_space<vmem>> -> memref<64x128xf32, #tpu.memory_space<vmem>>
          %dma_wait3A_1028 = arith.constant 0 : i32
          %dma_wait3A_1029 = arith.constant 0 : i32
          %dma_wait3A_1030 = tpu.memref_slice %arg2[%dma_wait3A_1028, %dma_wait3A_1029] : memref<64x1000000xf32, #tpu.memory_space<hbm>> -> memref<64x128xf32, #tpu.memory_space<hbm>>
          tpu.wait_dma2 semaphore(%arg14 : memref<!tpu.dma_semaphore, #tpu.memory_space<semaphore_mem>>) src(%dma_wait3A_1030 : memref<64x128xf32, #tpu.memory_space<hbm>>) dst(%dma_wait3A_1027 : memref<64x128xf32, #tpu.memory_space<vmem>>)
          %mul3A_1031 = arith.constant 128 : i32
          %mul3A_1032 = arith.muli %reduce_sum3A_987, %mul3A_1031 : i32
          %multiple_of3A_1033 = tpu.assume_multiple %mul3A_1032, 128 : i32
          %dma_start3A_1034 = arith.constant 1 : i32
          %dma_start3A_1035 = arith.constant 0 : i32
          %dma_start3A_1036 = arith.constant 0 : i32
          %dma_start3A_1037 = tpu.memref_slice %arg10[%dma_start3A_1034, %dma_start3A_1035, %dma_start3A_1036] : memref<4x64x128xf32, #tpu.memory_space<vmem>> -> memref<1x64x128xf32, #tpu.memory_space<vmem>>
          %dma_start3A_1038 = tpu.memref_squeeze %dma_start3A_1037 : memref<1x64x128xf32, #tpu.memory_space<vmem>> -> memref<64x128xf32, #tpu.memory_space<vmem>>
          %dma_start3A_1039 = arith.constant 0 : i32
          %dma_start3A_1040 = tpu.memref_slice %arg2[%dma_start3A_1039, %multiple_of3A_1033] : memref<64x1000000xf32, #tpu.memory_space<hbm>> -> memref<64x128xf32, #tpu.memory_space<hbm>>
          %dma_start3A_1041 = arith.constant 0 : i32
          %dma_start3A_1042 = arith.constant 0 : i32
          %dma_start3A_1043 = tpu.memref_slice %arg10[%dma_start3A_1034, %dma_start3A_1041, %dma_start3A_1042] : memref<4x64x128xf32, #tpu.memory_space<vmem>> -> memref<1x64x128xf32, #tpu.memory_space<vmem>>
          %dma_start3A_1044 = tpu.memref_squeeze %dma_start3A_1043 : memref<1x64x128xf32, #tpu.memory_space<vmem>> -> memref<64x128xf32, #tpu.memory_space<vmem>>
          %dma_start3A_1045 = arith.constant 0 : i32
          %dma_start3A_1046 = tpu.memref_slice %arg2[%dma_start3A_1045, %multiple_of3A_1033] : memref<64x1000000xf32, #tpu.memory_space<hbm>> -> memref<64x128xf32, #tpu.memory_space<hbm>>
          tpu.enqueue_dma source(%dma_start3A_1046 : memref<64x128xf32, #tpu.memory_space<hbm>>) target(%dma_start3A_1044 : memref<64x128xf32, #tpu.memory_space<vmem>>) target_semaphore(%arg13 : memref<!tpu.dma_semaphore, #tpu.memory_space<semaphore_mem>>)
        } else {
        }
        %and3A_1009 = arith.constant 3 : i32
        %and3A_1010 = arith.andi %select_n3A_562, %and3A_1009 : i32
        %eq3A_1011 = arith.constant 3 : i32
        %eq3A_1012 = arith.cmpi eq, %and3A_1010, %eq3A_1011 : i32
        %convert_element_type3A_1013 = arith.extui %eq3A_1012 : i1 to i32
        %cond3A_1014 = arith.constant 0 : i32
        %cond3A_1015 = arith.cmpi ne, %convert_element_type3A_1013, %cond3A_1014 : i32
        scf.if %cond3A_1015 {
          %dma_wait3A_1016 = arith.constant 3 : i32
          %dma_wait3A_1017 = arith.constant 0 : i32
          %dma_wait3A_1018 = arith.constant 0 : i32
          %dma_wait3A_1019 = tpu.memref_slice %arg10[%dma_wait3A_1016, %dma_wait3A_1017, %dma_wait3A_1018] : memref<4x64x128xf32, #tpu.memory_space<vmem>> -> memref<1x64x128xf32, #tpu.memory_space<vmem>>
          %dma_wait3A_1020 = tpu.memref_squeeze %dma_wait3A_1019 : memref<1x64x128xf32, #tpu.memory_space<vmem>> -> memref<64x128xf32, #tpu.memory_space<vmem>>
          %dma_wait3A_1021 = arith.constant 0 : i32
          %dma_wait3A_1022 = arith.constant 0 : i32
          %dma_wait3A_1023 = tpu.memref_slice %arg2[%dma_wait3A_1021, %dma_wait3A_1022] : memref<64x1000000xf32, #tpu.memory_space<hbm>> -> memref<64x128xf32, #tpu.memory_space<hbm>>
          %dma_wait3A_1024 = arith.constant 0 : i32
          %dma_wait3A_1025 = arith.constant 0 : i32
          %dma_wait3A_1026 = tpu.memref_slice %arg10[%dma_wait3A_1016, %dma_wait3A_1024, %dma_wait3A_1025] : memref<4x64x128xf32, #tpu.memory_space<vmem>> -> memref<1x64x128xf32, #tpu.memory_space<vmem>>
          %dma_wait3A_1027 = tpu.memref_squeeze %dma_wait3A_1026 : memref<1x64x128xf32, #tpu.memory_space<vmem>> -> memref<64x128xf32, #tpu.memory_space<vmem>>
          %dma_wait3A_1028 = arith.constant 0 : i32
          %dma_wait3A_1029 = arith.constant 0 : i32
          %dma_wait3A_1030 = tpu.memref_slice %arg2[%dma_wait3A_1028, %dma_wait3A_1029] : memref<64x1000000xf32, #tpu.memory_space<hbm>> -> memref<64x128xf32, #tpu.memory_space<hbm>>
          tpu.wait_dma2 semaphore(%arg15 : memref<!tpu.dma_semaphore, #tpu.memory_space<semaphore_mem>>) src(%dma_wait3A_1030 : memref<64x128xf32, #tpu.memory_space<hbm>>) dst(%dma_wait3A_1027 : memref<64x128xf32, #tpu.memory_space<vmem>>)
          %mul3A_1031 = arith.constant 128 : i32
          %mul3A_1032 = arith.muli %reduce_sum3A_987, %mul3A_1031 : i32
          %multiple_of3A_1033 = tpu.assume_multiple %mul3A_1032, 128 : i32
          %dma_start3A_1034 = arith.constant 2 : i32
          %dma_start3A_1035 = arith.constant 0 : i32
          %dma_start3A_1036 = arith.constant 0 : i32
          %dma_start3A_1037 = tpu.memref_slice %arg10[%dma_start3A_1034, %dma_start3A_1035, %dma_start3A_1036] : memref<4x64x128xf32, #tpu.memory_space<vmem>> -> memref<1x64x128xf32, #tpu.memory_space<vmem>>
          %dma_start3A_1038 = tpu.memref_squeeze %dma_start3A_1037 : memref<1x64x128xf32, #tpu.memory_space<vmem>> -> memref<64x128xf32, #tpu.memory_space<vmem>>
          %dma_start3A_1039 = arith.constant 0 : i32
          %dma_start3A_1040 = tpu.memref_slice %arg2[%dma_start3A_1039, %multiple_of3A_1033] : memref<64x1000000xf32, #tpu.memory_space<hbm>> -> memref<64x128xf32, #tpu.memory_space<hbm>>
          %dma_start3A_1041 = arith.constant 0 : i32
          %dma_start3A_1042 = arith.constant 0 : i32
          %dma_start3A_1043 = tpu.memref_slice %arg10[%dma_start3A_1034, %dma_start3A_1041, %dma_start3A_1042] : memref<4x64x128xf32, #tpu.memory_space<vmem>> -> memref<1x64x128xf32, #tpu.memory_space<vmem>>
          %dma_start3A_1044 = tpu.memref_squeeze %dma_start3A_1043 : memref<1x64x128xf32, #tpu.memory_space<vmem>> -> memref<64x128xf32, #tpu.memory_space<vmem>>
          %dma_start3A_1045 = arith.constant 0 : i32
          %dma_start3A_1046 = tpu.memref_slice %arg2[%dma_start3A_1045, %multiple_of3A_1033] : memref<64x1000000xf32, #tpu.memory_space<hbm>> -> memref<64x128xf32, #tpu.memory_space<hbm>>
          tpu.enqueue_dma source(%dma_start3A_1046 : memref<64x128xf32, #tpu.memory_space<hbm>>) target(%dma_start3A_1044 : memref<64x128xf32, #tpu.memory_space<vmem>>) target_semaphore(%arg14 : memref<!tpu.dma_semaphore, #tpu.memory_space<semaphore_mem>>)
        } else {
        }
      } else {
      }
      %select_n3A_611 = arith.select %ne3A_607, %shift_right_arithmetic3A_604, %select_n3A_559 : i32
      %add3A_612 = arith.constant 1 : i32
      %add3A_613 = arith.addi %select_n3A_562, %add3A_612 : i32
      %select_n3A_614 = arith.select %ne3A_607, %add3A_613, %select_n3A_562 : i32
      %broadcast_in_dim3A_615 = vector.broadcast %and3A_606 : i32 to vector<16xi32>
      %sub3A_616 = arith.constant 1 : i32
      %sub3A_617 = arith.subi %select_n3A_614, %sub3A_616 : i32
      %and3A_618 = arith.constant 3 : i32
      %and3A_619 = arith.andi %sub3A_617, %and3A_618 : i32
      %broadcast_in_dim3A_620 = vector.broadcast %and3A_619 : i32 to vector<16xi32>
      %gather3A_621 = tpu.vector_load_idx %arg10[%broadcast_in_dim3A_620, %add3A_21, %broadcast_in_dim3A_615] : memref<4x64x128xf32, #tpu.memory_space<vmem>>[vector<16xi32>, vector<16xi32>, vector<16xi32>], vector<16xf32>,
      %swap3A_622 = arith.constant 9 : i32
      %swap3A_623 = arith.index_cast %swap3A_622 : i32 to index
      %swap3A_624 = arith.constant 0 : index
      %swap3A_625 = tpu.vector_load %arg11[%swap3A_623, %swap3A_624] {strides = array<i32>} : memref<16x64xf32, #tpu.memory_space<vmem>>, vector<16xf32>,
      tpu.vector_store %arg11[%swap3A_623, %swap3A_624], %gather3A_621 {strides = array<i32>} : memref<16x64xf32, #tpu.memory_space<vmem>>, vector<16xf32>,
      %gather3A_626 = tpu.vector_load_idx %arg10[%broadcast_in_dim3A_620, %add3A_25, %broadcast_in_dim3A_615] : memref<4x64x128xf32, #tpu.memory_space<vmem>>[vector<16xi32>, vector<16xi32>, vector<16xi32>], vector<16xf32>,
      %swap3A_627 = arith.constant 9 : i32
      %swap3A_628 = arith.index_cast %swap3A_627 : i32 to index
      %swap3A_629 = arith.constant 16 : index
      %swap3A_630 = tpu.vector_load %arg11[%swap3A_628, %swap3A_629] {strides = array<i32>} : memref<16x64xf32, #tpu.memory_space<vmem>>, vector<16xf32>,
      tpu.vector_store %arg11[%swap3A_628, %swap3A_629], %gather3A_626 {strides = array<i32>} : memref<16x64xf32, #tpu.memory_space<vmem>>, vector<16xf32>,
      %gather3A_631 = tpu.vector_load_idx %arg10[%broadcast_in_dim3A_620, %add3A_29, %broadcast_in_dim3A_615] : memref<4x64x128xf32, #tpu.memory_space<vmem>>[vector<16xi32>, vector<16xi32>, vector<16xi32>], vector<16xf32>,
      %swap3A_632 = arith.constant 9 : i32
      %swap3A_633 = arith.index_cast %swap3A_632 : i32 to index
      %swap3A_634 = arith.constant 32 : index
      %swap3A_635 = tpu.vector_load %arg11[%swap3A_633, %swap3A_634] {strides = array<i32>} : memref<16x64xf32, #tpu.memory_space<vmem>>, vector<16xf32>,
      tpu.vector_store %arg11[%swap3A_633, %swap3A_634], %gather3A_631 {strides = array<i32>} : memref<16x64xf32, #tpu.memory_space<vmem>>, vector<16xf32>,
      %gather3A_636 = tpu.vector_load_idx %arg10[%broadcast_in_dim3A_620, %add3A_33, %broadcast_in_dim3A_615] : memref<4x64x128xf32, #tpu.memory_space<vmem>>[vector<16xi32>, vector<16xi32>, vector<16xi32>], vector<16xf32>,
      %swap3A_637 = arith.constant 9 : i32
      %swap3A_638 = arith.index_cast %swap3A_637 : i32 to index
      %swap3A_639 = arith.constant 48 : index
      %swap3A_640 = tpu.vector_load %arg11[%swap3A_638, %swap3A_639] {strides = array<i32>} : memref<16x64xf32, #tpu.memory_space<vmem>>, vector<16xf32>,
      tpu.vector_store %arg11[%swap3A_638, %swap3A_639], %gather3A_636 {strides = array<i32>} : memref<16x64xf32, #tpu.memory_space<vmem>>, vector<16xf32>,
      %dma_start3A_641 = arith.constant 9 : i32
      %dma_start3A_642 = arith.constant 0 : i32
      %dma_start3A_643 = tpu.memref_slice %arg11[%dma_start3A_641, %dma_start3A_642] : memref<16x64xf32, #tpu.memory_space<vmem>> -> memref<1x64xf32, #tpu.memory_space<vmem>>
      %dma_start3A_644 = arith.constant 0 : i32
      %dma_start3A_645 = tpu.memref_slice %arg6[%squeeze3A_602, %dma_start3A_644] : memref<16384x64xf32, #tpu.memory_space<hbm>> -> memref<1x64xf32, #tpu.memory_space<hbm>>
      %dma_start3A_646 = arith.constant 0 : i32
      %dma_start3A_647 = tpu.memref_slice %arg6[%squeeze3A_602, %dma_start3A_646] : memref<16384x64xf32, #tpu.memory_space<hbm>> -> memref<1x64xf32, #tpu.memory_space<hbm>>
      %dma_start3A_648 = arith.constant 9 : i32
      %dma_start3A_649 = arith.constant 0 : i32
      %dma_start3A_650 = tpu.memref_slice %arg11[%dma_start3A_648, %dma_start3A_649] : memref<16x64xf32, #tpu.memory_space<vmem>> -> memref<1x64xf32, #tpu.memory_space<vmem>>
      tpu.enqueue_dma source(%dma_start3A_650 : memref<1x64xf32, #tpu.memory_space<vmem>>) target(%dma_start3A_647 : memref<1x64xf32, #tpu.memory_space<hbm>>) target_semaphore(%arg16 : memref<!tpu.dma_semaphore, #tpu.memory_space<semaphore_mem>>)
      %slice3A_651 = vector.extract_strided_slice %get3A_131 {offsets = [10], sizes = [1], strides = [1]} : vector<16xi32> to vector<1xi32>
      %squeeze3A_652 = vector.extract %slice3A_651[0] : i32 from vector<1xi32>
      %slice3A_653 = vector.extract_strided_slice %get3A_135 {offsets = [10], sizes = [1], strides = [1]} : vector<16xi32> to vector<1xi32>
      %squeeze3A_654 = vector.extract %slice3A_653[0] : i32 from vector<1xi32>
      %shift_right_arithmetic3A_655 = arith.constant 7 : i32
      %shift_right_arithmetic3A_656 = arith.shrsi %squeeze3A_652, %shift_right_arithmetic3A_655 : i32
      %and3A_657 = arith.constant 127 : i32
      %and3A_658 = arith.andi %squeeze3A_652, %and3A_657 : i32
      %ne3A_659 = arith.cmpi ne, %shift_right_arithmetic3A_656, %select_n3A_611 : i32
      %convert_element_type3A_660 = arith.extui %ne3A_659 : i1 to i32
      %cond3A_661 = arith.constant 0 : i32
      %cond3A_662 = arith.cmpi ne, %convert_element_type3A_660, %cond3A_661 : i32
      scf.if %cond3A_662 {
        %add3A_969 = arith.constant 4 : i32
        %add3A_970 = arith.addi %select_n3A_614, %add3A_969 : i32
        %sub3A_971 = arith.constant 1 : i32
        %sub3A_972 = arith.subi %add3A_970, %sub3A_971 : i32
        %min3A = arith.constant 511 : i32
        %min3A_973 = arith.minsi %sub3A_972, %min3A : i32
        %shift_right_arithmetic3A_974 = arith.constant 4 : i32
        %shift_right_arithmetic3A_975 = arith.shrsi %min3A_973, %shift_right_arithmetic3A_974 : i32
        %shift_left3A = arith.constant 4 : i32
        %shift_left3A_976 = arith.shli %shift_right_arithmetic3A_975, %shift_left3A : i32
        %multiple_of3A_977 = tpu.assume_multiple %shift_left3A_976, 16 : i32
        %get3A_978 = arith.index_cast %multiple_of3A_977 : i32 to index
        %get3A_979 = tpu.vector_load %arg9[%get3A_978] {strides = array<i32>} : memref<512xi32, #tpu.memory_space<vmem>>, vector<16xi32>,
        %and3A_980 = arith.constant 15 : i32
        %and3A_981 = arith.andi %min3A_973, %and3A_980 : i32
        %eq3A = vector.broadcast %and3A_981 : i32 to vector<16xi32>
        %eq3A_982 = arith.cmpi eq, %iota3A_34, %eq3A : vector<16xi32>
        %jit3A = arith.constant 0 : i32
        %broadcast_in_dim3A_983 = vector.broadcast %jit3A : i32 to vector<16xi32>
        %select_n3A_984 = arith.select %eq3A_982, %get3A_979, %broadcast_in_dim3A_983 : vector<16xi1>, vector<16xi32>
        %reduce_sum3A = arith.constant true
        %reduce_sum3A_985 = vector.broadcast %reduce_sum3A : i1 to vector<16xi1>
        %reduce_sum3A_986 = tpu.scan <sum>, %select_n3A_984 masked %reduce_sum3A_985 : vector<16xi32>, vector<16xi1> -> vector<16xi32>
        %reduce_sum3A_987 = vector.extract %reduce_sum3A_986[15] : i32 from vector<16xi32>
        %and3A_988 = arith.constant 3 : i32
        %and3A_989 = arith.andi %select_n3A_614, %and3A_988 : i32
        %eq3A_990 = arith.constant 0 : i32
        %eq3A_991 = arith.cmpi eq, %and3A_989, %eq3A_990 : i32
        %convert_element_type3A_992 = arith.extui %eq3A_991 : i1 to i32
        %cond3A_993 = arith.constant 0 : i32
        %cond3A_994 = arith.cmpi ne, %convert_element_type3A_992, %cond3A_993 : i32
        scf.if %cond3A_994 {
          %dma_wait3A_1016 = arith.constant 0 : i32
          %dma_wait3A_1017 = arith.constant 0 : i32
          %dma_wait3A_1018 = arith.constant 0 : i32
          %dma_wait3A_1019 = tpu.memref_slice %arg10[%dma_wait3A_1016, %dma_wait3A_1017, %dma_wait3A_1018] : memref<4x64x128xf32, #tpu.memory_space<vmem>> -> memref<1x64x128xf32, #tpu.memory_space<vmem>>
          %dma_wait3A_1020 = tpu.memref_squeeze %dma_wait3A_1019 : memref<1x64x128xf32, #tpu.memory_space<vmem>> -> memref<64x128xf32, #tpu.memory_space<vmem>>
          %dma_wait3A_1021 = arith.constant 0 : i32
          %dma_wait3A_1022 = arith.constant 0 : i32
          %dma_wait3A_1023 = tpu.memref_slice %arg2[%dma_wait3A_1021, %dma_wait3A_1022] : memref<64x1000000xf32, #tpu.memory_space<hbm>> -> memref<64x128xf32, #tpu.memory_space<hbm>>
          %dma_wait3A_1024 = arith.constant 0 : i32
          %dma_wait3A_1025 = arith.constant 0 : i32
          %dma_wait3A_1026 = tpu.memref_slice %arg10[%dma_wait3A_1016, %dma_wait3A_1024, %dma_wait3A_1025] : memref<4x64x128xf32, #tpu.memory_space<vmem>> -> memref<1x64x128xf32, #tpu.memory_space<vmem>>
          %dma_wait3A_1027 = tpu.memref_squeeze %dma_wait3A_1026 : memref<1x64x128xf32, #tpu.memory_space<vmem>> -> memref<64x128xf32, #tpu.memory_space<vmem>>
          %dma_wait3A_1028 = arith.constant 0 : i32
          %dma_wait3A_1029 = arith.constant 0 : i32
          %dma_wait3A_1030 = tpu.memref_slice %arg2[%dma_wait3A_1028, %dma_wait3A_1029] : memref<64x1000000xf32, #tpu.memory_space<hbm>> -> memref<64x128xf32, #tpu.memory_space<hbm>>
          tpu.wait_dma2 semaphore(%arg12 : memref<!tpu.dma_semaphore, #tpu.memory_space<semaphore_mem>>) src(%dma_wait3A_1030 : memref<64x128xf32, #tpu.memory_space<hbm>>) dst(%dma_wait3A_1027 : memref<64x128xf32, #tpu.memory_space<vmem>>)
          %mul3A_1031 = arith.constant 128 : i32
          %mul3A_1032 = arith.muli %reduce_sum3A_987, %mul3A_1031 : i32
          %multiple_of3A_1033 = tpu.assume_multiple %mul3A_1032, 128 : i32
          %dma_start3A_1034 = arith.constant 3 : i32
          %dma_start3A_1035 = arith.constant 0 : i32
          %dma_start3A_1036 = arith.constant 0 : i32
          %dma_start3A_1037 = tpu.memref_slice %arg10[%dma_start3A_1034, %dma_start3A_1035, %dma_start3A_1036] : memref<4x64x128xf32, #tpu.memory_space<vmem>> -> memref<1x64x128xf32, #tpu.memory_space<vmem>>
          %dma_start3A_1038 = tpu.memref_squeeze %dma_start3A_1037 : memref<1x64x128xf32, #tpu.memory_space<vmem>> -> memref<64x128xf32, #tpu.memory_space<vmem>>
          %dma_start3A_1039 = arith.constant 0 : i32
          %dma_start3A_1040 = tpu.memref_slice %arg2[%dma_start3A_1039, %multiple_of3A_1033] : memref<64x1000000xf32, #tpu.memory_space<hbm>> -> memref<64x128xf32, #tpu.memory_space<hbm>>
          %dma_start3A_1041 = arith.constant 0 : i32
          %dma_start3A_1042 = arith.constant 0 : i32
          %dma_start3A_1043 = tpu.memref_slice %arg10[%dma_start3A_1034, %dma_start3A_1041, %dma_start3A_1042] : memref<4x64x128xf32, #tpu.memory_space<vmem>> -> memref<1x64x128xf32, #tpu.memory_space<vmem>>
          %dma_start3A_1044 = tpu.memref_squeeze %dma_start3A_1043 : memref<1x64x128xf32, #tpu.memory_space<vmem>> -> memref<64x128xf32, #tpu.memory_space<vmem>>
          %dma_start3A_1045 = arith.constant 0 : i32
          %dma_start3A_1046 = tpu.memref_slice %arg2[%dma_start3A_1045, %multiple_of3A_1033] : memref<64x1000000xf32, #tpu.memory_space<hbm>> -> memref<64x128xf32, #tpu.memory_space<hbm>>
          tpu.enqueue_dma source(%dma_start3A_1046 : memref<64x128xf32, #tpu.memory_space<hbm>>) target(%dma_start3A_1044 : memref<64x128xf32, #tpu.memory_space<vmem>>) target_semaphore(%arg15 : memref<!tpu.dma_semaphore, #tpu.memory_space<semaphore_mem>>)
        } else {
        }
        %and3A_995 = arith.constant 3 : i32
        %and3A_996 = arith.andi %select_n3A_614, %and3A_995 : i32
        %eq3A_997 = arith.constant 1 : i32
        %eq3A_998 = arith.cmpi eq, %and3A_996, %eq3A_997 : i32
        %convert_element_type3A_999 = arith.extui %eq3A_998 : i1 to i32
        %cond3A_1000 = arith.constant 0 : i32
        %cond3A_1001 = arith.cmpi ne, %convert_element_type3A_999, %cond3A_1000 : i32
        scf.if %cond3A_1001 {
          %dma_wait3A_1016 = arith.constant 1 : i32
          %dma_wait3A_1017 = arith.constant 0 : i32
          %dma_wait3A_1018 = arith.constant 0 : i32
          %dma_wait3A_1019 = tpu.memref_slice %arg10[%dma_wait3A_1016, %dma_wait3A_1017, %dma_wait3A_1018] : memref<4x64x128xf32, #tpu.memory_space<vmem>> -> memref<1x64x128xf32, #tpu.memory_space<vmem>>
          %dma_wait3A_1020 = tpu.memref_squeeze %dma_wait3A_1019 : memref<1x64x128xf32, #tpu.memory_space<vmem>> -> memref<64x128xf32, #tpu.memory_space<vmem>>
          %dma_wait3A_1021 = arith.constant 0 : i32
          %dma_wait3A_1022 = arith.constant 0 : i32
          %dma_wait3A_1023 = tpu.memref_slice %arg2[%dma_wait3A_1021, %dma_wait3A_1022] : memref<64x1000000xf32, #tpu.memory_space<hbm>> -> memref<64x128xf32, #tpu.memory_space<hbm>>
          %dma_wait3A_1024 = arith.constant 0 : i32
          %dma_wait3A_1025 = arith.constant 0 : i32
          %dma_wait3A_1026 = tpu.memref_slice %arg10[%dma_wait3A_1016, %dma_wait3A_1024, %dma_wait3A_1025] : memref<4x64x128xf32, #tpu.memory_space<vmem>> -> memref<1x64x128xf32, #tpu.memory_space<vmem>>
          %dma_wait3A_1027 = tpu.memref_squeeze %dma_wait3A_1026 : memref<1x64x128xf32, #tpu.memory_space<vmem>> -> memref<64x128xf32, #tpu.memory_space<vmem>>
          %dma_wait3A_1028 = arith.constant 0 : i32
          %dma_wait3A_1029 = arith.constant 0 : i32
          %dma_wait3A_1030 = tpu.memref_slice %arg2[%dma_wait3A_1028, %dma_wait3A_1029] : memref<64x1000000xf32, #tpu.memory_space<hbm>> -> memref<64x128xf32, #tpu.memory_space<hbm>>
          tpu.wait_dma2 semaphore(%arg13 : memref<!tpu.dma_semaphore, #tpu.memory_space<semaphore_mem>>) src(%dma_wait3A_1030 : memref<64x128xf32, #tpu.memory_space<hbm>>) dst(%dma_wait3A_1027 : memref<64x128xf32, #tpu.memory_space<vmem>>)
          %mul3A_1031 = arith.constant 128 : i32
          %mul3A_1032 = arith.muli %reduce_sum3A_987, %mul3A_1031 : i32
          %multiple_of3A_1033 = tpu.assume_multiple %mul3A_1032, 128 : i32
          %dma_start3A_1034 = arith.constant 0 : i32
          %dma_start3A_1035 = arith.constant 0 : i32
          %dma_start3A_1036 = arith.constant 0 : i32
          %dma_start3A_1037 = tpu.memref_slice %arg10[%dma_start3A_1034, %dma_start3A_1035, %dma_start3A_1036] : memref<4x64x128xf32, #tpu.memory_space<vmem>> -> memref<1x64x128xf32, #tpu.memory_space<vmem>>
          %dma_start3A_1038 = tpu.memref_squeeze %dma_start3A_1037 : memref<1x64x128xf32, #tpu.memory_space<vmem>> -> memref<64x128xf32, #tpu.memory_space<vmem>>
          %dma_start3A_1039 = arith.constant 0 : i32
          %dma_start3A_1040 = tpu.memref_slice %arg2[%dma_start3A_1039, %multiple_of3A_1033] : memref<64x1000000xf32, #tpu.memory_space<hbm>> -> memref<64x128xf32, #tpu.memory_space<hbm>>
          %dma_start3A_1041 = arith.constant 0 : i32
          %dma_start3A_1042 = arith.constant 0 : i32
          %dma_start3A_1043 = tpu.memref_slice %arg10[%dma_start3A_1034, %dma_start3A_1041, %dma_start3A_1042] : memref<4x64x128xf32, #tpu.memory_space<vmem>> -> memref<1x64x128xf32, #tpu.memory_space<vmem>>
          %dma_start3A_1044 = tpu.memref_squeeze %dma_start3A_1043 : memref<1x64x128xf32, #tpu.memory_space<vmem>> -> memref<64x128xf32, #tpu.memory_space<vmem>>
          %dma_start3A_1045 = arith.constant 0 : i32
          %dma_start3A_1046 = tpu.memref_slice %arg2[%dma_start3A_1045, %multiple_of3A_1033] : memref<64x1000000xf32, #tpu.memory_space<hbm>> -> memref<64x128xf32, #tpu.memory_space<hbm>>
          tpu.enqueue_dma source(%dma_start3A_1046 : memref<64x128xf32, #tpu.memory_space<hbm>>) target(%dma_start3A_1044 : memref<64x128xf32, #tpu.memory_space<vmem>>) target_semaphore(%arg12 : memref<!tpu.dma_semaphore, #tpu.memory_space<semaphore_mem>>)
        } else {
        }
        %and3A_1002 = arith.constant 3 : i32
        %and3A_1003 = arith.andi %select_n3A_614, %and3A_1002 : i32
        %eq3A_1004 = arith.constant 2 : i32
        %eq3A_1005 = arith.cmpi eq, %and3A_1003, %eq3A_1004 : i32
        %convert_element_type3A_1006 = arith.extui %eq3A_1005 : i1 to i32
        %cond3A_1007 = arith.constant 0 : i32
        %cond3A_1008 = arith.cmpi ne, %convert_element_type3A_1006, %cond3A_1007 : i32
        scf.if %cond3A_1008 {
          %dma_wait3A_1016 = arith.constant 2 : i32
          %dma_wait3A_1017 = arith.constant 0 : i32
          %dma_wait3A_1018 = arith.constant 0 : i32
          %dma_wait3A_1019 = tpu.memref_slice %arg10[%dma_wait3A_1016, %dma_wait3A_1017, %dma_wait3A_1018] : memref<4x64x128xf32, #tpu.memory_space<vmem>> -> memref<1x64x128xf32, #tpu.memory_space<vmem>>
          %dma_wait3A_1020 = tpu.memref_squeeze %dma_wait3A_1019 : memref<1x64x128xf32, #tpu.memory_space<vmem>> -> memref<64x128xf32, #tpu.memory_space<vmem>>
          %dma_wait3A_1021 = arith.constant 0 : i32
          %dma_wait3A_1022 = arith.constant 0 : i32
          %dma_wait3A_1023 = tpu.memref_slice %arg2[%dma_wait3A_1021, %dma_wait3A_1022] : memref<64x1000000xf32, #tpu.memory_space<hbm>> -> memref<64x128xf32, #tpu.memory_space<hbm>>
          %dma_wait3A_1024 = arith.constant 0 : i32
          %dma_wait3A_1025 = arith.constant 0 : i32
          %dma_wait3A_1026 = tpu.memref_slice %arg10[%dma_wait3A_1016, %dma_wait3A_1024, %dma_wait3A_1025] : memref<4x64x128xf32, #tpu.memory_space<vmem>> -> memref<1x64x128xf32, #tpu.memory_space<vmem>>
          %dma_wait3A_1027 = tpu.memref_squeeze %dma_wait3A_1026 : memref<1x64x128xf32, #tpu.memory_space<vmem>> -> memref<64x128xf32, #tpu.memory_space<vmem>>
          %dma_wait3A_1028 = arith.constant 0 : i32
          %dma_wait3A_1029 = arith.constant 0 : i32
          %dma_wait3A_1030 = tpu.memref_slice %arg2[%dma_wait3A_1028, %dma_wait3A_1029] : memref<64x1000000xf32, #tpu.memory_space<hbm>> -> memref<64x128xf32, #tpu.memory_space<hbm>>
          tpu.wait_dma2 semaphore(%arg14 : memref<!tpu.dma_semaphore, #tpu.memory_space<semaphore_mem>>) src(%dma_wait3A_1030 : memref<64x128xf32, #tpu.memory_space<hbm>>) dst(%dma_wait3A_1027 : memref<64x128xf32, #tpu.memory_space<vmem>>)
          %mul3A_1031 = arith.constant 128 : i32
          %mul3A_1032 = arith.muli %reduce_sum3A_987, %mul3A_1031 : i32
          %multiple_of3A_1033 = tpu.assume_multiple %mul3A_1032, 128 : i32
          %dma_start3A_1034 = arith.constant 1 : i32
          %dma_start3A_1035 = arith.constant 0 : i32
          %dma_start3A_1036 = arith.constant 0 : i32
          %dma_start3A_1037 = tpu.memref_slice %arg10[%dma_start3A_1034, %dma_start3A_1035, %dma_start3A_1036] : memref<4x64x128xf32, #tpu.memory_space<vmem>> -> memref<1x64x128xf32, #tpu.memory_space<vmem>>
          %dma_start3A_1038 = tpu.memref_squeeze %dma_start3A_1037 : memref<1x64x128xf32, #tpu.memory_space<vmem>> -> memref<64x128xf32, #tpu.memory_space<vmem>>
          %dma_start3A_1039 = arith.constant 0 : i32
          %dma_start3A_1040 = tpu.memref_slice %arg2[%dma_start3A_1039, %multiple_of3A_1033] : memref<64x1000000xf32, #tpu.memory_space<hbm>> -> memref<64x128xf32, #tpu.memory_space<hbm>>
          %dma_start3A_1041 = arith.constant 0 : i32
          %dma_start3A_1042 = arith.constant 0 : i32
          %dma_start3A_1043 = tpu.memref_slice %arg10[%dma_start3A_1034, %dma_start3A_1041, %dma_start3A_1042] : memref<4x64x128xf32, #tpu.memory_space<vmem>> -> memref<1x64x128xf32, #tpu.memory_space<vmem>>
          %dma_start3A_1044 = tpu.memref_squeeze %dma_start3A_1043 : memref<1x64x128xf32, #tpu.memory_space<vmem>> -> memref<64x128xf32, #tpu.memory_space<vmem>>
          %dma_start3A_1045 = arith.constant 0 : i32
          %dma_start3A_1046 = tpu.memref_slice %arg2[%dma_start3A_1045, %multiple_of3A_1033] : memref<64x1000000xf32, #tpu.memory_space<hbm>> -> memref<64x128xf32, #tpu.memory_space<hbm>>
          tpu.enqueue_dma source(%dma_start3A_1046 : memref<64x128xf32, #tpu.memory_space<hbm>>) target(%dma_start3A_1044 : memref<64x128xf32, #tpu.memory_space<vmem>>) target_semaphore(%arg13 : memref<!tpu.dma_semaphore, #tpu.memory_space<semaphore_mem>>)
        } else {
        }
        %and3A_1009 = arith.constant 3 : i32
        %and3A_1010 = arith.andi %select_n3A_614, %and3A_1009 : i32
        %eq3A_1011 = arith.constant 3 : i32
        %eq3A_1012 = arith.cmpi eq, %and3A_1010, %eq3A_1011 : i32
        %convert_element_type3A_1013 = arith.extui %eq3A_1012 : i1 to i32
        %cond3A_1014 = arith.constant 0 : i32
        %cond3A_1015 = arith.cmpi ne, %convert_element_type3A_1013, %cond3A_1014 : i32
        scf.if %cond3A_1015 {
          %dma_wait3A_1016 = arith.constant 3 : i32
          %dma_wait3A_1017 = arith.constant 0 : i32
          %dma_wait3A_1018 = arith.constant 0 : i32
          %dma_wait3A_1019 = tpu.memref_slice %arg10[%dma_wait3A_1016, %dma_wait3A_1017, %dma_wait3A_1018] : memref<4x64x128xf32, #tpu.memory_space<vmem>> -> memref<1x64x128xf32, #tpu.memory_space<vmem>>
          %dma_wait3A_1020 = tpu.memref_squeeze %dma_wait3A_1019 : memref<1x64x128xf32, #tpu.memory_space<vmem>> -> memref<64x128xf32, #tpu.memory_space<vmem>>
          %dma_wait3A_1021 = arith.constant 0 : i32
          %dma_wait3A_1022 = arith.constant 0 : i32
          %dma_wait3A_1023 = tpu.memref_slice %arg2[%dma_wait3A_1021, %dma_wait3A_1022] : memref<64x1000000xf32, #tpu.memory_space<hbm>> -> memref<64x128xf32, #tpu.memory_space<hbm>>
          %dma_wait3A_1024 = arith.constant 0 : i32
          %dma_wait3A_1025 = arith.constant 0 : i32
          %dma_wait3A_1026 = tpu.memref_slice %arg10[%dma_wait3A_1016, %dma_wait3A_1024, %dma_wait3A_1025] : memref<4x64x128xf32, #tpu.memory_space<vmem>> -> memref<1x64x128xf32, #tpu.memory_space<vmem>>
          %dma_wait3A_1027 = tpu.memref_squeeze %dma_wait3A_1026 : memref<1x64x128xf32, #tpu.memory_space<vmem>> -> memref<64x128xf32, #tpu.memory_space<vmem>>
          %dma_wait3A_1028 = arith.constant 0 : i32
          %dma_wait3A_1029 = arith.constant 0 : i32
          %dma_wait3A_1030 = tpu.memref_slice %arg2[%dma_wait3A_1028, %dma_wait3A_1029] : memref<64x1000000xf32, #tpu.memory_space<hbm>> -> memref<64x128xf32, #tpu.memory_space<hbm>>
          tpu.wait_dma2 semaphore(%arg15 : memref<!tpu.dma_semaphore, #tpu.memory_space<semaphore_mem>>) src(%dma_wait3A_1030 : memref<64x128xf32, #tpu.memory_space<hbm>>) dst(%dma_wait3A_1027 : memref<64x128xf32, #tpu.memory_space<vmem>>)
          %mul3A_1031 = arith.constant 128 : i32
          %mul3A_1032 = arith.muli %reduce_sum3A_987, %mul3A_1031 : i32
          %multiple_of3A_1033 = tpu.assume_multiple %mul3A_1032, 128 : i32
          %dma_start3A_1034 = arith.constant 2 : i32
          %dma_start3A_1035 = arith.constant 0 : i32
          %dma_start3A_1036 = arith.constant 0 : i32
          %dma_start3A_1037 = tpu.memref_slice %arg10[%dma_start3A_1034, %dma_start3A_1035, %dma_start3A_1036] : memref<4x64x128xf32, #tpu.memory_space<vmem>> -> memref<1x64x128xf32, #tpu.memory_space<vmem>>
          %dma_start3A_1038 = tpu.memref_squeeze %dma_start3A_1037 : memref<1x64x128xf32, #tpu.memory_space<vmem>> -> memref<64x128xf32, #tpu.memory_space<vmem>>
          %dma_start3A_1039 = arith.constant 0 : i32
          %dma_start3A_1040 = tpu.memref_slice %arg2[%dma_start3A_1039, %multiple_of3A_1033] : memref<64x1000000xf32, #tpu.memory_space<hbm>> -> memref<64x128xf32, #tpu.memory_space<hbm>>
          %dma_start3A_1041 = arith.constant 0 : i32
          %dma_start3A_1042 = arith.constant 0 : i32
          %dma_start3A_1043 = tpu.memref_slice %arg10[%dma_start3A_1034, %dma_start3A_1041, %dma_start3A_1042] : memref<4x64x128xf32, #tpu.memory_space<vmem>> -> memref<1x64x128xf32, #tpu.memory_space<vmem>>
          %dma_start3A_1044 = tpu.memref_squeeze %dma_start3A_1043 : memref<1x64x128xf32, #tpu.memory_space<vmem>> -> memref<64x128xf32, #tpu.memory_space<vmem>>
          %dma_start3A_1045 = arith.constant 0 : i32
          %dma_start3A_1046 = tpu.memref_slice %arg2[%dma_start3A_1045, %multiple_of3A_1033] : memref<64x1000000xf32, #tpu.memory_space<hbm>> -> memref<64x128xf32, #tpu.memory_space<hbm>>
          tpu.enqueue_dma source(%dma_start3A_1046 : memref<64x128xf32, #tpu.memory_space<hbm>>) target(%dma_start3A_1044 : memref<64x128xf32, #tpu.memory_space<vmem>>) target_semaphore(%arg14 : memref<!tpu.dma_semaphore, #tpu.memory_space<semaphore_mem>>)
        } else {
        }
      } else {
      }
      %select_n3A_663 = arith.select %ne3A_659, %shift_right_arithmetic3A_656, %select_n3A_611 : i32
      %add3A_664 = arith.constant 1 : i32
      %add3A_665 = arith.addi %select_n3A_614, %add3A_664 : i32
      %select_n3A_666 = arith.select %ne3A_659, %add3A_665, %select_n3A_614 : i32
      %broadcast_in_dim3A_667 = vector.broadcast %and3A_658 : i32 to vector<16xi32>
      %sub3A_668 = arith.constant 1 : i32
      %sub3A_669 = arith.subi %select_n3A_666, %sub3A_668 : i32
      %and3A_670 = arith.constant 3 : i32
      %and3A_671 = arith.andi %sub3A_669, %and3A_670 : i32
      %broadcast_in_dim3A_672 = vector.broadcast %and3A_671 : i32 to vector<16xi32>
      %gather3A_673 = tpu.vector_load_idx %arg10[%broadcast_in_dim3A_672, %add3A_21, %broadcast_in_dim3A_667] : memref<4x64x128xf32, #tpu.memory_space<vmem>>[vector<16xi32>, vector<16xi32>, vector<16xi32>], vector<16xf32>,
      %swap3A_674 = arith.constant 10 : i32
      %swap3A_675 = arith.index_cast %swap3A_674 : i32 to index
      %swap3A_676 = arith.constant 0 : index
      %swap3A_677 = tpu.vector_load %arg11[%swap3A_675, %swap3A_676] {strides = array<i32>} : memref<16x64xf32, #tpu.memory_space<vmem>>, vector<16xf32>,
      tpu.vector_store %arg11[%swap3A_675, %swap3A_676], %gather3A_673 {strides = array<i32>} : memref<16x64xf32, #tpu.memory_space<vmem>>, vector<16xf32>,
      %gather3A_678 = tpu.vector_load_idx %arg10[%broadcast_in_dim3A_672, %add3A_25, %broadcast_in_dim3A_667] : memref<4x64x128xf32, #tpu.memory_space<vmem>>[vector<16xi32>, vector<16xi32>, vector<16xi32>], vector<16xf32>,
      %swap3A_679 = arith.constant 10 : i32
      %swap3A_680 = arith.index_cast %swap3A_679 : i32 to index
      %swap3A_681 = arith.constant 16 : index
      %swap3A_682 = tpu.vector_load %arg11[%swap3A_680, %swap3A_681] {strides = array<i32>} : memref<16x64xf32, #tpu.memory_space<vmem>>, vector<16xf32>,
      tpu.vector_store %arg11[%swap3A_680, %swap3A_681], %gather3A_678 {strides = array<i32>} : memref<16x64xf32, #tpu.memory_space<vmem>>, vector<16xf32>,
      %gather3A_683 = tpu.vector_load_idx %arg10[%broadcast_in_dim3A_672, %add3A_29, %broadcast_in_dim3A_667] : memref<4x64x128xf32, #tpu.memory_space<vmem>>[vector<16xi32>, vector<16xi32>, vector<16xi32>], vector<16xf32>,
      %swap3A_684 = arith.constant 10 : i32
      %swap3A_685 = arith.index_cast %swap3A_684 : i32 to index
      %swap3A_686 = arith.constant 32 : index
      %swap3A_687 = tpu.vector_load %arg11[%swap3A_685, %swap3A_686] {strides = array<i32>} : memref<16x64xf32, #tpu.memory_space<vmem>>, vector<16xf32>,
      tpu.vector_store %arg11[%swap3A_685, %swap3A_686], %gather3A_683 {strides = array<i32>} : memref<16x64xf32, #tpu.memory_space<vmem>>, vector<16xf32>,
      %gather3A_688 = tpu.vector_load_idx %arg10[%broadcast_in_dim3A_672, %add3A_33, %broadcast_in_dim3A_667] : memref<4x64x128xf32, #tpu.memory_space<vmem>>[vector<16xi32>, vector<16xi32>, vector<16xi32>], vector<16xf32>,
      %swap3A_689 = arith.constant 10 : i32
      %swap3A_690 = arith.index_cast %swap3A_689 : i32 to index
      %swap3A_691 = arith.constant 48 : index
      %swap3A_692 = tpu.vector_load %arg11[%swap3A_690, %swap3A_691] {strides = array<i32>} : memref<16x64xf32, #tpu.memory_space<vmem>>, vector<16xf32>,
      tpu.vector_store %arg11[%swap3A_690, %swap3A_691], %gather3A_688 {strides = array<i32>} : memref<16x64xf32, #tpu.memory_space<vmem>>, vector<16xf32>,
      %dma_start3A_693 = arith.constant 10 : i32
      %dma_start3A_694 = arith.constant 0 : i32
      %dma_start3A_695 = tpu.memref_slice %arg11[%dma_start3A_693, %dma_start3A_694] : memref<16x64xf32, #tpu.memory_space<vmem>> -> memref<1x64xf32, #tpu.memory_space<vmem>>
      %dma_start3A_696 = arith.constant 0 : i32
      %dma_start3A_697 = tpu.memref_slice %arg6[%squeeze3A_654, %dma_start3A_696] : memref<16384x64xf32, #tpu.memory_space<hbm>> -> memref<1x64xf32, #tpu.memory_space<hbm>>
      %dma_start3A_698 = arith.constant 0 : i32
      %dma_start3A_699 = tpu.memref_slice %arg6[%squeeze3A_654, %dma_start3A_698] : memref<16384x64xf32, #tpu.memory_space<hbm>> -> memref<1x64xf32, #tpu.memory_space<hbm>>
      %dma_start3A_700 = arith.constant 10 : i32
      %dma_start3A_701 = arith.constant 0 : i32
      %dma_start3A_702 = tpu.memref_slice %arg11[%dma_start3A_700, %dma_start3A_701] : memref<16x64xf32, #tpu.memory_space<vmem>> -> memref<1x64xf32, #tpu.memory_space<vmem>>
      tpu.enqueue_dma source(%dma_start3A_702 : memref<1x64xf32, #tpu.memory_space<vmem>>) target(%dma_start3A_699 : memref<1x64xf32, #tpu.memory_space<hbm>>) target_semaphore(%arg16 : memref<!tpu.dma_semaphore, #tpu.memory_space<semaphore_mem>>)
      %slice3A_703 = vector.extract_strided_slice %get3A_131 {offsets = [11], sizes = [1], strides = [1]} : vector<16xi32> to vector<1xi32>
      %squeeze3A_704 = vector.extract %slice3A_703[0] : i32 from vector<1xi32>
      %slice3A_705 = vector.extract_strided_slice %get3A_135 {offsets = [11], sizes = [1], strides = [1]} : vector<16xi32> to vector<1xi32>
      %squeeze3A_706 = vector.extract %slice3A_705[0] : i32 from vector<1xi32>
      %shift_right_arithmetic3A_707 = arith.constant 7 : i32
      %shift_right_arithmetic3A_708 = arith.shrsi %squeeze3A_704, %shift_right_arithmetic3A_707 : i32
      %and3A_709 = arith.constant 127 : i32
      %and3A_710 = arith.andi %squeeze3A_704, %and3A_709 : i32
      %ne3A_711 = arith.cmpi ne, %shift_right_arithmetic3A_708, %select_n3A_663 : i32
      %convert_element_type3A_712 = arith.extui %ne3A_711 : i1 to i32
      %cond3A_713 = arith.constant 0 : i32
      %cond3A_714 = arith.cmpi ne, %convert_element_type3A_712, %cond3A_713 : i32
      scf.if %cond3A_714 {
        %add3A_969 = arith.constant 4 : i32
        %add3A_970 = arith.addi %select_n3A_666, %add3A_969 : i32
        %sub3A_971 = arith.constant 1 : i32
        %sub3A_972 = arith.subi %add3A_970, %sub3A_971 : i32
        %min3A = arith.constant 511 : i32
        %min3A_973 = arith.minsi %sub3A_972, %min3A : i32
        %shift_right_arithmetic3A_974 = arith.constant 4 : i32
        %shift_right_arithmetic3A_975 = arith.shrsi %min3A_973, %shift_right_arithmetic3A_974 : i32
        %shift_left3A = arith.constant 4 : i32
        %shift_left3A_976 = arith.shli %shift_right_arithmetic3A_975, %shift_left3A : i32
        %multiple_of3A_977 = tpu.assume_multiple %shift_left3A_976, 16 : i32
        %get3A_978 = arith.index_cast %multiple_of3A_977 : i32 to index
        %get3A_979 = tpu.vector_load %arg9[%get3A_978] {strides = array<i32>} : memref<512xi32, #tpu.memory_space<vmem>>, vector<16xi32>,
        %and3A_980 = arith.constant 15 : i32
        %and3A_981 = arith.andi %min3A_973, %and3A_980 : i32
        %eq3A = vector.broadcast %and3A_981 : i32 to vector<16xi32>
        %eq3A_982 = arith.cmpi eq, %iota3A_34, %eq3A : vector<16xi32>
        %jit3A = arith.constant 0 : i32
        %broadcast_in_dim3A_983 = vector.broadcast %jit3A : i32 to vector<16xi32>
        %select_n3A_984 = arith.select %eq3A_982, %get3A_979, %broadcast_in_dim3A_983 : vector<16xi1>, vector<16xi32>
        %reduce_sum3A = arith.constant true
        %reduce_sum3A_985 = vector.broadcast %reduce_sum3A : i1 to vector<16xi1>
        %reduce_sum3A_986 = tpu.scan <sum>, %select_n3A_984 masked %reduce_sum3A_985 : vector<16xi32>, vector<16xi1> -> vector<16xi32>
        %reduce_sum3A_987 = vector.extract %reduce_sum3A_986[15] : i32 from vector<16xi32>
        %and3A_988 = arith.constant 3 : i32
        %and3A_989 = arith.andi %select_n3A_666, %and3A_988 : i32
        %eq3A_990 = arith.constant 0 : i32
        %eq3A_991 = arith.cmpi eq, %and3A_989, %eq3A_990 : i32
        %convert_element_type3A_992 = arith.extui %eq3A_991 : i1 to i32
        %cond3A_993 = arith.constant 0 : i32
        %cond3A_994 = arith.cmpi ne, %convert_element_type3A_992, %cond3A_993 : i32
        scf.if %cond3A_994 {
          %dma_wait3A_1016 = arith.constant 0 : i32
          %dma_wait3A_1017 = arith.constant 0 : i32
          %dma_wait3A_1018 = arith.constant 0 : i32
          %dma_wait3A_1019 = tpu.memref_slice %arg10[%dma_wait3A_1016, %dma_wait3A_1017, %dma_wait3A_1018] : memref<4x64x128xf32, #tpu.memory_space<vmem>> -> memref<1x64x128xf32, #tpu.memory_space<vmem>>
          %dma_wait3A_1020 = tpu.memref_squeeze %dma_wait3A_1019 : memref<1x64x128xf32, #tpu.memory_space<vmem>> -> memref<64x128xf32, #tpu.memory_space<vmem>>
          %dma_wait3A_1021 = arith.constant 0 : i32
          %dma_wait3A_1022 = arith.constant 0 : i32
          %dma_wait3A_1023 = tpu.memref_slice %arg2[%dma_wait3A_1021, %dma_wait3A_1022] : memref<64x1000000xf32, #tpu.memory_space<hbm>> -> memref<64x128xf32, #tpu.memory_space<hbm>>
          %dma_wait3A_1024 = arith.constant 0 : i32
          %dma_wait3A_1025 = arith.constant 0 : i32
          %dma_wait3A_1026 = tpu.memref_slice %arg10[%dma_wait3A_1016, %dma_wait3A_1024, %dma_wait3A_1025] : memref<4x64x128xf32, #tpu.memory_space<vmem>> -> memref<1x64x128xf32, #tpu.memory_space<vmem>>
          %dma_wait3A_1027 = tpu.memref_squeeze %dma_wait3A_1026 : memref<1x64x128xf32, #tpu.memory_space<vmem>> -> memref<64x128xf32, #tpu.memory_space<vmem>>
          %dma_wait3A_1028 = arith.constant 0 : i32
          %dma_wait3A_1029 = arith.constant 0 : i32
          %dma_wait3A_1030 = tpu.memref_slice %arg2[%dma_wait3A_1028, %dma_wait3A_1029] : memref<64x1000000xf32, #tpu.memory_space<hbm>> -> memref<64x128xf32, #tpu.memory_space<hbm>>
          tpu.wait_dma2 semaphore(%arg12 : memref<!tpu.dma_semaphore, #tpu.memory_space<semaphore_mem>>) src(%dma_wait3A_1030 : memref<64x128xf32, #tpu.memory_space<hbm>>) dst(%dma_wait3A_1027 : memref<64x128xf32, #tpu.memory_space<vmem>>)
          %mul3A_1031 = arith.constant 128 : i32
          %mul3A_1032 = arith.muli %reduce_sum3A_987, %mul3A_1031 : i32
          %multiple_of3A_1033 = tpu.assume_multiple %mul3A_1032, 128 : i32
          %dma_start3A_1034 = arith.constant 3 : i32
          %dma_start3A_1035 = arith.constant 0 : i32
          %dma_start3A_1036 = arith.constant 0 : i32
          %dma_start3A_1037 = tpu.memref_slice %arg10[%dma_start3A_1034, %dma_start3A_1035, %dma_start3A_1036] : memref<4x64x128xf32, #tpu.memory_space<vmem>> -> memref<1x64x128xf32, #tpu.memory_space<vmem>>
          %dma_start3A_1038 = tpu.memref_squeeze %dma_start3A_1037 : memref<1x64x128xf32, #tpu.memory_space<vmem>> -> memref<64x128xf32, #tpu.memory_space<vmem>>
          %dma_start3A_1039 = arith.constant 0 : i32
          %dma_start3A_1040 = tpu.memref_slice %arg2[%dma_start3A_1039, %multiple_of3A_1033] : memref<64x1000000xf32, #tpu.memory_space<hbm>> -> memref<64x128xf32, #tpu.memory_space<hbm>>
          %dma_start3A_1041 = arith.constant 0 : i32
          %dma_start3A_1042 = arith.constant 0 : i32
          %dma_start3A_1043 = tpu.memref_slice %arg10[%dma_start3A_1034, %dma_start3A_1041, %dma_start3A_1042] : memref<4x64x128xf32, #tpu.memory_space<vmem>> -> memref<1x64x128xf32, #tpu.memory_space<vmem>>
          %dma_start3A_1044 = tpu.memref_squeeze %dma_start3A_1043 : memref<1x64x128xf32, #tpu.memory_space<vmem>> -> memref<64x128xf32, #tpu.memory_space<vmem>>
          %dma_start3A_1045 = arith.constant 0 : i32
          %dma_start3A_1046 = tpu.memref_slice %arg2[%dma_start3A_1045, %multiple_of3A_1033] : memref<64x1000000xf32, #tpu.memory_space<hbm>> -> memref<64x128xf32, #tpu.memory_space<hbm>>
          tpu.enqueue_dma source(%dma_start3A_1046 : memref<64x128xf32, #tpu.memory_space<hbm>>) target(%dma_start3A_1044 : memref<64x128xf32, #tpu.memory_space<vmem>>) target_semaphore(%arg15 : memref<!tpu.dma_semaphore, #tpu.memory_space<semaphore_mem>>)
        } else {
        }
        %and3A_995 = arith.constant 3 : i32
        %and3A_996 = arith.andi %select_n3A_666, %and3A_995 : i32
        %eq3A_997 = arith.constant 1 : i32
        %eq3A_998 = arith.cmpi eq, %and3A_996, %eq3A_997 : i32
        %convert_element_type3A_999 = arith.extui %eq3A_998 : i1 to i32
        %cond3A_1000 = arith.constant 0 : i32
        %cond3A_1001 = arith.cmpi ne, %convert_element_type3A_999, %cond3A_1000 : i32
        scf.if %cond3A_1001 {
          %dma_wait3A_1016 = arith.constant 1 : i32
          %dma_wait3A_1017 = arith.constant 0 : i32
          %dma_wait3A_1018 = arith.constant 0 : i32
          %dma_wait3A_1019 = tpu.memref_slice %arg10[%dma_wait3A_1016, %dma_wait3A_1017, %dma_wait3A_1018] : memref<4x64x128xf32, #tpu.memory_space<vmem>> -> memref<1x64x128xf32, #tpu.memory_space<vmem>>
          %dma_wait3A_1020 = tpu.memref_squeeze %dma_wait3A_1019 : memref<1x64x128xf32, #tpu.memory_space<vmem>> -> memref<64x128xf32, #tpu.memory_space<vmem>>
          %dma_wait3A_1021 = arith.constant 0 : i32
          %dma_wait3A_1022 = arith.constant 0 : i32
          %dma_wait3A_1023 = tpu.memref_slice %arg2[%dma_wait3A_1021, %dma_wait3A_1022] : memref<64x1000000xf32, #tpu.memory_space<hbm>> -> memref<64x128xf32, #tpu.memory_space<hbm>>
          %dma_wait3A_1024 = arith.constant 0 : i32
          %dma_wait3A_1025 = arith.constant 0 : i32
          %dma_wait3A_1026 = tpu.memref_slice %arg10[%dma_wait3A_1016, %dma_wait3A_1024, %dma_wait3A_1025] : memref<4x64x128xf32, #tpu.memory_space<vmem>> -> memref<1x64x128xf32, #tpu.memory_space<vmem>>
          %dma_wait3A_1027 = tpu.memref_squeeze %dma_wait3A_1026 : memref<1x64x128xf32, #tpu.memory_space<vmem>> -> memref<64x128xf32, #tpu.memory_space<vmem>>
          %dma_wait3A_1028 = arith.constant 0 : i32
          %dma_wait3A_1029 = arith.constant 0 : i32
          %dma_wait3A_1030 = tpu.memref_slice %arg2[%dma_wait3A_1028, %dma_wait3A_1029] : memref<64x1000000xf32, #tpu.memory_space<hbm>> -> memref<64x128xf32, #tpu.memory_space<hbm>>
          tpu.wait_dma2 semaphore(%arg13 : memref<!tpu.dma_semaphore, #tpu.memory_space<semaphore_mem>>) src(%dma_wait3A_1030 : memref<64x128xf32, #tpu.memory_space<hbm>>) dst(%dma_wait3A_1027 : memref<64x128xf32, #tpu.memory_space<vmem>>)
          %mul3A_1031 = arith.constant 128 : i32
          %mul3A_1032 = arith.muli %reduce_sum3A_987, %mul3A_1031 : i32
          %multiple_of3A_1033 = tpu.assume_multiple %mul3A_1032, 128 : i32
          %dma_start3A_1034 = arith.constant 0 : i32
          %dma_start3A_1035 = arith.constant 0 : i32
          %dma_start3A_1036 = arith.constant 0 : i32
          %dma_start3A_1037 = tpu.memref_slice %arg10[%dma_start3A_1034, %dma_start3A_1035, %dma_start3A_1036] : memref<4x64x128xf32, #tpu.memory_space<vmem>> -> memref<1x64x128xf32, #tpu.memory_space<vmem>>
          %dma_start3A_1038 = tpu.memref_squeeze %dma_start3A_1037 : memref<1x64x128xf32, #tpu.memory_space<vmem>> -> memref<64x128xf32, #tpu.memory_space<vmem>>
          %dma_start3A_1039 = arith.constant 0 : i32
          %dma_start3A_1040 = tpu.memref_slice %arg2[%dma_start3A_1039, %multiple_of3A_1033] : memref<64x1000000xf32, #tpu.memory_space<hbm>> -> memref<64x128xf32, #tpu.memory_space<hbm>>
          %dma_start3A_1041 = arith.constant 0 : i32
          %dma_start3A_1042 = arith.constant 0 : i32
          %dma_start3A_1043 = tpu.memref_slice %arg10[%dma_start3A_1034, %dma_start3A_1041, %dma_start3A_1042] : memref<4x64x128xf32, #tpu.memory_space<vmem>> -> memref<1x64x128xf32, #tpu.memory_space<vmem>>
          %dma_start3A_1044 = tpu.memref_squeeze %dma_start3A_1043 : memref<1x64x128xf32, #tpu.memory_space<vmem>> -> memref<64x128xf32, #tpu.memory_space<vmem>>
          %dma_start3A_1045 = arith.constant 0 : i32
          %dma_start3A_1046 = tpu.memref_slice %arg2[%dma_start3A_1045, %multiple_of3A_1033] : memref<64x1000000xf32, #tpu.memory_space<hbm>> -> memref<64x128xf32, #tpu.memory_space<hbm>>
          tpu.enqueue_dma source(%dma_start3A_1046 : memref<64x128xf32, #tpu.memory_space<hbm>>) target(%dma_start3A_1044 : memref<64x128xf32, #tpu.memory_space<vmem>>) target_semaphore(%arg12 : memref<!tpu.dma_semaphore, #tpu.memory_space<semaphore_mem>>)
        } else {
        }
        %and3A_1002 = arith.constant 3 : i32
        %and3A_1003 = arith.andi %select_n3A_666, %and3A_1002 : i32
        %eq3A_1004 = arith.constant 2 : i32
        %eq3A_1005 = arith.cmpi eq, %and3A_1003, %eq3A_1004 : i32
        %convert_element_type3A_1006 = arith.extui %eq3A_1005 : i1 to i32
        %cond3A_1007 = arith.constant 0 : i32
        %cond3A_1008 = arith.cmpi ne, %convert_element_type3A_1006, %cond3A_1007 : i32
        scf.if %cond3A_1008 {
          %dma_wait3A_1016 = arith.constant 2 : i32
          %dma_wait3A_1017 = arith.constant 0 : i32
          %dma_wait3A_1018 = arith.constant 0 : i32
          %dma_wait3A_1019 = tpu.memref_slice %arg10[%dma_wait3A_1016, %dma_wait3A_1017, %dma_wait3A_1018] : memref<4x64x128xf32, #tpu.memory_space<vmem>> -> memref<1x64x128xf32, #tpu.memory_space<vmem>>
          %dma_wait3A_1020 = tpu.memref_squeeze %dma_wait3A_1019 : memref<1x64x128xf32, #tpu.memory_space<vmem>> -> memref<64x128xf32, #tpu.memory_space<vmem>>
          %dma_wait3A_1021 = arith.constant 0 : i32
          %dma_wait3A_1022 = arith.constant 0 : i32
          %dma_wait3A_1023 = tpu.memref_slice %arg2[%dma_wait3A_1021, %dma_wait3A_1022] : memref<64x1000000xf32, #tpu.memory_space<hbm>> -> memref<64x128xf32, #tpu.memory_space<hbm>>
          %dma_wait3A_1024 = arith.constant 0 : i32
          %dma_wait3A_1025 = arith.constant 0 : i32
          %dma_wait3A_1026 = tpu.memref_slice %arg10[%dma_wait3A_1016, %dma_wait3A_1024, %dma_wait3A_1025] : memref<4x64x128xf32, #tpu.memory_space<vmem>> -> memref<1x64x128xf32, #tpu.memory_space<vmem>>
          %dma_wait3A_1027 = tpu.memref_squeeze %dma_wait3A_1026 : memref<1x64x128xf32, #tpu.memory_space<vmem>> -> memref<64x128xf32, #tpu.memory_space<vmem>>
          %dma_wait3A_1028 = arith.constant 0 : i32
          %dma_wait3A_1029 = arith.constant 0 : i32
          %dma_wait3A_1030 = tpu.memref_slice %arg2[%dma_wait3A_1028, %dma_wait3A_1029] : memref<64x1000000xf32, #tpu.memory_space<hbm>> -> memref<64x128xf32, #tpu.memory_space<hbm>>
          tpu.wait_dma2 semaphore(%arg14 : memref<!tpu.dma_semaphore, #tpu.memory_space<semaphore_mem>>) src(%dma_wait3A_1030 : memref<64x128xf32, #tpu.memory_space<hbm>>) dst(%dma_wait3A_1027 : memref<64x128xf32, #tpu.memory_space<vmem>>)
          %mul3A_1031 = arith.constant 128 : i32
          %mul3A_1032 = arith.muli %reduce_sum3A_987, %mul3A_1031 : i32
          %multiple_of3A_1033 = tpu.assume_multiple %mul3A_1032, 128 : i32
          %dma_start3A_1034 = arith.constant 1 : i32
          %dma_start3A_1035 = arith.constant 0 : i32
          %dma_start3A_1036 = arith.constant 0 : i32
          %dma_start3A_1037 = tpu.memref_slice %arg10[%dma_start3A_1034, %dma_start3A_1035, %dma_start3A_1036] : memref<4x64x128xf32, #tpu.memory_space<vmem>> -> memref<1x64x128xf32, #tpu.memory_space<vmem>>
          %dma_start3A_1038 = tpu.memref_squeeze %dma_start3A_1037 : memref<1x64x128xf32, #tpu.memory_space<vmem>> -> memref<64x128xf32, #tpu.memory_space<vmem>>
          %dma_start3A_1039 = arith.constant 0 : i32
          %dma_start3A_1040 = tpu.memref_slice %arg2[%dma_start3A_1039, %multiple_of3A_1033] : memref<64x1000000xf32, #tpu.memory_space<hbm>> -> memref<64x128xf32, #tpu.memory_space<hbm>>
          %dma_start3A_1041 = arith.constant 0 : i32
          %dma_start3A_1042 = arith.constant 0 : i32
          %dma_start3A_1043 = tpu.memref_slice %arg10[%dma_start3A_1034, %dma_start3A_1041, %dma_start3A_1042] : memref<4x64x128xf32, #tpu.memory_space<vmem>> -> memref<1x64x128xf32, #tpu.memory_space<vmem>>
          %dma_start3A_1044 = tpu.memref_squeeze %dma_start3A_1043 : memref<1x64x128xf32, #tpu.memory_space<vmem>> -> memref<64x128xf32, #tpu.memory_space<vmem>>
          %dma_start3A_1045 = arith.constant 0 : i32
          %dma_start3A_1046 = tpu.memref_slice %arg2[%dma_start3A_1045, %multiple_of3A_1033] : memref<64x1000000xf32, #tpu.memory_space<hbm>> -> memref<64x128xf32, #tpu.memory_space<hbm>>
          tpu.enqueue_dma source(%dma_start3A_1046 : memref<64x128xf32, #tpu.memory_space<hbm>>) target(%dma_start3A_1044 : memref<64x128xf32, #tpu.memory_space<vmem>>) target_semaphore(%arg13 : memref<!tpu.dma_semaphore, #tpu.memory_space<semaphore_mem>>)
        } else {
        }
        %and3A_1009 = arith.constant 3 : i32
        %and3A_1010 = arith.andi %select_n3A_666, %and3A_1009 : i32
        %eq3A_1011 = arith.constant 3 : i32
        %eq3A_1012 = arith.cmpi eq, %and3A_1010, %eq3A_1011 : i32
        %convert_element_type3A_1013 = arith.extui %eq3A_1012 : i1 to i32
        %cond3A_1014 = arith.constant 0 : i32
        %cond3A_1015 = arith.cmpi ne, %convert_element_type3A_1013, %cond3A_1014 : i32
        scf.if %cond3A_1015 {
          %dma_wait3A_1016 = arith.constant 3 : i32
          %dma_wait3A_1017 = arith.constant 0 : i32
          %dma_wait3A_1018 = arith.constant 0 : i32
          %dma_wait3A_1019 = tpu.memref_slice %arg10[%dma_wait3A_1016, %dma_wait3A_1017, %dma_wait3A_1018] : memref<4x64x128xf32, #tpu.memory_space<vmem>> -> memref<1x64x128xf32, #tpu.memory_space<vmem>>
          %dma_wait3A_1020 = tpu.memref_squeeze %dma_wait3A_1019 : memref<1x64x128xf32, #tpu.memory_space<vmem>> -> memref<64x128xf32, #tpu.memory_space<vmem>>
          %dma_wait3A_1021 = arith.constant 0 : i32
          %dma_wait3A_1022 = arith.constant 0 : i32
          %dma_wait3A_1023 = tpu.memref_slice %arg2[%dma_wait3A_1021, %dma_wait3A_1022] : memref<64x1000000xf32, #tpu.memory_space<hbm>> -> memref<64x128xf32, #tpu.memory_space<hbm>>
          %dma_wait3A_1024 = arith.constant 0 : i32
          %dma_wait3A_1025 = arith.constant 0 : i32
          %dma_wait3A_1026 = tpu.memref_slice %arg10[%dma_wait3A_1016, %dma_wait3A_1024, %dma_wait3A_1025] : memref<4x64x128xf32, #tpu.memory_space<vmem>> -> memref<1x64x128xf32, #tpu.memory_space<vmem>>
          %dma_wait3A_1027 = tpu.memref_squeeze %dma_wait3A_1026 : memref<1x64x128xf32, #tpu.memory_space<vmem>> -> memref<64x128xf32, #tpu.memory_space<vmem>>
          %dma_wait3A_1028 = arith.constant 0 : i32
          %dma_wait3A_1029 = arith.constant 0 : i32
          %dma_wait3A_1030 = tpu.memref_slice %arg2[%dma_wait3A_1028, %dma_wait3A_1029] : memref<64x1000000xf32, #tpu.memory_space<hbm>> -> memref<64x128xf32, #tpu.memory_space<hbm>>
          tpu.wait_dma2 semaphore(%arg15 : memref<!tpu.dma_semaphore, #tpu.memory_space<semaphore_mem>>) src(%dma_wait3A_1030 : memref<64x128xf32, #tpu.memory_space<hbm>>) dst(%dma_wait3A_1027 : memref<64x128xf32, #tpu.memory_space<vmem>>)
          %mul3A_1031 = arith.constant 128 : i32
          %mul3A_1032 = arith.muli %reduce_sum3A_987, %mul3A_1031 : i32
          %multiple_of3A_1033 = tpu.assume_multiple %mul3A_1032, 128 : i32
          %dma_start3A_1034 = arith.constant 2 : i32
          %dma_start3A_1035 = arith.constant 0 : i32
          %dma_start3A_1036 = arith.constant 0 : i32
          %dma_start3A_1037 = tpu.memref_slice %arg10[%dma_start3A_1034, %dma_start3A_1035, %dma_start3A_1036] : memref<4x64x128xf32, #tpu.memory_space<vmem>> -> memref<1x64x128xf32, #tpu.memory_space<vmem>>
          %dma_start3A_1038 = tpu.memref_squeeze %dma_start3A_1037 : memref<1x64x128xf32, #tpu.memory_space<vmem>> -> memref<64x128xf32, #tpu.memory_space<vmem>>
          %dma_start3A_1039 = arith.constant 0 : i32
          %dma_start3A_1040 = tpu.memref_slice %arg2[%dma_start3A_1039, %multiple_of3A_1033] : memref<64x1000000xf32, #tpu.memory_space<hbm>> -> memref<64x128xf32, #tpu.memory_space<hbm>>
          %dma_start3A_1041 = arith.constant 0 : i32
          %dma_start3A_1042 = arith.constant 0 : i32
          %dma_start3A_1043 = tpu.memref_slice %arg10[%dma_start3A_1034, %dma_start3A_1041, %dma_start3A_1042] : memref<4x64x128xf32, #tpu.memory_space<vmem>> -> memref<1x64x128xf32, #tpu.memory_space<vmem>>
          %dma_start3A_1044 = tpu.memref_squeeze %dma_start3A_1043 : memref<1x64x128xf32, #tpu.memory_space<vmem>> -> memref<64x128xf32, #tpu.memory_space<vmem>>
          %dma_start3A_1045 = arith.constant 0 : i32
          %dma_start3A_1046 = tpu.memref_slice %arg2[%dma_start3A_1045, %multiple_of3A_1033] : memref<64x1000000xf32, #tpu.memory_space<hbm>> -> memref<64x128xf32, #tpu.memory_space<hbm>>
          tpu.enqueue_dma source(%dma_start3A_1046 : memref<64x128xf32, #tpu.memory_space<hbm>>) target(%dma_start3A_1044 : memref<64x128xf32, #tpu.memory_space<vmem>>) target_semaphore(%arg14 : memref<!tpu.dma_semaphore, #tpu.memory_space<semaphore_mem>>)
        } else {
        }
      } else {
      }
      %select_n3A_715 = arith.select %ne3A_711, %shift_right_arithmetic3A_708, %select_n3A_663 : i32
      %add3A_716 = arith.constant 1 : i32
      %add3A_717 = arith.addi %select_n3A_666, %add3A_716 : i32
      %select_n3A_718 = arith.select %ne3A_711, %add3A_717, %select_n3A_666 : i32
      %broadcast_in_dim3A_719 = vector.broadcast %and3A_710 : i32 to vector<16xi32>
      %sub3A_720 = arith.constant 1 : i32
      %sub3A_721 = arith.subi %select_n3A_718, %sub3A_720 : i32
      %and3A_722 = arith.constant 3 : i32
      %and3A_723 = arith.andi %sub3A_721, %and3A_722 : i32
      %broadcast_in_dim3A_724 = vector.broadcast %and3A_723 : i32 to vector<16xi32>
      %gather3A_725 = tpu.vector_load_idx %arg10[%broadcast_in_dim3A_724, %add3A_21, %broadcast_in_dim3A_719] : memref<4x64x128xf32, #tpu.memory_space<vmem>>[vector<16xi32>, vector<16xi32>, vector<16xi32>], vector<16xf32>,
      %swap3A_726 = arith.constant 11 : i32
      %swap3A_727 = arith.index_cast %swap3A_726 : i32 to index
      %swap3A_728 = arith.constant 0 : index
      %swap3A_729 = tpu.vector_load %arg11[%swap3A_727, %swap3A_728] {strides = array<i32>} : memref<16x64xf32, #tpu.memory_space<vmem>>, vector<16xf32>,
      tpu.vector_store %arg11[%swap3A_727, %swap3A_728], %gather3A_725 {strides = array<i32>} : memref<16x64xf32, #tpu.memory_space<vmem>>, vector<16xf32>,
      %gather3A_730 = tpu.vector_load_idx %arg10[%broadcast_in_dim3A_724, %add3A_25, %broadcast_in_dim3A_719] : memref<4x64x128xf32, #tpu.memory_space<vmem>>[vector<16xi32>, vector<16xi32>, vector<16xi32>], vector<16xf32>,
      %swap3A_731 = arith.constant 11 : i32
      %swap3A_732 = arith.index_cast %swap3A_731 : i32 to index
      %swap3A_733 = arith.constant 16 : index
      %swap3A_734 = tpu.vector_load %arg11[%swap3A_732, %swap3A_733] {strides = array<i32>} : memref<16x64xf32, #tpu.memory_space<vmem>>, vector<16xf32>,
      tpu.vector_store %arg11[%swap3A_732, %swap3A_733], %gather3A_730 {strides = array<i32>} : memref<16x64xf32, #tpu.memory_space<vmem>>, vector<16xf32>,
      %gather3A_735 = tpu.vector_load_idx %arg10[%broadcast_in_dim3A_724, %add3A_29, %broadcast_in_dim3A_719] : memref<4x64x128xf32, #tpu.memory_space<vmem>>[vector<16xi32>, vector<16xi32>, vector<16xi32>], vector<16xf32>,
      %swap3A_736 = arith.constant 11 : i32
      %swap3A_737 = arith.index_cast %swap3A_736 : i32 to index
      %swap3A_738 = arith.constant 32 : index
      %swap3A_739 = tpu.vector_load %arg11[%swap3A_737, %swap3A_738] {strides = array<i32>} : memref<16x64xf32, #tpu.memory_space<vmem>>, vector<16xf32>,
      tpu.vector_store %arg11[%swap3A_737, %swap3A_738], %gather3A_735 {strides = array<i32>} : memref<16x64xf32, #tpu.memory_space<vmem>>, vector<16xf32>,
      %gather3A_740 = tpu.vector_load_idx %arg10[%broadcast_in_dim3A_724, %add3A_33, %broadcast_in_dim3A_719] : memref<4x64x128xf32, #tpu.memory_space<vmem>>[vector<16xi32>, vector<16xi32>, vector<16xi32>], vector<16xf32>,
      %swap3A_741 = arith.constant 11 : i32
      %swap3A_742 = arith.index_cast %swap3A_741 : i32 to index
      %swap3A_743 = arith.constant 48 : index
      %swap3A_744 = tpu.vector_load %arg11[%swap3A_742, %swap3A_743] {strides = array<i32>} : memref<16x64xf32, #tpu.memory_space<vmem>>, vector<16xf32>,
      tpu.vector_store %arg11[%swap3A_742, %swap3A_743], %gather3A_740 {strides = array<i32>} : memref<16x64xf32, #tpu.memory_space<vmem>>, vector<16xf32>,
      %dma_start3A_745 = arith.constant 11 : i32
      %dma_start3A_746 = arith.constant 0 : i32
      %dma_start3A_747 = tpu.memref_slice %arg11[%dma_start3A_745, %dma_start3A_746] : memref<16x64xf32, #tpu.memory_space<vmem>> -> memref<1x64xf32, #tpu.memory_space<vmem>>
      %dma_start3A_748 = arith.constant 0 : i32
      %dma_start3A_749 = tpu.memref_slice %arg6[%squeeze3A_706, %dma_start3A_748] : memref<16384x64xf32, #tpu.memory_space<hbm>> -> memref<1x64xf32, #tpu.memory_space<hbm>>
      %dma_start3A_750 = arith.constant 0 : i32
      %dma_start3A_751 = tpu.memref_slice %arg6[%squeeze3A_706, %dma_start3A_750] : memref<16384x64xf32, #tpu.memory_space<hbm>> -> memref<1x64xf32, #tpu.memory_space<hbm>>
      %dma_start3A_752 = arith.constant 11 : i32
      %dma_start3A_753 = arith.constant 0 : i32
      %dma_start3A_754 = tpu.memref_slice %arg11[%dma_start3A_752, %dma_start3A_753] : memref<16x64xf32, #tpu.memory_space<vmem>> -> memref<1x64xf32, #tpu.memory_space<vmem>>
      tpu.enqueue_dma source(%dma_start3A_754 : memref<1x64xf32, #tpu.memory_space<vmem>>) target(%dma_start3A_751 : memref<1x64xf32, #tpu.memory_space<hbm>>) target_semaphore(%arg16 : memref<!tpu.dma_semaphore, #tpu.memory_space<semaphore_mem>>)
      %slice3A_755 = vector.extract_strided_slice %get3A_131 {offsets = [12], sizes = [1], strides = [1]} : vector<16xi32> to vector<1xi32>
      %squeeze3A_756 = vector.extract %slice3A_755[0] : i32 from vector<1xi32>
      %slice3A_757 = vector.extract_strided_slice %get3A_135 {offsets = [12], sizes = [1], strides = [1]} : vector<16xi32> to vector<1xi32>
      %squeeze3A_758 = vector.extract %slice3A_757[0] : i32 from vector<1xi32>
      %shift_right_arithmetic3A_759 = arith.constant 7 : i32
      %shift_right_arithmetic3A_760 = arith.shrsi %squeeze3A_756, %shift_right_arithmetic3A_759 : i32
      %and3A_761 = arith.constant 127 : i32
      %and3A_762 = arith.andi %squeeze3A_756, %and3A_761 : i32
      %ne3A_763 = arith.cmpi ne, %shift_right_arithmetic3A_760, %select_n3A_715 : i32
      %convert_element_type3A_764 = arith.extui %ne3A_763 : i1 to i32
      %cond3A_765 = arith.constant 0 : i32
      %cond3A_766 = arith.cmpi ne, %convert_element_type3A_764, %cond3A_765 : i32
      scf.if %cond3A_766 {
        %add3A_969 = arith.constant 4 : i32
        %add3A_970 = arith.addi %select_n3A_718, %add3A_969 : i32
        %sub3A_971 = arith.constant 1 : i32
        %sub3A_972 = arith.subi %add3A_970, %sub3A_971 : i32
        %min3A = arith.constant 511 : i32
        %min3A_973 = arith.minsi %sub3A_972, %min3A : i32
        %shift_right_arithmetic3A_974 = arith.constant 4 : i32
        %shift_right_arithmetic3A_975 = arith.shrsi %min3A_973, %shift_right_arithmetic3A_974 : i32
        %shift_left3A = arith.constant 4 : i32
        %shift_left3A_976 = arith.shli %shift_right_arithmetic3A_975, %shift_left3A : i32
        %multiple_of3A_977 = tpu.assume_multiple %shift_left3A_976, 16 : i32
        %get3A_978 = arith.index_cast %multiple_of3A_977 : i32 to index
        %get3A_979 = tpu.vector_load %arg9[%get3A_978] {strides = array<i32>} : memref<512xi32, #tpu.memory_space<vmem>>, vector<16xi32>,
        %and3A_980 = arith.constant 15 : i32
        %and3A_981 = arith.andi %min3A_973, %and3A_980 : i32
        %eq3A = vector.broadcast %and3A_981 : i32 to vector<16xi32>
        %eq3A_982 = arith.cmpi eq, %iota3A_34, %eq3A : vector<16xi32>
        %jit3A = arith.constant 0 : i32
        %broadcast_in_dim3A_983 = vector.broadcast %jit3A : i32 to vector<16xi32>
        %select_n3A_984 = arith.select %eq3A_982, %get3A_979, %broadcast_in_dim3A_983 : vector<16xi1>, vector<16xi32>
        %reduce_sum3A = arith.constant true
        %reduce_sum3A_985 = vector.broadcast %reduce_sum3A : i1 to vector<16xi1>
        %reduce_sum3A_986 = tpu.scan <sum>, %select_n3A_984 masked %reduce_sum3A_985 : vector<16xi32>, vector<16xi1> -> vector<16xi32>
        %reduce_sum3A_987 = vector.extract %reduce_sum3A_986[15] : i32 from vector<16xi32>
        %and3A_988 = arith.constant 3 : i32
        %and3A_989 = arith.andi %select_n3A_718, %and3A_988 : i32
        %eq3A_990 = arith.constant 0 : i32
        %eq3A_991 = arith.cmpi eq, %and3A_989, %eq3A_990 : i32
        %convert_element_type3A_992 = arith.extui %eq3A_991 : i1 to i32
        %cond3A_993 = arith.constant 0 : i32
        %cond3A_994 = arith.cmpi ne, %convert_element_type3A_992, %cond3A_993 : i32
        scf.if %cond3A_994 {
          %dma_wait3A_1016 = arith.constant 0 : i32
          %dma_wait3A_1017 = arith.constant 0 : i32
          %dma_wait3A_1018 = arith.constant 0 : i32
          %dma_wait3A_1019 = tpu.memref_slice %arg10[%dma_wait3A_1016, %dma_wait3A_1017, %dma_wait3A_1018] : memref<4x64x128xf32, #tpu.memory_space<vmem>> -> memref<1x64x128xf32, #tpu.memory_space<vmem>>
          %dma_wait3A_1020 = tpu.memref_squeeze %dma_wait3A_1019 : memref<1x64x128xf32, #tpu.memory_space<vmem>> -> memref<64x128xf32, #tpu.memory_space<vmem>>
          %dma_wait3A_1021 = arith.constant 0 : i32
          %dma_wait3A_1022 = arith.constant 0 : i32
          %dma_wait3A_1023 = tpu.memref_slice %arg2[%dma_wait3A_1021, %dma_wait3A_1022] : memref<64x1000000xf32, #tpu.memory_space<hbm>> -> memref<64x128xf32, #tpu.memory_space<hbm>>
          %dma_wait3A_1024 = arith.constant 0 : i32
          %dma_wait3A_1025 = arith.constant 0 : i32
          %dma_wait3A_1026 = tpu.memref_slice %arg10[%dma_wait3A_1016, %dma_wait3A_1024, %dma_wait3A_1025] : memref<4x64x128xf32, #tpu.memory_space<vmem>> -> memref<1x64x128xf32, #tpu.memory_space<vmem>>
          %dma_wait3A_1027 = tpu.memref_squeeze %dma_wait3A_1026 : memref<1x64x128xf32, #tpu.memory_space<vmem>> -> memref<64x128xf32, #tpu.memory_space<vmem>>
          %dma_wait3A_1028 = arith.constant 0 : i32
          %dma_wait3A_1029 = arith.constant 0 : i32
          %dma_wait3A_1030 = tpu.memref_slice %arg2[%dma_wait3A_1028, %dma_wait3A_1029] : memref<64x1000000xf32, #tpu.memory_space<hbm>> -> memref<64x128xf32, #tpu.memory_space<hbm>>
          tpu.wait_dma2 semaphore(%arg12 : memref<!tpu.dma_semaphore, #tpu.memory_space<semaphore_mem>>) src(%dma_wait3A_1030 : memref<64x128xf32, #tpu.memory_space<hbm>>) dst(%dma_wait3A_1027 : memref<64x128xf32, #tpu.memory_space<vmem>>)
          %mul3A_1031 = arith.constant 128 : i32
          %mul3A_1032 = arith.muli %reduce_sum3A_987, %mul3A_1031 : i32
          %multiple_of3A_1033 = tpu.assume_multiple %mul3A_1032, 128 : i32
          %dma_start3A_1034 = arith.constant 3 : i32
          %dma_start3A_1035 = arith.constant 0 : i32
          %dma_start3A_1036 = arith.constant 0 : i32
          %dma_start3A_1037 = tpu.memref_slice %arg10[%dma_start3A_1034, %dma_start3A_1035, %dma_start3A_1036] : memref<4x64x128xf32, #tpu.memory_space<vmem>> -> memref<1x64x128xf32, #tpu.memory_space<vmem>>
          %dma_start3A_1038 = tpu.memref_squeeze %dma_start3A_1037 : memref<1x64x128xf32, #tpu.memory_space<vmem>> -> memref<64x128xf32, #tpu.memory_space<vmem>>
          %dma_start3A_1039 = arith.constant 0 : i32
          %dma_start3A_1040 = tpu.memref_slice %arg2[%dma_start3A_1039, %multiple_of3A_1033] : memref<64x1000000xf32, #tpu.memory_space<hbm>> -> memref<64x128xf32, #tpu.memory_space<hbm>>
          %dma_start3A_1041 = arith.constant 0 : i32
          %dma_start3A_1042 = arith.constant 0 : i32
          %dma_start3A_1043 = tpu.memref_slice %arg10[%dma_start3A_1034, %dma_start3A_1041, %dma_start3A_1042] : memref<4x64x128xf32, #tpu.memory_space<vmem>> -> memref<1x64x128xf32, #tpu.memory_space<vmem>>
          %dma_start3A_1044 = tpu.memref_squeeze %dma_start3A_1043 : memref<1x64x128xf32, #tpu.memory_space<vmem>> -> memref<64x128xf32, #tpu.memory_space<vmem>>
          %dma_start3A_1045 = arith.constant 0 : i32
          %dma_start3A_1046 = tpu.memref_slice %arg2[%dma_start3A_1045, %multiple_of3A_1033] : memref<64x1000000xf32, #tpu.memory_space<hbm>> -> memref<64x128xf32, #tpu.memory_space<hbm>>
          tpu.enqueue_dma source(%dma_start3A_1046 : memref<64x128xf32, #tpu.memory_space<hbm>>) target(%dma_start3A_1044 : memref<64x128xf32, #tpu.memory_space<vmem>>) target_semaphore(%arg15 : memref<!tpu.dma_semaphore, #tpu.memory_space<semaphore_mem>>)
        } else {
        }
        %and3A_995 = arith.constant 3 : i32
        %and3A_996 = arith.andi %select_n3A_718, %and3A_995 : i32
        %eq3A_997 = arith.constant 1 : i32
        %eq3A_998 = arith.cmpi eq, %and3A_996, %eq3A_997 : i32
        %convert_element_type3A_999 = arith.extui %eq3A_998 : i1 to i32
        %cond3A_1000 = arith.constant 0 : i32
        %cond3A_1001 = arith.cmpi ne, %convert_element_type3A_999, %cond3A_1000 : i32
        scf.if %cond3A_1001 {
          %dma_wait3A_1016 = arith.constant 1 : i32
          %dma_wait3A_1017 = arith.constant 0 : i32
          %dma_wait3A_1018 = arith.constant 0 : i32
          %dma_wait3A_1019 = tpu.memref_slice %arg10[%dma_wait3A_1016, %dma_wait3A_1017, %dma_wait3A_1018] : memref<4x64x128xf32, #tpu.memory_space<vmem>> -> memref<1x64x128xf32, #tpu.memory_space<vmem>>
          %dma_wait3A_1020 = tpu.memref_squeeze %dma_wait3A_1019 : memref<1x64x128xf32, #tpu.memory_space<vmem>> -> memref<64x128xf32, #tpu.memory_space<vmem>>
          %dma_wait3A_1021 = arith.constant 0 : i32
          %dma_wait3A_1022 = arith.constant 0 : i32
          %dma_wait3A_1023 = tpu.memref_slice %arg2[%dma_wait3A_1021, %dma_wait3A_1022] : memref<64x1000000xf32, #tpu.memory_space<hbm>> -> memref<64x128xf32, #tpu.memory_space<hbm>>
          %dma_wait3A_1024 = arith.constant 0 : i32
          %dma_wait3A_1025 = arith.constant 0 : i32
          %dma_wait3A_1026 = tpu.memref_slice %arg10[%dma_wait3A_1016, %dma_wait3A_1024, %dma_wait3A_1025] : memref<4x64x128xf32, #tpu.memory_space<vmem>> -> memref<1x64x128xf32, #tpu.memory_space<vmem>>
          %dma_wait3A_1027 = tpu.memref_squeeze %dma_wait3A_1026 : memref<1x64x128xf32, #tpu.memory_space<vmem>> -> memref<64x128xf32, #tpu.memory_space<vmem>>
          %dma_wait3A_1028 = arith.constant 0 : i32
          %dma_wait3A_1029 = arith.constant 0 : i32
          %dma_wait3A_1030 = tpu.memref_slice %arg2[%dma_wait3A_1028, %dma_wait3A_1029] : memref<64x1000000xf32, #tpu.memory_space<hbm>> -> memref<64x128xf32, #tpu.memory_space<hbm>>
          tpu.wait_dma2 semaphore(%arg13 : memref<!tpu.dma_semaphore, #tpu.memory_space<semaphore_mem>>) src(%dma_wait3A_1030 : memref<64x128xf32, #tpu.memory_space<hbm>>) dst(%dma_wait3A_1027 : memref<64x128xf32, #tpu.memory_space<vmem>>)
          %mul3A_1031 = arith.constant 128 : i32
          %mul3A_1032 = arith.muli %reduce_sum3A_987, %mul3A_1031 : i32
          %multiple_of3A_1033 = tpu.assume_multiple %mul3A_1032, 128 : i32
          %dma_start3A_1034 = arith.constant 0 : i32
          %dma_start3A_1035 = arith.constant 0 : i32
          %dma_start3A_1036 = arith.constant 0 : i32
          %dma_start3A_1037 = tpu.memref_slice %arg10[%dma_start3A_1034, %dma_start3A_1035, %dma_start3A_1036] : memref<4x64x128xf32, #tpu.memory_space<vmem>> -> memref<1x64x128xf32, #tpu.memory_space<vmem>>
          %dma_start3A_1038 = tpu.memref_squeeze %dma_start3A_1037 : memref<1x64x128xf32, #tpu.memory_space<vmem>> -> memref<64x128xf32, #tpu.memory_space<vmem>>
          %dma_start3A_1039 = arith.constant 0 : i32
          %dma_start3A_1040 = tpu.memref_slice %arg2[%dma_start3A_1039, %multiple_of3A_1033] : memref<64x1000000xf32, #tpu.memory_space<hbm>> -> memref<64x128xf32, #tpu.memory_space<hbm>>
          %dma_start3A_1041 = arith.constant 0 : i32
          %dma_start3A_1042 = arith.constant 0 : i32
          %dma_start3A_1043 = tpu.memref_slice %arg10[%dma_start3A_1034, %dma_start3A_1041, %dma_start3A_1042] : memref<4x64x128xf32, #tpu.memory_space<vmem>> -> memref<1x64x128xf32, #tpu.memory_space<vmem>>
          %dma_start3A_1044 = tpu.memref_squeeze %dma_start3A_1043 : memref<1x64x128xf32, #tpu.memory_space<vmem>> -> memref<64x128xf32, #tpu.memory_space<vmem>>
          %dma_start3A_1045 = arith.constant 0 : i32
          %dma_start3A_1046 = tpu.memref_slice %arg2[%dma_start3A_1045, %multiple_of3A_1033] : memref<64x1000000xf32, #tpu.memory_space<hbm>> -> memref<64x128xf32, #tpu.memory_space<hbm>>
          tpu.enqueue_dma source(%dma_start3A_1046 : memref<64x128xf32, #tpu.memory_space<hbm>>) target(%dma_start3A_1044 : memref<64x128xf32, #tpu.memory_space<vmem>>) target_semaphore(%arg12 : memref<!tpu.dma_semaphore, #tpu.memory_space<semaphore_mem>>)
        } else {
        }
        %and3A_1002 = arith.constant 3 : i32
        %and3A_1003 = arith.andi %select_n3A_718, %and3A_1002 : i32
        %eq3A_1004 = arith.constant 2 : i32
        %eq3A_1005 = arith.cmpi eq, %and3A_1003, %eq3A_1004 : i32
        %convert_element_type3A_1006 = arith.extui %eq3A_1005 : i1 to i32
        %cond3A_1007 = arith.constant 0 : i32
        %cond3A_1008 = arith.cmpi ne, %convert_element_type3A_1006, %cond3A_1007 : i32
        scf.if %cond3A_1008 {
          %dma_wait3A_1016 = arith.constant 2 : i32
          %dma_wait3A_1017 = arith.constant 0 : i32
          %dma_wait3A_1018 = arith.constant 0 : i32
          %dma_wait3A_1019 = tpu.memref_slice %arg10[%dma_wait3A_1016, %dma_wait3A_1017, %dma_wait3A_1018] : memref<4x64x128xf32, #tpu.memory_space<vmem>> -> memref<1x64x128xf32, #tpu.memory_space<vmem>>
          %dma_wait3A_1020 = tpu.memref_squeeze %dma_wait3A_1019 : memref<1x64x128xf32, #tpu.memory_space<vmem>> -> memref<64x128xf32, #tpu.memory_space<vmem>>
          %dma_wait3A_1021 = arith.constant 0 : i32
          %dma_wait3A_1022 = arith.constant 0 : i32
          %dma_wait3A_1023 = tpu.memref_slice %arg2[%dma_wait3A_1021, %dma_wait3A_1022] : memref<64x1000000xf32, #tpu.memory_space<hbm>> -> memref<64x128xf32, #tpu.memory_space<hbm>>
          %dma_wait3A_1024 = arith.constant 0 : i32
          %dma_wait3A_1025 = arith.constant 0 : i32
          %dma_wait3A_1026 = tpu.memref_slice %arg10[%dma_wait3A_1016, %dma_wait3A_1024, %dma_wait3A_1025] : memref<4x64x128xf32, #tpu.memory_space<vmem>> -> memref<1x64x128xf32, #tpu.memory_space<vmem>>
          %dma_wait3A_1027 = tpu.memref_squeeze %dma_wait3A_1026 : memref<1x64x128xf32, #tpu.memory_space<vmem>> -> memref<64x128xf32, #tpu.memory_space<vmem>>
          %dma_wait3A_1028 = arith.constant 0 : i32
          %dma_wait3A_1029 = arith.constant 0 : i32
          %dma_wait3A_1030 = tpu.memref_slice %arg2[%dma_wait3A_1028, %dma_wait3A_1029] : memref<64x1000000xf32, #tpu.memory_space<hbm>> -> memref<64x128xf32, #tpu.memory_space<hbm>>
          tpu.wait_dma2 semaphore(%arg14 : memref<!tpu.dma_semaphore, #tpu.memory_space<semaphore_mem>>) src(%dma_wait3A_1030 : memref<64x128xf32, #tpu.memory_space<hbm>>) dst(%dma_wait3A_1027 : memref<64x128xf32, #tpu.memory_space<vmem>>)
          %mul3A_1031 = arith.constant 128 : i32
          %mul3A_1032 = arith.muli %reduce_sum3A_987, %mul3A_1031 : i32
          %multiple_of3A_1033 = tpu.assume_multiple %mul3A_1032, 128 : i32
          %dma_start3A_1034 = arith.constant 1 : i32
          %dma_start3A_1035 = arith.constant 0 : i32
          %dma_start3A_1036 = arith.constant 0 : i32
          %dma_start3A_1037 = tpu.memref_slice %arg10[%dma_start3A_1034, %dma_start3A_1035, %dma_start3A_1036] : memref<4x64x128xf32, #tpu.memory_space<vmem>> -> memref<1x64x128xf32, #tpu.memory_space<vmem>>
          %dma_start3A_1038 = tpu.memref_squeeze %dma_start3A_1037 : memref<1x64x128xf32, #tpu.memory_space<vmem>> -> memref<64x128xf32, #tpu.memory_space<vmem>>
          %dma_start3A_1039 = arith.constant 0 : i32
          %dma_start3A_1040 = tpu.memref_slice %arg2[%dma_start3A_1039, %multiple_of3A_1033] : memref<64x1000000xf32, #tpu.memory_space<hbm>> -> memref<64x128xf32, #tpu.memory_space<hbm>>
          %dma_start3A_1041 = arith.constant 0 : i32
          %dma_start3A_1042 = arith.constant 0 : i32
          %dma_start3A_1043 = tpu.memref_slice %arg10[%dma_start3A_1034, %dma_start3A_1041, %dma_start3A_1042] : memref<4x64x128xf32, #tpu.memory_space<vmem>> -> memref<1x64x128xf32, #tpu.memory_space<vmem>>
          %dma_start3A_1044 = tpu.memref_squeeze %dma_start3A_1043 : memref<1x64x128xf32, #tpu.memory_space<vmem>> -> memref<64x128xf32, #tpu.memory_space<vmem>>
          %dma_start3A_1045 = arith.constant 0 : i32
          %dma_start3A_1046 = tpu.memref_slice %arg2[%dma_start3A_1045, %multiple_of3A_1033] : memref<64x1000000xf32, #tpu.memory_space<hbm>> -> memref<64x128xf32, #tpu.memory_space<hbm>>
          tpu.enqueue_dma source(%dma_start3A_1046 : memref<64x128xf32, #tpu.memory_space<hbm>>) target(%dma_start3A_1044 : memref<64x128xf32, #tpu.memory_space<vmem>>) target_semaphore(%arg13 : memref<!tpu.dma_semaphore, #tpu.memory_space<semaphore_mem>>)
        } else {
        }
        %and3A_1009 = arith.constant 3 : i32
        %and3A_1010 = arith.andi %select_n3A_718, %and3A_1009 : i32
        %eq3A_1011 = arith.constant 3 : i32
        %eq3A_1012 = arith.cmpi eq, %and3A_1010, %eq3A_1011 : i32
        %convert_element_type3A_1013 = arith.extui %eq3A_1012 : i1 to i32
        %cond3A_1014 = arith.constant 0 : i32
        %cond3A_1015 = arith.cmpi ne, %convert_element_type3A_1013, %cond3A_1014 : i32
        scf.if %cond3A_1015 {
          %dma_wait3A_1016 = arith.constant 3 : i32
          %dma_wait3A_1017 = arith.constant 0 : i32
          %dma_wait3A_1018 = arith.constant 0 : i32
          %dma_wait3A_1019 = tpu.memref_slice %arg10[%dma_wait3A_1016, %dma_wait3A_1017, %dma_wait3A_1018] : memref<4x64x128xf32, #tpu.memory_space<vmem>> -> memref<1x64x128xf32, #tpu.memory_space<vmem>>
          %dma_wait3A_1020 = tpu.memref_squeeze %dma_wait3A_1019 : memref<1x64x128xf32, #tpu.memory_space<vmem>> -> memref<64x128xf32, #tpu.memory_space<vmem>>
          %dma_wait3A_1021 = arith.constant 0 : i32
          %dma_wait3A_1022 = arith.constant 0 : i32
          %dma_wait3A_1023 = tpu.memref_slice %arg2[%dma_wait3A_1021, %dma_wait3A_1022] : memref<64x1000000xf32, #tpu.memory_space<hbm>> -> memref<64x128xf32, #tpu.memory_space<hbm>>
          %dma_wait3A_1024 = arith.constant 0 : i32
          %dma_wait3A_1025 = arith.constant 0 : i32
          %dma_wait3A_1026 = tpu.memref_slice %arg10[%dma_wait3A_1016, %dma_wait3A_1024, %dma_wait3A_1025] : memref<4x64x128xf32, #tpu.memory_space<vmem>> -> memref<1x64x128xf32, #tpu.memory_space<vmem>>
          %dma_wait3A_1027 = tpu.memref_squeeze %dma_wait3A_1026 : memref<1x64x128xf32, #tpu.memory_space<vmem>> -> memref<64x128xf32, #tpu.memory_space<vmem>>
          %dma_wait3A_1028 = arith.constant 0 : i32
          %dma_wait3A_1029 = arith.constant 0 : i32
          %dma_wait3A_1030 = tpu.memref_slice %arg2[%dma_wait3A_1028, %dma_wait3A_1029] : memref<64x1000000xf32, #tpu.memory_space<hbm>> -> memref<64x128xf32, #tpu.memory_space<hbm>>
          tpu.wait_dma2 semaphore(%arg15 : memref<!tpu.dma_semaphore, #tpu.memory_space<semaphore_mem>>) src(%dma_wait3A_1030 : memref<64x128xf32, #tpu.memory_space<hbm>>) dst(%dma_wait3A_1027 : memref<64x128xf32, #tpu.memory_space<vmem>>)
          %mul3A_1031 = arith.constant 128 : i32
          %mul3A_1032 = arith.muli %reduce_sum3A_987, %mul3A_1031 : i32
          %multiple_of3A_1033 = tpu.assume_multiple %mul3A_1032, 128 : i32
          %dma_start3A_1034 = arith.constant 2 : i32
          %dma_start3A_1035 = arith.constant 0 : i32
          %dma_start3A_1036 = arith.constant 0 : i32
          %dma_start3A_1037 = tpu.memref_slice %arg10[%dma_start3A_1034, %dma_start3A_1035, %dma_start3A_1036] : memref<4x64x128xf32, #tpu.memory_space<vmem>> -> memref<1x64x128xf32, #tpu.memory_space<vmem>>
          %dma_start3A_1038 = tpu.memref_squeeze %dma_start3A_1037 : memref<1x64x128xf32, #tpu.memory_space<vmem>> -> memref<64x128xf32, #tpu.memory_space<vmem>>
          %dma_start3A_1039 = arith.constant 0 : i32
          %dma_start3A_1040 = tpu.memref_slice %arg2[%dma_start3A_1039, %multiple_of3A_1033] : memref<64x1000000xf32, #tpu.memory_space<hbm>> -> memref<64x128xf32, #tpu.memory_space<hbm>>
          %dma_start3A_1041 = arith.constant 0 : i32
          %dma_start3A_1042 = arith.constant 0 : i32
          %dma_start3A_1043 = tpu.memref_slice %arg10[%dma_start3A_1034, %dma_start3A_1041, %dma_start3A_1042] : memref<4x64x128xf32, #tpu.memory_space<vmem>> -> memref<1x64x128xf32, #tpu.memory_space<vmem>>
          %dma_start3A_1044 = tpu.memref_squeeze %dma_start3A_1043 : memref<1x64x128xf32, #tpu.memory_space<vmem>> -> memref<64x128xf32, #tpu.memory_space<vmem>>
          %dma_start3A_1045 = arith.constant 0 : i32
          %dma_start3A_1046 = tpu.memref_slice %arg2[%dma_start3A_1045, %multiple_of3A_1033] : memref<64x1000000xf32, #tpu.memory_space<hbm>> -> memref<64x128xf32, #tpu.memory_space<hbm>>
          tpu.enqueue_dma source(%dma_start3A_1046 : memref<64x128xf32, #tpu.memory_space<hbm>>) target(%dma_start3A_1044 : memref<64x128xf32, #tpu.memory_space<vmem>>) target_semaphore(%arg14 : memref<!tpu.dma_semaphore, #tpu.memory_space<semaphore_mem>>)
        } else {
        }
      } else {
      }
      %select_n3A_767 = arith.select %ne3A_763, %shift_right_arithmetic3A_760, %select_n3A_715 : i32
      %add3A_768 = arith.constant 1 : i32
      %add3A_769 = arith.addi %select_n3A_718, %add3A_768 : i32
      %select_n3A_770 = arith.select %ne3A_763, %add3A_769, %select_n3A_718 : i32
      %broadcast_in_dim3A_771 = vector.broadcast %and3A_762 : i32 to vector<16xi32>
      %sub3A_772 = arith.constant 1 : i32
      %sub3A_773 = arith.subi %select_n3A_770, %sub3A_772 : i32
      %and3A_774 = arith.constant 3 : i32
      %and3A_775 = arith.andi %sub3A_773, %and3A_774 : i32
      %broadcast_in_dim3A_776 = vector.broadcast %and3A_775 : i32 to vector<16xi32>
      %gather3A_777 = tpu.vector_load_idx %arg10[%broadcast_in_dim3A_776, %add3A_21, %broadcast_in_dim3A_771] : memref<4x64x128xf32, #tpu.memory_space<vmem>>[vector<16xi32>, vector<16xi32>, vector<16xi32>], vector<16xf32>,
      %swap3A_778 = arith.constant 12 : i32
      %swap3A_779 = arith.index_cast %swap3A_778 : i32 to index
      %swap3A_780 = arith.constant 0 : index
      %swap3A_781 = tpu.vector_load %arg11[%swap3A_779, %swap3A_780] {strides = array<i32>} : memref<16x64xf32, #tpu.memory_space<vmem>>, vector<16xf32>,
      tpu.vector_store %arg11[%swap3A_779, %swap3A_780], %gather3A_777 {strides = array<i32>} : memref<16x64xf32, #tpu.memory_space<vmem>>, vector<16xf32>,
      %gather3A_782 = tpu.vector_load_idx %arg10[%broadcast_in_dim3A_776, %add3A_25, %broadcast_in_dim3A_771] : memref<4x64x128xf32, #tpu.memory_space<vmem>>[vector<16xi32>, vector<16xi32>, vector<16xi32>], vector<16xf32>,
      %swap3A_783 = arith.constant 12 : i32
      %swap3A_784 = arith.index_cast %swap3A_783 : i32 to index
      %swap3A_785 = arith.constant 16 : index
      %swap3A_786 = tpu.vector_load %arg11[%swap3A_784, %swap3A_785] {strides = array<i32>} : memref<16x64xf32, #tpu.memory_space<vmem>>, vector<16xf32>,
      tpu.vector_store %arg11[%swap3A_784, %swap3A_785], %gather3A_782 {strides = array<i32>} : memref<16x64xf32, #tpu.memory_space<vmem>>, vector<16xf32>,
      %gather3A_787 = tpu.vector_load_idx %arg10[%broadcast_in_dim3A_776, %add3A_29, %broadcast_in_dim3A_771] : memref<4x64x128xf32, #tpu.memory_space<vmem>>[vector<16xi32>, vector<16xi32>, vector<16xi32>], vector<16xf32>,
      %swap3A_788 = arith.constant 12 : i32
      %swap3A_789 = arith.index_cast %swap3A_788 : i32 to index
      %swap3A_790 = arith.constant 32 : index
      %swap3A_791 = tpu.vector_load %arg11[%swap3A_789, %swap3A_790] {strides = array<i32>} : memref<16x64xf32, #tpu.memory_space<vmem>>, vector<16xf32>,
      tpu.vector_store %arg11[%swap3A_789, %swap3A_790], %gather3A_787 {strides = array<i32>} : memref<16x64xf32, #tpu.memory_space<vmem>>, vector<16xf32>,
      %gather3A_792 = tpu.vector_load_idx %arg10[%broadcast_in_dim3A_776, %add3A_33, %broadcast_in_dim3A_771] : memref<4x64x128xf32, #tpu.memory_space<vmem>>[vector<16xi32>, vector<16xi32>, vector<16xi32>], vector<16xf32>,
      %swap3A_793 = arith.constant 12 : i32
      %swap3A_794 = arith.index_cast %swap3A_793 : i32 to index
      %swap3A_795 = arith.constant 48 : index
      %swap3A_796 = tpu.vector_load %arg11[%swap3A_794, %swap3A_795] {strides = array<i32>} : memref<16x64xf32, #tpu.memory_space<vmem>>, vector<16xf32>,
      tpu.vector_store %arg11[%swap3A_794, %swap3A_795], %gather3A_792 {strides = array<i32>} : memref<16x64xf32, #tpu.memory_space<vmem>>, vector<16xf32>,
      %dma_start3A_797 = arith.constant 12 : i32
      %dma_start3A_798 = arith.constant 0 : i32
      %dma_start3A_799 = tpu.memref_slice %arg11[%dma_start3A_797, %dma_start3A_798] : memref<16x64xf32, #tpu.memory_space<vmem>> -> memref<1x64xf32, #tpu.memory_space<vmem>>
      %dma_start3A_800 = arith.constant 0 : i32
      %dma_start3A_801 = tpu.memref_slice %arg6[%squeeze3A_758, %dma_start3A_800] : memref<16384x64xf32, #tpu.memory_space<hbm>> -> memref<1x64xf32, #tpu.memory_space<hbm>>
      %dma_start3A_802 = arith.constant 0 : i32
      %dma_start3A_803 = tpu.memref_slice %arg6[%squeeze3A_758, %dma_start3A_802] : memref<16384x64xf32, #tpu.memory_space<hbm>> -> memref<1x64xf32, #tpu.memory_space<hbm>>
      %dma_start3A_804 = arith.constant 12 : i32
      %dma_start3A_805 = arith.constant 0 : i32
      %dma_start3A_806 = tpu.memref_slice %arg11[%dma_start3A_804, %dma_start3A_805] : memref<16x64xf32, #tpu.memory_space<vmem>> -> memref<1x64xf32, #tpu.memory_space<vmem>>
      tpu.enqueue_dma source(%dma_start3A_806 : memref<1x64xf32, #tpu.memory_space<vmem>>) target(%dma_start3A_803 : memref<1x64xf32, #tpu.memory_space<hbm>>) target_semaphore(%arg16 : memref<!tpu.dma_semaphore, #tpu.memory_space<semaphore_mem>>)
      %slice3A_807 = vector.extract_strided_slice %get3A_131 {offsets = [13], sizes = [1], strides = [1]} : vector<16xi32> to vector<1xi32>
      %squeeze3A_808 = vector.extract %slice3A_807[0] : i32 from vector<1xi32>
      %slice3A_809 = vector.extract_strided_slice %get3A_135 {offsets = [13], sizes = [1], strides = [1]} : vector<16xi32> to vector<1xi32>
      %squeeze3A_810 = vector.extract %slice3A_809[0] : i32 from vector<1xi32>
      %shift_right_arithmetic3A_811 = arith.constant 7 : i32
      %shift_right_arithmetic3A_812 = arith.shrsi %squeeze3A_808, %shift_right_arithmetic3A_811 : i32
      %and3A_813 = arith.constant 127 : i32
      %and3A_814 = arith.andi %squeeze3A_808, %and3A_813 : i32
      %ne3A_815 = arith.cmpi ne, %shift_right_arithmetic3A_812, %select_n3A_767 : i32
      %convert_element_type3A_816 = arith.extui %ne3A_815 : i1 to i32
      %cond3A_817 = arith.constant 0 : i32
      %cond3A_818 = arith.cmpi ne, %convert_element_type3A_816, %cond3A_817 : i32
      scf.if %cond3A_818 {
        %add3A_969 = arith.constant 4 : i32
        %add3A_970 = arith.addi %select_n3A_770, %add3A_969 : i32
        %sub3A_971 = arith.constant 1 : i32
        %sub3A_972 = arith.subi %add3A_970, %sub3A_971 : i32
        %min3A = arith.constant 511 : i32
        %min3A_973 = arith.minsi %sub3A_972, %min3A : i32
        %shift_right_arithmetic3A_974 = arith.constant 4 : i32
        %shift_right_arithmetic3A_975 = arith.shrsi %min3A_973, %shift_right_arithmetic3A_974 : i32
        %shift_left3A = arith.constant 4 : i32
        %shift_left3A_976 = arith.shli %shift_right_arithmetic3A_975, %shift_left3A : i32
        %multiple_of3A_977 = tpu.assume_multiple %shift_left3A_976, 16 : i32
        %get3A_978 = arith.index_cast %multiple_of3A_977 : i32 to index
        %get3A_979 = tpu.vector_load %arg9[%get3A_978] {strides = array<i32>} : memref<512xi32, #tpu.memory_space<vmem>>, vector<16xi32>,
        %and3A_980 = arith.constant 15 : i32
        %and3A_981 = arith.andi %min3A_973, %and3A_980 : i32
        %eq3A = vector.broadcast %and3A_981 : i32 to vector<16xi32>
        %eq3A_982 = arith.cmpi eq, %iota3A_34, %eq3A : vector<16xi32>
        %jit3A = arith.constant 0 : i32
        %broadcast_in_dim3A_983 = vector.broadcast %jit3A : i32 to vector<16xi32>
        %select_n3A_984 = arith.select %eq3A_982, %get3A_979, %broadcast_in_dim3A_983 : vector<16xi1>, vector<16xi32>
        %reduce_sum3A = arith.constant true
        %reduce_sum3A_985 = vector.broadcast %reduce_sum3A : i1 to vector<16xi1>
        %reduce_sum3A_986 = tpu.scan <sum>, %select_n3A_984 masked %reduce_sum3A_985 : vector<16xi32>, vector<16xi1> -> vector<16xi32>
        %reduce_sum3A_987 = vector.extract %reduce_sum3A_986[15] : i32 from vector<16xi32>
        %and3A_988 = arith.constant 3 : i32
        %and3A_989 = arith.andi %select_n3A_770, %and3A_988 : i32
        %eq3A_990 = arith.constant 0 : i32
        %eq3A_991 = arith.cmpi eq, %and3A_989, %eq3A_990 : i32
        %convert_element_type3A_992 = arith.extui %eq3A_991 : i1 to i32
        %cond3A_993 = arith.constant 0 : i32
        %cond3A_994 = arith.cmpi ne, %convert_element_type3A_992, %cond3A_993 : i32
        scf.if %cond3A_994 {
          %dma_wait3A_1016 = arith.constant 0 : i32
          %dma_wait3A_1017 = arith.constant 0 : i32
          %dma_wait3A_1018 = arith.constant 0 : i32
          %dma_wait3A_1019 = tpu.memref_slice %arg10[%dma_wait3A_1016, %dma_wait3A_1017, %dma_wait3A_1018] : memref<4x64x128xf32, #tpu.memory_space<vmem>> -> memref<1x64x128xf32, #tpu.memory_space<vmem>>
          %dma_wait3A_1020 = tpu.memref_squeeze %dma_wait3A_1019 : memref<1x64x128xf32, #tpu.memory_space<vmem>> -> memref<64x128xf32, #tpu.memory_space<vmem>>
          %dma_wait3A_1021 = arith.constant 0 : i32
          %dma_wait3A_1022 = arith.constant 0 : i32
          %dma_wait3A_1023 = tpu.memref_slice %arg2[%dma_wait3A_1021, %dma_wait3A_1022] : memref<64x1000000xf32, #tpu.memory_space<hbm>> -> memref<64x128xf32, #tpu.memory_space<hbm>>
          %dma_wait3A_1024 = arith.constant 0 : i32
          %dma_wait3A_1025 = arith.constant 0 : i32
          %dma_wait3A_1026 = tpu.memref_slice %arg10[%dma_wait3A_1016, %dma_wait3A_1024, %dma_wait3A_1025] : memref<4x64x128xf32, #tpu.memory_space<vmem>> -> memref<1x64x128xf32, #tpu.memory_space<vmem>>
          %dma_wait3A_1027 = tpu.memref_squeeze %dma_wait3A_1026 : memref<1x64x128xf32, #tpu.memory_space<vmem>> -> memref<64x128xf32, #tpu.memory_space<vmem>>
          %dma_wait3A_1028 = arith.constant 0 : i32
          %dma_wait3A_1029 = arith.constant 0 : i32
          %dma_wait3A_1030 = tpu.memref_slice %arg2[%dma_wait3A_1028, %dma_wait3A_1029] : memref<64x1000000xf32, #tpu.memory_space<hbm>> -> memref<64x128xf32, #tpu.memory_space<hbm>>
          tpu.wait_dma2 semaphore(%arg12 : memref<!tpu.dma_semaphore, #tpu.memory_space<semaphore_mem>>) src(%dma_wait3A_1030 : memref<64x128xf32, #tpu.memory_space<hbm>>) dst(%dma_wait3A_1027 : memref<64x128xf32, #tpu.memory_space<vmem>>)
          %mul3A_1031 = arith.constant 128 : i32
          %mul3A_1032 = arith.muli %reduce_sum3A_987, %mul3A_1031 : i32
          %multiple_of3A_1033 = tpu.assume_multiple %mul3A_1032, 128 : i32
          %dma_start3A_1034 = arith.constant 3 : i32
          %dma_start3A_1035 = arith.constant 0 : i32
          %dma_start3A_1036 = arith.constant 0 : i32
          %dma_start3A_1037 = tpu.memref_slice %arg10[%dma_start3A_1034, %dma_start3A_1035, %dma_start3A_1036] : memref<4x64x128xf32, #tpu.memory_space<vmem>> -> memref<1x64x128xf32, #tpu.memory_space<vmem>>
          %dma_start3A_1038 = tpu.memref_squeeze %dma_start3A_1037 : memref<1x64x128xf32, #tpu.memory_space<vmem>> -> memref<64x128xf32, #tpu.memory_space<vmem>>
          %dma_start3A_1039 = arith.constant 0 : i32
          %dma_start3A_1040 = tpu.memref_slice %arg2[%dma_start3A_1039, %multiple_of3A_1033] : memref<64x1000000xf32, #tpu.memory_space<hbm>> -> memref<64x128xf32, #tpu.memory_space<hbm>>
          %dma_start3A_1041 = arith.constant 0 : i32
          %dma_start3A_1042 = arith.constant 0 : i32
          %dma_start3A_1043 = tpu.memref_slice %arg10[%dma_start3A_1034, %dma_start3A_1041, %dma_start3A_1042] : memref<4x64x128xf32, #tpu.memory_space<vmem>> -> memref<1x64x128xf32, #tpu.memory_space<vmem>>
          %dma_start3A_1044 = tpu.memref_squeeze %dma_start3A_1043 : memref<1x64x128xf32, #tpu.memory_space<vmem>> -> memref<64x128xf32, #tpu.memory_space<vmem>>
          %dma_start3A_1045 = arith.constant 0 : i32
          %dma_start3A_1046 = tpu.memref_slice %arg2[%dma_start3A_1045, %multiple_of3A_1033] : memref<64x1000000xf32, #tpu.memory_space<hbm>> -> memref<64x128xf32, #tpu.memory_space<hbm>>
          tpu.enqueue_dma source(%dma_start3A_1046 : memref<64x128xf32, #tpu.memory_space<hbm>>) target(%dma_start3A_1044 : memref<64x128xf32, #tpu.memory_space<vmem>>) target_semaphore(%arg15 : memref<!tpu.dma_semaphore, #tpu.memory_space<semaphore_mem>>)
        } else {
        }
        %and3A_995 = arith.constant 3 : i32
        %and3A_996 = arith.andi %select_n3A_770, %and3A_995 : i32
        %eq3A_997 = arith.constant 1 : i32
        %eq3A_998 = arith.cmpi eq, %and3A_996, %eq3A_997 : i32
        %convert_element_type3A_999 = arith.extui %eq3A_998 : i1 to i32
        %cond3A_1000 = arith.constant 0 : i32
        %cond3A_1001 = arith.cmpi ne, %convert_element_type3A_999, %cond3A_1000 : i32
        scf.if %cond3A_1001 {
          %dma_wait3A_1016 = arith.constant 1 : i32
          %dma_wait3A_1017 = arith.constant 0 : i32
          %dma_wait3A_1018 = arith.constant 0 : i32
          %dma_wait3A_1019 = tpu.memref_slice %arg10[%dma_wait3A_1016, %dma_wait3A_1017, %dma_wait3A_1018] : memref<4x64x128xf32, #tpu.memory_space<vmem>> -> memref<1x64x128xf32, #tpu.memory_space<vmem>>
          %dma_wait3A_1020 = tpu.memref_squeeze %dma_wait3A_1019 : memref<1x64x128xf32, #tpu.memory_space<vmem>> -> memref<64x128xf32, #tpu.memory_space<vmem>>
          %dma_wait3A_1021 = arith.constant 0 : i32
          %dma_wait3A_1022 = arith.constant 0 : i32
          %dma_wait3A_1023 = tpu.memref_slice %arg2[%dma_wait3A_1021, %dma_wait3A_1022] : memref<64x1000000xf32, #tpu.memory_space<hbm>> -> memref<64x128xf32, #tpu.memory_space<hbm>>
          %dma_wait3A_1024 = arith.constant 0 : i32
          %dma_wait3A_1025 = arith.constant 0 : i32
          %dma_wait3A_1026 = tpu.memref_slice %arg10[%dma_wait3A_1016, %dma_wait3A_1024, %dma_wait3A_1025] : memref<4x64x128xf32, #tpu.memory_space<vmem>> -> memref<1x64x128xf32, #tpu.memory_space<vmem>>
          %dma_wait3A_1027 = tpu.memref_squeeze %dma_wait3A_1026 : memref<1x64x128xf32, #tpu.memory_space<vmem>> -> memref<64x128xf32, #tpu.memory_space<vmem>>
          %dma_wait3A_1028 = arith.constant 0 : i32
          %dma_wait3A_1029 = arith.constant 0 : i32
          %dma_wait3A_1030 = tpu.memref_slice %arg2[%dma_wait3A_1028, %dma_wait3A_1029] : memref<64x1000000xf32, #tpu.memory_space<hbm>> -> memref<64x128xf32, #tpu.memory_space<hbm>>
          tpu.wait_dma2 semaphore(%arg13 : memref<!tpu.dma_semaphore, #tpu.memory_space<semaphore_mem>>) src(%dma_wait3A_1030 : memref<64x128xf32, #tpu.memory_space<hbm>>) dst(%dma_wait3A_1027 : memref<64x128xf32, #tpu.memory_space<vmem>>)
          %mul3A_1031 = arith.constant 128 : i32
          %mul3A_1032 = arith.muli %reduce_sum3A_987, %mul3A_1031 : i32
          %multiple_of3A_1033 = tpu.assume_multiple %mul3A_1032, 128 : i32
          %dma_start3A_1034 = arith.constant 0 : i32
          %dma_start3A_1035 = arith.constant 0 : i32
          %dma_start3A_1036 = arith.constant 0 : i32
          %dma_start3A_1037 = tpu.memref_slice %arg10[%dma_start3A_1034, %dma_start3A_1035, %dma_start3A_1036] : memref<4x64x128xf32, #tpu.memory_space<vmem>> -> memref<1x64x128xf32, #tpu.memory_space<vmem>>
          %dma_start3A_1038 = tpu.memref_squeeze %dma_start3A_1037 : memref<1x64x128xf32, #tpu.memory_space<vmem>> -> memref<64x128xf32, #tpu.memory_space<vmem>>
          %dma_start3A_1039 = arith.constant 0 : i32
          %dma_start3A_1040 = tpu.memref_slice %arg2[%dma_start3A_1039, %multiple_of3A_1033] : memref<64x1000000xf32, #tpu.memory_space<hbm>> -> memref<64x128xf32, #tpu.memory_space<hbm>>
          %dma_start3A_1041 = arith.constant 0 : i32
          %dma_start3A_1042 = arith.constant 0 : i32
          %dma_start3A_1043 = tpu.memref_slice %arg10[%dma_start3A_1034, %dma_start3A_1041, %dma_start3A_1042] : memref<4x64x128xf32, #tpu.memory_space<vmem>> -> memref<1x64x128xf32, #tpu.memory_space<vmem>>
          %dma_start3A_1044 = tpu.memref_squeeze %dma_start3A_1043 : memref<1x64x128xf32, #tpu.memory_space<vmem>> -> memref<64x128xf32, #tpu.memory_space<vmem>>
          %dma_start3A_1045 = arith.constant 0 : i32
          %dma_start3A_1046 = tpu.memref_slice %arg2[%dma_start3A_1045, %multiple_of3A_1033] : memref<64x1000000xf32, #tpu.memory_space<hbm>> -> memref<64x128xf32, #tpu.memory_space<hbm>>
          tpu.enqueue_dma source(%dma_start3A_1046 : memref<64x128xf32, #tpu.memory_space<hbm>>) target(%dma_start3A_1044 : memref<64x128xf32, #tpu.memory_space<vmem>>) target_semaphore(%arg12 : memref<!tpu.dma_semaphore, #tpu.memory_space<semaphore_mem>>)
        } else {
        }
        %and3A_1002 = arith.constant 3 : i32
        %and3A_1003 = arith.andi %select_n3A_770, %and3A_1002 : i32
        %eq3A_1004 = arith.constant 2 : i32
        %eq3A_1005 = arith.cmpi eq, %and3A_1003, %eq3A_1004 : i32
        %convert_element_type3A_1006 = arith.extui %eq3A_1005 : i1 to i32
        %cond3A_1007 = arith.constant 0 : i32
        %cond3A_1008 = arith.cmpi ne, %convert_element_type3A_1006, %cond3A_1007 : i32
        scf.if %cond3A_1008 {
          %dma_wait3A_1016 = arith.constant 2 : i32
          %dma_wait3A_1017 = arith.constant 0 : i32
          %dma_wait3A_1018 = arith.constant 0 : i32
          %dma_wait3A_1019 = tpu.memref_slice %arg10[%dma_wait3A_1016, %dma_wait3A_1017, %dma_wait3A_1018] : memref<4x64x128xf32, #tpu.memory_space<vmem>> -> memref<1x64x128xf32, #tpu.memory_space<vmem>>
          %dma_wait3A_1020 = tpu.memref_squeeze %dma_wait3A_1019 : memref<1x64x128xf32, #tpu.memory_space<vmem>> -> memref<64x128xf32, #tpu.memory_space<vmem>>
          %dma_wait3A_1021 = arith.constant 0 : i32
          %dma_wait3A_1022 = arith.constant 0 : i32
          %dma_wait3A_1023 = tpu.memref_slice %arg2[%dma_wait3A_1021, %dma_wait3A_1022] : memref<64x1000000xf32, #tpu.memory_space<hbm>> -> memref<64x128xf32, #tpu.memory_space<hbm>>
          %dma_wait3A_1024 = arith.constant 0 : i32
          %dma_wait3A_1025 = arith.constant 0 : i32
          %dma_wait3A_1026 = tpu.memref_slice %arg10[%dma_wait3A_1016, %dma_wait3A_1024, %dma_wait3A_1025] : memref<4x64x128xf32, #tpu.memory_space<vmem>> -> memref<1x64x128xf32, #tpu.memory_space<vmem>>
          %dma_wait3A_1027 = tpu.memref_squeeze %dma_wait3A_1026 : memref<1x64x128xf32, #tpu.memory_space<vmem>> -> memref<64x128xf32, #tpu.memory_space<vmem>>
          %dma_wait3A_1028 = arith.constant 0 : i32
          %dma_wait3A_1029 = arith.constant 0 : i32
          %dma_wait3A_1030 = tpu.memref_slice %arg2[%dma_wait3A_1028, %dma_wait3A_1029] : memref<64x1000000xf32, #tpu.memory_space<hbm>> -> memref<64x128xf32, #tpu.memory_space<hbm>>
          tpu.wait_dma2 semaphore(%arg14 : memref<!tpu.dma_semaphore, #tpu.memory_space<semaphore_mem>>) src(%dma_wait3A_1030 : memref<64x128xf32, #tpu.memory_space<hbm>>) dst(%dma_wait3A_1027 : memref<64x128xf32, #tpu.memory_space<vmem>>)
          %mul3A_1031 = arith.constant 128 : i32
          %mul3A_1032 = arith.muli %reduce_sum3A_987, %mul3A_1031 : i32
          %multiple_of3A_1033 = tpu.assume_multiple %mul3A_1032, 128 : i32
          %dma_start3A_1034 = arith.constant 1 : i32
          %dma_start3A_1035 = arith.constant 0 : i32
          %dma_start3A_1036 = arith.constant 0 : i32
          %dma_start3A_1037 = tpu.memref_slice %arg10[%dma_start3A_1034, %dma_start3A_1035, %dma_start3A_1036] : memref<4x64x128xf32, #tpu.memory_space<vmem>> -> memref<1x64x128xf32, #tpu.memory_space<vmem>>
          %dma_start3A_1038 = tpu.memref_squeeze %dma_start3A_1037 : memref<1x64x128xf32, #tpu.memory_space<vmem>> -> memref<64x128xf32, #tpu.memory_space<vmem>>
          %dma_start3A_1039 = arith.constant 0 : i32
          %dma_start3A_1040 = tpu.memref_slice %arg2[%dma_start3A_1039, %multiple_of3A_1033] : memref<64x1000000xf32, #tpu.memory_space<hbm>> -> memref<64x128xf32, #tpu.memory_space<hbm>>
          %dma_start3A_1041 = arith.constant 0 : i32
          %dma_start3A_1042 = arith.constant 0 : i32
          %dma_start3A_1043 = tpu.memref_slice %arg10[%dma_start3A_1034, %dma_start3A_1041, %dma_start3A_1042] : memref<4x64x128xf32, #tpu.memory_space<vmem>> -> memref<1x64x128xf32, #tpu.memory_space<vmem>>
          %dma_start3A_1044 = tpu.memref_squeeze %dma_start3A_1043 : memref<1x64x128xf32, #tpu.memory_space<vmem>> -> memref<64x128xf32, #tpu.memory_space<vmem>>
          %dma_start3A_1045 = arith.constant 0 : i32
          %dma_start3A_1046 = tpu.memref_slice %arg2[%dma_start3A_1045, %multiple_of3A_1033] : memref<64x1000000xf32, #tpu.memory_space<hbm>> -> memref<64x128xf32, #tpu.memory_space<hbm>>
          tpu.enqueue_dma source(%dma_start3A_1046 : memref<64x128xf32, #tpu.memory_space<hbm>>) target(%dma_start3A_1044 : memref<64x128xf32, #tpu.memory_space<vmem>>) target_semaphore(%arg13 : memref<!tpu.dma_semaphore, #tpu.memory_space<semaphore_mem>>)
        } else {
        }
        %and3A_1009 = arith.constant 3 : i32
        %and3A_1010 = arith.andi %select_n3A_770, %and3A_1009 : i32
        %eq3A_1011 = arith.constant 3 : i32
        %eq3A_1012 = arith.cmpi eq, %and3A_1010, %eq3A_1011 : i32
        %convert_element_type3A_1013 = arith.extui %eq3A_1012 : i1 to i32
        %cond3A_1014 = arith.constant 0 : i32
        %cond3A_1015 = arith.cmpi ne, %convert_element_type3A_1013, %cond3A_1014 : i32
        scf.if %cond3A_1015 {
          %dma_wait3A_1016 = arith.constant 3 : i32
          %dma_wait3A_1017 = arith.constant 0 : i32
          %dma_wait3A_1018 = arith.constant 0 : i32
          %dma_wait3A_1019 = tpu.memref_slice %arg10[%dma_wait3A_1016, %dma_wait3A_1017, %dma_wait3A_1018] : memref<4x64x128xf32, #tpu.memory_space<vmem>> -> memref<1x64x128xf32, #tpu.memory_space<vmem>>
          %dma_wait3A_1020 = tpu.memref_squeeze %dma_wait3A_1019 : memref<1x64x128xf32, #tpu.memory_space<vmem>> -> memref<64x128xf32, #tpu.memory_space<vmem>>
          %dma_wait3A_1021 = arith.constant 0 : i32
          %dma_wait3A_1022 = arith.constant 0 : i32
          %dma_wait3A_1023 = tpu.memref_slice %arg2[%dma_wait3A_1021, %dma_wait3A_1022] : memref<64x1000000xf32, #tpu.memory_space<hbm>> -> memref<64x128xf32, #tpu.memory_space<hbm>>
          %dma_wait3A_1024 = arith.constant 0 : i32
          %dma_wait3A_1025 = arith.constant 0 : i32
          %dma_wait3A_1026 = tpu.memref_slice %arg10[%dma_wait3A_1016, %dma_wait3A_1024, %dma_wait3A_1025] : memref<4x64x128xf32, #tpu.memory_space<vmem>> -> memref<1x64x128xf32, #tpu.memory_space<vmem>>
          %dma_wait3A_1027 = tpu.memref_squeeze %dma_wait3A_1026 : memref<1x64x128xf32, #tpu.memory_space<vmem>> -> memref<64x128xf32, #tpu.memory_space<vmem>>
          %dma_wait3A_1028 = arith.constant 0 : i32
          %dma_wait3A_1029 = arith.constant 0 : i32
          %dma_wait3A_1030 = tpu.memref_slice %arg2[%dma_wait3A_1028, %dma_wait3A_1029] : memref<64x1000000xf32, #tpu.memory_space<hbm>> -> memref<64x128xf32, #tpu.memory_space<hbm>>
          tpu.wait_dma2 semaphore(%arg15 : memref<!tpu.dma_semaphore, #tpu.memory_space<semaphore_mem>>) src(%dma_wait3A_1030 : memref<64x128xf32, #tpu.memory_space<hbm>>) dst(%dma_wait3A_1027 : memref<64x128xf32, #tpu.memory_space<vmem>>)
          %mul3A_1031 = arith.constant 128 : i32
          %mul3A_1032 = arith.muli %reduce_sum3A_987, %mul3A_1031 : i32
          %multiple_of3A_1033 = tpu.assume_multiple %mul3A_1032, 128 : i32
          %dma_start3A_1034 = arith.constant 2 : i32
          %dma_start3A_1035 = arith.constant 0 : i32
          %dma_start3A_1036 = arith.constant 0 : i32
          %dma_start3A_1037 = tpu.memref_slice %arg10[%dma_start3A_1034, %dma_start3A_1035, %dma_start3A_1036] : memref<4x64x128xf32, #tpu.memory_space<vmem>> -> memref<1x64x128xf32, #tpu.memory_space<vmem>>
          %dma_start3A_1038 = tpu.memref_squeeze %dma_start3A_1037 : memref<1x64x128xf32, #tpu.memory_space<vmem>> -> memref<64x128xf32, #tpu.memory_space<vmem>>
          %dma_start3A_1039 = arith.constant 0 : i32
          %dma_start3A_1040 = tpu.memref_slice %arg2[%dma_start3A_1039, %multiple_of3A_1033] : memref<64x1000000xf32, #tpu.memory_space<hbm>> -> memref<64x128xf32, #tpu.memory_space<hbm>>
          %dma_start3A_1041 = arith.constant 0 : i32
          %dma_start3A_1042 = arith.constant 0 : i32
          %dma_start3A_1043 = tpu.memref_slice %arg10[%dma_start3A_1034, %dma_start3A_1041, %dma_start3A_1042] : memref<4x64x128xf32, #tpu.memory_space<vmem>> -> memref<1x64x128xf32, #tpu.memory_space<vmem>>
          %dma_start3A_1044 = tpu.memref_squeeze %dma_start3A_1043 : memref<1x64x128xf32, #tpu.memory_space<vmem>> -> memref<64x128xf32, #tpu.memory_space<vmem>>
          %dma_start3A_1045 = arith.constant 0 : i32
          %dma_start3A_1046 = tpu.memref_slice %arg2[%dma_start3A_1045, %multiple_of3A_1033] : memref<64x1000000xf32, #tpu.memory_space<hbm>> -> memref<64x128xf32, #tpu.memory_space<hbm>>
          tpu.enqueue_dma source(%dma_start3A_1046 : memref<64x128xf32, #tpu.memory_space<hbm>>) target(%dma_start3A_1044 : memref<64x128xf32, #tpu.memory_space<vmem>>) target_semaphore(%arg14 : memref<!tpu.dma_semaphore, #tpu.memory_space<semaphore_mem>>)
        } else {
        }
      } else {
      }
      %select_n3A_819 = arith.select %ne3A_815, %shift_right_arithmetic3A_812, %select_n3A_767 : i32
      %add3A_820 = arith.constant 1 : i32
      %add3A_821 = arith.addi %select_n3A_770, %add3A_820 : i32
      %select_n3A_822 = arith.select %ne3A_815, %add3A_821, %select_n3A_770 : i32
      %broadcast_in_dim3A_823 = vector.broadcast %and3A_814 : i32 to vector<16xi32>
      %sub3A_824 = arith.constant 1 : i32
      %sub3A_825 = arith.subi %select_n3A_822, %sub3A_824 : i32
      %and3A_826 = arith.constant 3 : i32
      %and3A_827 = arith.andi %sub3A_825, %and3A_826 : i32
      %broadcast_in_dim3A_828 = vector.broadcast %and3A_827 : i32 to vector<16xi32>
      %gather3A_829 = tpu.vector_load_idx %arg10[%broadcast_in_dim3A_828, %add3A_21, %broadcast_in_dim3A_823] : memref<4x64x128xf32, #tpu.memory_space<vmem>>[vector<16xi32>, vector<16xi32>, vector<16xi32>], vector<16xf32>,
      %swap3A_830 = arith.constant 13 : i32
      %swap3A_831 = arith.index_cast %swap3A_830 : i32 to index
      %swap3A_832 = arith.constant 0 : index
      %swap3A_833 = tpu.vector_load %arg11[%swap3A_831, %swap3A_832] {strides = array<i32>} : memref<16x64xf32, #tpu.memory_space<vmem>>, vector<16xf32>,
      tpu.vector_store %arg11[%swap3A_831, %swap3A_832], %gather3A_829 {strides = array<i32>} : memref<16x64xf32, #tpu.memory_space<vmem>>, vector<16xf32>,
      %gather3A_834 = tpu.vector_load_idx %arg10[%broadcast_in_dim3A_828, %add3A_25, %broadcast_in_dim3A_823] : memref<4x64x128xf32, #tpu.memory_space<vmem>>[vector<16xi32>, vector<16xi32>, vector<16xi32>], vector<16xf32>,
      %swap3A_835 = arith.constant 13 : i32
      %swap3A_836 = arith.index_cast %swap3A_835 : i32 to index
      %swap3A_837 = arith.constant 16 : index
      %swap3A_838 = tpu.vector_load %arg11[%swap3A_836, %swap3A_837] {strides = array<i32>} : memref<16x64xf32, #tpu.memory_space<vmem>>, vector<16xf32>,
      tpu.vector_store %arg11[%swap3A_836, %swap3A_837], %gather3A_834 {strides = array<i32>} : memref<16x64xf32, #tpu.memory_space<vmem>>, vector<16xf32>,
      %gather3A_839 = tpu.vector_load_idx %arg10[%broadcast_in_dim3A_828, %add3A_29, %broadcast_in_dim3A_823] : memref<4x64x128xf32, #tpu.memory_space<vmem>>[vector<16xi32>, vector<16xi32>, vector<16xi32>], vector<16xf32>,
      %swap3A_840 = arith.constant 13 : i32
      %swap3A_841 = arith.index_cast %swap3A_840 : i32 to index
      %swap3A_842 = arith.constant 32 : index
      %swap3A_843 = tpu.vector_load %arg11[%swap3A_841, %swap3A_842] {strides = array<i32>} : memref<16x64xf32, #tpu.memory_space<vmem>>, vector<16xf32>,
      tpu.vector_store %arg11[%swap3A_841, %swap3A_842], %gather3A_839 {strides = array<i32>} : memref<16x64xf32, #tpu.memory_space<vmem>>, vector<16xf32>,
      %gather3A_844 = tpu.vector_load_idx %arg10[%broadcast_in_dim3A_828, %add3A_33, %broadcast_in_dim3A_823] : memref<4x64x128xf32, #tpu.memory_space<vmem>>[vector<16xi32>, vector<16xi32>, vector<16xi32>], vector<16xf32>,
      %swap3A_845 = arith.constant 13 : i32
      %swap3A_846 = arith.index_cast %swap3A_845 : i32 to index
      %swap3A_847 = arith.constant 48 : index
      %swap3A_848 = tpu.vector_load %arg11[%swap3A_846, %swap3A_847] {strides = array<i32>} : memref<16x64xf32, #tpu.memory_space<vmem>>, vector<16xf32>,
      tpu.vector_store %arg11[%swap3A_846, %swap3A_847], %gather3A_844 {strides = array<i32>} : memref<16x64xf32, #tpu.memory_space<vmem>>, vector<16xf32>,
      %dma_start3A_849 = arith.constant 13 : i32
      %dma_start3A_850 = arith.constant 0 : i32
      %dma_start3A_851 = tpu.memref_slice %arg11[%dma_start3A_849, %dma_start3A_850] : memref<16x64xf32, #tpu.memory_space<vmem>> -> memref<1x64xf32, #tpu.memory_space<vmem>>
      %dma_start3A_852 = arith.constant 0 : i32
      %dma_start3A_853 = tpu.memref_slice %arg6[%squeeze3A_810, %dma_start3A_852] : memref<16384x64xf32, #tpu.memory_space<hbm>> -> memref<1x64xf32, #tpu.memory_space<hbm>>
      %dma_start3A_854 = arith.constant 0 : i32
      %dma_start3A_855 = tpu.memref_slice %arg6[%squeeze3A_810, %dma_start3A_854] : memref<16384x64xf32, #tpu.memory_space<hbm>> -> memref<1x64xf32, #tpu.memory_space<hbm>>
      %dma_start3A_856 = arith.constant 13 : i32
      %dma_start3A_857 = arith.constant 0 : i32
      %dma_start3A_858 = tpu.memref_slice %arg11[%dma_start3A_856, %dma_start3A_857] : memref<16x64xf32, #tpu.memory_space<vmem>> -> memref<1x64xf32, #tpu.memory_space<vmem>>
      tpu.enqueue_dma source(%dma_start3A_858 : memref<1x64xf32, #tpu.memory_space<vmem>>) target(%dma_start3A_855 : memref<1x64xf32, #tpu.memory_space<hbm>>) target_semaphore(%arg16 : memref<!tpu.dma_semaphore, #tpu.memory_space<semaphore_mem>>)
      %slice3A_859 = vector.extract_strided_slice %get3A_131 {offsets = [14], sizes = [1], strides = [1]} : vector<16xi32> to vector<1xi32>
      %squeeze3A_860 = vector.extract %slice3A_859[0] : i32 from vector<1xi32>
      %slice3A_861 = vector.extract_strided_slice %get3A_135 {offsets = [14], sizes = [1], strides = [1]} : vector<16xi32> to vector<1xi32>
      %squeeze3A_862 = vector.extract %slice3A_861[0] : i32 from vector<1xi32>
      %shift_right_arithmetic3A_863 = arith.constant 7 : i32
      %shift_right_arithmetic3A_864 = arith.shrsi %squeeze3A_860, %shift_right_arithmetic3A_863 : i32
      %and3A_865 = arith.constant 127 : i32
      %and3A_866 = arith.andi %squeeze3A_860, %and3A_865 : i32
      %ne3A_867 = arith.cmpi ne, %shift_right_arithmetic3A_864, %select_n3A_819 : i32
      %convert_element_type3A_868 = arith.extui %ne3A_867 : i1 to i32
      %cond3A_869 = arith.constant 0 : i32
      %cond3A_870 = arith.cmpi ne, %convert_element_type3A_868, %cond3A_869 : i32
      scf.if %cond3A_870 {
        %add3A_969 = arith.constant 4 : i32
        %add3A_970 = arith.addi %select_n3A_822, %add3A_969 : i32
        %sub3A_971 = arith.constant 1 : i32
        %sub3A_972 = arith.subi %add3A_970, %sub3A_971 : i32
        %min3A = arith.constant 511 : i32
        %min3A_973 = arith.minsi %sub3A_972, %min3A : i32
        %shift_right_arithmetic3A_974 = arith.constant 4 : i32
        %shift_right_arithmetic3A_975 = arith.shrsi %min3A_973, %shift_right_arithmetic3A_974 : i32
        %shift_left3A = arith.constant 4 : i32
        %shift_left3A_976 = arith.shli %shift_right_arithmetic3A_975, %shift_left3A : i32
        %multiple_of3A_977 = tpu.assume_multiple %shift_left3A_976, 16 : i32
        %get3A_978 = arith.index_cast %multiple_of3A_977 : i32 to index
        %get3A_979 = tpu.vector_load %arg9[%get3A_978] {strides = array<i32>} : memref<512xi32, #tpu.memory_space<vmem>>, vector<16xi32>,
        %and3A_980 = arith.constant 15 : i32
        %and3A_981 = arith.andi %min3A_973, %and3A_980 : i32
        %eq3A = vector.broadcast %and3A_981 : i32 to vector<16xi32>
        %eq3A_982 = arith.cmpi eq, %iota3A_34, %eq3A : vector<16xi32>
        %jit3A = arith.constant 0 : i32
        %broadcast_in_dim3A_983 = vector.broadcast %jit3A : i32 to vector<16xi32>
        %select_n3A_984 = arith.select %eq3A_982, %get3A_979, %broadcast_in_dim3A_983 : vector<16xi1>, vector<16xi32>
        %reduce_sum3A = arith.constant true
        %reduce_sum3A_985 = vector.broadcast %reduce_sum3A : i1 to vector<16xi1>
        %reduce_sum3A_986 = tpu.scan <sum>, %select_n3A_984 masked %reduce_sum3A_985 : vector<16xi32>, vector<16xi1> -> vector<16xi32>
        %reduce_sum3A_987 = vector.extract %reduce_sum3A_986[15] : i32 from vector<16xi32>
        %and3A_988 = arith.constant 3 : i32
        %and3A_989 = arith.andi %select_n3A_822, %and3A_988 : i32
        %eq3A_990 = arith.constant 0 : i32
        %eq3A_991 = arith.cmpi eq, %and3A_989, %eq3A_990 : i32
        %convert_element_type3A_992 = arith.extui %eq3A_991 : i1 to i32
        %cond3A_993 = arith.constant 0 : i32
        %cond3A_994 = arith.cmpi ne, %convert_element_type3A_992, %cond3A_993 : i32
        scf.if %cond3A_994 {
          %dma_wait3A_1016 = arith.constant 0 : i32
          %dma_wait3A_1017 = arith.constant 0 : i32
          %dma_wait3A_1018 = arith.constant 0 : i32
          %dma_wait3A_1019 = tpu.memref_slice %arg10[%dma_wait3A_1016, %dma_wait3A_1017, %dma_wait3A_1018] : memref<4x64x128xf32, #tpu.memory_space<vmem>> -> memref<1x64x128xf32, #tpu.memory_space<vmem>>
          %dma_wait3A_1020 = tpu.memref_squeeze %dma_wait3A_1019 : memref<1x64x128xf32, #tpu.memory_space<vmem>> -> memref<64x128xf32, #tpu.memory_space<vmem>>
          %dma_wait3A_1021 = arith.constant 0 : i32
          %dma_wait3A_1022 = arith.constant 0 : i32
          %dma_wait3A_1023 = tpu.memref_slice %arg2[%dma_wait3A_1021, %dma_wait3A_1022] : memref<64x1000000xf32, #tpu.memory_space<hbm>> -> memref<64x128xf32, #tpu.memory_space<hbm>>
          %dma_wait3A_1024 = arith.constant 0 : i32
          %dma_wait3A_1025 = arith.constant 0 : i32
          %dma_wait3A_1026 = tpu.memref_slice %arg10[%dma_wait3A_1016, %dma_wait3A_1024, %dma_wait3A_1025] : memref<4x64x128xf32, #tpu.memory_space<vmem>> -> memref<1x64x128xf32, #tpu.memory_space<vmem>>
          %dma_wait3A_1027 = tpu.memref_squeeze %dma_wait3A_1026 : memref<1x64x128xf32, #tpu.memory_space<vmem>> -> memref<64x128xf32, #tpu.memory_space<vmem>>
          %dma_wait3A_1028 = arith.constant 0 : i32
          %dma_wait3A_1029 = arith.constant 0 : i32
          %dma_wait3A_1030 = tpu.memref_slice %arg2[%dma_wait3A_1028, %dma_wait3A_1029] : memref<64x1000000xf32, #tpu.memory_space<hbm>> -> memref<64x128xf32, #tpu.memory_space<hbm>>
          tpu.wait_dma2 semaphore(%arg12 : memref<!tpu.dma_semaphore, #tpu.memory_space<semaphore_mem>>) src(%dma_wait3A_1030 : memref<64x128xf32, #tpu.memory_space<hbm>>) dst(%dma_wait3A_1027 : memref<64x128xf32, #tpu.memory_space<vmem>>)
          %mul3A_1031 = arith.constant 128 : i32
          %mul3A_1032 = arith.muli %reduce_sum3A_987, %mul3A_1031 : i32
          %multiple_of3A_1033 = tpu.assume_multiple %mul3A_1032, 128 : i32
          %dma_start3A_1034 = arith.constant 3 : i32
          %dma_start3A_1035 = arith.constant 0 : i32
          %dma_start3A_1036 = arith.constant 0 : i32
          %dma_start3A_1037 = tpu.memref_slice %arg10[%dma_start3A_1034, %dma_start3A_1035, %dma_start3A_1036] : memref<4x64x128xf32, #tpu.memory_space<vmem>> -> memref<1x64x128xf32, #tpu.memory_space<vmem>>
          %dma_start3A_1038 = tpu.memref_squeeze %dma_start3A_1037 : memref<1x64x128xf32, #tpu.memory_space<vmem>> -> memref<64x128xf32, #tpu.memory_space<vmem>>
          %dma_start3A_1039 = arith.constant 0 : i32
          %dma_start3A_1040 = tpu.memref_slice %arg2[%dma_start3A_1039, %multiple_of3A_1033] : memref<64x1000000xf32, #tpu.memory_space<hbm>> -> memref<64x128xf32, #tpu.memory_space<hbm>>
          %dma_start3A_1041 = arith.constant 0 : i32
          %dma_start3A_1042 = arith.constant 0 : i32
          %dma_start3A_1043 = tpu.memref_slice %arg10[%dma_start3A_1034, %dma_start3A_1041, %dma_start3A_1042] : memref<4x64x128xf32, #tpu.memory_space<vmem>> -> memref<1x64x128xf32, #tpu.memory_space<vmem>>
          %dma_start3A_1044 = tpu.memref_squeeze %dma_start3A_1043 : memref<1x64x128xf32, #tpu.memory_space<vmem>> -> memref<64x128xf32, #tpu.memory_space<vmem>>
          %dma_start3A_1045 = arith.constant 0 : i32
          %dma_start3A_1046 = tpu.memref_slice %arg2[%dma_start3A_1045, %multiple_of3A_1033] : memref<64x1000000xf32, #tpu.memory_space<hbm>> -> memref<64x128xf32, #tpu.memory_space<hbm>>
          tpu.enqueue_dma source(%dma_start3A_1046 : memref<64x128xf32, #tpu.memory_space<hbm>>) target(%dma_start3A_1044 : memref<64x128xf32, #tpu.memory_space<vmem>>) target_semaphore(%arg15 : memref<!tpu.dma_semaphore, #tpu.memory_space<semaphore_mem>>)
        } else {
        }
        %and3A_995 = arith.constant 3 : i32
        %and3A_996 = arith.andi %select_n3A_822, %and3A_995 : i32
        %eq3A_997 = arith.constant 1 : i32
        %eq3A_998 = arith.cmpi eq, %and3A_996, %eq3A_997 : i32
        %convert_element_type3A_999 = arith.extui %eq3A_998 : i1 to i32
        %cond3A_1000 = arith.constant 0 : i32
        %cond3A_1001 = arith.cmpi ne, %convert_element_type3A_999, %cond3A_1000 : i32
        scf.if %cond3A_1001 {
          %dma_wait3A_1016 = arith.constant 1 : i32
          %dma_wait3A_1017 = arith.constant 0 : i32
          %dma_wait3A_1018 = arith.constant 0 : i32
          %dma_wait3A_1019 = tpu.memref_slice %arg10[%dma_wait3A_1016, %dma_wait3A_1017, %dma_wait3A_1018] : memref<4x64x128xf32, #tpu.memory_space<vmem>> -> memref<1x64x128xf32, #tpu.memory_space<vmem>>
          %dma_wait3A_1020 = tpu.memref_squeeze %dma_wait3A_1019 : memref<1x64x128xf32, #tpu.memory_space<vmem>> -> memref<64x128xf32, #tpu.memory_space<vmem>>
          %dma_wait3A_1021 = arith.constant 0 : i32
          %dma_wait3A_1022 = arith.constant 0 : i32
          %dma_wait3A_1023 = tpu.memref_slice %arg2[%dma_wait3A_1021, %dma_wait3A_1022] : memref<64x1000000xf32, #tpu.memory_space<hbm>> -> memref<64x128xf32, #tpu.memory_space<hbm>>
          %dma_wait3A_1024 = arith.constant 0 : i32
          %dma_wait3A_1025 = arith.constant 0 : i32
          %dma_wait3A_1026 = tpu.memref_slice %arg10[%dma_wait3A_1016, %dma_wait3A_1024, %dma_wait3A_1025] : memref<4x64x128xf32, #tpu.memory_space<vmem>> -> memref<1x64x128xf32, #tpu.memory_space<vmem>>
          %dma_wait3A_1027 = tpu.memref_squeeze %dma_wait3A_1026 : memref<1x64x128xf32, #tpu.memory_space<vmem>> -> memref<64x128xf32, #tpu.memory_space<vmem>>
          %dma_wait3A_1028 = arith.constant 0 : i32
          %dma_wait3A_1029 = arith.constant 0 : i32
          %dma_wait3A_1030 = tpu.memref_slice %arg2[%dma_wait3A_1028, %dma_wait3A_1029] : memref<64x1000000xf32, #tpu.memory_space<hbm>> -> memref<64x128xf32, #tpu.memory_space<hbm>>
          tpu.wait_dma2 semaphore(%arg13 : memref<!tpu.dma_semaphore, #tpu.memory_space<semaphore_mem>>) src(%dma_wait3A_1030 : memref<64x128xf32, #tpu.memory_space<hbm>>) dst(%dma_wait3A_1027 : memref<64x128xf32, #tpu.memory_space<vmem>>)
          %mul3A_1031 = arith.constant 128 : i32
          %mul3A_1032 = arith.muli %reduce_sum3A_987, %mul3A_1031 : i32
          %multiple_of3A_1033 = tpu.assume_multiple %mul3A_1032, 128 : i32
          %dma_start3A_1034 = arith.constant 0 : i32
          %dma_start3A_1035 = arith.constant 0 : i32
          %dma_start3A_1036 = arith.constant 0 : i32
          %dma_start3A_1037 = tpu.memref_slice %arg10[%dma_start3A_1034, %dma_start3A_1035, %dma_start3A_1036] : memref<4x64x128xf32, #tpu.memory_space<vmem>> -> memref<1x64x128xf32, #tpu.memory_space<vmem>>
          %dma_start3A_1038 = tpu.memref_squeeze %dma_start3A_1037 : memref<1x64x128xf32, #tpu.memory_space<vmem>> -> memref<64x128xf32, #tpu.memory_space<vmem>>
          %dma_start3A_1039 = arith.constant 0 : i32
          %dma_start3A_1040 = tpu.memref_slice %arg2[%dma_start3A_1039, %multiple_of3A_1033] : memref<64x1000000xf32, #tpu.memory_space<hbm>> -> memref<64x128xf32, #tpu.memory_space<hbm>>
          %dma_start3A_1041 = arith.constant 0 : i32
          %dma_start3A_1042 = arith.constant 0 : i32
          %dma_start3A_1043 = tpu.memref_slice %arg10[%dma_start3A_1034, %dma_start3A_1041, %dma_start3A_1042] : memref<4x64x128xf32, #tpu.memory_space<vmem>> -> memref<1x64x128xf32, #tpu.memory_space<vmem>>
          %dma_start3A_1044 = tpu.memref_squeeze %dma_start3A_1043 : memref<1x64x128xf32, #tpu.memory_space<vmem>> -> memref<64x128xf32, #tpu.memory_space<vmem>>
          %dma_start3A_1045 = arith.constant 0 : i32
          %dma_start3A_1046 = tpu.memref_slice %arg2[%dma_start3A_1045, %multiple_of3A_1033] : memref<64x1000000xf32, #tpu.memory_space<hbm>> -> memref<64x128xf32, #tpu.memory_space<hbm>>
          tpu.enqueue_dma source(%dma_start3A_1046 : memref<64x128xf32, #tpu.memory_space<hbm>>) target(%dma_start3A_1044 : memref<64x128xf32, #tpu.memory_space<vmem>>) target_semaphore(%arg12 : memref<!tpu.dma_semaphore, #tpu.memory_space<semaphore_mem>>)
        } else {
        }
        %and3A_1002 = arith.constant 3 : i32
        %and3A_1003 = arith.andi %select_n3A_822, %and3A_1002 : i32
        %eq3A_1004 = arith.constant 2 : i32
        %eq3A_1005 = arith.cmpi eq, %and3A_1003, %eq3A_1004 : i32
        %convert_element_type3A_1006 = arith.extui %eq3A_1005 : i1 to i32
        %cond3A_1007 = arith.constant 0 : i32
        %cond3A_1008 = arith.cmpi ne, %convert_element_type3A_1006, %cond3A_1007 : i32
        scf.if %cond3A_1008 {
          %dma_wait3A_1016 = arith.constant 2 : i32
          %dma_wait3A_1017 = arith.constant 0 : i32
          %dma_wait3A_1018 = arith.constant 0 : i32
          %dma_wait3A_1019 = tpu.memref_slice %arg10[%dma_wait3A_1016, %dma_wait3A_1017, %dma_wait3A_1018] : memref<4x64x128xf32, #tpu.memory_space<vmem>> -> memref<1x64x128xf32, #tpu.memory_space<vmem>>
          %dma_wait3A_1020 = tpu.memref_squeeze %dma_wait3A_1019 : memref<1x64x128xf32, #tpu.memory_space<vmem>> -> memref<64x128xf32, #tpu.memory_space<vmem>>
          %dma_wait3A_1021 = arith.constant 0 : i32
          %dma_wait3A_1022 = arith.constant 0 : i32
          %dma_wait3A_1023 = tpu.memref_slice %arg2[%dma_wait3A_1021, %dma_wait3A_1022] : memref<64x1000000xf32, #tpu.memory_space<hbm>> -> memref<64x128xf32, #tpu.memory_space<hbm>>
          %dma_wait3A_1024 = arith.constant 0 : i32
          %dma_wait3A_1025 = arith.constant 0 : i32
          %dma_wait3A_1026 = tpu.memref_slice %arg10[%dma_wait3A_1016, %dma_wait3A_1024, %dma_wait3A_1025] : memref<4x64x128xf32, #tpu.memory_space<vmem>> -> memref<1x64x128xf32, #tpu.memory_space<vmem>>
          %dma_wait3A_1027 = tpu.memref_squeeze %dma_wait3A_1026 : memref<1x64x128xf32, #tpu.memory_space<vmem>> -> memref<64x128xf32, #tpu.memory_space<vmem>>
          %dma_wait3A_1028 = arith.constant 0 : i32
          %dma_wait3A_1029 = arith.constant 0 : i32
          %dma_wait3A_1030 = tpu.memref_slice %arg2[%dma_wait3A_1028, %dma_wait3A_1029] : memref<64x1000000xf32, #tpu.memory_space<hbm>> -> memref<64x128xf32, #tpu.memory_space<hbm>>
          tpu.wait_dma2 semaphore(%arg14 : memref<!tpu.dma_semaphore, #tpu.memory_space<semaphore_mem>>) src(%dma_wait3A_1030 : memref<64x128xf32, #tpu.memory_space<hbm>>) dst(%dma_wait3A_1027 : memref<64x128xf32, #tpu.memory_space<vmem>>)
          %mul3A_1031 = arith.constant 128 : i32
          %mul3A_1032 = arith.muli %reduce_sum3A_987, %mul3A_1031 : i32
          %multiple_of3A_1033 = tpu.assume_multiple %mul3A_1032, 128 : i32
          %dma_start3A_1034 = arith.constant 1 : i32
          %dma_start3A_1035 = arith.constant 0 : i32
          %dma_start3A_1036 = arith.constant 0 : i32
          %dma_start3A_1037 = tpu.memref_slice %arg10[%dma_start3A_1034, %dma_start3A_1035, %dma_start3A_1036] : memref<4x64x128xf32, #tpu.memory_space<vmem>> -> memref<1x64x128xf32, #tpu.memory_space<vmem>>
          %dma_start3A_1038 = tpu.memref_squeeze %dma_start3A_1037 : memref<1x64x128xf32, #tpu.memory_space<vmem>> -> memref<64x128xf32, #tpu.memory_space<vmem>>
          %dma_start3A_1039 = arith.constant 0 : i32
          %dma_start3A_1040 = tpu.memref_slice %arg2[%dma_start3A_1039, %multiple_of3A_1033] : memref<64x1000000xf32, #tpu.memory_space<hbm>> -> memref<64x128xf32, #tpu.memory_space<hbm>>
          %dma_start3A_1041 = arith.constant 0 : i32
          %dma_start3A_1042 = arith.constant 0 : i32
          %dma_start3A_1043 = tpu.memref_slice %arg10[%dma_start3A_1034, %dma_start3A_1041, %dma_start3A_1042] : memref<4x64x128xf32, #tpu.memory_space<vmem>> -> memref<1x64x128xf32, #tpu.memory_space<vmem>>
          %dma_start3A_1044 = tpu.memref_squeeze %dma_start3A_1043 : memref<1x64x128xf32, #tpu.memory_space<vmem>> -> memref<64x128xf32, #tpu.memory_space<vmem>>
          %dma_start3A_1045 = arith.constant 0 : i32
          %dma_start3A_1046 = tpu.memref_slice %arg2[%dma_start3A_1045, %multiple_of3A_1033] : memref<64x1000000xf32, #tpu.memory_space<hbm>> -> memref<64x128xf32, #tpu.memory_space<hbm>>
          tpu.enqueue_dma source(%dma_start3A_1046 : memref<64x128xf32, #tpu.memory_space<hbm>>) target(%dma_start3A_1044 : memref<64x128xf32, #tpu.memory_space<vmem>>) target_semaphore(%arg13 : memref<!tpu.dma_semaphore, #tpu.memory_space<semaphore_mem>>)
        } else {
        }
        %and3A_1009 = arith.constant 3 : i32
        %and3A_1010 = arith.andi %select_n3A_822, %and3A_1009 : i32
        %eq3A_1011 = arith.constant 3 : i32
        %eq3A_1012 = arith.cmpi eq, %and3A_1010, %eq3A_1011 : i32
        %convert_element_type3A_1013 = arith.extui %eq3A_1012 : i1 to i32
        %cond3A_1014 = arith.constant 0 : i32
        %cond3A_1015 = arith.cmpi ne, %convert_element_type3A_1013, %cond3A_1014 : i32
        scf.if %cond3A_1015 {
          %dma_wait3A_1016 = arith.constant 3 : i32
          %dma_wait3A_1017 = arith.constant 0 : i32
          %dma_wait3A_1018 = arith.constant 0 : i32
          %dma_wait3A_1019 = tpu.memref_slice %arg10[%dma_wait3A_1016, %dma_wait3A_1017, %dma_wait3A_1018] : memref<4x64x128xf32, #tpu.memory_space<vmem>> -> memref<1x64x128xf32, #tpu.memory_space<vmem>>
          %dma_wait3A_1020 = tpu.memref_squeeze %dma_wait3A_1019 : memref<1x64x128xf32, #tpu.memory_space<vmem>> -> memref<64x128xf32, #tpu.memory_space<vmem>>
          %dma_wait3A_1021 = arith.constant 0 : i32
          %dma_wait3A_1022 = arith.constant 0 : i32
          %dma_wait3A_1023 = tpu.memref_slice %arg2[%dma_wait3A_1021, %dma_wait3A_1022] : memref<64x1000000xf32, #tpu.memory_space<hbm>> -> memref<64x128xf32, #tpu.memory_space<hbm>>
          %dma_wait3A_1024 = arith.constant 0 : i32
          %dma_wait3A_1025 = arith.constant 0 : i32
          %dma_wait3A_1026 = tpu.memref_slice %arg10[%dma_wait3A_1016, %dma_wait3A_1024, %dma_wait3A_1025] : memref<4x64x128xf32, #tpu.memory_space<vmem>> -> memref<1x64x128xf32, #tpu.memory_space<vmem>>
          %dma_wait3A_1027 = tpu.memref_squeeze %dma_wait3A_1026 : memref<1x64x128xf32, #tpu.memory_space<vmem>> -> memref<64x128xf32, #tpu.memory_space<vmem>>
          %dma_wait3A_1028 = arith.constant 0 : i32
          %dma_wait3A_1029 = arith.constant 0 : i32
          %dma_wait3A_1030 = tpu.memref_slice %arg2[%dma_wait3A_1028, %dma_wait3A_1029] : memref<64x1000000xf32, #tpu.memory_space<hbm>> -> memref<64x128xf32, #tpu.memory_space<hbm>>
          tpu.wait_dma2 semaphore(%arg15 : memref<!tpu.dma_semaphore, #tpu.memory_space<semaphore_mem>>) src(%dma_wait3A_1030 : memref<64x128xf32, #tpu.memory_space<hbm>>) dst(%dma_wait3A_1027 : memref<64x128xf32, #tpu.memory_space<vmem>>)
          %mul3A_1031 = arith.constant 128 : i32
          %mul3A_1032 = arith.muli %reduce_sum3A_987, %mul3A_1031 : i32
          %multiple_of3A_1033 = tpu.assume_multiple %mul3A_1032, 128 : i32
          %dma_start3A_1034 = arith.constant 2 : i32
          %dma_start3A_1035 = arith.constant 0 : i32
          %dma_start3A_1036 = arith.constant 0 : i32
          %dma_start3A_1037 = tpu.memref_slice %arg10[%dma_start3A_1034, %dma_start3A_1035, %dma_start3A_1036] : memref<4x64x128xf32, #tpu.memory_space<vmem>> -> memref<1x64x128xf32, #tpu.memory_space<vmem>>
          %dma_start3A_1038 = tpu.memref_squeeze %dma_start3A_1037 : memref<1x64x128xf32, #tpu.memory_space<vmem>> -> memref<64x128xf32, #tpu.memory_space<vmem>>
          %dma_start3A_1039 = arith.constant 0 : i32
          %dma_start3A_1040 = tpu.memref_slice %arg2[%dma_start3A_1039, %multiple_of3A_1033] : memref<64x1000000xf32, #tpu.memory_space<hbm>> -> memref<64x128xf32, #tpu.memory_space<hbm>>
          %dma_start3A_1041 = arith.constant 0 : i32
          %dma_start3A_1042 = arith.constant 0 : i32
          %dma_start3A_1043 = tpu.memref_slice %arg10[%dma_start3A_1034, %dma_start3A_1041, %dma_start3A_1042] : memref<4x64x128xf32, #tpu.memory_space<vmem>> -> memref<1x64x128xf32, #tpu.memory_space<vmem>>
          %dma_start3A_1044 = tpu.memref_squeeze %dma_start3A_1043 : memref<1x64x128xf32, #tpu.memory_space<vmem>> -> memref<64x128xf32, #tpu.memory_space<vmem>>
          %dma_start3A_1045 = arith.constant 0 : i32
          %dma_start3A_1046 = tpu.memref_slice %arg2[%dma_start3A_1045, %multiple_of3A_1033] : memref<64x1000000xf32, #tpu.memory_space<hbm>> -> memref<64x128xf32, #tpu.memory_space<hbm>>
          tpu.enqueue_dma source(%dma_start3A_1046 : memref<64x128xf32, #tpu.memory_space<hbm>>) target(%dma_start3A_1044 : memref<64x128xf32, #tpu.memory_space<vmem>>) target_semaphore(%arg14 : memref<!tpu.dma_semaphore, #tpu.memory_space<semaphore_mem>>)
        } else {
        }
      } else {
      }
      %select_n3A_871 = arith.select %ne3A_867, %shift_right_arithmetic3A_864, %select_n3A_819 : i32
      %add3A_872 = arith.constant 1 : i32
      %add3A_873 = arith.addi %select_n3A_822, %add3A_872 : i32
      %select_n3A_874 = arith.select %ne3A_867, %add3A_873, %select_n3A_822 : i32
      %broadcast_in_dim3A_875 = vector.broadcast %and3A_866 : i32 to vector<16xi32>
      %sub3A_876 = arith.constant 1 : i32
      %sub3A_877 = arith.subi %select_n3A_874, %sub3A_876 : i32
      %and3A_878 = arith.constant 3 : i32
      %and3A_879 = arith.andi %sub3A_877, %and3A_878 : i32
      %broadcast_in_dim3A_880 = vector.broadcast %and3A_879 : i32 to vector<16xi32>
      %gather3A_881 = tpu.vector_load_idx %arg10[%broadcast_in_dim3A_880, %add3A_21, %broadcast_in_dim3A_875] : memref<4x64x128xf32, #tpu.memory_space<vmem>>[vector<16xi32>, vector<16xi32>, vector<16xi32>], vector<16xf32>,
      %swap3A_882 = arith.constant 14 : i32
      %swap3A_883 = arith.index_cast %swap3A_882 : i32 to index
      %swap3A_884 = arith.constant 0 : index
      %swap3A_885 = tpu.vector_load %arg11[%swap3A_883, %swap3A_884] {strides = array<i32>} : memref<16x64xf32, #tpu.memory_space<vmem>>, vector<16xf32>,
      tpu.vector_store %arg11[%swap3A_883, %swap3A_884], %gather3A_881 {strides = array<i32>} : memref<16x64xf32, #tpu.memory_space<vmem>>, vector<16xf32>,
      %gather3A_886 = tpu.vector_load_idx %arg10[%broadcast_in_dim3A_880, %add3A_25, %broadcast_in_dim3A_875] : memref<4x64x128xf32, #tpu.memory_space<vmem>>[vector<16xi32>, vector<16xi32>, vector<16xi32>], vector<16xf32>,
      %swap3A_887 = arith.constant 14 : i32
      %swap3A_888 = arith.index_cast %swap3A_887 : i32 to index
      %swap3A_889 = arith.constant 16 : index
      %swap3A_890 = tpu.vector_load %arg11[%swap3A_888, %swap3A_889] {strides = array<i32>} : memref<16x64xf32, #tpu.memory_space<vmem>>, vector<16xf32>,
      tpu.vector_store %arg11[%swap3A_888, %swap3A_889], %gather3A_886 {strides = array<i32>} : memref<16x64xf32, #tpu.memory_space<vmem>>, vector<16xf32>,
      %gather3A_891 = tpu.vector_load_idx %arg10[%broadcast_in_dim3A_880, %add3A_29, %broadcast_in_dim3A_875] : memref<4x64x128xf32, #tpu.memory_space<vmem>>[vector<16xi32>, vector<16xi32>, vector<16xi32>], vector<16xf32>,
      %swap3A_892 = arith.constant 14 : i32
      %swap3A_893 = arith.index_cast %swap3A_892 : i32 to index
      %swap3A_894 = arith.constant 32 : index
      %swap3A_895 = tpu.vector_load %arg11[%swap3A_893, %swap3A_894] {strides = array<i32>} : memref<16x64xf32, #tpu.memory_space<vmem>>, vector<16xf32>,
      tpu.vector_store %arg11[%swap3A_893, %swap3A_894], %gather3A_891 {strides = array<i32>} : memref<16x64xf32, #tpu.memory_space<vmem>>, vector<16xf32>,
      %gather3A_896 = tpu.vector_load_idx %arg10[%broadcast_in_dim3A_880, %add3A_33, %broadcast_in_dim3A_875] : memref<4x64x128xf32, #tpu.memory_space<vmem>>[vector<16xi32>, vector<16xi32>, vector<16xi32>], vector<16xf32>,
      %swap3A_897 = arith.constant 14 : i32
      %swap3A_898 = arith.index_cast %swap3A_897 : i32 to index
      %swap3A_899 = arith.constant 48 : index
      %swap3A_900 = tpu.vector_load %arg11[%swap3A_898, %swap3A_899] {strides = array<i32>} : memref<16x64xf32, #tpu.memory_space<vmem>>, vector<16xf32>,
      tpu.vector_store %arg11[%swap3A_898, %swap3A_899], %gather3A_896 {strides = array<i32>} : memref<16x64xf32, #tpu.memory_space<vmem>>, vector<16xf32>,
      %dma_start3A_901 = arith.constant 14 : i32
      %dma_start3A_902 = arith.constant 0 : i32
      %dma_start3A_903 = tpu.memref_slice %arg11[%dma_start3A_901, %dma_start3A_902] : memref<16x64xf32, #tpu.memory_space<vmem>> -> memref<1x64xf32, #tpu.memory_space<vmem>>
      %dma_start3A_904 = arith.constant 0 : i32
      %dma_start3A_905 = tpu.memref_slice %arg6[%squeeze3A_862, %dma_start3A_904] : memref<16384x64xf32, #tpu.memory_space<hbm>> -> memref<1x64xf32, #tpu.memory_space<hbm>>
      %dma_start3A_906 = arith.constant 0 : i32
      %dma_start3A_907 = tpu.memref_slice %arg6[%squeeze3A_862, %dma_start3A_906] : memref<16384x64xf32, #tpu.memory_space<hbm>> -> memref<1x64xf32, #tpu.memory_space<hbm>>
      %dma_start3A_908 = arith.constant 14 : i32
      %dma_start3A_909 = arith.constant 0 : i32
      %dma_start3A_910 = tpu.memref_slice %arg11[%dma_start3A_908, %dma_start3A_909] : memref<16x64xf32, #tpu.memory_space<vmem>> -> memref<1x64xf32, #tpu.memory_space<vmem>>
      tpu.enqueue_dma source(%dma_start3A_910 : memref<1x64xf32, #tpu.memory_space<vmem>>) target(%dma_start3A_907 : memref<1x64xf32, #tpu.memory_space<hbm>>) target_semaphore(%arg16 : memref<!tpu.dma_semaphore, #tpu.memory_space<semaphore_mem>>)
      %slice3A_911 = vector.extract_strided_slice %get3A_131 {offsets = [15], sizes = [1], strides = [1]} : vector<16xi32> to vector<1xi32>
      %squeeze3A_912 = vector.extract %slice3A_911[0] : i32 from vector<1xi32>
      %slice3A_913 = vector.extract_strided_slice %get3A_135 {offsets = [15], sizes = [1], strides = [1]} : vector<16xi32> to vector<1xi32>
      %squeeze3A_914 = vector.extract %slice3A_913[0] : i32 from vector<1xi32>
      %shift_right_arithmetic3A_915 = arith.constant 7 : i32
      %shift_right_arithmetic3A_916 = arith.shrsi %squeeze3A_912, %shift_right_arithmetic3A_915 : i32
      %and3A_917 = arith.constant 127 : i32
      %and3A_918 = arith.andi %squeeze3A_912, %and3A_917 : i32
      %ne3A_919 = arith.cmpi ne, %shift_right_arithmetic3A_916, %select_n3A_871 : i32
      %convert_element_type3A_920 = arith.extui %ne3A_919 : i1 to i32
      %cond3A_921 = arith.constant 0 : i32
      %cond3A_922 = arith.cmpi ne, %convert_element_type3A_920, %cond3A_921 : i32
      scf.if %cond3A_922 {
        %add3A_969 = arith.constant 4 : i32
        %add3A_970 = arith.addi %select_n3A_874, %add3A_969 : i32
        %sub3A_971 = arith.constant 1 : i32
        %sub3A_972 = arith.subi %add3A_970, %sub3A_971 : i32
        %min3A = arith.constant 511 : i32
        %min3A_973 = arith.minsi %sub3A_972, %min3A : i32
        %shift_right_arithmetic3A_974 = arith.constant 4 : i32
        %shift_right_arithmetic3A_975 = arith.shrsi %min3A_973, %shift_right_arithmetic3A_974 : i32
        %shift_left3A = arith.constant 4 : i32
        %shift_left3A_976 = arith.shli %shift_right_arithmetic3A_975, %shift_left3A : i32
        %multiple_of3A_977 = tpu.assume_multiple %shift_left3A_976, 16 : i32
        %get3A_978 = arith.index_cast %multiple_of3A_977 : i32 to index
        %get3A_979 = tpu.vector_load %arg9[%get3A_978] {strides = array<i32>} : memref<512xi32, #tpu.memory_space<vmem>>, vector<16xi32>,
        %and3A_980 = arith.constant 15 : i32
        %and3A_981 = arith.andi %min3A_973, %and3A_980 : i32
        %eq3A = vector.broadcast %and3A_981 : i32 to vector<16xi32>
        %eq3A_982 = arith.cmpi eq, %iota3A_34, %eq3A : vector<16xi32>
        %jit3A = arith.constant 0 : i32
        %broadcast_in_dim3A_983 = vector.broadcast %jit3A : i32 to vector<16xi32>
        %select_n3A_984 = arith.select %eq3A_982, %get3A_979, %broadcast_in_dim3A_983 : vector<16xi1>, vector<16xi32>
        %reduce_sum3A = arith.constant true
        %reduce_sum3A_985 = vector.broadcast %reduce_sum3A : i1 to vector<16xi1>
        %reduce_sum3A_986 = tpu.scan <sum>, %select_n3A_984 masked %reduce_sum3A_985 : vector<16xi32>, vector<16xi1> -> vector<16xi32>
        %reduce_sum3A_987 = vector.extract %reduce_sum3A_986[15] : i32 from vector<16xi32>
        %and3A_988 = arith.constant 3 : i32
        %and3A_989 = arith.andi %select_n3A_874, %and3A_988 : i32
        %eq3A_990 = arith.constant 0 : i32
        %eq3A_991 = arith.cmpi eq, %and3A_989, %eq3A_990 : i32
        %convert_element_type3A_992 = arith.extui %eq3A_991 : i1 to i32
        %cond3A_993 = arith.constant 0 : i32
        %cond3A_994 = arith.cmpi ne, %convert_element_type3A_992, %cond3A_993 : i32
        scf.if %cond3A_994 {
          %dma_wait3A_1016 = arith.constant 0 : i32
          %dma_wait3A_1017 = arith.constant 0 : i32
          %dma_wait3A_1018 = arith.constant 0 : i32
          %dma_wait3A_1019 = tpu.memref_slice %arg10[%dma_wait3A_1016, %dma_wait3A_1017, %dma_wait3A_1018] : memref<4x64x128xf32, #tpu.memory_space<vmem>> -> memref<1x64x128xf32, #tpu.memory_space<vmem>>
          %dma_wait3A_1020 = tpu.memref_squeeze %dma_wait3A_1019 : memref<1x64x128xf32, #tpu.memory_space<vmem>> -> memref<64x128xf32, #tpu.memory_space<vmem>>
          %dma_wait3A_1021 = arith.constant 0 : i32
          %dma_wait3A_1022 = arith.constant 0 : i32
          %dma_wait3A_1023 = tpu.memref_slice %arg2[%dma_wait3A_1021, %dma_wait3A_1022] : memref<64x1000000xf32, #tpu.memory_space<hbm>> -> memref<64x128xf32, #tpu.memory_space<hbm>>
          %dma_wait3A_1024 = arith.constant 0 : i32
          %dma_wait3A_1025 = arith.constant 0 : i32
          %dma_wait3A_1026 = tpu.memref_slice %arg10[%dma_wait3A_1016, %dma_wait3A_1024, %dma_wait3A_1025] : memref<4x64x128xf32, #tpu.memory_space<vmem>> -> memref<1x64x128xf32, #tpu.memory_space<vmem>>
          %dma_wait3A_1027 = tpu.memref_squeeze %dma_wait3A_1026 : memref<1x64x128xf32, #tpu.memory_space<vmem>> -> memref<64x128xf32, #tpu.memory_space<vmem>>
          %dma_wait3A_1028 = arith.constant 0 : i32
          %dma_wait3A_1029 = arith.constant 0 : i32
          %dma_wait3A_1030 = tpu.memref_slice %arg2[%dma_wait3A_1028, %dma_wait3A_1029] : memref<64x1000000xf32, #tpu.memory_space<hbm>> -> memref<64x128xf32, #tpu.memory_space<hbm>>
          tpu.wait_dma2 semaphore(%arg12 : memref<!tpu.dma_semaphore, #tpu.memory_space<semaphore_mem>>) src(%dma_wait3A_1030 : memref<64x128xf32, #tpu.memory_space<hbm>>) dst(%dma_wait3A_1027 : memref<64x128xf32, #tpu.memory_space<vmem>>)
          %mul3A_1031 = arith.constant 128 : i32
          %mul3A_1032 = arith.muli %reduce_sum3A_987, %mul3A_1031 : i32
          %multiple_of3A_1033 = tpu.assume_multiple %mul3A_1032, 128 : i32
          %dma_start3A_1034 = arith.constant 3 : i32
          %dma_start3A_1035 = arith.constant 0 : i32
          %dma_start3A_1036 = arith.constant 0 : i32
          %dma_start3A_1037 = tpu.memref_slice %arg10[%dma_start3A_1034, %dma_start3A_1035, %dma_start3A_1036] : memref<4x64x128xf32, #tpu.memory_space<vmem>> -> memref<1x64x128xf32, #tpu.memory_space<vmem>>
          %dma_start3A_1038 = tpu.memref_squeeze %dma_start3A_1037 : memref<1x64x128xf32, #tpu.memory_space<vmem>> -> memref<64x128xf32, #tpu.memory_space<vmem>>
          %dma_start3A_1039 = arith.constant 0 : i32
          %dma_start3A_1040 = tpu.memref_slice %arg2[%dma_start3A_1039, %multiple_of3A_1033] : memref<64x1000000xf32, #tpu.memory_space<hbm>> -> memref<64x128xf32, #tpu.memory_space<hbm>>
          %dma_start3A_1041 = arith.constant 0 : i32
          %dma_start3A_1042 = arith.constant 0 : i32
          %dma_start3A_1043 = tpu.memref_slice %arg10[%dma_start3A_1034, %dma_start3A_1041, %dma_start3A_1042] : memref<4x64x128xf32, #tpu.memory_space<vmem>> -> memref<1x64x128xf32, #tpu.memory_space<vmem>>
          %dma_start3A_1044 = tpu.memref_squeeze %dma_start3A_1043 : memref<1x64x128xf32, #tpu.memory_space<vmem>> -> memref<64x128xf32, #tpu.memory_space<vmem>>
          %dma_start3A_1045 = arith.constant 0 : i32
          %dma_start3A_1046 = tpu.memref_slice %arg2[%dma_start3A_1045, %multiple_of3A_1033] : memref<64x1000000xf32, #tpu.memory_space<hbm>> -> memref<64x128xf32, #tpu.memory_space<hbm>>
          tpu.enqueue_dma source(%dma_start3A_1046 : memref<64x128xf32, #tpu.memory_space<hbm>>) target(%dma_start3A_1044 : memref<64x128xf32, #tpu.memory_space<vmem>>) target_semaphore(%arg15 : memref<!tpu.dma_semaphore, #tpu.memory_space<semaphore_mem>>)
        } else {
        }
        %and3A_995 = arith.constant 3 : i32
        %and3A_996 = arith.andi %select_n3A_874, %and3A_995 : i32
        %eq3A_997 = arith.constant 1 : i32
        %eq3A_998 = arith.cmpi eq, %and3A_996, %eq3A_997 : i32
        %convert_element_type3A_999 = arith.extui %eq3A_998 : i1 to i32
        %cond3A_1000 = arith.constant 0 : i32
        %cond3A_1001 = arith.cmpi ne, %convert_element_type3A_999, %cond3A_1000 : i32
        scf.if %cond3A_1001 {
          %dma_wait3A_1016 = arith.constant 1 : i32
          %dma_wait3A_1017 = arith.constant 0 : i32
          %dma_wait3A_1018 = arith.constant 0 : i32
          %dma_wait3A_1019 = tpu.memref_slice %arg10[%dma_wait3A_1016, %dma_wait3A_1017, %dma_wait3A_1018] : memref<4x64x128xf32, #tpu.memory_space<vmem>> -> memref<1x64x128xf32, #tpu.memory_space<vmem>>
          %dma_wait3A_1020 = tpu.memref_squeeze %dma_wait3A_1019 : memref<1x64x128xf32, #tpu.memory_space<vmem>> -> memref<64x128xf32, #tpu.memory_space<vmem>>
          %dma_wait3A_1021 = arith.constant 0 : i32
          %dma_wait3A_1022 = arith.constant 0 : i32
          %dma_wait3A_1023 = tpu.memref_slice %arg2[%dma_wait3A_1021, %dma_wait3A_1022] : memref<64x1000000xf32, #tpu.memory_space<hbm>> -> memref<64x128xf32, #tpu.memory_space<hbm>>
          %dma_wait3A_1024 = arith.constant 0 : i32
          %dma_wait3A_1025 = arith.constant 0 : i32
          %dma_wait3A_1026 = tpu.memref_slice %arg10[%dma_wait3A_1016, %dma_wait3A_1024, %dma_wait3A_1025] : memref<4x64x128xf32, #tpu.memory_space<vmem>> -> memref<1x64x128xf32, #tpu.memory_space<vmem>>
          %dma_wait3A_1027 = tpu.memref_squeeze %dma_wait3A_1026 : memref<1x64x128xf32, #tpu.memory_space<vmem>> -> memref<64x128xf32, #tpu.memory_space<vmem>>
          %dma_wait3A_1028 = arith.constant 0 : i32
          %dma_wait3A_1029 = arith.constant 0 : i32
          %dma_wait3A_1030 = tpu.memref_slice %arg2[%dma_wait3A_1028, %dma_wait3A_1029] : memref<64x1000000xf32, #tpu.memory_space<hbm>> -> memref<64x128xf32, #tpu.memory_space<hbm>>
          tpu.wait_dma2 semaphore(%arg13 : memref<!tpu.dma_semaphore, #tpu.memory_space<semaphore_mem>>) src(%dma_wait3A_1030 : memref<64x128xf32, #tpu.memory_space<hbm>>) dst(%dma_wait3A_1027 : memref<64x128xf32, #tpu.memory_space<vmem>>)
          %mul3A_1031 = arith.constant 128 : i32
          %mul3A_1032 = arith.muli %reduce_sum3A_987, %mul3A_1031 : i32
          %multiple_of3A_1033 = tpu.assume_multiple %mul3A_1032, 128 : i32
          %dma_start3A_1034 = arith.constant 0 : i32
          %dma_start3A_1035 = arith.constant 0 : i32
          %dma_start3A_1036 = arith.constant 0 : i32
          %dma_start3A_1037 = tpu.memref_slice %arg10[%dma_start3A_1034, %dma_start3A_1035, %dma_start3A_1036] : memref<4x64x128xf32, #tpu.memory_space<vmem>> -> memref<1x64x128xf32, #tpu.memory_space<vmem>>
          %dma_start3A_1038 = tpu.memref_squeeze %dma_start3A_1037 : memref<1x64x128xf32, #tpu.memory_space<vmem>> -> memref<64x128xf32, #tpu.memory_space<vmem>>
          %dma_start3A_1039 = arith.constant 0 : i32
          %dma_start3A_1040 = tpu.memref_slice %arg2[%dma_start3A_1039, %multiple_of3A_1033] : memref<64x1000000xf32, #tpu.memory_space<hbm>> -> memref<64x128xf32, #tpu.memory_space<hbm>>
          %dma_start3A_1041 = arith.constant 0 : i32
          %dma_start3A_1042 = arith.constant 0 : i32
          %dma_start3A_1043 = tpu.memref_slice %arg10[%dma_start3A_1034, %dma_start3A_1041, %dma_start3A_1042] : memref<4x64x128xf32, #tpu.memory_space<vmem>> -> memref<1x64x128xf32, #tpu.memory_space<vmem>>
          %dma_start3A_1044 = tpu.memref_squeeze %dma_start3A_1043 : memref<1x64x128xf32, #tpu.memory_space<vmem>> -> memref<64x128xf32, #tpu.memory_space<vmem>>
          %dma_start3A_1045 = arith.constant 0 : i32
          %dma_start3A_1046 = tpu.memref_slice %arg2[%dma_start3A_1045, %multiple_of3A_1033] : memref<64x1000000xf32, #tpu.memory_space<hbm>> -> memref<64x128xf32, #tpu.memory_space<hbm>>
          tpu.enqueue_dma source(%dma_start3A_1046 : memref<64x128xf32, #tpu.memory_space<hbm>>) target(%dma_start3A_1044 : memref<64x128xf32, #tpu.memory_space<vmem>>) target_semaphore(%arg12 : memref<!tpu.dma_semaphore, #tpu.memory_space<semaphore_mem>>)
        } else {
        }
        %and3A_1002 = arith.constant 3 : i32
        %and3A_1003 = arith.andi %select_n3A_874, %and3A_1002 : i32
        %eq3A_1004 = arith.constant 2 : i32
        %eq3A_1005 = arith.cmpi eq, %and3A_1003, %eq3A_1004 : i32
        %convert_element_type3A_1006 = arith.extui %eq3A_1005 : i1 to i32
        %cond3A_1007 = arith.constant 0 : i32
        %cond3A_1008 = arith.cmpi ne, %convert_element_type3A_1006, %cond3A_1007 : i32
        scf.if %cond3A_1008 {
          %dma_wait3A_1016 = arith.constant 2 : i32
          %dma_wait3A_1017 = arith.constant 0 : i32
          %dma_wait3A_1018 = arith.constant 0 : i32
          %dma_wait3A_1019 = tpu.memref_slice %arg10[%dma_wait3A_1016, %dma_wait3A_1017, %dma_wait3A_1018] : memref<4x64x128xf32, #tpu.memory_space<vmem>> -> memref<1x64x128xf32, #tpu.memory_space<vmem>>
          %dma_wait3A_1020 = tpu.memref_squeeze %dma_wait3A_1019 : memref<1x64x128xf32, #tpu.memory_space<vmem>> -> memref<64x128xf32, #tpu.memory_space<vmem>>
          %dma_wait3A_1021 = arith.constant 0 : i32
          %dma_wait3A_1022 = arith.constant 0 : i32
          %dma_wait3A_1023 = tpu.memref_slice %arg2[%dma_wait3A_1021, %dma_wait3A_1022] : memref<64x1000000xf32, #tpu.memory_space<hbm>> -> memref<64x128xf32, #tpu.memory_space<hbm>>
          %dma_wait3A_1024 = arith.constant 0 : i32
          %dma_wait3A_1025 = arith.constant 0 : i32
          %dma_wait3A_1026 = tpu.memref_slice %arg10[%dma_wait3A_1016, %dma_wait3A_1024, %dma_wait3A_1025] : memref<4x64x128xf32, #tpu.memory_space<vmem>> -> memref<1x64x128xf32, #tpu.memory_space<vmem>>
          %dma_wait3A_1027 = tpu.memref_squeeze %dma_wait3A_1026 : memref<1x64x128xf32, #tpu.memory_space<vmem>> -> memref<64x128xf32, #tpu.memory_space<vmem>>
          %dma_wait3A_1028 = arith.constant 0 : i32
          %dma_wait3A_1029 = arith.constant 0 : i32
          %dma_wait3A_1030 = tpu.memref_slice %arg2[%dma_wait3A_1028, %dma_wait3A_1029] : memref<64x1000000xf32, #tpu.memory_space<hbm>> -> memref<64x128xf32, #tpu.memory_space<hbm>>
          tpu.wait_dma2 semaphore(%arg14 : memref<!tpu.dma_semaphore, #tpu.memory_space<semaphore_mem>>) src(%dma_wait3A_1030 : memref<64x128xf32, #tpu.memory_space<hbm>>) dst(%dma_wait3A_1027 : memref<64x128xf32, #tpu.memory_space<vmem>>)
          %mul3A_1031 = arith.constant 128 : i32
          %mul3A_1032 = arith.muli %reduce_sum3A_987, %mul3A_1031 : i32
          %multiple_of3A_1033 = tpu.assume_multiple %mul3A_1032, 128 : i32
          %dma_start3A_1034 = arith.constant 1 : i32
          %dma_start3A_1035 = arith.constant 0 : i32
          %dma_start3A_1036 = arith.constant 0 : i32
          %dma_start3A_1037 = tpu.memref_slice %arg10[%dma_start3A_1034, %dma_start3A_1035, %dma_start3A_1036] : memref<4x64x128xf32, #tpu.memory_space<vmem>> -> memref<1x64x128xf32, #tpu.memory_space<vmem>>
          %dma_start3A_1038 = tpu.memref_squeeze %dma_start3A_1037 : memref<1x64x128xf32, #tpu.memory_space<vmem>> -> memref<64x128xf32, #tpu.memory_space<vmem>>
          %dma_start3A_1039 = arith.constant 0 : i32
          %dma_start3A_1040 = tpu.memref_slice %arg2[%dma_start3A_1039, %multiple_of3A_1033] : memref<64x1000000xf32, #tpu.memory_space<hbm>> -> memref<64x128xf32, #tpu.memory_space<hbm>>
          %dma_start3A_1041 = arith.constant 0 : i32
          %dma_start3A_1042 = arith.constant 0 : i32
          %dma_start3A_1043 = tpu.memref_slice %arg10[%dma_start3A_1034, %dma_start3A_1041, %dma_start3A_1042] : memref<4x64x128xf32, #tpu.memory_space<vmem>> -> memref<1x64x128xf32, #tpu.memory_space<vmem>>
          %dma_start3A_1044 = tpu.memref_squeeze %dma_start3A_1043 : memref<1x64x128xf32, #tpu.memory_space<vmem>> -> memref<64x128xf32, #tpu.memory_space<vmem>>
          %dma_start3A_1045 = arith.constant 0 : i32
          %dma_start3A_1046 = tpu.memref_slice %arg2[%dma_start3A_1045, %multiple_of3A_1033] : memref<64x1000000xf32, #tpu.memory_space<hbm>> -> memref<64x128xf32, #tpu.memory_space<hbm>>
          tpu.enqueue_dma source(%dma_start3A_1046 : memref<64x128xf32, #tpu.memory_space<hbm>>) target(%dma_start3A_1044 : memref<64x128xf32, #tpu.memory_space<vmem>>) target_semaphore(%arg13 : memref<!tpu.dma_semaphore, #tpu.memory_space<semaphore_mem>>)
        } else {
        }
        %and3A_1009 = arith.constant 3 : i32
        %and3A_1010 = arith.andi %select_n3A_874, %and3A_1009 : i32
        %eq3A_1011 = arith.constant 3 : i32
        %eq3A_1012 = arith.cmpi eq, %and3A_1010, %eq3A_1011 : i32
        %convert_element_type3A_1013 = arith.extui %eq3A_1012 : i1 to i32
        %cond3A_1014 = arith.constant 0 : i32
        %cond3A_1015 = arith.cmpi ne, %convert_element_type3A_1013, %cond3A_1014 : i32
        scf.if %cond3A_1015 {
          %dma_wait3A_1016 = arith.constant 3 : i32
          %dma_wait3A_1017 = arith.constant 0 : i32
          %dma_wait3A_1018 = arith.constant 0 : i32
          %dma_wait3A_1019 = tpu.memref_slice %arg10[%dma_wait3A_1016, %dma_wait3A_1017, %dma_wait3A_1018] : memref<4x64x128xf32, #tpu.memory_space<vmem>> -> memref<1x64x128xf32, #tpu.memory_space<vmem>>
          %dma_wait3A_1020 = tpu.memref_squeeze %dma_wait3A_1019 : memref<1x64x128xf32, #tpu.memory_space<vmem>> -> memref<64x128xf32, #tpu.memory_space<vmem>>
          %dma_wait3A_1021 = arith.constant 0 : i32
          %dma_wait3A_1022 = arith.constant 0 : i32
          %dma_wait3A_1023 = tpu.memref_slice %arg2[%dma_wait3A_1021, %dma_wait3A_1022] : memref<64x1000000xf32, #tpu.memory_space<hbm>> -> memref<64x128xf32, #tpu.memory_space<hbm>>
          %dma_wait3A_1024 = arith.constant 0 : i32
          %dma_wait3A_1025 = arith.constant 0 : i32
          %dma_wait3A_1026 = tpu.memref_slice %arg10[%dma_wait3A_1016, %dma_wait3A_1024, %dma_wait3A_1025] : memref<4x64x128xf32, #tpu.memory_space<vmem>> -> memref<1x64x128xf32, #tpu.memory_space<vmem>>
          %dma_wait3A_1027 = tpu.memref_squeeze %dma_wait3A_1026 : memref<1x64x128xf32, #tpu.memory_space<vmem>> -> memref<64x128xf32, #tpu.memory_space<vmem>>
          %dma_wait3A_1028 = arith.constant 0 : i32
          %dma_wait3A_1029 = arith.constant 0 : i32
          %dma_wait3A_1030 = tpu.memref_slice %arg2[%dma_wait3A_1028, %dma_wait3A_1029] : memref<64x1000000xf32, #tpu.memory_space<hbm>> -> memref<64x128xf32, #tpu.memory_space<hbm>>
          tpu.wait_dma2 semaphore(%arg15 : memref<!tpu.dma_semaphore, #tpu.memory_space<semaphore_mem>>) src(%dma_wait3A_1030 : memref<64x128xf32, #tpu.memory_space<hbm>>) dst(%dma_wait3A_1027 : memref<64x128xf32, #tpu.memory_space<vmem>>)
          %mul3A_1031 = arith.constant 128 : i32
          %mul3A_1032 = arith.muli %reduce_sum3A_987, %mul3A_1031 : i32
          %multiple_of3A_1033 = tpu.assume_multiple %mul3A_1032, 128 : i32
          %dma_start3A_1034 = arith.constant 2 : i32
          %dma_start3A_1035 = arith.constant 0 : i32
          %dma_start3A_1036 = arith.constant 0 : i32
          %dma_start3A_1037 = tpu.memref_slice %arg10[%dma_start3A_1034, %dma_start3A_1035, %dma_start3A_1036] : memref<4x64x128xf32, #tpu.memory_space<vmem>> -> memref<1x64x128xf32, #tpu.memory_space<vmem>>
          %dma_start3A_1038 = tpu.memref_squeeze %dma_start3A_1037 : memref<1x64x128xf32, #tpu.memory_space<vmem>> -> memref<64x128xf32, #tpu.memory_space<vmem>>
          %dma_start3A_1039 = arith.constant 0 : i32
          %dma_start3A_1040 = tpu.memref_slice %arg2[%dma_start3A_1039, %multiple_of3A_1033] : memref<64x1000000xf32, #tpu.memory_space<hbm>> -> memref<64x128xf32, #tpu.memory_space<hbm>>
          %dma_start3A_1041 = arith.constant 0 : i32
          %dma_start3A_1042 = arith.constant 0 : i32
          %dma_start3A_1043 = tpu.memref_slice %arg10[%dma_start3A_1034, %dma_start3A_1041, %dma_start3A_1042] : memref<4x64x128xf32, #tpu.memory_space<vmem>> -> memref<1x64x128xf32, #tpu.memory_space<vmem>>
          %dma_start3A_1044 = tpu.memref_squeeze %dma_start3A_1043 : memref<1x64x128xf32, #tpu.memory_space<vmem>> -> memref<64x128xf32, #tpu.memory_space<vmem>>
          %dma_start3A_1045 = arith.constant 0 : i32
          %dma_start3A_1046 = tpu.memref_slice %arg2[%dma_start3A_1045, %multiple_of3A_1033] : memref<64x1000000xf32, #tpu.memory_space<hbm>> -> memref<64x128xf32, #tpu.memory_space<hbm>>
          tpu.enqueue_dma source(%dma_start3A_1046 : memref<64x128xf32, #tpu.memory_space<hbm>>) target(%dma_start3A_1044 : memref<64x128xf32, #tpu.memory_space<vmem>>) target_semaphore(%arg14 : memref<!tpu.dma_semaphore, #tpu.memory_space<semaphore_mem>>)
        } else {
        }
      } else {
      }
      %select_n3A_923 = arith.select %ne3A_919, %shift_right_arithmetic3A_916, %select_n3A_871 : i32
      %add3A_924 = arith.constant 1 : i32
      %add3A_925 = arith.addi %select_n3A_874, %add3A_924 : i32
      %select_n3A_926 = arith.select %ne3A_919, %add3A_925, %select_n3A_874 : i32
      %broadcast_in_dim3A_927 = vector.broadcast %and3A_918 : i32 to vector<16xi32>
      %sub3A_928 = arith.constant 1 : i32
      %sub3A_929 = arith.subi %select_n3A_926, %sub3A_928 : i32
      %and3A_930 = arith.constant 3 : i32
      %and3A_931 = arith.andi %sub3A_929, %and3A_930 : i32
      %broadcast_in_dim3A_932 = vector.broadcast %and3A_931 : i32 to vector<16xi32>
      %gather3A_933 = tpu.vector_load_idx %arg10[%broadcast_in_dim3A_932, %add3A_21, %broadcast_in_dim3A_927] : memref<4x64x128xf32, #tpu.memory_space<vmem>>[vector<16xi32>, vector<16xi32>, vector<16xi32>], vector<16xf32>,
      %swap3A_934 = arith.constant 15 : i32
      %swap3A_935 = arith.index_cast %swap3A_934 : i32 to index
      %swap3A_936 = arith.constant 0 : index
      %swap3A_937 = tpu.vector_load %arg11[%swap3A_935, %swap3A_936] {strides = array<i32>} : memref<16x64xf32, #tpu.memory_space<vmem>>, vector<16xf32>,
      tpu.vector_store %arg11[%swap3A_935, %swap3A_936], %gather3A_933 {strides = array<i32>} : memref<16x64xf32, #tpu.memory_space<vmem>>, vector<16xf32>,
      %gather3A_938 = tpu.vector_load_idx %arg10[%broadcast_in_dim3A_932, %add3A_25, %broadcast_in_dim3A_927] : memref<4x64x128xf32, #tpu.memory_space<vmem>>[vector<16xi32>, vector<16xi32>, vector<16xi32>], vector<16xf32>,
      %swap3A_939 = arith.constant 15 : i32
      %swap3A_940 = arith.index_cast %swap3A_939 : i32 to index
      %swap3A_941 = arith.constant 16 : index
      %swap3A_942 = tpu.vector_load %arg11[%swap3A_940, %swap3A_941] {strides = array<i32>} : memref<16x64xf32, #tpu.memory_space<vmem>>, vector<16xf32>,
      tpu.vector_store %arg11[%swap3A_940, %swap3A_941], %gather3A_938 {strides = array<i32>} : memref<16x64xf32, #tpu.memory_space<vmem>>, vector<16xf32>,
      %gather3A_943 = tpu.vector_load_idx %arg10[%broadcast_in_dim3A_932, %add3A_29, %broadcast_in_dim3A_927] : memref<4x64x128xf32, #tpu.memory_space<vmem>>[vector<16xi32>, vector<16xi32>, vector<16xi32>], vector<16xf32>,
      %swap3A_944 = arith.constant 15 : i32
      %swap3A_945 = arith.index_cast %swap3A_944 : i32 to index
      %swap3A_946 = arith.constant 32 : index
      %swap3A_947 = tpu.vector_load %arg11[%swap3A_945, %swap3A_946] {strides = array<i32>} : memref<16x64xf32, #tpu.memory_space<vmem>>, vector<16xf32>,
      tpu.vector_store %arg11[%swap3A_945, %swap3A_946], %gather3A_943 {strides = array<i32>} : memref<16x64xf32, #tpu.memory_space<vmem>>, vector<16xf32>,
      %gather3A_948 = tpu.vector_load_idx %arg10[%broadcast_in_dim3A_932, %add3A_33, %broadcast_in_dim3A_927] : memref<4x64x128xf32, #tpu.memory_space<vmem>>[vector<16xi32>, vector<16xi32>, vector<16xi32>], vector<16xf32>,
      %swap3A_949 = arith.constant 15 : i32
      %swap3A_950 = arith.index_cast %swap3A_949 : i32 to index
      %swap3A_951 = arith.constant 48 : index
      %swap3A_952 = tpu.vector_load %arg11[%swap3A_950, %swap3A_951] {strides = array<i32>} : memref<16x64xf32, #tpu.memory_space<vmem>>, vector<16xf32>,
      tpu.vector_store %arg11[%swap3A_950, %swap3A_951], %gather3A_948 {strides = array<i32>} : memref<16x64xf32, #tpu.memory_space<vmem>>, vector<16xf32>,
      %dma_start3A_953 = arith.constant 15 : i32
      %dma_start3A_954 = arith.constant 0 : i32
      %dma_start3A_955 = tpu.memref_slice %arg11[%dma_start3A_953, %dma_start3A_954] : memref<16x64xf32, #tpu.memory_space<vmem>> -> memref<1x64xf32, #tpu.memory_space<vmem>>
      %dma_start3A_956 = arith.constant 0 : i32
      %dma_start3A_957 = tpu.memref_slice %arg6[%squeeze3A_914, %dma_start3A_956] : memref<16384x64xf32, #tpu.memory_space<hbm>> -> memref<1x64xf32, #tpu.memory_space<hbm>>
      %dma_start3A_958 = arith.constant 0 : i32
      %dma_start3A_959 = tpu.memref_slice %arg6[%squeeze3A_914, %dma_start3A_958] : memref<16384x64xf32, #tpu.memory_space<hbm>> -> memref<1x64xf32, #tpu.memory_space<hbm>>
      %dma_start3A_960 = arith.constant 15 : i32
      %dma_start3A_961 = arith.constant 0 : i32
      %dma_start3A_962 = tpu.memref_slice %arg11[%dma_start3A_960, %dma_start3A_961] : memref<16x64xf32, #tpu.memory_space<vmem>> -> memref<1x64xf32, #tpu.memory_space<vmem>>
      tpu.enqueue_dma source(%dma_start3A_962 : memref<1x64xf32, #tpu.memory_space<vmem>>) target(%dma_start3A_959 : memref<1x64xf32, #tpu.memory_space<hbm>>) target_semaphore(%arg16 : memref<!tpu.dma_semaphore, #tpu.memory_space<semaphore_mem>>)
      %dma_wait3A_963 = arith.constant 0 : i32
      %dma_wait3A_964 = arith.constant 0 : i32
      %dma_wait3A_965 = tpu.memref_slice %arg6[%dma_wait3A_963, %dma_wait3A_964] : memref<16384x64xf32, #tpu.memory_space<hbm>> -> memref<16x64xf32, #tpu.memory_space<hbm>>
      %dma_wait3A_966 = arith.constant 0 : i32
      %dma_wait3A_967 = arith.constant 0 : i32
      %dma_wait3A_968 = tpu.memref_slice %arg6[%dma_wait3A_966, %dma_wait3A_967] : memref<16384x64xf32, #tpu.memory_space<hbm>> -> memref<16x64xf32, #tpu.memory_space<hbm>>
      tpu.wait_dma2 semaphore(%arg16 : memref<!tpu.dma_semaphore, #tpu.memory_space<semaphore_mem>>) src(%dma_wait3A_968 : memref<16x64xf32, #tpu.memory_space<hbm>>) dst(%arg11 : memref<16x64xf32, #tpu.memory_space<vmem>>)
      scf.yield %select_n3A_923, %select_n3A_926 : i32, i32
    }
    %scan3A_93 = arith.constant 32 : i32
    %sub3A = arith.constant 1 : i32
    %sub3A_94 = arith.subi %scan3A_92#1, %sub3A : i32
    %and3A = arith.constant 3 : i32
    %and3A_95 = arith.andi %sub3A_94, %and3A : i32
    %ne3A = arith.constant 0 : i32
    %ne3A_96 = arith.cmpi ne, %and3A_95, %ne3A : i32
    %convert_element_type3A = arith.extui %ne3A_96 : i1 to i32
    %cond3A = arith.constant 0 : i32
    %cond3A_97 = arith.cmpi ne, %convert_element_type3A, %cond3A : i32
    scf.if %cond3A_97 {
      %dma_wait3A_125 = arith.constant 0 : i32
      %dma_wait3A_126 = arith.constant 0 : i32
      %dma_wait3A_127 = arith.constant 0 : i32
      %dma_wait3A_128 = tpu.memref_slice %arg10[%dma_wait3A_125, %dma_wait3A_126, %dma_wait3A_127] : memref<4x64x128xf32, #tpu.memory_space<vmem>> -> memref<1x64x128xf32, #tpu.memory_space<vmem>>
      %dma_wait3A_129 = tpu.memref_squeeze %dma_wait3A_128 : memref<1x64x128xf32, #tpu.memory_space<vmem>> -> memref<64x128xf32, #tpu.memory_space<vmem>>
      %dma_wait3A_130 = arith.constant 0 : i32
      %dma_wait3A_131 = arith.constant 0 : i32
      %dma_wait3A_132 = tpu.memref_slice %arg2[%dma_wait3A_130, %dma_wait3A_131] : memref<64x1000000xf32, #tpu.memory_space<hbm>> -> memref<64x128xf32, #tpu.memory_space<hbm>>
      %dma_wait3A_133 = arith.constant 0 : i32
      %dma_wait3A_134 = arith.constant 0 : i32
      %dma_wait3A_135 = tpu.memref_slice %arg10[%dma_wait3A_125, %dma_wait3A_133, %dma_wait3A_134] : memref<4x64x128xf32, #tpu.memory_space<vmem>> -> memref<1x64x128xf32, #tpu.memory_space<vmem>>
      %dma_wait3A_136 = tpu.memref_squeeze %dma_wait3A_135 : memref<1x64x128xf32, #tpu.memory_space<vmem>> -> memref<64x128xf32, #tpu.memory_space<vmem>>
      %dma_wait3A_137 = arith.constant 0 : i32
      %dma_wait3A_138 = arith.constant 0 : i32
      %dma_wait3A_139 = tpu.memref_slice %arg2[%dma_wait3A_137, %dma_wait3A_138] : memref<64x1000000xf32, #tpu.memory_space<hbm>> -> memref<64x128xf32, #tpu.memory_space<hbm>>
      tpu.wait_dma2 semaphore(%arg12 : memref<!tpu.dma_semaphore, #tpu.memory_space<semaphore_mem>>) src(%dma_wait3A_139 : memref<64x128xf32, #tpu.memory_space<hbm>>) dst(%dma_wait3A_136 : memref<64x128xf32, #tpu.memory_space<vmem>>)
    } else {
    }
    %sub3A_98 = arith.constant 1 : i32
    %sub3A_99 = arith.subi %scan3A_92#1, %sub3A_98 : i32
    %and3A_100 = arith.constant 3 : i32
    %and3A_101 = arith.andi %sub3A_99, %and3A_100 : i32
    %ne3A_102 = arith.constant 1 : i32
    %ne3A_103 = arith.cmpi ne, %and3A_101, %ne3A_102 : i32
    %convert_element_type3A_104 = arith.extui %ne3A_103 : i1 to i32
    %cond3A_105 = arith.constant 0 : i32
    %cond3A_106 = arith.cmpi ne, %convert_element_type3A_104, %cond3A_105 : i32
    scf.if %cond3A_106 {
      %dma_wait3A_125 = arith.constant 1 : i32
      %dma_wait3A_126 = arith.constant 0 : i32
      %dma_wait3A_127 = arith.constant 0 : i32
      %dma_wait3A_128 = tpu.memref_slice %arg10[%dma_wait3A_125, %dma_wait3A_126, %dma_wait3A_127] : memref<4x64x128xf32, #tpu.memory_space<vmem>> -> memref<1x64x128xf32, #tpu.memory_space<vmem>>
      %dma_wait3A_129 = tpu.memref_squeeze %dma_wait3A_128 : memref<1x64x128xf32, #tpu.memory_space<vmem>> -> memref<64x128xf32, #tpu.memory_space<vmem>>
      %dma_wait3A_130 = arith.constant 0 : i32
      %dma_wait3A_131 = arith.constant 0 : i32
      %dma_wait3A_132 = tpu.memref_slice %arg2[%dma_wait3A_130, %dma_wait3A_131] : memref<64x1000000xf32, #tpu.memory_space<hbm>> -> memref<64x128xf32, #tpu.memory_space<hbm>>
      %dma_wait3A_133 = arith.constant 0 : i32
      %dma_wait3A_134 = arith.constant 0 : i32
      %dma_wait3A_135 = tpu.memref_slice %arg10[%dma_wait3A_125, %dma_wait3A_133, %dma_wait3A_134] : memref<4x64x128xf32, #tpu.memory_space<vmem>> -> memref<1x64x128xf32, #tpu.memory_space<vmem>>
      %dma_wait3A_136 = tpu.memref_squeeze %dma_wait3A_135 : memref<1x64x128xf32, #tpu.memory_space<vmem>> -> memref<64x128xf32, #tpu.memory_space<vmem>>
      %dma_wait3A_137 = arith.constant 0 : i32
      %dma_wait3A_138 = arith.constant 0 : i32
      %dma_wait3A_139 = tpu.memref_slice %arg2[%dma_wait3A_137, %dma_wait3A_138] : memref<64x1000000xf32, #tpu.memory_space<hbm>> -> memref<64x128xf32, #tpu.memory_space<hbm>>
      tpu.wait_dma2 semaphore(%arg13 : memref<!tpu.dma_semaphore, #tpu.memory_space<semaphore_mem>>) src(%dma_wait3A_139 : memref<64x128xf32, #tpu.memory_space<hbm>>) dst(%dma_wait3A_136 : memref<64x128xf32, #tpu.memory_space<vmem>>)
    } else {
    }
    %sub3A_107 = arith.constant 1 : i32
    %sub3A_108 = arith.subi %scan3A_92#1, %sub3A_107 : i32
    %and3A_109 = arith.constant 3 : i32
    %and3A_110 = arith.andi %sub3A_108, %and3A_109 : i32
    %ne3A_111 = arith.constant 2 : i32
    %ne3A_112 = arith.cmpi ne, %and3A_110, %ne3A_111 : i32
    %convert_element_type3A_113 = arith.extui %ne3A_112 : i1 to i32
    %cond3A_114 = arith.constant 0 : i32
    %cond3A_115 = arith.cmpi ne, %convert_element_type3A_113, %cond3A_114 : i32
    scf.if %cond3A_115 {
      %dma_wait3A_125 = arith.constant 2 : i32
      %dma_wait3A_126 = arith.constant 0 : i32
      %dma_wait3A_127 = arith.constant 0 : i32
      %dma_wait3A_128 = tpu.memref_slice %arg10[%dma_wait3A_125, %dma_wait3A_126, %dma_wait3A_127] : memref<4x64x128xf32, #tpu.memory_space<vmem>> -> memref<1x64x128xf32, #tpu.memory_space<vmem>>
      %dma_wait3A_129 = tpu.memref_squeeze %dma_wait3A_128 : memref<1x64x128xf32, #tpu.memory_space<vmem>> -> memref<64x128xf32, #tpu.memory_space<vmem>>
      %dma_wait3A_130 = arith.constant 0 : i32
      %dma_wait3A_131 = arith.constant 0 : i32
      %dma_wait3A_132 = tpu.memref_slice %arg2[%dma_wait3A_130, %dma_wait3A_131] : memref<64x1000000xf32, #tpu.memory_space<hbm>> -> memref<64x128xf32, #tpu.memory_space<hbm>>
      %dma_wait3A_133 = arith.constant 0 : i32
      %dma_wait3A_134 = arith.constant 0 : i32
      %dma_wait3A_135 = tpu.memref_slice %arg10[%dma_wait3A_125, %dma_wait3A_133, %dma_wait3A_134] : memref<4x64x128xf32, #tpu.memory_space<vmem>> -> memref<1x64x128xf32, #tpu.memory_space<vmem>>
      %dma_wait3A_136 = tpu.memref_squeeze %dma_wait3A_135 : memref<1x64x128xf32, #tpu.memory_space<vmem>> -> memref<64x128xf32, #tpu.memory_space<vmem>>
      %dma_wait3A_137 = arith.constant 0 : i32
      %dma_wait3A_138 = arith.constant 0 : i32
      %dma_wait3A_139 = tpu.memref_slice %arg2[%dma_wait3A_137, %dma_wait3A_138] : memref<64x1000000xf32, #tpu.memory_space<hbm>> -> memref<64x128xf32, #tpu.memory_space<hbm>>
      tpu.wait_dma2 semaphore(%arg14 : memref<!tpu.dma_semaphore, #tpu.memory_space<semaphore_mem>>) src(%dma_wait3A_139 : memref<64x128xf32, #tpu.memory_space<hbm>>) dst(%dma_wait3A_136 : memref<64x128xf32, #tpu.memory_space<vmem>>)
    } else {
    }
    %sub3A_116 = arith.constant 1 : i32
    %sub3A_117 = arith.subi %scan3A_92#1, %sub3A_116 : i32
    %and3A_118 = arith.constant 3 : i32
    %and3A_119 = arith.andi %sub3A_117, %and3A_118 : i32
    %ne3A_120 = arith.constant 3 : i32
    %ne3A_121 = arith.cmpi ne, %and3A_119, %ne3A_120 : i32
    %convert_element_type3A_122 = arith.extui %ne3A_121 : i1 to i32
    %cond3A_123 = arith.constant 0 : i32
    %cond3A_124 = arith.cmpi ne, %convert_element_type3A_122, %cond3A_123 : i32
    scf.if %cond3A_124 {
      %dma_wait3A_125 = arith.constant 3 : i32
      %dma_wait3A_126 = arith.constant 0 : i32
      %dma_wait3A_127 = arith.constant 0 : i32
      %dma_wait3A_128 = tpu.memref_slice %arg10[%dma_wait3A_125, %dma_wait3A_126, %dma_wait3A_127] : memref<4x64x128xf32, #tpu.memory_space<vmem>> -> memref<1x64x128xf32, #tpu.memory_space<vmem>>
      %dma_wait3A_129 = tpu.memref_squeeze %dma_wait3A_128 : memref<1x64x128xf32, #tpu.memory_space<vmem>> -> memref<64x128xf32, #tpu.memory_space<vmem>>
      %dma_wait3A_130 = arith.constant 0 : i32
      %dma_wait3A_131 = arith.constant 0 : i32
      %dma_wait3A_132 = tpu.memref_slice %arg2[%dma_wait3A_130, %dma_wait3A_131] : memref<64x1000000xf32, #tpu.memory_space<hbm>> -> memref<64x128xf32, #tpu.memory_space<hbm>>
      %dma_wait3A_133 = arith.constant 0 : i32
      %dma_wait3A_134 = arith.constant 0 : i32
      %dma_wait3A_135 = tpu.memref_slice %arg10[%dma_wait3A_125, %dma_wait3A_133, %dma_wait3A_134] : memref<4x64x128xf32, #tpu.memory_space<vmem>> -> memref<1x64x128xf32, #tpu.memory_space<vmem>>
      %dma_wait3A_136 = tpu.memref_squeeze %dma_wait3A_135 : memref<1x64x128xf32, #tpu.memory_space<vmem>> -> memref<64x128xf32, #tpu.memory_space<vmem>>
      %dma_wait3A_137 = arith.constant 0 : i32
      %dma_wait3A_138 = arith.constant 0 : i32
      %dma_wait3A_139 = tpu.memref_slice %arg2[%dma_wait3A_137, %dma_wait3A_138] : memref<64x1000000xf32, #tpu.memory_space<hbm>> -> memref<64x128xf32, #tpu.memory_space<hbm>>
      tpu.wait_dma2 semaphore(%arg15 : memref<!tpu.dma_semaphore, #tpu.memory_space<semaphore_mem>>) src(%dma_wait3A_139 : memref<64x128xf32, #tpu.memory_space<hbm>>) dst(%dma_wait3A_136 : memref<64x128xf32, #tpu.memory_space<vmem>>)
    } else {
    }
    return
  }
}

</mosaic_0001>

<sc_bundles>
// kernel: _gather_sc.3.cloned.1.call-start
scs
__scs_entry_jumppad:
0x0: {  	(pc) =	sbr.rel $0x88, $3  }
0x1: {  	(tag) =	ssettag $0x0;
	lr =	simm.s32 $0x1  }
0x2: {  	[smem:$0x3F9D] =	sst lr;
	_ =	strace $0xD0000000  }
0x3: {  	_ = 	snop  }
0x4: {  	_ = 	snop  }
0x5: {  	_ = 	snop  }
0x6: {  	_ = 	snop  }
0x7: {  	_ = 	snop  }
__scs_overlays_trampoline_lowered:
0x8: {  	[smem:$0x3FAC] =	sst s0  }
0x9: {  	[smem:$0x3FAD] =	sst s1  }
0xa: {  	[smem:$0x3FAE] =	sst s2  }
0xb: {  	[smem:$0x3FAF] =	sst s3  }
0xc: {  	[smem:$0x3FB0] =	sst s4  }
0xd: {  	[smem:$0x3FB1] =	sst s5  }
0xe: {  	[smem:$0x3FB2] =	sst s6  }
0xf: {  	[smem:$0x3FB3] =	sst s7  }
0x10: {  	[smem:$0x3FB4] =	sst s8  }
0x11: {  	[smem:$0x3FB5] =	sst s9;
	s0 =	simm.s32 @!p0 $0x0  }
0x12: {  	s1 =	sld [smem:$0x3F9B];
	s0 =	simm.s32 @p0 $0x1  }
0x13: {  	[smem:$0x3FB6] =	sst s0;
	s0 =	simm.s32 @!p1 $0x0  }
0x14: {  	s2 =	sld [smem:$0x3F9A];
	s0 =	simm.s32 @p1 $0x1  }
0x15: {  	[smem:$0x3FB7] =	sst s0;
	s0 =	simm.s32 @!p2 $0x0  }
0x16: {  	s3 =	sld [smem:$0x3FDB];
	s0 =	simm.s32 @p2 $0x1  }
0x17: {  	s4 =	simm.s32 $0x1BF5;
	[smem:$0x3FB9] =	sst s0  }
0x18: {  	s0 =	sld [smem:$0x3F9C];
	_ =	swait.ge [sflag:s4], $0x0  }
0x19: {  	s7 =	sld [smem:$0x3F9D]  }
0x1a: {  	s8 =	sadd.s32 $0xFFFFE003, lr  }
0x1b: {  	s9 =	sadd.s32 $0xFFFFFEF7, lr;
	s5 =	simm.s32 $0xFFFFFFFF;
	p2 =	slt.u32 s8, $0xFFFFF086  }
0x1c: {  	p1 =	slt.u32 s9, $0xF7A;
	s5 =	simm.s32 @!p2 $0x0  }
0x1d: {  	s5 =	simm.s32 @p1 $0x1;
	p0 =	seq.s32 s7, s2  }
0x1e: {  	s7 =	smul.u32 @!p0 $0xF7A, s2;
	p2 =	seq.s32 @!p0 s5, $0x0  }
0x1f: {  	s9 =	smul.u32 $0xF7A, s1;
	s8 =	simm.s32 @!p0 $0x1BF5;
	p2 =	por !p2, p0  }
0x20: {  	[sflag:s8] =	ssyncset.s32 @!p0 $0xFFFFF086;
	s6 =	sadd.s32 @!p0 s3, s7;
	s7 =	simm.s32 @!p0 $0x108  }
0x21: {  	s3 =	sadd.s32 s3, s9;
	s6 =	sadd.s32 @!p0 $0x88, s6;
	s7 =	simm.s32 @p2 $0x1082  }
0x22: {  	[simem:s7], [sflag:s8] =	dma.local @!p0 [hbm:s6], $0xF7A  }
0x23: {  	s9 =	sor.u32 $0xD0000000, s2;
	s6 =	simm.s32 $0x108;
	_ =	swait.ge @!p0 [sflag:s8], $0x0  }
0x24: {  	s3 =	sadd.s32 $0x88, s3;
	s6 =	simm.s32 @!p1 $0x1082;
	[sflag:s4] =	ssyncset.s32 $0xFFFFF086  }
0x25: {  	[simem:s6], [sflag:s4] =	dma.local [hbm:s3], $0xF7A  }
0x26: {  	[smem:$0x3F9D] =	sst s1;
	(tag) =	ssettag s2;
	_ =	strace s9  }
0x27: {  	s1 =	sld [smem:$0x3FAD]  }
0x28: {  	s2 =	sld [smem:$0x3FAE]  }
0x29: {  	s4 =	sld [smem:$0x3FB0]  }
0x2a: {  	p0 =	seq.s32 s5, $0x0;
	s5 =	sld [smem:$0x3FB1]  }
0x2b: {  	s6 =	sld [smem:$0x3FB2]  }
0x2c: {  	s7 =	sld [smem:$0x3FB3]  }
0x2d: {  	s3 =	simm.s32 $0x108;
	s8 =	sld [smem:$0x3FB4]  }
0x2e: {  	s3 =	simm.s32 @!p0 $0x1082;
	s9 =	sld [smem:$0x3FB5]  }
0x2f: {  	lr =	sadd.s32 s0, s3;
	s0 =	sld [smem:$0x3FAC]  }
0x30: {  	s3 =	sld [smem:$0x3FAF]  }
0x31: {  	[smem:$0x3FB8] =	sst s10  }
0x32: {  	s10 =	sld [smem:$0x3FB6];
	_ =	sdelay $0x3  }
0x33: {  	p0 =	seq.s32 s10, $0x1;
	s10 =	sld [smem:$0x3FB8];
	_ =	sdelay $0x3  }
0x34: {  	[smem:$0x3FB8] =	sst s10  }
0x35: {  	s10 =	sld [smem:$0x3FB7];
	_ =	sdelay $0x3  }
0x36: {  	p1 =	seq.s32 s10, $0x1;
	s10 =	sld [smem:$0x3FB8];
	_ =	sdelay $0x3  }
0x37: {  	[smem:$0x3FB8] =	sst s10  }
0x38: {  	s10 =	sld [smem:$0x3FB9]  }
0x39: {  	_ = 	snop;
	(pc) =	sbr.ind lr, $3  }
0x3a: {  	_ = 	snop  }
0x3b: {  	_ = 	snop  }
0x3c: {  	p2 =	seq.s32 s10, $0x1;
	s10 =	sld [smem:$0x3FB8]  }
0x3d: {  	_ =	shalt  }
0x3e: {  	_ =	shalt  }
0x3f: {  	_ =	shalt  }
0x40: {  	_ =	shalt  }
0x41: {  	_ =	shalt  }
0x42: {  	_ =	shalt  }
0x43: {  	_ =	shalt  }
0x44: {  	_ =	shalt  }
0x45: {  	_ =	shalt  }
0x46: {  	_ =	shalt  }
0x47: {  	_ =	shalt  }
0x48: {  	_ =	shalt  }
0x49: {  	_ =	shalt  }
0x4a: {  	_ =	shalt  }
0x4b: {  	_ =	shalt  }
0x4c: {  	_ =	shalt  }
0x4d: {  	_ =	shalt  }
0x4e: {  	_ =	shalt  }
0x4f: {  	_ =	shalt  }
0x50: {  	_ =	shalt  }
0x51: {  	_ =	shalt  }
0x52: {  	_ =	shalt  }
0x53: {  	_ =	shalt  }
0x54: {  	_ =	shalt  }
0x55: {  	_ =	shalt  }
0x56: {  	_ =	shalt  }
0x57: {  	_ =	shalt  }
0x58: {  	_ =	shalt  }
0x59: {  	_ =	shalt  }
0x5a: {  	_ =	shalt  }
0x5b: {  	_ =	shalt  }
0x5c: {  	_ =	shalt  }
0x5d: {  	_ =	shalt  }
0x5e: {  	_ =	shalt  }
0x5f: {  	_ =	shalt  }
0x60: {  	_ =	shalt  }
0x61: {  	_ =	shalt  }
0x62: {  	_ =	shalt  }
0x63: {  	_ =	shalt  }
0x64: {  	_ =	shalt  }
0x65: {  	_ =	shalt  }
0x66: {  	_ =	shalt  }
0x67: {  	_ =	shalt  }
0x68: {  	_ =	shalt  }
0x69: {  	_ =	shalt  }
0x6a: {  	_ =	shalt  }
0x6b: {  	_ =	shalt  }
0x6c: {  	_ =	shalt  }
0x6d: {  	_ =	shalt  }
0x6e: {  	_ =	shalt  }
0x6f: {  	_ =	shalt  }
0x70: {  	_ =	shalt  }
0x71: {  	_ =	shalt  }
0x72: {  	_ =	shalt  }
0x73: {  	_ =	shalt  }
0x74: {  	_ =	shalt  }
0x75: {  	_ =	shalt  }
0x76: {  	_ =	shalt  }
0x77: {  	_ =	shalt  }
0x78: {  	_ =	shalt  }
0x79: {  	_ =	shalt  }
0x7a: {  	_ =	shalt  }
0x7b: {  	_ =	shalt  }
0x7c: {  	_ =	shalt  }
0x7d: {  	_ =	shalt  }
0x7e: {  	_ =	shalt  }
0x7f: {  	_ =	shalt  }
0x80: {  	_ =	shalt  }
0x81: {  	_ =	shalt  }
0x82: {  	_ =	shalt  }
0x83: {  	_ =	shalt  }
0x84: {  	_ =	shalt  }
0x85: {  	_ =	shalt  }
0x86: {  	_ =	shalt  }
0x87: {  	_ =	shalt  }
.Lfunc_end0:
.L_simem_size_0:
called_computation_lowered:
.L_overlay_start_0:
0x88: {  	s2 =	sld [smem:$0x3FD9]  }
0x89: {  	s3 =	sld [smem:$0x3FFE];
	_ =	sdelay $0x1  }
0x8a: {  	s1 =	srdreg.scid  }
0x8b: {  	s0 =	sand.u32 $0x1, s1  }
0x8c: {  	s17 =	sshll.u32 s0, $0xA;
	s2 =	sadd.s32 s3, s2  }
0x8d: {  	s2 =	sadd.s32 s2, s17  }
0x8e: {  	[smem:$0x3FC4] =	sst s2  }
0x8f: {  	_ = 	snop  }
0x90: {  	s2 =	sld [smem:$0x3FC9]  }
0x91: {  	s18 =	sld [smem:$0x3FC8]  }
0x92: {  	s4 =	sld [smem:$0x3FC7]  }
0x93: {  	s5 =	sld [smem:$0x3FC6];
	(tm) =	ssettm $0x1  }
0x94: {  	s6 =	sld [smem:$0x3FFB];
	_ =	sdelay $0x3  }
0x95: {  	_ =	strace s6  }
0x96: {  	s6 =	sld [smem:$0x3FFC];
	_ =	sdelay $0x3  }
0x97: {  	_ =	strace s6  }
0x98: {  	s6 =	sld [smem:$0x3FFD];
	_ =	sdelay $0x3  }
0x99: {  	_ =	strace s6  }
0x9a: {  	_ =	strace $0x8FFFFFFF  }
0x9b: {  	s19 =	sld [smem:$0x3FDB];
	_ =	sdelay $0x1  }
0x9c: {  	s7 =	simm.s32 $_scs_section_size  }
0x9d: {  	s8 =	simm.s32 $_size__tile_overlayer_lowered;
	s9 =	simm.s32 $_tile_overlayer_lowered  }
0x9e: {  	s22 =	simm.s32 $0x1BFF;
	s21 =	sshll.u32 s9, $0x1;
	s6 =	sadd.s32 s7, s19  }
0x9f: {  	s10 =	simm.s32 $0x0;
	s20 =	sshll.u32 s8, $0x1;
	s8 =	sadd.s32 s21, s6  }
0xa0: {  	[timem:s10], [sflag:s22] =	dma.local [hbm:s8], s20  }
0xa1: {  	_ =	swait.ge [sflag:s22], s20  }
0xa2: {  	s7 =	ssub.s32 $0x0, s20;
	[sflag:s22] =	ssyncset.done $0x0  }
0xa3: {  	[sflag:s22] =	ssyncadd.s32 s7;
	_ =	sdelay $0x1  }
0xa4: {  	s23 =	simm.s32 $0x1B8B  }
0xa5: {  	_ =	swait.ge [sflag:s23], $0x1  }
0xa6: {  	[sflag:s23] =	ssyncset.done $0x0  }
0xa7: {  	s25 =	simm.s32 $0x1B8E;
	s24 =	sld [smem:$0x3FFE];
	[sflag:s23] =	ssyncadd.s32 $0xFFFFFFFF  }
0xa8: {  	s26 =	simm.s32 $execute0_lowered;
	[smem:$0x3FD2] =	sst s25  }
0xa9: {  	s8 =	sshll.u32 s26, $0x1;
	_ =	strace $0x80000046;
	[dreg:$0x1] =	wrdreg $0xFFFFFFFF  }
0xaa: {  	s28 =	simm.s32 $_size_execute0_lowered;
	s6 =	sadd.s32 s6, s8;
	[dreg:$0x0] =	wrdreg $0x0  }
0xab: {  	s8 =	sshll.u32 s28, $0x1;
	[dreg:$0x2] =	wrdreg s6  }
0xac: {  	[dreg:$0x3] =	wrdreg s8  }
0xad: {  	[dreg:$0x4] =	wrdreg $0xC0  }
0xae: {  	_ =	task [dreg:s10], $0x5FFFF  }
0xaf: {  	[dreg:$0x1] =	wrdreg $0xFFFFFFFF  }
0xb0: {  	[dreg:$0x0] =	wrdreg $0x60  }
0xb1: {  	[dreg:$0x2] =	wrdreg s2  }
0xb2: {  	[dreg:$0x3] =	wrdreg s18  }
0xb3: {  	[dreg:$0x4] =	wrdreg s4  }
0xb4: {  	[dreg:$0x5] =	wrdreg s5  }
0xb5: {  	[dreg:$0x6] =	wrdreg s24  }
0xb6: {  	[dreg:$0x7] =	wrdreg $0x9  }
0xb7: {  	_ =	task.clear_ibuf [dreg:s10], $0x8FFFF;
	_ =	strace $0x90000046  }
0xb8: {  	s29 =	simm.s32 $0x9;
	_ =	strace $0x80000048  }
0xb9: {  	_ =	swait.ge [sflag:s29], $0x1  }
0xba: {  	[sflag:s29] =	ssyncadd.s32 $0xFFFFFFFF  }
0xbb: {  	_ =	strace $0x90000048  }
0xbc: {  	_ =	sfence  }
0xbd: {  	s30 =	sld [smem:$0x0];
	_ =	sdelay $0x2  }
0xbe: {  	s31 =	sshll.u32 s1, $0xD;
	s1 =	sshrl.u32 s1, $0x2  }
0xbf: {  	s3 =	sand.u32 $0x4000, s31;
	s1 =	sadd.s32 s1, s30  }
0xc0: {  	s0 =	sor.u32 s3, s0;
	s1 =	sshll.u32 s1, $0x11  }
0xc1: {  	s0 =	sor.u32 s1, s0  }
0xc2: {  	s0 =	sadd.s32 $0x8F2B, s0  }
0xc3: {  	[sflag:s0] =	ssyncadd.remote.s32 $0x1  }
0xc4: {  	_ =	sfence.sel $0xFFFF  }
0xc5: {  	[dreg:$0x0] =	wrdreg $0xFFFFFFFF;
	(pc) =	sbr.abs _section_cstart, $3  }
0xc6: {  	[dreg:$0x1] =	wrdreg $0xFFFFFFFF  }
0xc7: {  	_ =	task.clear_ibuf [dreg:s10], $0x2FFFF;
	_ =	strace $0x9FFFFFFF  }
0xc8: {  	(tm) =	ssettm $0x7FFFFFFF  }
0xc9: {  	_ =	shalt  }
tec
execute0_lowered:
.L_overlay_start_1:
0x0: {  	(tag) =	ssettag $0x1  }
0x1: {  	s1 =	rddreg [dreg:$0x0]  }
0x2: {  	s0 =	rddreg [dreg:$0x1]  }
0x3: {  	s2 =	rddreg [dreg:$0x2]  }
0x4: {  	s5 =	rddreg [dreg:$0x3]  }
0x5: {  	s4 =	rddreg [dreg:$0x4];
	s3 =	simm.s32 $0x0  }
0x6: {  	s6 =	srdreg.scid;
	s8 =	stileid.u32;
	s11 =	simm.s32 $0x5  }
0x7: {  	s13 =	simm.s32 $0x600;
	s17 =	simm.s32 $0x8680;
	s18 =	simm.s32 $0x8700  }
0x8: {  	s19 =	simm.s32 $0x8780;
	s20 =	simm.s32 $0x8800;
	s21 =	simm.s32 $0x8880  }
0x9: {  	s22 =	simm.s32 $0x8900;
	s23 =	simm.s32 $0x8980;
	s28 =	simm.s32 $0x8B80  }
0xa: {  	s29 =	simm.s32 $0x8C00;
	s30 =	simm.s32 $0x8C80;
	s6 =	sand.u32 $0x1, s6  }
0xb: {  	s8 =	sshll.u32 s8, $0x7;
	s7 =	ssub.s32 $0x2, s6;
	s6 =	sshll.u32 s6, $0x6  }
0xc: {  	s31 =	simm.s32 $0x8D00;
	[smem:$0x7FF] =	sst s3;
	s6 =	sor.u32 s6, s8  }
0xd: {  	s4 =	sadd.s32 $0x400, s4;
	_ =	strace $0x80000047;
	s0 =	sadd.s32 s0, s6  }
.Ltmp0:
0xe: {  	s24 =	sadd.s32 s2, s6;
	[dreg:$0x6] =	wrdreg s0;
	(pc) =	sbr.rel .LBB2_1-.Ltmp0, $4  }
0xf: {  	v0 =	vlaneseq.u32;
	s9 =	sshrl.u32 s7, $0x1;
	s25 =	sadd.s32 s5, s6;
	[dreg:$0x7] =	wrdreg s24  }
0x10: {  	v1 =	vmul.u32 $0x80, v0;
	s7 =	ssub.s32 s7, s9;
	s5 =	simm.s32 $0x0;
	[dreg:$0x8] =	wrdreg s25  }
0x11: {  	s26 =	smax.u32 s7, $0x1;
	s24 =	simm.s32 $0x8A00;
	s25 =	simm.s32 $0x8A80  }
0x12: {  	v2 =	vor.u32 $0x800, v1;
	v3 =	vor.u32 $0x1000, v1;
	v4 =	vor.u32 $0x1800, v1;
	s0 =	simm.s32 $0x8D80;
	[dreg:$0x9] =	wrdreg s26;
	s26 =	simm.s32 $0x8B00  }
.LBB2_35:
0x13: {  	p0 =	seq.s32 s2, $0x0  }
0x14: {  	s5 =	simm.s32 @!p0 $0x1  }
0x15: {  	p1 =	seq.s32 @!p0 s2, $0x1;
	_ =	swait.ge @!p0 [sflag:s5], $0x2000  }
0x16: {  	p1 =	por p0, !p1;
	[sflag:s5] =	ssyncset.done @!p0 $0x0  }
0x17: {  	[sflag:s5] =	ssyncadd.s32 @!p0 $0xFFFFE000;
	s5 =	simm.s32 @p1 $0x2  }
0x18: {  	p0 =	seq.s32 @p1 s2, $0x2;
	_ =	swait.ge @p1 [sflag:s5], $0x2000  }
0x19: {  	p0 =	por !p1, !p0;
	[sflag:s5] =	ssyncset.done @p1 $0x0  }
0x1a: {  	[sflag:s5] =	ssyncadd.s32 @p1 $0xFFFFE000;
	s5 =	simm.s32 @p0 $0x3  }
0x1b: {  	p1 =	seq.s32 @p0 s2, $0x3;
	_ =	swait.ge @p0 [sflag:s5], $0x2000  }
0x1c: {  	p1 =	por !p0, !p1;
	[sflag:s5] =	ssyncset.done @p0 $0x0  }
0x1d: {  	s2 =	simm.s32 @p1 $0x4;
	[sflag:s5] =	ssyncadd.s32 @p0 $0xFFFFE000  }
0x1e: {  	s15 =	rddreg [dreg:$0xa];
	_ =	swait.ge @p1 [sflag:s2], $0x2000  }
0x1f: {  	s5 =	sadd.s32 $0x1, s15;
	s16 =	rddreg [dreg:$0x9]  }
0x20: {  	p0 =	sne.s32 s5, s16  }
.Ltmp1:
0x21: {  	_ = 	snop;
	(pc) =	sbr.rel @!p0 .LBB2_36-.Ltmp1, $3  }
0x22: {  	_ =	sdelay $0x1  }
0x23: {  	[sflag:s2] =	ssyncset.done @p1 $0x0  }
0x24: {  	[sflag:s2] =	ssyncadd.s32 @p1 $0xFFFFE000  }
.LBB2_1:
0x25: {  	[dreg:$0xa] =	wrdreg s5  }
0x26: {  	s2 =	rddreg [dreg:$0x6]  }
0x27: {  	[tilespmem:s3], [sflag:$0x5] =	stream.linear.gather [hbm4b:s2+s3], $0x200, $0x38;
	[tilespmem:$0x8E00] =	vst v63  }
0x28: {  	s6 =	rddreg [dreg:$0x7];
	s7 =	simm.s32 $0x200  }
0x29: {  	[tilespmem:s7], [sflag:$0x5] =	stream.linear.gather [hbm4b:s6+s3], $0x200, $0x38;
	[tilespmem:$0x8E00] =	vst v63  }
0x2a: {  	s8 =	rddreg [dreg:$0x8];
	s6 =	simm.s32 $0x400  }
0x2b: {  	[tilespmem:s6], [sflag:$0x5] =	stream.linear.gather [hbm4b:s8+s3], $0x200, $0x38;
	[tilespmem:$0x8E00] =	vst v63  }
0x2c: {  	_ =	swait.ge [sflag:s11], $0x200  }
0x2d: {  	[sflag:s11] =	ssyncset.done $0x0  }
0x2e: {  	[sflag:s11] =	ssyncadd.s32 $0xFFFFFE00  }
0x2f: {  	_ =	swait.ge [sflag:s11], $0x200  }
0x30: {  	[sflag:s11] =	ssyncset.done $0x0  }
0x31: {  	[sflag:s11] =	ssyncadd.s32 $0xFFFFFE00  }
0x32: {  	_ =	swait.ge [sflag:s11], $0x200  }
0x33: {  	[sflag:s11] =	ssyncset.done $0x0  }
0x34: {  	[sflag:s11] =	ssyncadd.s32 $0xFFFFFE00  }
0x35: {  	v5 =	vld [tilespmem:$0x400];
	_ =	sdelay $0x4  }
0x36: {  	v5 =	vshll.u32 v5, $0x7  }
0x37: {  	(v2sf) =	vpush v5, $0x0  }
0x38: {  	(v2sf) =	vpush v5, $0x1;
	_ =	sdelay $0x2  }
0x39: {  	(v2sf) =	vpush v5, $0x2;
	_ =	sdelay $0xa  }
0x3a: {  	s9 =	spop (v2sf)  }
0x3b: {  	s14 =	simm.s32 $0x2600;
	s2 =	sand.u32 $0x1FFFFF80, s9;
	s10 =	spop (v2sf)  }
0x3c: {  	s7 =	simm.s32 $0x7A1400;
	s2 =	sadd.s32 s1, s2;
	s12 =	sand.u32 $0x1FFFFF80, s10  }
0x3d: {  	[tilespmem:s13], [sflag:$0x1] =	stream.strided.gather [hbm4b:s2+s6], $0x2000, s7, s6, $0x38;
	[tilespmem:$0x8E00] =	vst v63  }
.Ltmp2:
0x3e: {  	s15 =	spop (v2sf);
	s2 =	sadd.s32 s1, s12;
	(pc) =	sbr.rel .LBB2_2-.Ltmp2, $4  }
0x3f: {  	[tilespmem:s14], [sflag:$0x2] =	stream.strided.gather [hbm4b:s2+s6], $0x2000, s7, s6, $0x38;
	[tilespmem:$0x8E00] =	vst v63  }
0x40: {  	s16 =	simm.s32 $0x4600;
	s5 =	simm.s32 $0x0;
	s2 =	sand.u32 $0x1FFFFF80, s15  }
0x41: {  	s15 =	simm.s32 $0xFFFFFFFF;
	s14 =	simm.s32 $0x0;
	s2 =	sadd.s32 s1, s2  }
0x42: {  	[tilespmem:s16], [sflag:$0x3] =	stream.strided.gather [hbm4b:s2+s6], $0x2000, s7, s6, $0x38;
	[tilespmem:$0x8E00] =	vst v63  }
.LBB2_34:
0x43: {  	p0 =	sne.s32 s15, s2;
	s2 =	simm.s32 $0x1  }
0x44: {  	s2 =	simm.s32 @!p0 $0x0  }
0x45: {  	s5 =	sadd.s32 s2, s5  }
0x46: {  	s2 =	sadd.s32 $0xFFFFFFFF, s5  }
0x47: {  	s2 =	sand.u32 $0x3, s2  }
0x48: {  	s7 =	sand.u32 $0x7F, s7;
	s8 =	sshll.u32 s2, $0xD  }
0x49: {  	s7 =	sor.u32 s7, s8  }
0x4a: {  	v5 =	vor.u32 s7, v1;
	_ =	sdelay $0x4  }
0x4b: {  	v5 =	vld.idx.msk [tilespmem:v5+s13+$0x0], $0xffff  }
0x4c: {  	v6 =	vor.u32 s7, v2;
	_ =	sdelay $0x3  }
0x4d: {  	[tilespmem:$0x8D80] =	vst v5  }
0x4e: {  	v5 =	vld.idx.msk [tilespmem:v6+s13+$0x0], $0xffff  }
0x4f: {  	v6 =	vor.u32 s7, v3;
	_ =	sdelay $0x3  }
0x50: {  	[tilespmem:$0x8D90] =	vst v5  }
0x51: {  	v5 =	vld.idx.msk [tilespmem:v6+s13+$0x0], $0xffff  }
0x52: {  	v6 =	vor.u32 s7, v4;
	_ =	sdelay $0x3  }
0x53: {  	[tilespmem:$0x8DA0] =	vst v5  }
0x54: {  	v5 =	vld.idx.msk [tilespmem:v6+s13+$0x0], $0xffff;
	_ =	sdelay $0x2  }
0x55: {  	s6 =	sshll.u32 s6, $0x4;
	s14 =	sadd.s32 $0x40, s14  }
0x56: {  	s6 =	sand.u32 $0x1FFFFFF0, s6;
	p0 =	sne.s32 s14, $0x800  }
.Ltmp3:
0x57: {  	s6 =	sadd.s32 s4, s6;
	[tilespmem:$0x8DB0] =	vst v5;
	(pc) =	sbr.rel @!p0 .LBB2_35-.Ltmp3, $4  }
0x58: {  	[hbm4b:s6+s3] =	stream.linear.scatter [tilespmem:s0], [sflag:$0x5], $0x80, $0x38;
	[tilespmem:$0x8E00] =	vst v63  }
0x59: {  	_ =	swait.ge [sflag:s11], $0x800  }
0x5a: {  	[sflag:s11] =	ssyncset.done $0x0  }
0x5b: {  	[sflag:s11] =	ssyncadd.s32 $0xFFFFF800  }
.LBB2_2:
0x5c: {  	s2 =	sshra.s32 s14, $0x2  }
0x5d: {  	v6 =	vld [tilespmem:s2+$0x0];
	_ =	sdelay $0x4  }
0x5e: {  	(v2sf) =	vpush v6, $0x0;
	_ =	sdelay $0x1  }
0x5f: {  	v5 =	vld [tilespmem:s2+$0x200];
	_ =	sdelay $0x4  }
0x60: {  	(v2sf) =	vpush v5, $0x0;
	_ =	sdelay $0x7  }
0x61: {  	s7 =	spop (v2sf)  }
0x62: {  	s2 =	sshra.s32 s7, $0x7  }
0x63: {  	p0 =	seq.s32 s2, s15  }
.Ltmp4:
0x64: {  	_ = 	snop;
	(pc) =	sbr.rel @p0 .LBB2_4-.Ltmp4, $2  }
0x65: {  	_ =	sdelay $0x2  }
0x66: {  	s6 =	spop (v2sf)  }
0x67: {  	s8 =	sadd.s32 $0x3, s5  }
0x68: {  	p0 =	slt.s32 s8, $0x1FF  }
0x69: {  	s8 =	simm.s32 @!p0 $0x1FF  }
0x6a: {  	s12 =	sand.u32 $0xFFFFFFF0, s8  }
0x6b: {  	v7 =	vld [tilespmem:s12+$0x400];
	_ =	sdelay $0x1  }
0x6c: {  	s8 =	sand.u32 $0xF, s8  }
0x6d: {  	v8 =	vmov s8  }
0x6e: {  	vm0 =	veq.s32 v8, v0  }
0x6f: {  	v7 =	vnsel vm0, $0x0, v7  }
0x70: {  	(xrf0) =	vadd.scan.msk.s32 $0xffff, v7;
	_ =	sdelay $0x5  }
0x71: {  	v7, _, _ =	vpop (xrf0)  }
0x72: {  	(v2sf) =	vpush v7, $0xF;
	_ =	sdelay $0xa  }
0x73: {  	s8 =	sand.u32 $0x3, s5  }
0x74: {  	p0 =	sgt.s32 s8, $0x1  }
0x75: {  	p1 =	seq.s32 @p0 s8, $0x2  }
0x76: {  	p2 =	por !p1, !p0  }
0x77: {  	p1 =	por p1, !p0;
	s10 =	simm.s32 @!p2 $0x3;
	s16 =	spop (v2sf)  }
0x78: {  	s9 =	simm.s32 @!p2 $0x7A1400;
	s12 =	sshll.u32 s16, $0x7;
	_ =	swait.ge @!p2 [sflag:s10], $0x2000  }
0x79: {  	s16 =	simm.s32 @!p2 $0x2600;
	s12 =	sand.u32 $0x1FFFFF80, s12;
	[sflag:s10] =	ssyncset.done @!p2 $0x0  }
0x7a: {  	s12 =	sadd.s32 s1, s12;
	[sflag:s10] =	ssyncadd.s32 @!p2 $0xFFFFE000;
	s10 =	simm.s32 @!p2 $0x400  }
0x7b: {  	[tilespmem:s16], [sflag:$0x2] =	stream.strided.gather @!p2 [hbm4b:s12+s10], $0x2000, s9, s10, $0x38;
	[tilespmem:$0x8E00] =	vst v63  }
0x7c: {  	s9 =	simm.s32 @!p1 $0x4  }
0x7d: {  	_ =	swait.ge @!p1 [sflag:s9], $0x2000  }
0x7e: {  	s10 =	simm.s32 @!p1 $0x7A1400;
	[sflag:s9] =	ssyncset.done @!p1 $0x0  }
0x7f: {  	s16 =	simm.s32 @!p1 $0x4600;
	[sflag:s9] =	ssyncadd.s32 @!p1 $0xFFFFE000;
	s9 =	simm.s32 @!p1 $0x400  }
0x80: {  	[tilespmem:s16], [sflag:$0x3] =	stream.strided.gather @!p1 [hbm4b:s12+s9], $0x2000, s10, s9, $0x38;
	[tilespmem:$0x8E00] =	vst v63  }
0x81: {  	p1 =	seq.s32 @!p0 s8, $0x0  }
0x82: {  	p2 =	por !p1, p0  }
0x83: {  	s8 =	simm.s32 @!p2 $0x1  }
0x84: {  	_ =	swait.ge @!p2 [sflag:s8], $0x2000  }
0x85: {  	p0 =	por p1, p0;
	s9 =	simm.s32 @!p2 $0x7A1400;
	[sflag:s8] =	ssyncset.done @!p2 $0x0  }
0x86: {  	s10 =	simm.s32 @!p2 $0x6600;
	[sflag:s8] =	ssyncadd.s32 @!p2 $0xFFFFE000;
	s8 =	simm.s32 @!p2 $0x400  }
0x87: {  	[tilespmem:s10], [sflag:$0x4] =	stream.strided.gather @!p2 [hbm4b:s12+s8], $0x2000, s9, s8, $0x38;
	[tilespmem:$0x8E00] =	vst v63  }
0x88: {  	s8 =	simm.s32 @!p0 $0x2  }
0x89: {  	_ =	swait.ge @!p0 [sflag:s8], $0x2000  }
0x8a: {  	s9 =	simm.s32 @!p0 $0x7A1400;
	[sflag:s8] =	ssyncset.done @!p0 $0x0  }
0x8b: {  	s10 =	simm.s32 @!p0 $0x600;
	[sflag:s8] =	ssyncadd.s32 @!p0 $0xFFFFE000;
	s8 =	simm.s32 @!p0 $0x400  }
0x8c: {  	[tilespmem:s10], [sflag:$0x1] =	stream.strided.gather @!p0 [hbm4b:s12+s8], $0x2000, s9, s8, $0x38;
	[tilespmem:$0x8E00] =	vst v63  }
.LBB2_4:
0x8d: {  	p0 =	sne.s32 s2, s15;
	s8 =	simm.s32 $0x1  }
0x8e: {  	s8 =	simm.s32 @!p0 $0x0  }
0x8f: {  	s5 =	sadd.s32 s8, s5  }
0x90: {  	s8 =	sadd.s32 $0x3, s5  }
0x91: {  	s9 =	sand.u32 $0x3, s8  }
0x92: {  	s7 =	sand.u32 $0x7F, s7;
	s9 =	sshll.u32 s9, $0xD  }
0x93: {  	s7 =	sor.u32 s7, s9  }
0x94: {  	v7 =	vor.u32 s7, v1;
	_ =	sdelay $0x4  }
0x95: {  	v7 =	vld.idx.msk [tilespmem:v7+s13+$0x0], $0xffff  }
0x96: {  	v8 =	vor.u32 s7, v2;
	_ =	sdelay $0x1  }
0x97: {  	(v2sf) =	vpush v6, $0x1;
	_ =	sdelay $0x1  }
0x98: {  	[tilespmem:$0x8600] =	vst v7  }
0x99: {  	v7 =	vld.idx.msk [tilespmem:v8+s13+$0x0], $0xffff  }
0x9a: {  	v8 =	vor.u32 s7, v3;
	_ =	sdelay $0x2  }
0x9b: {  	(v2sf) =	vpush v5, $0x1  }
0x9c: {  	[tilespmem:$0x8610] =	vst v7  }
0x9d: {  	v7 =	vld.idx.msk [tilespmem:v8+s13+$0x0], $0xffff  }
0x9e: {  	v8 =	vor.u32 s7, v4;
	_ =	sdelay $0x3  }
0x9f: {  	[tilespmem:$0x8620] =	vst v7  }
0xa0: {  	s7 =	spop (v2sf);
	v7 =	vld.idx.msk [tilespmem:v8+s13+$0x0], $0xffff  }
0xa1: {  	s15 =	sshra.s32 s7, $0x7  }
0xa2: {  	p0 =	seq.s32 s15, s2  }
.Ltmp5:
0xa3: {  	s6 =	sshll.u32 s6, $0x4;
	(pc) =	sbr.rel @p0 .LBB2_6-.Ltmp5, $4  }
0xa4: {  	s6 =	sand.u32 $0x1FFFFFF0, s6  }
0xa5: {  	s16 =	simm.s32 $0x8600;
	s6 =	sadd.s32 s4, s6;
	[tilespmem:$0x8630] =	vst v7  }
0xa6: {  	[hbm4b:s6+s3] =	stream.linear.scatter [tilespmem:s16], [sflag:$0x5], $0x80, $0x38;
	[tilespmem:$0x8E00] =	vst v63  }
0xa7: {  	s6 =	spop (v2sf)  }
0xa8: {  	p0 =	slt.s32 s8, $0x1FF  }
0xa9: {  	s8 =	simm.s32 @!p0 $0x1FF  }
0xaa: {  	s9 =	sand.u32 $0xFFFFFFF0, s8  }
0xab: {  	v7 =	vld [tilespmem:s9+$0x400];
	_ =	sdelay $0x1  }
0xac: {  	s8 =	sand.u32 $0xF, s8  }
0xad: {  	v8 =	vmov s8  }
0xae: {  	vm0 =	veq.s32 v8, v0  }
0xaf: {  	v7 =	vnsel vm0, $0x0, v7  }
0xb0: {  	(xrf0) =	vadd.scan.msk.s32 $0xffff, v7;
	_ =	sdelay $0x5  }
0xb1: {  	v7, _, _ =	vpop (xrf0)  }
0xb2: {  	(v2sf) =	vpush v7, $0xF;
	_ =	sdelay $0xa  }
0xb3: {  	s8 =	sand.u32 $0x3, s5  }
0xb4: {  	p0 =	sgt.s32 s8, $0x1  }
0xb5: {  	p1 =	seq.s32 @p0 s8, $0x2  }
0xb6: {  	p2 =	por !p1, !p0  }
0xb7: {  	p1 =	por p1, !p0;
	s10 =	simm.s32 @!p2 $0x3;
	s16 =	spop (v2sf)  }
0xb8: {  	s12 =	simm.s32 @!p2 $0x7A1400;
	s9 =	sshll.u32 s16, $0x7;
	_ =	swait.ge @!p2 [sflag:s10], $0x2000  }
0xb9: {  	s16 =	simm.s32 @!p2 $0x2600;
	s9 =	sand.u32 $0x1FFFFF80, s9;
	[sflag:s10] =	ssyncset.done @!p2 $0x0  }
0xba: {  	s9 =	sadd.s32 s1, s9;
	[sflag:s10] =	ssyncadd.s32 @!p2 $0xFFFFE000;
	s10 =	simm.s32 @!p2 $0x400  }
0xbb: {  	[tilespmem:s16], [sflag:$0x2] =	stream.strided.gather @!p2 [hbm4b:s9+s10], $0x2000, s12, s10, $0x38;
	[tilespmem:$0x8E00] =	vst v63  }
0xbc: {  	s10 =	simm.s32 @!p1 $0x4  }
0xbd: {  	_ =	swait.ge @!p1 [sflag:s10], $0x2000  }
0xbe: {  	s12 =	simm.s32 @!p1 $0x7A1400;
	[sflag:s10] =	ssyncset.done @!p1 $0x0  }
0xbf: {  	s16 =	simm.s32 @!p1 $0x4600;
	[sflag:s10] =	ssyncadd.s32 @!p1 $0xFFFFE000;
	s10 =	simm.s32 @!p1 $0x400  }
0xc0: {  	[tilespmem:s16], [sflag:$0x3] =	stream.strided.gather @!p1 [hbm4b:s9+s10], $0x2000, s12, s10, $0x38;
	[tilespmem:$0x8E00] =	vst v63  }
0xc1: {  	p1 =	seq.s32 @!p0 s8, $0x0  }
0xc2: {  	p2 =	por !p1, p0  }
0xc3: {  	s8 =	simm.s32 @!p2 $0x1  }
0xc4: {  	_ =	swait.ge @!p2 [sflag:s8], $0x2000  }
0xc5: {  	p0 =	por p1, p0;
	s10 =	simm.s32 @!p2 $0x7A1400;
	[sflag:s8] =	ssyncset.done @!p2 $0x0  }
0xc6: {  	s12 =	simm.s32 @!p2 $0x6600;
	[sflag:s8] =	ssyncadd.s32 @!p2 $0xFFFFE000;
	s8 =	simm.s32 @!p2 $0x400  }
0xc7: {  	[tilespmem:s12], [sflag:$0x4] =	stream.strided.gather @!p2 [hbm4b:s9+s8], $0x2000, s10, s8, $0x38;
	[tilespmem:$0x8E00] =	vst v63  }
0xc8: {  	s8 =	simm.s32 @!p0 $0x2  }
0xc9: {  	_ =	swait.ge @!p0 [sflag:s8], $0x2000  }
0xca: {  	s10 =	simm.s32 @!p0 $0x7A1400;
	[sflag:s8] =	ssyncset.done @!p0 $0x0  }
0xcb: {  	s12 =	simm.s32 @!p0 $0x600;
	[sflag:s8] =	ssyncadd.s32 @!p0 $0xFFFFE000;
	s8 =	simm.s32 @!p0 $0x400  }
0xcc: {  	[tilespmem:s12], [sflag:$0x1] =	stream.strided.gather @!p0 [hbm4b:s9+s8], $0x2000, s10, s8, $0x38;
	[tilespmem:$0x8E00] =	vst v63  }
.LBB2_6:
0xcd: {  	p0 =	sne.s32 s15, s2;
	s2 =	simm.s32 $0x1  }
0xce: {  	s2 =	simm.s32 @!p0 $0x0  }
0xcf: {  	s5 =	sadd.s32 s2, s5  }
0xd0: {  	s8 =	sadd.s32 $0x3, s5  }
0xd1: {  	s12 =	sand.u32 $0x3, s8  }
0xd2: {  	s7 =	sand.u32 $0x7F, s7;
	s2 =	sshll.u32 s12, $0xD  }
0xd3: {  	s2 =	sor.u32 s7, s2  }
0xd4: {  	v7 =	vor.u32 s2, v1;
	_ =	sdelay $0x4  }
0xd5: {  	v7 =	vld.idx.msk [tilespmem:v7+s13+$0x0], $0xffff  }
0xd6: {  	v8 =	vor.u32 s2, v2;
	_ =	sdelay $0x3  }
0xd7: {  	[tilespmem:$0x8680] =	vst v7  }
0xd8: {  	v7 =	vld.idx.msk [tilespmem:v8+s13+$0x0], $0xffff  }
0xd9: {  	v8 =	vor.u32 s2, v3  }
0xda: {  	(v2sf) =	vpush v6, $0x2;
	_ =	sdelay $0x2  }
0xdb: {  	[tilespmem:$0x8690] =	vst v7  }
0xdc: {  	v7 =	vld.idx.msk [tilespmem:v8+s13+$0x0], $0xffff  }
0xdd: {  	v8 =	vor.u32 s2, v4;
	_ =	sdelay $0x2  }
0xde: {  	(v2sf) =	vpush v5, $0x2  }
0xdf: {  	[tilespmem:$0x86A0] =	vst v7  }
0xe0: {  	v7 =	vld.idx.msk [tilespmem:v8+s13+$0x0], $0xffff;
	_ =	sdelay $0x2  }
0xe1: {  	s16 =	sshll.u32 s6, $0x4  }
0xe2: {  	s2 =	sand.u32 $0x1FFFFFF0, s16  }
0xe3: {  	s7 =	spop (v2sf);
	s2 =	sadd.s32 s4, s2;
	[tilespmem:$0x86B0] =	vst v7  }
0xe4: {  	[hbm4b:s2+s3] =	stream.linear.scatter [tilespmem:s17], [sflag:$0x5], $0x80, $0x38;
	[tilespmem:$0x8E00] =	vst v63  }
0xe5: {  	s2 =	sshra.s32 s7, $0x7  }
0xe6: {  	p0 =	seq.s32 s2, s15  }
.Ltmp6:
0xe7: {  	_ = 	snop;
	(pc) =	sbr.rel @p0 .LBB2_8-.Ltmp6, $2  }
0xe8: {  	_ =	sdelay $0x2  }
0xe9: {  	s6 =	spop (v2sf)  }
0xea: {  	p0 =	slt.s32 s8, $0x1FF  }
0xeb: {  	s8 =	simm.s32 @!p0 $0x1FF  }
0xec: {  	s9 =	sand.u32 $0xFFFFFFF0, s8  }
0xed: {  	v7 =	vld [tilespmem:s9+$0x400];
	_ =	sdelay $0x1  }
0xee: {  	s8 =	sand.u32 $0xF, s8  }
0xef: {  	v8 =	vmov s8  }
0xf0: {  	vm0 =	veq.s32 v8, v0  }
0xf1: {  	v7 =	vnsel vm0, $0x0, v7  }
0xf2: {  	(xrf0) =	vadd.scan.msk.s32 $0xffff, v7;
	_ =	sdelay $0x5  }
0xf3: {  	v7, _, _ =	vpop (xrf0)  }
0xf4: {  	(v2sf) =	vpush v7, $0xF;
	_ =	sdelay $0xa  }
0xf5: {  	s8 =	sand.u32 $0x3, s5  }
0xf6: {  	p0 =	sgt.s32 s8, $0x1  }
0xf7: {  	p1 =	seq.s32 @p0 s8, $0x2  }
0xf8: {  	p2 =	por !p1, !p0  }
0xf9: {  	p1 =	por p1, !p0;
	s10 =	simm.s32 @!p2 $0x3;
	s16 =	spop (v2sf)  }
0xfa: {  	s12 =	simm.s32 @!p2 $0x7A1400;
	s9 =	sshll.u32 s16, $0x7;
	_ =	swait.ge @!p2 [sflag:s10], $0x2000  }
0xfb: {  	s16 =	simm.s32 @!p2 $0x2600;
	s9 =	sand.u32 $0x1FFFFF80, s9;
	[sflag:s10] =	ssyncset.done @!p2 $0x0  }
0xfc: {  	s9 =	sadd.s32 s1, s9;
	[sflag:s10] =	ssyncadd.s32 @!p2 $0xFFFFE000;
	s10 =	simm.s32 @!p2 $0x400  }
0xfd: {  	[tilespmem:s16], [sflag:$0x2] =	stream.strided.gather @!p2 [hbm4b:s9+s10], $0x2000, s12, s10, $0x38;
	[tilespmem:$0x8E00] =	vst v63  }
0xfe: {  	s10 =	simm.s32 @!p1 $0x4  }
0xff: {  	_ =	swait.ge @!p1 [sflag:s10], $0x2000  }
0x100: {  	s12 =	simm.s32 @!p1 $0x7A1400;
	[sflag:s10] =	ssyncset.done @!p1 $0x0  }
0x101: {  	s16 =	simm.s32 @!p1 $0x4600;
	[sflag:s10] =	ssyncadd.s32 @!p1 $0xFFFFE000;
	s10 =	simm.s32 @!p1 $0x400  }
0x102: {  	[tilespmem:s16], [sflag:$0x3] =	stream.strided.gather @!p1 [hbm4b:s9+s10], $0x2000, s12, s10, $0x38;
	[tilespmem:$0x8E00] =	vst v63  }
0x103: {  	p1 =	seq.s32 @!p0 s8, $0x0  }
0x104: {  	p2 =	por !p1, p0  }
0x105: {  	s8 =	simm.s32 @!p2 $0x1  }
0x106: {  	_ =	swait.ge @!p2 [sflag:s8], $0x2000  }
0x107: {  	p0 =	por p1, p0;
	s10 =	simm.s32 @!p2 $0x7A1400;
	[sflag:s8] =	ssyncset.done @!p2 $0x0  }
0x108: {  	s12 =	simm.s32 @!p2 $0x6600;
	[sflag:s8] =	ssyncadd.s32 @!p2 $0xFFFFE000;
	s8 =	simm.s32 @!p2 $0x400  }
0x109: {  	[tilespmem:s12], [sflag:$0x4] =	stream.strided.gather @!p2 [hbm4b:s9+s8], $0x2000, s10, s8, $0x38;
	[tilespmem:$0x8E00] =	vst v63  }
0x10a: {  	s8 =	simm.s32 @!p0 $0x2  }
0x10b: {  	_ =	swait.ge @!p0 [sflag:s8], $0x2000  }
0x10c: {  	s10 =	simm.s32 @!p0 $0x7A1400;
	[sflag:s8] =	ssyncset.done @!p0 $0x0  }
0x10d: {  	s12 =	simm.s32 @!p0 $0x600;
	[sflag:s8] =	ssyncadd.s32 @!p0 $0xFFFFE000;
	s8 =	simm.s32 @!p0 $0x400  }
0x10e: {  	[tilespmem:s12], [sflag:$0x1] =	stream.strided.gather @!p0 [hbm4b:s9+s8], $0x2000, s10, s8, $0x38;
	[tilespmem:$0x8E00] =	vst v63  }
.LBB2_8:
0x10f: {  	p0 =	sne.s32 s2, s15;
	s8 =	simm.s32 $0x1  }
0x110: {  	s8 =	simm.s32 @!p0 $0x0  }
0x111: {  	s5 =	sadd.s32 s8, s5  }
0x112: {  	s8 =	sadd.s32 $0x3, s5  }
0x113: {  	s9 =	sand.u32 $0x3, s8  }
0x114: {  	s7 =	sand.u32 $0x7F, s7;
	s9 =	sshll.u32 s9, $0xD  }
0x115: {  	s7 =	sor.u32 s7, s9  }
0x116: {  	v7 =	vor.u32 s7, v1;
	_ =	sdelay $0x4  }
0x117: {  	v7 =	vld.idx.msk [tilespmem:v7+s13+$0x0], $0xffff  }
0x118: {  	v8 =	vor.u32 s7, v2;
	_ =	sdelay $0x1  }
0x119: {  	(v2sf) =	vpush v6, $0x3;
	_ =	sdelay $0x1  }
0x11a: {  	[tilespmem:$0x8700] =	vst v7  }
0x11b: {  	v7 =	vld.idx.msk [tilespmem:v8+s13+$0x0], $0xffff  }
0x11c: {  	v8 =	vor.u32 s7, v3;
	_ =	sdelay $0x2  }
0x11d: {  	(v2sf) =	vpush v5, $0x3  }
0x11e: {  	[tilespmem:$0x8710] =	vst v7  }
0x11f: {  	v7 =	vld.idx.msk [tilespmem:v8+s13+$0x0], $0xffff  }
0x120: {  	v8 =	vor.u32 s7, v4;
	_ =	sdelay $0x3  }
0x121: {  	[tilespmem:$0x8720] =	vst v7  }
0x122: {  	s7 =	spop (v2sf);
	v7 =	vld.idx.msk [tilespmem:v8+s13+$0x0], $0xffff  }
0x123: {  	s15 =	sshra.s32 s7, $0x7  }
0x124: {  	p0 =	seq.s32 s15, s2  }
.Ltmp7:
0x125: {  	s6 =	sshll.u32 s6, $0x4;
	(pc) =	sbr.rel @p0 .LBB2_10-.Ltmp7, $4  }
0x126: {  	s6 =	sand.u32 $0x1FFFFFF0, s6  }
0x127: {  	s6 =	sadd.s32 s4, s6;
	[tilespmem:$0x8730] =	vst v7  }
0x128: {  	[hbm4b:s6+s3] =	stream.linear.scatter [tilespmem:s18], [sflag:$0x5], $0x80, $0x38;
	[tilespmem:$0x8E00] =	vst v63  }
0x129: {  	s6 =	spop (v2sf)  }
0x12a: {  	p0 =	slt.s32 s8, $0x1FF  }
0x12b: {  	s8 =	simm.s32 @!p0 $0x1FF  }
0x12c: {  	s9 =	sand.u32 $0xFFFFFFF0, s8  }
0x12d: {  	v7 =	vld [tilespmem:s9+$0x400];
	_ =	sdelay $0x1  }
0x12e: {  	s8 =	sand.u32 $0xF, s8  }
0x12f: {  	v8 =	vmov s8  }
0x130: {  	vm0 =	veq.s32 v8, v0  }
0x131: {  	v7 =	vnsel vm0, $0x0, v7  }
0x132: {  	(xrf0) =	vadd.scan.msk.s32 $0xffff, v7;
	_ =	sdelay $0x5  }
0x133: {  	v7, _, _ =	vpop (xrf0)  }
0x134: {  	(v2sf) =	vpush v7, $0xF;
	_ =	sdelay $0xa  }
0x135: {  	s8 =	sand.u32 $0x3, s5  }
0x136: {  	p0 =	sgt.s32 s8, $0x1  }
0x137: {  	p1 =	seq.s32 @p0 s8, $0x2  }
0x138: {  	p2 =	por !p1, !p0  }
0x139: {  	p1 =	por p1, !p0;
	s10 =	simm.s32 @!p2 $0x3;
	s16 =	spop (v2sf)  }
0x13a: {  	s12 =	simm.s32 @!p2 $0x7A1400;
	s9 =	sshll.u32 s16, $0x7;
	_ =	swait.ge @!p2 [sflag:s10], $0x2000  }
0x13b: {  	s16 =	simm.s32 @!p2 $0x2600;
	s9 =	sand.u32 $0x1FFFFF80, s9;
	[sflag:s10] =	ssyncset.done @!p2 $0x0  }
0x13c: {  	s9 =	sadd.s32 s1, s9;
	[sflag:s10] =	ssyncadd.s32 @!p2 $0xFFFFE000;
	s10 =	simm.s32 @!p2 $0x400  }
0x13d: {  	[tilespmem:s16], [sflag:$0x2] =	stream.strided.gather @!p2 [hbm4b:s9+s10], $0x2000, s12, s10, $0x38;
	[tilespmem:$0x8E00] =	vst v63  }
0x13e: {  	s10 =	simm.s32 @!p1 $0x4  }
0x13f: {  	_ =	swait.ge @!p1 [sflag:s10], $0x2000  }
0x140: {  	s12 =	simm.s32 @!p1 $0x7A1400;
	[sflag:s10] =	ssyncset.done @!p1 $0x0  }
0x141: {  	s16 =	simm.s32 @!p1 $0x4600;
	[sflag:s10] =	ssyncadd.s32 @!p1 $0xFFFFE000;
	s10 =	simm.s32 @!p1 $0x400  }
0x142: {  	[tilespmem:s16], [sflag:$0x3] =	stream.strided.gather @!p1 [hbm4b:s9+s10], $0x2000, s12, s10, $0x38;
	[tilespmem:$0x8E00] =	vst v63  }
0x143: {  	p1 =	seq.s32 @!p0 s8, $0x0  }
0x144: {  	p2 =	por !p1, p0  }
0x145: {  	s8 =	simm.s32 @!p2 $0x1  }
0x146: {  	_ =	swait.ge @!p2 [sflag:s8], $0x2000  }
0x147: {  	p0 =	por p1, p0;
	s10 =	simm.s32 @!p2 $0x7A1400;
	[sflag:s8] =	ssyncset.done @!p2 $0x0  }
0x148: {  	s12 =	simm.s32 @!p2 $0x6600;
	[sflag:s8] =	ssyncadd.s32 @!p2 $0xFFFFE000;
	s8 =	simm.s32 @!p2 $0x400  }
0x149: {  	[tilespmem:s12], [sflag:$0x4] =	stream.strided.gather @!p2 [hbm4b:s9+s8], $0x2000, s10, s8, $0x38;
	[tilespmem:$0x8E00] =	vst v63  }
0x14a: {  	s8 =	simm.s32 @!p0 $0x2  }
0x14b: {  	_ =	swait.ge @!p0 [sflag:s8], $0x2000  }
0x14c: {  	s10 =	simm.s32 @!p0 $0x7A1400;
	[sflag:s8] =	ssyncset.done @!p0 $0x0  }
0x14d: {  	s12 =	simm.s32 @!p0 $0x600;
	[sflag:s8] =	ssyncadd.s32 @!p0 $0xFFFFE000;
	s8 =	simm.s32 @!p0 $0x400  }
0x14e: {  	[tilespmem:s12], [sflag:$0x1] =	stream.strided.gather @!p0 [hbm4b:s9+s8], $0x2000, s10, s8, $0x38;
	[tilespmem:$0x8E00] =	vst v63  }
.LBB2_10:
0x14f: {  	p0 =	sne.s32 s15, s2;
	s2 =	simm.s32 $0x1  }
0x150: {  	s2 =	simm.s32 @!p0 $0x0  }
0x151: {  	s5 =	sadd.s32 s2, s5  }
0x152: {  	s8 =	sadd.s32 $0x3, s5  }
0x153: {  	s12 =	sand.u32 $0x3, s8  }
0x154: {  	s7 =	sand.u32 $0x7F, s7;
	s2 =	sshll.u32 s12, $0xD  }
0x155: {  	s2 =	sor.u32 s7, s2  }
0x156: {  	v7 =	vor.u32 s2, v1;
	_ =	sdelay $0x4  }
0x157: {  	v7 =	vld.idx.msk [tilespmem:v7+s13+$0x0], $0xffff  }
0x158: {  	v8 =	vor.u32 s2, v2;
	_ =	sdelay $0x3  }
0x159: {  	[tilespmem:$0x8780] =	vst v7  }
0x15a: {  	v7 =	vld.idx.msk [tilespmem:v8+s13+$0x0], $0xffff  }
0x15b: {  	v8 =	vor.u32 s2, v3  }
0x15c: {  	(v2sf) =	vpush v6, $0x4;
	_ =	sdelay $0x2  }
0x15d: {  	[tilespmem:$0x8790] =	vst v7  }
0x15e: {  	v7 =	vld.idx.msk [tilespmem:v8+s13+$0x0], $0xffff  }
0x15f: {  	v8 =	vor.u32 s2, v4;
	_ =	sdelay $0x2  }
0x160: {  	(v2sf) =	vpush v5, $0x4  }
0x161: {  	[tilespmem:$0x87A0] =	vst v7  }
0x162: {  	v7 =	vld.idx.msk [tilespmem:v8+s13+$0x0], $0xffff;
	_ =	sdelay $0x2  }
0x163: {  	s16 =	sshll.u32 s6, $0x4  }
0x164: {  	s2 =	sand.u32 $0x1FFFFFF0, s16  }
0x165: {  	s7 =	spop (v2sf);
	s2 =	sadd.s32 s4, s2;
	[tilespmem:$0x87B0] =	vst v7  }
0x166: {  	[hbm4b:s2+s3] =	stream.linear.scatter [tilespmem:s19], [sflag:$0x5], $0x80, $0x38;
	[tilespmem:$0x8E00] =	vst v63  }
0x167: {  	s2 =	sshra.s32 s7, $0x7  }
0x168: {  	p0 =	seq.s32 s2, s15  }
.Ltmp8:
0x169: {  	_ = 	snop;
	(pc) =	sbr.rel @p0 .LBB2_12-.Ltmp8, $2  }
0x16a: {  	_ =	sdelay $0x2  }
0x16b: {  	s6 =	spop (v2sf)  }
0x16c: {  	p0 =	slt.s32 s8, $0x1FF  }
0x16d: {  	s8 =	simm.s32 @!p0 $0x1FF  }
0x16e: {  	s9 =	sand.u32 $0xFFFFFFF0, s8  }
0x16f: {  	v7 =	vld [tilespmem:s9+$0x400];
	_ =	sdelay $0x1  }
0x170: {  	s8 =	sand.u32 $0xF, s8  }
0x171: {  	v8 =	vmov s8  }
0x172: {  	vm0 =	veq.s32 v8, v0  }
0x173: {  	v7 =	vnsel vm0, $0x0, v7  }
0x174: {  	(xrf0) =	vadd.scan.msk.s32 $0xffff, v7;
	_ =	sdelay $0x5  }
0x175: {  	v7, _, _ =	vpop (xrf0)  }
0x176: {  	(v2sf) =	vpush v7, $0xF;
	_ =	sdelay $0xa  }
0x177: {  	s8 =	sand.u32 $0x3, s5  }
0x178: {  	p0 =	sgt.s32 s8, $0x1  }
0x179: {  	p1 =	seq.s32 @p0 s8, $0x2  }
0x17a: {  	p2 =	por !p1, !p0  }
0x17b: {  	p1 =	por p1, !p0;
	s10 =	simm.s32 @!p2 $0x3;
	s16 =	spop (v2sf)  }
0x17c: {  	s12 =	simm.s32 @!p2 $0x7A1400;
	s9 =	sshll.u32 s16, $0x7;
	_ =	swait.ge @!p2 [sflag:s10], $0x2000  }
0x17d: {  	s16 =	simm.s32 @!p2 $0x2600;
	s9 =	sand.u32 $0x1FFFFF80, s9;
	[sflag:s10] =	ssyncset.done @!p2 $0x0  }
0x17e: {  	s9 =	sadd.s32 s1, s9;
	[sflag:s10] =	ssyncadd.s32 @!p2 $0xFFFFE000;
	s10 =	simm.s32 @!p2 $0x400  }
0x17f: {  	[tilespmem:s16], [sflag:$0x2] =	stream.strided.gather @!p2 [hbm4b:s9+s10], $0x2000, s12, s10, $0x38;
	[tilespmem:$0x8E00] =	vst v63  }
0x180: {  	s10 =	simm.s32 @!p1 $0x4  }
0x181: {  	_ =	swait.ge @!p1 [sflag:s10], $0x2000  }
0x182: {  	s12 =	simm.s32 @!p1 $0x7A1400;
	[sflag:s10] =	ssyncset.done @!p1 $0x0  }
0x183: {  	s16 =	simm.s32 @!p1 $0x4600;
	[sflag:s10] =	ssyncadd.s32 @!p1 $0xFFFFE000;
	s10 =	simm.s32 @!p1 $0x400  }
0x184: {  	[tilespmem:s16], [sflag:$0x3] =	stream.strided.gather @!p1 [hbm4b:s9+s10], $0x2000, s12, s10, $0x38;
	[tilespmem:$0x8E00] =	vst v63  }
0x185: {  	p1 =	seq.s32 @!p0 s8, $0x0  }
0x186: {  	p2 =	por !p1, p0  }
0x187: {  	s8 =	simm.s32 @!p2 $0x1  }
0x188: {  	_ =	swait.ge @!p2 [sflag:s8], $0x2000  }
0x189: {  	p0 =	por p1, p0;
	s10 =	simm.s32 @!p2 $0x7A1400;
	[sflag:s8] =	ssyncset.done @!p2 $0x0  }
0x18a: {  	s12 =	simm.s32 @!p2 $0x6600;
	[sflag:s8] =	ssyncadd.s32 @!p2 $0xFFFFE000;
	s8 =	simm.s32 @!p2 $0x400  }
0x18b: {  	[tilespmem:s12], [sflag:$0x4] =	stream.strided.gather @!p2 [hbm4b:s9+s8], $0x2000, s10, s8, $0x38;
	[tilespmem:$0x8E00] =	vst v63  }
0x18c: {  	s8 =	simm.s32 @!p0 $0x2  }
0x18d: {  	_ =	swait.ge @!p0 [sflag:s8], $0x2000  }
0x18e: {  	s10 =	simm.s32 @!p0 $0x7A1400;
	[sflag:s8] =	ssyncset.done @!p0 $0x0  }
0x18f: {  	s12 =	simm.s32 @!p0 $0x600;
	[sflag:s8] =	ssyncadd.s32 @!p0 $0xFFFFE000;
	s8 =	simm.s32 @!p0 $0x400  }
0x190: {  	[tilespmem:s12], [sflag:$0x1] =	stream.strided.gather @!p0 [hbm4b:s9+s8], $0x2000, s10, s8, $0x38;
	[tilespmem:$0x8E00] =	vst v63  }
.LBB2_12:
0x191: {  	p0 =	sne.s32 s2, s15;
	s8 =	simm.s32 $0x1  }
0x192: {  	s8 =	simm.s32 @!p0 $0x0  }
0x193: {  	s5 =	sadd.s32 s8, s5  }
0x194: {  	s8 =	sadd.s32 $0x3, s5  }
0x195: {  	s9 =	sand.u32 $0x3, s8  }
0x196: {  	s7 =	sand.u32 $0x7F, s7;
	s9 =	sshll.u32 s9, $0xD  }
0x197: {  	s7 =	sor.u32 s7, s9  }
0x198: {  	v7 =	vor.u32 s7, v1;
	_ =	sdelay $0x4  }
0x199: {  	v7 =	vld.idx.msk [tilespmem:v7+s13+$0x0], $0xffff  }
0x19a: {  	v8 =	vor.u32 s7, v2;
	_ =	sdelay $0x1  }
0x19b: {  	(v2sf) =	vpush v6, $0x5;
	_ =	sdelay $0x1  }
0x19c: {  	[tilespmem:$0x8800] =	vst v7  }
0x19d: {  	v7 =	vld.idx.msk [tilespmem:v8+s13+$0x0], $0xffff  }
0x19e: {  	v8 =	vor.u32 s7, v3;
	_ =	sdelay $0x2  }
0x19f: {  	(v2sf) =	vpush v5, $0x5  }
0x1a0: {  	[tilespmem:$0x8810] =	vst v7  }
0x1a1: {  	v7 =	vld.idx.msk [tilespmem:v8+s13+$0x0], $0xffff  }
0x1a2: {  	v8 =	vor.u32 s7, v4;
	_ =	sdelay $0x3  }
0x1a3: {  	[tilespmem:$0x8820] =	vst v7  }
0x1a4: {  	s7 =	spop (v2sf);
	v7 =	vld.idx.msk [tilespmem:v8+s13+$0x0], $0xffff  }
0x1a5: {  	s15 =	sshra.s32 s7, $0x7  }
0x1a6: {  	p0 =	seq.s32 s15, s2  }
.Ltmp9:
0x1a7: {  	s6 =	sshll.u32 s6, $0x4;
	(pc) =	sbr.rel @p0 .LBB2_14-.Ltmp9, $4  }
0x1a8: {  	s6 =	sand.u32 $0x1FFFFFF0, s6  }
0x1a9: {  	s6 =	sadd.s32 s4, s6;
	[tilespmem:$0x8830] =	vst v7  }
0x1aa: {  	[hbm4b:s6+s3] =	stream.linear.scatter [tilespmem:s20], [sflag:$0x5], $0x80, $0x38;
	[tilespmem:$0x8E00] =	vst v63  }
0x1ab: {  	s6 =	spop (v2sf)  }
0x1ac: {  	p0 =	slt.s32 s8, $0x1FF  }
0x1ad: {  	s8 =	simm.s32 @!p0 $0x1FF  }
0x1ae: {  	s9 =	sand.u32 $0xFFFFFFF0, s8  }
0x1af: {  	v7 =	vld [tilespmem:s9+$0x400];
	_ =	sdelay $0x1  }
0x1b0: {  	s8 =	sand.u32 $0xF, s8  }
0x1b1: {  	v8 =	vmov s8  }
0x1b2: {  	vm0 =	veq.s32 v8, v0  }
0x1b3: {  	v7 =	vnsel vm0, $0x0, v7  }
0x1b4: {  	(xrf0) =	vadd.scan.msk.s32 $0xffff, v7;
	_ =	sdelay $0x5  }
0x1b5: {  	v7, _, _ =	vpop (xrf0)  }
0x1b6: {  	(v2sf) =	vpush v7, $0xF;
	_ =	sdelay $0xa  }
0x1b7: {  	s8 =	sand.u32 $0x3, s5  }
0x1b8: {  	p0 =	sgt.s32 s8, $0x1  }
0x1b9: {  	p1 =	seq.s32 @p0 s8, $0x2  }
0x1ba: {  	p2 =	por !p1, !p0  }
0x1bb: {  	p1 =	por p1, !p0;
	s10 =	simm.s32 @!p2 $0x3;
	s16 =	spop (v2sf)  }
0x1bc: {  	s12 =	simm.s32 @!p2 $0x7A1400;
	s9 =	sshll.u32 s16, $0x7;
	_ =	swait.ge @!p2 [sflag:s10], $0x2000  }
0x1bd: {  	s16 =	simm.s32 @!p2 $0x2600;
	s9 =	sand.u32 $0x1FFFFF80, s9;
	[sflag:s10] =	ssyncset.done @!p2 $0x0  }
0x1be: {  	s9 =	sadd.s32 s1, s9;
	[sflag:s10] =	ssyncadd.s32 @!p2 $0xFFFFE000;
	s10 =	simm.s32 @!p2 $0x400  }
0x1bf: {  	[tilespmem:s16], [sflag:$0x2] =	stream.strided.gather @!p2 [hbm4b:s9+s10], $0x2000, s12, s10, $0x38;
	[tilespmem:$0x8E00] =	vst v63  }
0x1c0: {  	s10 =	simm.s32 @!p1 $0x4  }
0x1c1: {  	_ =	swait.ge @!p1 [sflag:s10], $0x2000  }
0x1c2: {  	s12 =	simm.s32 @!p1 $0x7A1400;
	[sflag:s10] =	ssyncset.done @!p1 $0x0  }
0x1c3: {  	s16 =	simm.s32 @!p1 $0x4600;
	[sflag:s10] =	ssyncadd.s32 @!p1 $0xFFFFE000;
	s10 =	simm.s32 @!p1 $0x400  }
0x1c4: {  	[tilespmem:s16], [sflag:$0x3] =	stream.strided.gather @!p1 [hbm4b:s9+s10], $0x2000, s12, s10, $0x38;
	[tilespmem:$0x8E00] =	vst v63  }
0x1c5: {  	p1 =	seq.s32 @!p0 s8, $0x0  }
0x1c6: {  	p2 =	por !p1, p0  }
0x1c7: {  	s8 =	simm.s32 @!p2 $0x1  }
0x1c8: {  	_ =	swait.ge @!p2 [sflag:s8], $0x2000  }
0x1c9: {  	p0 =	por p1, p0;
	s10 =	simm.s32 @!p2 $0x7A1400;
	[sflag:s8] =	ssyncset.done @!p2 $0x0  }
0x1ca: {  	s12 =	simm.s32 @!p2 $0x6600;
	[sflag:s8] =	ssyncadd.s32 @!p2 $0xFFFFE000;
	s8 =	simm.s32 @!p2 $0x400  }
0x1cb: {  	[tilespmem:s12], [sflag:$0x4] =	stream.strided.gather @!p2 [hbm4b:s9+s8], $0x2000, s10, s8, $0x38;
	[tilespmem:$0x8E00] =	vst v63  }
0x1cc: {  	s8 =	simm.s32 @!p0 $0x2  }
0x1cd: {  	_ =	swait.ge @!p0 [sflag:s8], $0x2000  }
0x1ce: {  	s10 =	simm.s32 @!p0 $0x7A1400;
	[sflag:s8] =	ssyncset.done @!p0 $0x0  }
0x1cf: {  	s12 =	simm.s32 @!p0 $0x600;
	[sflag:s8] =	ssyncadd.s32 @!p0 $0xFFFFE000;
	s8 =	simm.s32 @!p0 $0x400  }
0x1d0: {  	[tilespmem:s12], [sflag:$0x1] =	stream.strided.gather @!p0 [hbm4b:s9+s8], $0x2000, s10, s8, $0x38;
	[tilespmem:$0x8E00] =	vst v63  }
.LBB2_14:
0x1d1: {  	p0 =	sne.s32 s15, s2;
	s2 =	simm.s32 $0x1  }
0x1d2: {  	s2 =	simm.s32 @!p0 $0x0  }
0x1d3: {  	s5 =	sadd.s32 s2, s5  }
0x1d4: {  	s8 =	sadd.s32 $0x3, s5  }
0x1d5: {  	s12 =	sand.u32 $0x3, s8  }
0x1d6: {  	s7 =	sand.u32 $0x7F, s7;
	s2 =	sshll.u32 s12, $0xD  }
0x1d7: {  	s2 =	sor.u32 s7, s2  }
0x1d8: {  	v7 =	vor.u32 s2, v1;
	_ =	sdelay $0x4  }
0x1d9: {  	v7 =	vld.idx.msk [tilespmem:v7+s13+$0x0], $0xffff  }
0x1da: {  	v8 =	vor.u32 s2, v2;
	_ =	sdelay $0x3  }
0x1db: {  	[tilespmem:$0x8880] =	vst v7  }
0x1dc: {  	v7 =	vld.idx.msk [tilespmem:v8+s13+$0x0], $0xffff  }
0x1dd: {  	v8 =	vor.u32 s2, v3  }
0x1de: {  	(v2sf) =	vpush v6, $0x6;
	_ =	sdelay $0x2  }
0x1df: {  	[tilespmem:$0x8890] =	vst v7  }
0x1e0: {  	v7 =	vld.idx.msk [tilespmem:v8+s13+$0x0], $0xffff  }
0x1e1: {  	v8 =	vor.u32 s2, v4;
	_ =	sdelay $0x2  }
0x1e2: {  	(v2sf) =	vpush v5, $0x6  }
0x1e3: {  	[tilespmem:$0x88A0] =	vst v7  }
0x1e4: {  	v7 =	vld.idx.msk [tilespmem:v8+s13+$0x0], $0xffff;
	_ =	sdelay $0x2  }
0x1e5: {  	s16 =	sshll.u32 s6, $0x4  }
0x1e6: {  	s2 =	sand.u32 $0x1FFFFFF0, s16  }
0x1e7: {  	s7 =	spop (v2sf);
	s2 =	sadd.s32 s4, s2;
	[tilespmem:$0x88B0] =	vst v7  }
0x1e8: {  	[hbm4b:s2+s3] =	stream.linear.scatter [tilespmem:s21], [sflag:$0x5], $0x80, $0x38;
	[tilespmem:$0x8E00] =	vst v63  }
0x1e9: {  	s2 =	sshra.s32 s7, $0x7  }
0x1ea: {  	p0 =	seq.s32 s2, s15  }
.Ltmp10:
0x1eb: {  	_ = 	snop;
	(pc) =	sbr.rel @p0 .LBB2_16-.Ltmp10, $2  }
0x1ec: {  	_ =	sdelay $0x2  }
0x1ed: {  	s6 =	spop (v2sf)  }
0x1ee: {  	p0 =	slt.s32 s8, $0x1FF  }
0x1ef: {  	s8 =	simm.s32 @!p0 $0x1FF  }
0x1f0: {  	s9 =	sand.u32 $0xFFFFFFF0, s8  }
0x1f1: {  	v7 =	vld [tilespmem:s9+$0x400];
	_ =	sdelay $0x1  }
0x1f2: {  	s8 =	sand.u32 $0xF, s8  }
0x1f3: {  	v8 =	vmov s8  }
0x1f4: {  	vm0 =	veq.s32 v8, v0  }
0x1f5: {  	v7 =	vnsel vm0, $0x0, v7  }
0x1f6: {  	(xrf0) =	vadd.scan.msk.s32 $0xffff, v7;
	_ =	sdelay $0x5  }
0x1f7: {  	v7, _, _ =	vpop (xrf0)  }
0x1f8: {  	(v2sf) =	vpush v7, $0xF;
	_ =	sdelay $0xa  }
0x1f9: {  	s8 =	sand.u32 $0x3, s5  }
0x1fa: {  	p0 =	sgt.s32 s8, $0x1  }
0x1fb: {  	p1 =	seq.s32 @p0 s8, $0x2  }
0x1fc: {  	p2 =	por !p1, !p0  }
0x1fd: {  	p1 =	por p1, !p0;
	s10 =	simm.s32 @!p2 $0x3;
	s16 =	spop (v2sf)  }
0x1fe: {  	s12 =	simm.s32 @!p2 $0x7A1400;
	s9 =	sshll.u32 s16, $0x7;
	_ =	swait.ge @!p2 [sflag:s10], $0x2000  }
0x1ff: {  	s16 =	simm.s32 @!p2 $0x2600;
	s9 =	sand.u32 $0x1FFFFF80, s9;
	[sflag:s10] =	ssyncset.done @!p2 $0x0  }
0x200: {  	s9 =	sadd.s32 s1, s9;
	[sflag:s10] =	ssyncadd.s32 @!p2 $0xFFFFE000;
	s10 =	simm.s32 @!p2 $0x400  }
0x201: {  	[tilespmem:s16], [sflag:$0x2] =	stream.strided.gather @!p2 [hbm4b:s9+s10], $0x2000, s12, s10, $0x38;
	[tilespmem:$0x8E00] =	vst v63  }
0x202: {  	s10 =	simm.s32 @!p1 $0x4  }
0x203: {  	_ =	swait.ge @!p1 [sflag:s10], $0x2000  }
0x204: {  	s12 =	simm.s32 @!p1 $0x7A1400;
	[sflag:s10] =	ssyncset.done @!p1 $0x0  }
0x205: {  	s16 =	simm.s32 @!p1 $0x4600;
	[sflag:s10] =	ssyncadd.s32 @!p1 $0xFFFFE000;
	s10 =	simm.s32 @!p1 $0x400  }
0x206: {  	[tilespmem:s16], [sflag:$0x3] =	stream.strided.gather @!p1 [hbm4b:s9+s10], $0x2000, s12, s10, $0x38;
	[tilespmem:$0x8E00] =	vst v63  }
0x207: {  	p1 =	seq.s32 @!p0 s8, $0x0  }
0x208: {  	p2 =	por !p1, p0  }
0x209: {  	s8 =	simm.s32 @!p2 $0x1  }
0x20a: {  	_ =	swait.ge @!p2 [sflag:s8], $0x2000  }
0x20b: {  	p0 =	por p1, p0;
	s10 =	simm.s32 @!p2 $0x7A1400;
	[sflag:s8] =	ssyncset.done @!p2 $0x0  }
0x20c: {  	s12 =	simm.s32 @!p2 $0x6600;
	[sflag:s8] =	ssyncadd.s32 @!p2 $0xFFFFE000;
	s8 =	simm.s32 @!p2 $0x400  }
0x20d: {  	[tilespmem:s12], [sflag:$0x4] =	stream.strided.gather @!p2 [hbm4b:s9+s8], $0x2000, s10, s8, $0x38;
	[tilespmem:$0x8E00] =	vst v63  }
0x20e: {  	s8 =	simm.s32 @!p0 $0x2  }
0x20f: {  	_ =	swait.ge @!p0 [sflag:s8], $0x2000  }
0x210: {  	s10 =	simm.s32 @!p0 $0x7A1400;
	[sflag:s8] =	ssyncset.done @!p0 $0x0  }
0x211: {  	s12 =	simm.s32 @!p0 $0x600;
	[sflag:s8] =	ssyncadd.s32 @!p0 $0xFFFFE000;
	s8 =	simm.s32 @!p0 $0x400  }
0x212: {  	[tilespmem:s12], [sflag:$0x1] =	stream.strided.gather @!p0 [hbm4b:s9+s8], $0x2000, s10, s8, $0x38;
	[tilespmem:$0x8E00] =	vst v63  }
.LBB2_16:
0x213: {  	p0 =	sne.s32 s2, s15;
	s8 =	simm.s32 $0x1  }
0x214: {  	s8 =	simm.s32 @!p0 $0x0  }
0x215: {  	s5 =	sadd.s32 s8, s5  }
0x216: {  	s8 =	sadd.s32 $0x3, s5  }
0x217: {  	s9 =	sand.u32 $0x3, s8  }
0x218: {  	s7 =	sand.u32 $0x7F, s7;
	s9 =	sshll.u32 s9, $0xD  }
0x219: {  	s7 =	sor.u32 s7, s9  }
0x21a: {  	v7 =	vor.u32 s7, v1;
	_ =	sdelay $0x4  }
0x21b: {  	v7 =	vld.idx.msk [tilespmem:v7+s13+$0x0], $0xffff  }
0x21c: {  	v8 =	vor.u32 s7, v2;
	_ =	sdelay $0x1  }
0x21d: {  	(v2sf) =	vpush v6, $0x7;
	_ =	sdelay $0x1  }
0x21e: {  	[tilespmem:$0x8900] =	vst v7  }
0x21f: {  	v7 =	vld.idx.msk [tilespmem:v8+s13+$0x0], $0xffff  }
0x220: {  	v8 =	vor.u32 s7, v3;
	_ =	sdelay $0x2  }
0x221: {  	(v2sf) =	vpush v5, $0x7  }
0x222: {  	[tilespmem:$0x8910] =	vst v7  }
0x223: {  	v7 =	vld.idx.msk [tilespmem:v8+s13+$0x0], $0xffff  }
0x224: {  	v8 =	vor.u32 s7, v4;
	_ =	sdelay $0x3  }
0x225: {  	[tilespmem:$0x8920] =	vst v7  }
0x226: {  	s7 =	spop (v2sf);
	v7 =	vld.idx.msk [tilespmem:v8+s13+$0x0], $0xffff  }
0x227: {  	s15 =	sshra.s32 s7, $0x7  }
0x228: {  	p0 =	seq.s32 s15, s2  }
.Ltmp11:
0x229: {  	s6 =	sshll.u32 s6, $0x4;
	(pc) =	sbr.rel @p0 .LBB2_18-.Ltmp11, $4  }
0x22a: {  	s6 =	sand.u32 $0x1FFFFFF0, s6  }
0x22b: {  	s6 =	sadd.s32 s4, s6;
	[tilespmem:$0x8930] =	vst v7  }
0x22c: {  	[hbm4b:s6+s3] =	stream.linear.scatter [tilespmem:s22], [sflag:$0x5], $0x80, $0x38;
	[tilespmem:$0x8E00] =	vst v63  }
0x22d: {  	s6 =	spop (v2sf)  }
0x22e: {  	p0 =	slt.s32 s8, $0x1FF  }
0x22f: {  	s8 =	simm.s32 @!p0 $0x1FF  }
0x230: {  	s9 =	sand.u32 $0xFFFFFFF0, s8  }
0x231: {  	v7 =	vld [tilespmem:s9+$0x400];
	_ =	sdelay $0x1  }
0x232: {  	s8 =	sand.u32 $0xF, s8  }
0x233: {  	v8 =	vmov s8  }
0x234: {  	vm0 =	veq.s32 v8, v0  }
0x235: {  	v7 =	vnsel vm0, $0x0, v7  }
0x236: {  	(xrf0) =	vadd.scan.msk.s32 $0xffff, v7;
	_ =	sdelay $0x5  }
0x237: {  	v7, _, _ =	vpop (xrf0)  }
0x238: {  	(v2sf) =	vpush v7, $0xF;
	_ =	sdelay $0xa  }
0x239: {  	s8 =	sand.u32 $0x3, s5  }
0x23a: {  	p0 =	sgt.s32 s8, $0x1  }
0x23b: {  	p1 =	seq.s32 @p0 s8, $0x2  }
0x23c: {  	p2 =	por !p1, !p0  }
0x23d: {  	p1 =	por p1, !p0;
	s10 =	simm.s32 @!p2 $0x3;
	s16 =	spop (v2sf)  }
0x23e: {  	s12 =	simm.s32 @!p2 $0x7A1400;
	s9 =	sshll.u32 s16, $0x7;
	_ =	swait.ge @!p2 [sflag:s10], $0x2000  }
0x23f: {  	s16 =	simm.s32 @!p2 $0x2600;
	s9 =	sand.u32 $0x1FFFFF80, s9;
	[sflag:s10] =	ssyncset.done @!p2 $0x0  }
0x240: {  	s9 =	sadd.s32 s1, s9;
	[sflag:s10] =	ssyncadd.s32 @!p2 $0xFFFFE000;
	s10 =	simm.s32 @!p2 $0x400  }
0x241: {  	[tilespmem:s16], [sflag:$0x2] =	stream.strided.gather @!p2 [hbm4b:s9+s10], $0x2000, s12, s10, $0x38;
	[tilespmem:$0x8E00] =	vst v63  }
0x242: {  	s10 =	simm.s32 @!p1 $0x4  }
0x243: {  	_ =	swait.ge @!p1 [sflag:s10], $0x2000  }
0x244: {  	s12 =	simm.s32 @!p1 $0x7A1400;
	[sflag:s10] =	ssyncset.done @!p1 $0x0  }
0x245: {  	s16 =	simm.s32 @!p1 $0x4600;
	[sflag:s10] =	ssyncadd.s32 @!p1 $0xFFFFE000;
	s10 =	simm.s32 @!p1 $0x400  }
0x246: {  	[tilespmem:s16], [sflag:$0x3] =	stream.strided.gather @!p1 [hbm4b:s9+s10], $0x2000, s12, s10, $0x38;
	[tilespmem:$0x8E00] =	vst v63  }
0x247: {  	p1 =	seq.s32 @!p0 s8, $0x0  }
0x248: {  	p2 =	por !p1, p0  }
0x249: {  	s8 =	simm.s32 @!p2 $0x1  }
0x24a: {  	_ =	swait.ge @!p2 [sflag:s8], $0x2000  }
0x24b: {  	p0 =	por p1, p0;
	s10 =	simm.s32 @!p2 $0x7A1400;
	[sflag:s8] =	ssyncset.done @!p2 $0x0  }
0x24c: {  	s12 =	simm.s32 @!p2 $0x6600;
	[sflag:s8] =	ssyncadd.s32 @!p2 $0xFFFFE000;
	s8 =	simm.s32 @!p2 $0x400  }
0x24d: {  	[tilespmem:s12], [sflag:$0x4] =	stream.strided.gather @!p2 [hbm4b:s9+s8], $0x2000, s10, s8, $0x38;
	[tilespmem:$0x8E00] =	vst v63  }
0x24e: {  	s8 =	simm.s32 @!p0 $0x2  }
0x24f: {  	_ =	swait.ge @!p0 [sflag:s8], $0x2000  }
0x250: {  	s10 =	simm.s32 @!p0 $0x7A1400;
	[sflag:s8] =	ssyncset.done @!p0 $0x0  }
0x251: {  	s12 =	simm.s32 @!p0 $0x600;
	[sflag:s8] =	ssyncadd.s32 @!p0 $0xFFFFE000;
	s8 =	simm.s32 @!p0 $0x400  }
0x252: {  	[tilespmem:s12], [sflag:$0x1] =	stream.strided.gather @!p0 [hbm4b:s9+s8], $0x2000, s10, s8, $0x38;
	[tilespmem:$0x8E00] =	vst v63  }
.LBB2_18:
0x253: {  	p0 =	sne.s32 s15, s2;
	s2 =	simm.s32 $0x1  }
0x254: {  	s2 =	simm.s32 @!p0 $0x0  }
0x255: {  	s5 =	sadd.s32 s2, s5  }
0x256: {  	s8 =	sadd.s32 $0x3, s5  }
0x257: {  	s12 =	sand.u32 $0x3, s8  }
0x258: {  	s7 =	sand.u32 $0x7F, s7;
	s2 =	sshll.u32 s12, $0xD  }
0x259: {  	s2 =	sor.u32 s7, s2  }
0x25a: {  	v7 =	vor.u32 s2, v1;
	_ =	sdelay $0x4  }
0x25b: {  	v7 =	vld.idx.msk [tilespmem:v7+s13+$0x0], $0xffff  }
0x25c: {  	v8 =	vor.u32 s2, v2;
	_ =	sdelay $0x3  }
0x25d: {  	[tilespmem:$0x8980] =	vst v7  }
0x25e: {  	v7 =	vld.idx.msk [tilespmem:v8+s13+$0x0], $0xffff  }
0x25f: {  	v8 =	vor.u32 s2, v3  }
0x260: {  	(v2sf) =	vpush v6, $0x8;
	_ =	sdelay $0x2  }
0x261: {  	[tilespmem:$0x8990] =	vst v7  }
0x262: {  	v7 =	vld.idx.msk [tilespmem:v8+s13+$0x0], $0xffff  }
0x263: {  	v8 =	vor.u32 s2, v4;
	_ =	sdelay $0x2  }
0x264: {  	(v2sf) =	vpush v5, $0x8  }
0x265: {  	[tilespmem:$0x89A0] =	vst v7  }
0x266: {  	v7 =	vld.idx.msk [tilespmem:v8+s13+$0x0], $0xffff;
	_ =	sdelay $0x2  }
0x267: {  	s16 =	sshll.u32 s6, $0x4  }
0x268: {  	s2 =	sand.u32 $0x1FFFFFF0, s16  }
0x269: {  	s7 =	spop (v2sf);
	s2 =	sadd.s32 s4, s2;
	[tilespmem:$0x89B0] =	vst v7  }
0x26a: {  	[hbm4b:s2+s3] =	stream.linear.scatter [tilespmem:s23], [sflag:$0x5], $0x80, $0x38;
	[tilespmem:$0x8E00] =	vst v63  }
0x26b: {  	s2 =	sshra.s32 s7, $0x7  }
0x26c: {  	p0 =	seq.s32 s2, s15  }
.Ltmp12:
0x26d: {  	_ = 	snop;
	(pc) =	sbr.rel @p0 .LBB2_20-.Ltmp12, $2  }
0x26e: {  	_ =	sdelay $0x2  }
0x26f: {  	s6 =	spop (v2sf)  }
0x270: {  	p0 =	slt.s32 s8, $0x1FF  }
0x271: {  	s8 =	simm.s32 @!p0 $0x1FF  }
0x272: {  	s9 =	sand.u32 $0xFFFFFFF0, s8  }
0x273: {  	v7 =	vld [tilespmem:s9+$0x400];
	_ =	sdelay $0x1  }
0x274: {  	s8 =	sand.u32 $0xF, s8  }
0x275: {  	v8 =	vmov s8  }
0x276: {  	vm0 =	veq.s32 v8, v0  }
0x277: {  	v7 =	vnsel vm0, $0x0, v7  }
0x278: {  	(xrf0) =	vadd.scan.msk.s32 $0xffff, v7;
	_ =	sdelay $0x5  }
0x279: {  	v7, _, _ =	vpop (xrf0)  }
0x27a: {  	(v2sf) =	vpush v7, $0xF;
	_ =	sdelay $0xa  }
0x27b: {  	s8 =	sand.u32 $0x3, s5  }
0x27c: {  	p0 =	sgt.s32 s8, $0x1  }
0x27d: {  	p1 =	seq.s32 @p0 s8, $0x2  }
0x27e: {  	p2 =	por !p1, !p0  }
0x27f: {  	p1 =	por p1, !p0;
	s10 =	simm.s32 @!p2 $0x3;
	s16 =	spop (v2sf)  }
0x280: {  	s12 =	simm.s32 @!p2 $0x7A1400;
	s9 =	sshll.u32 s16, $0x7;
	_ =	swait.ge @!p2 [sflag:s10], $0x2000  }
0x281: {  	s16 =	simm.s32 @!p2 $0x2600;
	s9 =	sand.u32 $0x1FFFFF80, s9;
	[sflag:s10] =	ssyncset.done @!p2 $0x0  }
0x282: {  	s9 =	sadd.s32 s1, s9;
	[sflag:s10] =	ssyncadd.s32 @!p2 $0xFFFFE000;
	s10 =	simm.s32 @!p2 $0x400  }
0x283: {  	[tilespmem:s16], [sflag:$0x2] =	stream.strided.gather @!p2 [hbm4b:s9+s10], $0x2000, s12, s10, $0x38;
	[tilespmem:$0x8E00] =	vst v63  }
0x284: {  	s10 =	simm.s32 @!p1 $0x4  }
0x285: {  	_ =	swait.ge @!p1 [sflag:s10], $0x2000  }
0x286: {  	s12 =	simm.s32 @!p1 $0x7A1400;
	[sflag:s10] =	ssyncset.done @!p1 $0x0  }
0x287: {  	s16 =	simm.s32 @!p1 $0x4600;
	[sflag:s10] =	ssyncadd.s32 @!p1 $0xFFFFE000;
	s10 =	simm.s32 @!p1 $0x400  }
0x288: {  	[tilespmem:s16], [sflag:$0x3] =	stream.strided.gather @!p1 [hbm4b:s9+s10], $0x2000, s12, s10, $0x38;
	[tilespmem:$0x8E00] =	vst v63  }
0x289: {  	p1 =	seq.s32 @!p0 s8, $0x0  }
0x28a: {  	p2 =	por !p1, p0  }
0x28b: {  	s8 =	simm.s32 @!p2 $0x1  }
0x28c: {  	_ =	swait.ge @!p2 [sflag:s8], $0x2000  }
0x28d: {  	p0 =	por p1, p0;
	s10 =	simm.s32 @!p2 $0x7A1400;
	[sflag:s8] =	ssyncset.done @!p2 $0x0  }
0x28e: {  	s12 =	simm.s32 @!p2 $0x6600;
	[sflag:s8] =	ssyncadd.s32 @!p2 $0xFFFFE000;
	s8 =	simm.s32 @!p2 $0x400  }
0x28f: {  	[tilespmem:s12], [sflag:$0x4] =	stream.strided.gather @!p2 [hbm4b:s9+s8], $0x2000, s10, s8, $0x38;
	[tilespmem:$0x8E00] =	vst v63  }
0x290: {  	s8 =	simm.s32 @!p0 $0x2  }
0x291: {  	_ =	swait.ge @!p0 [sflag:s8], $0x2000  }
0x292: {  	s10 =	simm.s32 @!p0 $0x7A1400;
	[sflag:s8] =	ssyncset.done @!p0 $0x0  }
0x293: {  	s12 =	simm.s32 @!p0 $0x600;
	[sflag:s8] =	ssyncadd.s32 @!p0 $0xFFFFE000;
	s8 =	simm.s32 @!p0 $0x400  }
0x294: {  	[tilespmem:s12], [sflag:$0x1] =	stream.strided.gather @!p0 [hbm4b:s9+s8], $0x2000, s10, s8, $0x38;
	[tilespmem:$0x8E00] =	vst v63  }
.LBB2_20:
0x295: {  	p0 =	sne.s32 s2, s15;
	s8 =	simm.s32 $0x1  }
0x296: {  	s8 =	simm.s32 @!p0 $0x0  }
0x297: {  	s5 =	sadd.s32 s8, s5  }
0x298: {  	s8 =	sadd.s32 $0x3, s5  }
0x299: {  	s9 =	sand.u32 $0x3, s8  }
0x29a: {  	s7 =	sand.u32 $0x7F, s7;
	s9 =	sshll.u32 s9, $0xD  }
0x29b: {  	s7 =	sor.u32 s7, s9  }
0x29c: {  	v7 =	vor.u32 s7, v1;
	_ =	sdelay $0x4  }
0x29d: {  	v7 =	vld.idx.msk [tilespmem:v7+s13+$0x0], $0xffff  }
0x29e: {  	v8 =	vor.u32 s7, v2;
	_ =	sdelay $0x1  }
0x29f: {  	(v2sf) =	vpush v6, $0x9;
	_ =	sdelay $0x1  }
0x2a0: {  	[tilespmem:$0x8A00] =	vst v7  }
0x2a1: {  	v7 =	vld.idx.msk [tilespmem:v8+s13+$0x0], $0xffff  }
0x2a2: {  	v8 =	vor.u32 s7, v3;
	_ =	sdelay $0x2  }
0x2a3: {  	(v2sf) =	vpush v5, $0x9  }
0x2a4: {  	[tilespmem:$0x8A10] =	vst v7  }
0x2a5: {  	v7 =	vld.idx.msk [tilespmem:v8+s13+$0x0], $0xffff  }
0x2a6: {  	v8 =	vor.u32 s7, v4;
	_ =	sdelay $0x3  }
0x2a7: {  	[tilespmem:$0x8A20] =	vst v7  }
0x2a8: {  	s7 =	spop (v2sf);
	v7 =	vld.idx.msk [tilespmem:v8+s13+$0x0], $0xffff  }
0x2a9: {  	s15 =	sshra.s32 s7, $0x7  }
0x2aa: {  	p0 =	seq.s32 s15, s2  }
.Ltmp13:
0x2ab: {  	s6 =	sshll.u32 s6, $0x4;
	(pc) =	sbr.rel @p0 .LBB2_22-.Ltmp13, $4  }
0x2ac: {  	s6 =	sand.u32 $0x1FFFFFF0, s6  }
0x2ad: {  	s6 =	sadd.s32 s4, s6;
	[tilespmem:$0x8A30] =	vst v7  }
0x2ae: {  	[hbm4b:s6+s3] =	stream.linear.scatter [tilespmem:s24], [sflag:$0x5], $0x80, $0x38;
	[tilespmem:$0x8E00] =	vst v63  }
0x2af: {  	s6 =	spop (v2sf)  }
0x2b0: {  	p0 =	slt.s32 s8, $0x1FF  }
0x2b1: {  	s8 =	simm.s32 @!p0 $0x1FF  }
0x2b2: {  	s9 =	sand.u32 $0xFFFFFFF0, s8  }
0x2b3: {  	v7 =	vld [tilespmem:s9+$0x400];
	_ =	sdelay $0x1  }
0x2b4: {  	s8 =	sand.u32 $0xF, s8  }
0x2b5: {  	v8 =	vmov s8  }
0x2b6: {  	vm0 =	veq.s32 v8, v0  }
0x2b7: {  	v7 =	vnsel vm0, $0x0, v7  }
0x2b8: {  	(xrf0) =	vadd.scan.msk.s32 $0xffff, v7;
	_ =	sdelay $0x5  }
0x2b9: {  	v7, _, _ =	vpop (xrf0)  }
0x2ba: {  	(v2sf) =	vpush v7, $0xF;
	_ =	sdelay $0xa  }
0x2bb: {  	s8 =	sand.u32 $0x3, s5  }
0x2bc: {  	p0 =	sgt.s32 s8, $0x1  }
0x2bd: {  	p1 =	seq.s32 @p0 s8, $0x2  }
0x2be: {  	p2 =	por !p1, !p0  }
0x2bf: {  	p1 =	por p1, !p0;
	s10 =	simm.s32 @!p2 $0x3;
	s16 =	spop (v2sf)  }
0x2c0: {  	s12 =	simm.s32 @!p2 $0x7A1400;
	s9 =	sshll.u32 s16, $0x7;
	_ =	swait.ge @!p2 [sflag:s10], $0x2000  }
0x2c1: {  	s16 =	simm.s32 @!p2 $0x2600;
	s9 =	sand.u32 $0x1FFFFF80, s9;
	[sflag:s10] =	ssyncset.done @!p2 $0x0  }
0x2c2: {  	s9 =	sadd.s32 s1, s9;
	[sflag:s10] =	ssyncadd.s32 @!p2 $0xFFFFE000;
	s10 =	simm.s32 @!p2 $0x400  }
0x2c3: {  	[tilespmem:s16], [sflag:$0x2] =	stream.strided.gather @!p2 [hbm4b:s9+s10], $0x2000, s12, s10, $0x38;
	[tilespmem:$0x8E00] =	vst v63  }
0x2c4: {  	s10 =	simm.s32 @!p1 $0x4  }
0x2c5: {  	_ =	swait.ge @!p1 [sflag:s10], $0x2000  }
0x2c6: {  	s12 =	simm.s32 @!p1 $0x7A1400;
	[sflag:s10] =	ssyncset.done @!p1 $0x0  }
0x2c7: {  	s16 =	simm.s32 @!p1 $0x4600;
	[sflag:s10] =	ssyncadd.s32 @!p1 $0xFFFFE000;
	s10 =	simm.s32 @!p1 $0x400  }
0x2c8: {  	[tilespmem:s16], [sflag:$0x3] =	stream.strided.gather @!p1 [hbm4b:s9+s10], $0x2000, s12, s10, $0x38;
	[tilespmem:$0x8E00] =	vst v63  }
0x2c9: {  	p1 =	seq.s32 @!p0 s8, $0x0  }
0x2ca: {  	p2 =	por !p1, p0  }
0x2cb: {  	s8 =	simm.s32 @!p2 $0x1  }
0x2cc: {  	_ =	swait.ge @!p2 [sflag:s8], $0x2000  }
0x2cd: {  	p0 =	por p1, p0;
	s10 =	simm.s32 @!p2 $0x7A1400;
	[sflag:s8] =	ssyncset.done @!p2 $0x0  }
0x2ce: {  	s12 =	simm.s32 @!p2 $0x6600;
	[sflag:s8] =	ssyncadd.s32 @!p2 $0xFFFFE000;
	s8 =	simm.s32 @!p2 $0x400  }
0x2cf: {  	[tilespmem:s12], [sflag:$0x4] =	stream.strided.gather @!p2 [hbm4b:s9+s8], $0x2000, s10, s8, $0x38;
	[tilespmem:$0x8E00] =	vst v63  }
0x2d0: {  	s8 =	simm.s32 @!p0 $0x2  }
0x2d1: {  	_ =	swait.ge @!p0 [sflag:s8], $0x2000  }
0x2d2: {  	s10 =	simm.s32 @!p0 $0x7A1400;
	[sflag:s8] =	ssyncset.done @!p0 $0x0  }
0x2d3: {  	s12 =	simm.s32 @!p0 $0x600;
	[sflag:s8] =	ssyncadd.s32 @!p0 $0xFFFFE000;
	s8 =	simm.s32 @!p0 $0x400  }
0x2d4: {  	[tilespmem:s12], [sflag:$0x1] =	stream.strided.gather @!p0 [hbm4b:s9+s8], $0x2000, s10, s8, $0x38;
	[tilespmem:$0x8E00] =	vst v63  }
.LBB2_22:
0x2d5: {  	p0 =	sne.s32 s15, s2;
	s2 =	simm.s32 $0x1  }
0x2d6: {  	s2 =	simm.s32 @!p0 $0x0  }
0x2d7: {  	s5 =	sadd.s32 s2, s5  }
0x2d8: {  	s8 =	sadd.s32 $0x3, s5  }
0x2d9: {  	s12 =	sand.u32 $0x3, s8  }
0x2da: {  	s7 =	sand.u32 $0x7F, s7;
	s2 =	sshll.u32 s12, $0xD  }
0x2db: {  	s2 =	sor.u32 s7, s2  }
0x2dc: {  	v7 =	vor.u32 s2, v1;
	_ =	sdelay $0x4  }
0x2dd: {  	v7 =	vld.idx.msk [tilespmem:v7+s13+$0x0], $0xffff  }
0x2de: {  	v8 =	vor.u32 s2, v2;
	_ =	sdelay $0x3  }
0x2df: {  	[tilespmem:$0x8A80] =	vst v7  }
0x2e0: {  	v7 =	vld.idx.msk [tilespmem:v8+s13+$0x0], $0xffff  }
0x2e1: {  	v8 =	vor.u32 s2, v3  }
0x2e2: {  	(v2sf) =	vpush v6, $0xA;
	_ =	sdelay $0x2  }
0x2e3: {  	[tilespmem:$0x8A90] =	vst v7  }
0x2e4: {  	v7 =	vld.idx.msk [tilespmem:v8+s13+$0x0], $0xffff  }
0x2e5: {  	v8 =	vor.u32 s2, v4;
	_ =	sdelay $0x2  }
0x2e6: {  	(v2sf) =	vpush v5, $0xA  }
0x2e7: {  	[tilespmem:$0x8AA0] =	vst v7  }
0x2e8: {  	v7 =	vld.idx.msk [tilespmem:v8+s13+$0x0], $0xffff;
	_ =	sdelay $0x2  }
0x2e9: {  	s16 =	sshll.u32 s6, $0x4  }
0x2ea: {  	s2 =	sand.u32 $0x1FFFFFF0, s16  }
0x2eb: {  	s7 =	spop (v2sf);
	s2 =	sadd.s32 s4, s2;
	[tilespmem:$0x8AB0] =	vst v7  }
0x2ec: {  	[hbm4b:s2+s3] =	stream.linear.scatter [tilespmem:s25], [sflag:$0x5], $0x80, $0x38;
	[tilespmem:$0x8E00] =	vst v63  }
0x2ed: {  	s2 =	sshra.s32 s7, $0x7  }
0x2ee: {  	p0 =	seq.s32 s2, s15  }
.Ltmp14:
0x2ef: {  	_ = 	snop;
	(pc) =	sbr.rel @p0 .LBB2_24-.Ltmp14, $2  }
0x2f0: {  	_ =	sdelay $0x2  }
0x2f1: {  	s6 =	spop (v2sf)  }
0x2f2: {  	p0 =	slt.s32 s8, $0x1FF  }
0x2f3: {  	s8 =	simm.s32 @!p0 $0x1FF  }
0x2f4: {  	s9 =	sand.u32 $0xFFFFFFF0, s8  }
0x2f5: {  	v7 =	vld [tilespmem:s9+$0x400];
	_ =	sdelay $0x1  }
0x2f6: {  	s8 =	sand.u32 $0xF, s8  }
0x2f7: {  	v8 =	vmov s8  }
0x2f8: {  	vm0 =	veq.s32 v8, v0  }
0x2f9: {  	v7 =	vnsel vm0, $0x0, v7  }
0x2fa: {  	(xrf0) =	vadd.scan.msk.s32 $0xffff, v7;
	_ =	sdelay $0x5  }
0x2fb: {  	v7, _, _ =	vpop (xrf0)  }
0x2fc: {  	(v2sf) =	vpush v7, $0xF;
	_ =	sdelay $0xa  }
0x2fd: {  	s8 =	sand.u32 $0x3, s5  }
0x2fe: {  	p0 =	sgt.s32 s8, $0x1  }
0x2ff: {  	p1 =	seq.s32 @p0 s8, $0x2  }
0x300: {  	p2 =	por !p1, !p0  }
0x301: {  	p1 =	por p1, !p0;
	s10 =	simm.s32 @!p2 $0x3;
	s16 =	spop (v2sf)  }
0x302: {  	s12 =	simm.s32 @!p2 $0x7A1400;
	s9 =	sshll.u32 s16, $0x7;
	_ =	swait.ge @!p2 [sflag:s10], $0x2000  }
0x303: {  	s16 =	simm.s32 @!p2 $0x2600;
	s9 =	sand.u32 $0x1FFFFF80, s9;
	[sflag:s10] =	ssyncset.done @!p2 $0x0  }
0x304: {  	s9 =	sadd.s32 s1, s9;
	[sflag:s10] =	ssyncadd.s32 @!p2 $0xFFFFE000;
	s10 =	simm.s32 @!p2 $0x400  }
0x305: {  	[tilespmem:s16], [sflag:$0x2] =	stream.strided.gather @!p2 [hbm4b:s9+s10], $0x2000, s12, s10, $0x38;
	[tilespmem:$0x8E00] =	vst v63  }
0x306: {  	s10 =	simm.s32 @!p1 $0x4  }
0x307: {  	_ =	swait.ge @!p1 [sflag:s10], $0x2000  }
0x308: {  	s12 =	simm.s32 @!p1 $0x7A1400;
	[sflag:s10] =	ssyncset.done @!p1 $0x0  }
0x309: {  	s16 =	simm.s32 @!p1 $0x4600;
	[sflag:s10] =	ssyncadd.s32 @!p1 $0xFFFFE000;
	s10 =	simm.s32 @!p1 $0x400  }
0x30a: {  	[tilespmem:s16], [sflag:$0x3] =	stream.strided.gather @!p1 [hbm4b:s9+s10], $0x2000, s12, s10, $0x38;
	[tilespmem:$0x8E00] =	vst v63  }
0x30b: {  	p1 =	seq.s32 @!p0 s8, $0x0  }
0x30c: {  	p2 =	por !p1, p0  }
0x30d: {  	s8 =	simm.s32 @!p2 $0x1  }
0x30e: {  	_ =	swait.ge @!p2 [sflag:s8], $0x2000  }
0x30f: {  	p0 =	por p1, p0;
	s10 =	simm.s32 @!p2 $0x7A1400;
	[sflag:s8] =	ssyncset.done @!p2 $0x0  }
0x310: {  	s12 =	simm.s32 @!p2 $0x6600;
	[sflag:s8] =	ssyncadd.s32 @!p2 $0xFFFFE000;
	s8 =	simm.s32 @!p2 $0x400  }
0x311: {  	[tilespmem:s12], [sflag:$0x4] =	stream.strided.gather @!p2 [hbm4b:s9+s8], $0x2000, s10, s8, $0x38;
	[tilespmem:$0x8E00] =	vst v63  }
0x312: {  	s8 =	simm.s32 @!p0 $0x2  }
0x313: {  	_ =	swait.ge @!p0 [sflag:s8], $0x2000  }
0x314: {  	s10 =	simm.s32 @!p0 $0x7A1400;
	[sflag:s8] =	ssyncset.done @!p0 $0x0  }
0x315: {  	s12 =	simm.s32 @!p0 $0x600;
	[sflag:s8] =	ssyncadd.s32 @!p0 $0xFFFFE000;
	s8 =	simm.s32 @!p0 $0x400  }
0x316: {  	[tilespmem:s12], [sflag:$0x1] =	stream.strided.gather @!p0 [hbm4b:s9+s8], $0x2000, s10, s8, $0x38;
	[tilespmem:$0x8E00] =	vst v63  }
.LBB2_24:
0x317: {  	p0 =	sne.s32 s2, s15;
	s8 =	simm.s32 $0x1  }
0x318: {  	s8 =	simm.s32 @!p0 $0x0  }
0x319: {  	s5 =	sadd.s32 s8, s5  }
0x31a: {  	s8 =	sadd.s32 $0x3, s5  }
0x31b: {  	s9 =	sand.u32 $0x3, s8  }
0x31c: {  	s7 =	sand.u32 $0x7F, s7;
	s9 =	sshll.u32 s9, $0xD  }
0x31d: {  	s7 =	sor.u32 s7, s9  }
0x31e: {  	v7 =	vor.u32 s7, v1;
	_ =	sdelay $0x4  }
0x31f: {  	v7 =	vld.idx.msk [tilespmem:v7+s13+$0x0], $0xffff  }
0x320: {  	v8 =	vor.u32 s7, v2;
	_ =	sdelay $0x1  }
0x321: {  	(v2sf) =	vpush v6, $0xB;
	_ =	sdelay $0x1  }
0x322: {  	[tilespmem:$0x8B00] =	vst v7  }
0x323: {  	v7 =	vld.idx.msk [tilespmem:v8+s13+$0x0], $0xffff  }
0x324: {  	v8 =	vor.u32 s7, v3;
	_ =	sdelay $0x2  }
0x325: {  	(v2sf) =	vpush v5, $0xB  }
0x326: {  	[tilespmem:$0x8B10] =	vst v7  }
0x327: {  	v7 =	vld.idx.msk [tilespmem:v8+s13+$0x0], $0xffff  }
0x328: {  	v8 =	vor.u32 s7, v4;
	_ =	sdelay $0x3  }
0x329: {  	[tilespmem:$0x8B20] =	vst v7  }
0x32a: {  	s7 =	spop (v2sf);
	v7 =	vld.idx.msk [tilespmem:v8+s13+$0x0], $0xffff  }
0x32b: {  	s15 =	sshra.s32 s7, $0x7  }
0x32c: {  	p0 =	seq.s32 s15, s2  }
.Ltmp15:
0x32d: {  	s6 =	sshll.u32 s6, $0x4;
	(pc) =	sbr.rel @p0 .LBB2_26-.Ltmp15, $4  }
0x32e: {  	s6 =	sand.u32 $0x1FFFFFF0, s6  }
0x32f: {  	s6 =	sadd.s32 s4, s6;
	[tilespmem:$0x8B30] =	vst v7  }
0x330: {  	[hbm4b:s6+s3] =	stream.linear.scatter [tilespmem:s26], [sflag:$0x5], $0x80, $0x38;
	[tilespmem:$0x8E00] =	vst v63  }
0x331: {  	s6 =	spop (v2sf)  }
0x332: {  	p0 =	slt.s32 s8, $0x1FF  }
0x333: {  	s8 =	simm.s32 @!p0 $0x1FF  }
0x334: {  	s9 =	sand.u32 $0xFFFFFFF0, s8  }
0x335: {  	v7 =	vld [tilespmem:s9+$0x400];
	_ =	sdelay $0x1  }
0x336: {  	s8 =	sand.u32 $0xF, s8  }
0x337: {  	v8 =	vmov s8  }
0x338: {  	vm0 =	veq.s32 v8, v0  }
0x339: {  	v7 =	vnsel vm0, $0x0, v7  }
0x33a: {  	(xrf0) =	vadd.scan.msk.s32 $0xffff, v7;
	_ =	sdelay $0x5  }
0x33b: {  	v7, _, _ =	vpop (xrf0)  }
0x33c: {  	(v2sf) =	vpush v7, $0xF;
	_ =	sdelay $0xa  }
0x33d: {  	s8 =	sand.u32 $0x3, s5  }
0x33e: {  	p0 =	sgt.s32 s8, $0x1  }
0x33f: {  	p1 =	seq.s32 @p0 s8, $0x2  }
0x340: {  	p2 =	por !p1, !p0  }
0x341: {  	p1 =	por p1, !p0;
	s10 =	simm.s32 @!p2 $0x3;
	s16 =	spop (v2sf)  }
0x342: {  	s12 =	simm.s32 @!p2 $0x7A1400;
	s9 =	sshll.u32 s16, $0x7;
	_ =	swait.ge @!p2 [sflag:s10], $0x2000  }
0x343: {  	s16 =	simm.s32 @!p2 $0x2600;
	s9 =	sand.u32 $0x1FFFFF80, s9;
	[sflag:s10] =	ssyncset.done @!p2 $0x0  }
0x344: {  	s9 =	sadd.s32 s1, s9;
	[sflag:s10] =	ssyncadd.s32 @!p2 $0xFFFFE000;
	s10 =	simm.s32 @!p2 $0x400  }
0x345: {  	[tilespmem:s16], [sflag:$0x2] =	stream.strided.gather @!p2 [hbm4b:s9+s10], $0x2000, s12, s10, $0x38;
	[tilespmem:$0x8E00] =	vst v63  }
0x346: {  	s10 =	simm.s32 @!p1 $0x4  }
0x347: {  	_ =	swait.ge @!p1 [sflag:s10], $0x2000  }
0x348: {  	s12 =	simm.s32 @!p1 $0x7A1400;
	[sflag:s10] =	ssyncset.done @!p1 $0x0  }
0x349: {  	s16 =	simm.s32 @!p1 $0x4600;
	[sflag:s10] =	ssyncadd.s32 @!p1 $0xFFFFE000;
	s10 =	simm.s32 @!p1 $0x400  }
0x34a: {  	[tilespmem:s16], [sflag:$0x3] =	stream.strided.gather @!p1 [hbm4b:s9+s10], $0x2000, s12, s10, $0x38;
	[tilespmem:$0x8E00] =	vst v63  }
0x34b: {  	p1 =	seq.s32 @!p0 s8, $0x0  }
0x34c: {  	p2 =	por !p1, p0  }
0x34d: {  	s8 =	simm.s32 @!p2 $0x1  }
0x34e: {  	_ =	swait.ge @!p2 [sflag:s8], $0x2000  }
0x34f: {  	p0 =	por p1, p0;
	s10 =	simm.s32 @!p2 $0x7A1400;
	[sflag:s8] =	ssyncset.done @!p2 $0x0  }
0x350: {  	s12 =	simm.s32 @!p2 $0x6600;
	[sflag:s8] =	ssyncadd.s32 @!p2 $0xFFFFE000;
	s8 =	simm.s32 @!p2 $0x400  }
0x351: {  	[tilespmem:s12], [sflag:$0x4] =	stream.strided.gather @!p2 [hbm4b:s9+s8], $0x2000, s10, s8, $0x38;
	[tilespmem:$0x8E00] =	vst v63  }
0x352: {  	s8 =	simm.s32 @!p0 $0x2  }
0x353: {  	_ =	swait.ge @!p0 [sflag:s8], $0x2000  }
0x354: {  	s10 =	simm.s32 @!p0 $0x7A1400;
	[sflag:s8] =	ssyncset.done @!p0 $0x0  }
0x355: {  	s12 =	simm.s32 @!p0 $0x600;
	[sflag:s8] =	ssyncadd.s32 @!p0 $0xFFFFE000;
	s8 =	simm.s32 @!p0 $0x400  }
0x356: {  	[tilespmem:s12], [sflag:$0x1] =	stream.strided.gather @!p0 [hbm4b:s9+s8], $0x2000, s10, s8, $0x38;
	[tilespmem:$0x8E00] =	vst v63  }
.LBB2_26:
0x357: {  	p0 =	sne.s32 s15, s2;
	s2 =	simm.s32 $0x1  }
0x358: {  	s2 =	simm.s32 @!p0 $0x0  }
0x359: {  	s5 =	sadd.s32 s2, s5  }
0x35a: {  	s8 =	sadd.s32 $0x3, s5  }
0x35b: {  	s12 =	sand.u32 $0x3, s8  }
0x35c: {  	s7 =	sand.u32 $0x7F, s7;
	s2 =	sshll.u32 s12, $0xD  }
0x35d: {  	s2 =	sor.u32 s7, s2  }
0x35e: {  	v7 =	vor.u32 s2, v1;
	_ =	sdelay $0x4  }
0x35f: {  	v7 =	vld.idx.msk [tilespmem:v7+s13+$0x0], $0xffff  }
0x360: {  	v8 =	vor.u32 s2, v2;
	_ =	sdelay $0x3  }
0x361: {  	[tilespmem:$0x8B80] =	vst v7  }
0x362: {  	v7 =	vld.idx.msk [tilespmem:v8+s13+$0x0], $0xffff  }
0x363: {  	v8 =	vor.u32 s2, v3  }
0x364: {  	(v2sf) =	vpush v6, $0xC;
	_ =	sdelay $0x2  }
0x365: {  	[tilespmem:$0x8B90] =	vst v7  }
0x366: {  	v7 =	vld.idx.msk [tilespmem:v8+s13+$0x0], $0xffff  }
0x367: {  	v8 =	vor.u32 s2, v4;
	_ =	sdelay $0x2  }
0x368: {  	(v2sf) =	vpush v5, $0xC  }
0x369: {  	[tilespmem:$0x8BA0] =	vst v7  }
0x36a: {  	v7 =	vld.idx.msk [tilespmem:v8+s13+$0x0], $0xffff;
	_ =	sdelay $0x2  }
0x36b: {  	s16 =	sshll.u32 s6, $0x4  }
0x36c: {  	s2 =	sand.u32 $0x1FFFFFF0, s16  }
0x36d: {  	s7 =	spop (v2sf);
	s2 =	sadd.s32 s4, s2;
	[tilespmem:$0x8BB0] =	vst v7  }
0x36e: {  	[hbm4b:s2+s3] =	stream.linear.scatter [tilespmem:s28], [sflag:$0x5], $0x80, $0x38;
	[tilespmem:$0x8E00] =	vst v63  }
0x36f: {  	s2 =	sshra.s32 s7, $0x7  }
0x370: {  	p0 =	seq.s32 s2, s15  }
.Ltmp16:
0x371: {  	_ = 	snop;
	(pc) =	sbr.rel @p0 .LBB2_28-.Ltmp16, $2  }
0x372: {  	_ =	sdelay $0x2  }
0x373: {  	s6 =	spop (v2sf)  }
0x374: {  	p0 =	slt.s32 s8, $0x1FF  }
0x375: {  	s8 =	simm.s32 @!p0 $0x1FF  }
0x376: {  	s9 =	sand.u32 $0xFFFFFFF0, s8  }
0x377: {  	v7 =	vld [tilespmem:s9+$0x400];
	_ =	sdelay $0x1  }
0x378: {  	s8 =	sand.u32 $0xF, s8  }
0x379: {  	v8 =	vmov s8  }
0x37a: {  	vm0 =	veq.s32 v8, v0  }
0x37b: {  	v7 =	vnsel vm0, $0x0, v7  }
0x37c: {  	(xrf0) =	vadd.scan.msk.s32 $0xffff, v7;
	_ =	sdelay $0x5  }
0x37d: {  	v7, _, _ =	vpop (xrf0)  }
0x37e: {  	(v2sf) =	vpush v7, $0xF;
	_ =	sdelay $0xa  }
0x37f: {  	s8 =	sand.u32 $0x3, s5  }
0x380: {  	p0 =	sgt.s32 s8, $0x1  }
0x381: {  	p1 =	seq.s32 @p0 s8, $0x2  }
0x382: {  	p2 =	por !p1, !p0  }
0x383: {  	p1 =	por p1, !p0;
	s10 =	simm.s32 @!p2 $0x3;
	s16 =	spop (v2sf)  }
0x384: {  	s12 =	simm.s32 @!p2 $0x7A1400;
	s9 =	sshll.u32 s16, $0x7;
	_ =	swait.ge @!p2 [sflag:s10], $0x2000  }
0x385: {  	s16 =	simm.s32 @!p2 $0x2600;
	s9 =	sand.u32 $0x1FFFFF80, s9;
	[sflag:s10] =	ssyncset.done @!p2 $0x0  }
0x386: {  	s9 =	sadd.s32 s1, s9;
	[sflag:s10] =	ssyncadd.s32 @!p2 $0xFFFFE000;
	s10 =	simm.s32 @!p2 $0x400  }
0x387: {  	[tilespmem:s16], [sflag:$0x2] =	stream.strided.gather @!p2 [hbm4b:s9+s10], $0x2000, s12, s10, $0x38;
	[tilespmem:$0x8E00] =	vst v63  }
0x388: {  	s10 =	simm.s32 @!p1 $0x4  }
0x389: {  	_ =	swait.ge @!p1 [sflag:s10], $0x2000  }
0x38a: {  	s12 =	simm.s32 @!p1 $0x7A1400;
	[sflag:s10] =	ssyncset.done @!p1 $0x0  }
0x38b: {  	s16 =	simm.s32 @!p1 $0x4600;
	[sflag:s10] =	ssyncadd.s32 @!p1 $0xFFFFE000;
	s10 =	simm.s32 @!p1 $0x400  }
0x38c: {  	[tilespmem:s16], [sflag:$0x3] =	stream.strided.gather @!p1 [hbm4b:s9+s10], $0x2000, s12, s10, $0x38;
	[tilespmem:$0x8E00] =	vst v63  }
0x38d: {  	p1 =	seq.s32 @!p0 s8, $0x0  }
0x38e: {  	p2 =	por !p1, p0  }
0x38f: {  	s8 =	simm.s32 @!p2 $0x1  }
0x390: {  	_ =	swait.ge @!p2 [sflag:s8], $0x2000  }
0x391: {  	p0 =	por p1, p0;
	s10 =	simm.s32 @!p2 $0x7A1400;
	[sflag:s8] =	ssyncset.done @!p2 $0x0  }
0x392: {  	s12 =	simm.s32 @!p2 $0x6600;
	[sflag:s8] =	ssyncadd.s32 @!p2 $0xFFFFE000;
	s8 =	simm.s32 @!p2 $0x400  }
0x393: {  	[tilespmem:s12], [sflag:$0x4] =	stream.strided.gather @!p2 [hbm4b:s9+s8], $0x2000, s10, s8, $0x38;
	[tilespmem:$0x8E00] =	vst v63  }
0x394: {  	s8 =	simm.s32 @!p0 $0x2  }
0x395: {  	_ =	swait.ge @!p0 [sflag:s8], $0x2000  }
0x396: {  	s10 =	simm.s32 @!p0 $0x7A1400;
	[sflag:s8] =	ssyncset.done @!p0 $0x0  }
0x397: {  	s12 =	simm.s32 @!p0 $0x600;
	[sflag:s8] =	ssyncadd.s32 @!p0 $0xFFFFE000;
	s8 =	simm.s32 @!p0 $0x400  }
0x398: {  	[tilespmem:s12], [sflag:$0x1] =	stream.strided.gather @!p0 [hbm4b:s9+s8], $0x2000, s10, s8, $0x38;
	[tilespmem:$0x8E00] =	vst v63  }
.LBB2_28:
0x399: {  	p0 =	sne.s32 s2, s15;
	s8 =	simm.s32 $0x1  }
0x39a: {  	s8 =	simm.s32 @!p0 $0x0  }
0x39b: {  	s5 =	sadd.s32 s8, s5  }
0x39c: {  	s8 =	sadd.s32 $0x3, s5  }
0x39d: {  	s9 =	sand.u32 $0x3, s8  }
0x39e: {  	s7 =	sand.u32 $0x7F, s7;
	s9 =	sshll.u32 s9, $0xD  }
0x39f: {  	s7 =	sor.u32 s7, s9  }
0x3a0: {  	v7 =	vor.u32 s7, v1;
	_ =	sdelay $0x4  }
0x3a1: {  	v7 =	vld.idx.msk [tilespmem:v7+s13+$0x0], $0xffff  }
0x3a2: {  	v8 =	vor.u32 s7, v2;
	_ =	sdelay $0x1  }
0x3a3: {  	(v2sf) =	vpush v6, $0xD;
	_ =	sdelay $0x1  }
0x3a4: {  	[tilespmem:$0x8C00] =	vst v7  }
0x3a5: {  	v7 =	vld.idx.msk [tilespmem:v8+s13+$0x0], $0xffff  }
0x3a6: {  	v8 =	vor.u32 s7, v3;
	_ =	sdelay $0x2  }
0x3a7: {  	(v2sf) =	vpush v5, $0xD  }
0x3a8: {  	[tilespmem:$0x8C10] =	vst v7  }
0x3a9: {  	v7 =	vld.idx.msk [tilespmem:v8+s13+$0x0], $0xffff  }
0x3aa: {  	v8 =	vor.u32 s7, v4;
	_ =	sdelay $0x3  }
0x3ab: {  	[tilespmem:$0x8C20] =	vst v7  }
0x3ac: {  	s7 =	spop (v2sf);
	v7 =	vld.idx.msk [tilespmem:v8+s13+$0x0], $0xffff  }
0x3ad: {  	s15 =	sshra.s32 s7, $0x7  }
0x3ae: {  	p0 =	seq.s32 s15, s2  }
.Ltmp17:
0x3af: {  	s6 =	sshll.u32 s6, $0x4;
	(pc) =	sbr.rel @p0 .LBB2_30-.Ltmp17, $4  }
0x3b0: {  	s6 =	sand.u32 $0x1FFFFFF0, s6  }
0x3b1: {  	s6 =	sadd.s32 s4, s6;
	[tilespmem:$0x8C30] =	vst v7  }
0x3b2: {  	[hbm4b:s6+s3] =	stream.linear.scatter [tilespmem:s29], [sflag:$0x5], $0x80, $0x38;
	[tilespmem:$0x8E00] =	vst v63  }
0x3b3: {  	s6 =	spop (v2sf)  }
0x3b4: {  	p0 =	slt.s32 s8, $0x1FF  }
0x3b5: {  	s8 =	simm.s32 @!p0 $0x1FF  }
0x3b6: {  	s9 =	sand.u32 $0xFFFFFFF0, s8  }
0x3b7: {  	v7 =	vld [tilespmem:s9+$0x400];
	_ =	sdelay $0x1  }
0x3b8: {  	s8 =	sand.u32 $0xF, s8  }
0x3b9: {  	v8 =	vmov s8  }
0x3ba: {  	vm0 =	veq.s32 v8, v0  }
0x3bb: {  	v7 =	vnsel vm0, $0x0, v7  }
0x3bc: {  	(xrf0) =	vadd.scan.msk.s32 $0xffff, v7;
	_ =	sdelay $0x5  }
0x3bd: {  	v7, _, _ =	vpop (xrf0)  }
0x3be: {  	(v2sf) =	vpush v7, $0xF;
	_ =	sdelay $0xa  }
0x3bf: {  	s8 =	sand.u32 $0x3, s5  }
0x3c0: {  	p0 =	sgt.s32 s8, $0x1  }
0x3c1: {  	p1 =	seq.s32 @p0 s8, $0x2  }
0x3c2: {  	p2 =	por !p1, !p0  }
0x3c3: {  	p1 =	por p1, !p0;
	s10 =	simm.s32 @!p2 $0x3;
	s16 =	spop (v2sf)  }
0x3c4: {  	s12 =	simm.s32 @!p2 $0x7A1400;
	s9 =	sshll.u32 s16, $0x7;
	_ =	swait.ge @!p2 [sflag:s10], $0x2000  }
0x3c5: {  	s16 =	simm.s32 @!p2 $0x2600;
	s9 =	sand.u32 $0x1FFFFF80, s9;
	[sflag:s10] =	ssyncset.done @!p2 $0x0  }
0x3c6: {  	s9 =	sadd.s32 s1, s9;
	[sflag:s10] =	ssyncadd.s32 @!p2 $0xFFFFE000;
	s10 =	simm.s32 @!p2 $0x400  }
0x3c7: {  	[tilespmem:s16], [sflag:$0x2] =	stream.strided.gather @!p2 [hbm4b:s9+s10], $0x2000, s12, s10, $0x38;
	[tilespmem:$0x8E00] =	vst v63  }
0x3c8: {  	s10 =	simm.s32 @!p1 $0x4  }
0x3c9: {  	_ =	swait.ge @!p1 [sflag:s10], $0x2000  }
0x3ca: {  	s12 =	simm.s32 @!p1 $0x7A1400;
	[sflag:s10] =	ssyncset.done @!p1 $0x0  }
0x3cb: {  	s16 =	simm.s32 @!p1 $0x4600;
	[sflag:s10] =	ssyncadd.s32 @!p1 $0xFFFFE000;
	s10 =	simm.s32 @!p1 $0x400  }
0x3cc: {  	[tilespmem:s16], [sflag:$0x3] =	stream.strided.gather @!p1 [hbm4b:s9+s10], $0x2000, s12, s10, $0x38;
	[tilespmem:$0x8E00] =	vst v63  }
0x3cd: {  	p1 =	seq.s32 @!p0 s8, $0x0  }
0x3ce: {  	p2 =	por !p1, p0  }
0x3cf: {  	s8 =	simm.s32 @!p2 $0x1  }
0x3d0: {  	_ =	swait.ge @!p2 [sflag:s8], $0x2000  }
0x3d1: {  	p0 =	por p1, p0;
	s10 =	simm.s32 @!p2 $0x7A1400;
	[sflag:s8] =	ssyncset.done @!p2 $0x0  }
0x3d2: {  	s12 =	simm.s32 @!p2 $0x6600;
	[sflag:s8] =	ssyncadd.s32 @!p2 $0xFFFFE000;
	s8 =	simm.s32 @!p2 $0x400  }
0x3d3: {  	[tilespmem:s12], [sflag:$0x4] =	stream.strided.gather @!p2 [hbm4b:s9+s8], $0x2000, s10, s8, $0x38;
	[tilespmem:$0x8E00] =	vst v63  }
0x3d4: {  	s8 =	simm.s32 @!p0 $0x2  }
0x3d5: {  	_ =	swait.ge @!p0 [sflag:s8], $0x2000  }
0x3d6: {  	s10 =	simm.s32 @!p0 $0x7A1400;
	[sflag:s8] =	ssyncset.done @!p0 $0x0  }
0x3d7: {  	s12 =	simm.s32 @!p0 $0x600;
	[sflag:s8] =	ssyncadd.s32 @!p0 $0xFFFFE000;
	s8 =	simm.s32 @!p0 $0x400  }
0x3d8: {  	[tilespmem:s12], [sflag:$0x1] =	stream.strided.gather @!p0 [hbm4b:s9+s8], $0x2000, s10, s8, $0x38;
	[tilespmem:$0x8E00] =	vst v63  }
.LBB2_30:
0x3d9: {  	p0 =	sne.s32 s15, s2;
	s2 =	simm.s32 $0x1  }
0x3da: {  	s2 =	simm.s32 @!p0 $0x0  }
0x3db: {  	s5 =	sadd.s32 s2, s5  }
0x3dc: {  	s8 =	sadd.s32 $0x3, s5  }
0x3dd: {  	s12 =	sand.u32 $0x3, s8  }
0x3de: {  	s7 =	sand.u32 $0x7F, s7;
	s2 =	sshll.u32 s12, $0xD  }
0x3df: {  	s2 =	sor.u32 s7, s2  }
0x3e0: {  	v7 =	vor.u32 s2, v1;
	_ =	sdelay $0x4  }
0x3e1: {  	v7 =	vld.idx.msk [tilespmem:v7+s13+$0x0], $0xffff  }
0x3e2: {  	v8 =	vor.u32 s2, v2;
	_ =	sdelay $0x3  }
0x3e3: {  	[tilespmem:$0x8C80] =	vst v7  }
0x3e4: {  	v7 =	vld.idx.msk [tilespmem:v8+s13+$0x0], $0xffff  }
0x3e5: {  	v8 =	vor.u32 s2, v3  }
0x3e6: {  	(v2sf) =	vpush v6, $0xE;
	_ =	sdelay $0x2  }
0x3e7: {  	[tilespmem:$0x8C90] =	vst v7  }
0x3e8: {  	v7 =	vld.idx.msk [tilespmem:v8+s13+$0x0], $0xffff  }
0x3e9: {  	v8 =	vor.u32 s2, v4;
	_ =	sdelay $0x2  }
0x3ea: {  	(v2sf) =	vpush v5, $0xE  }
0x3eb: {  	[tilespmem:$0x8CA0] =	vst v7  }
0x3ec: {  	v7 =	vld.idx.msk [tilespmem:v8+s13+$0x0], $0xffff;
	_ =	sdelay $0x2  }
0x3ed: {  	s16 =	sshll.u32 s6, $0x4  }
0x3ee: {  	s2 =	sand.u32 $0x1FFFFFF0, s16  }
0x3ef: {  	s7 =	spop (v2sf);
	s2 =	sadd.s32 s4, s2;
	[tilespmem:$0x8CB0] =	vst v7  }
0x3f0: {  	[hbm4b:s2+s3] =	stream.linear.scatter [tilespmem:s30], [sflag:$0x5], $0x80, $0x38;
	[tilespmem:$0x8E00] =	vst v63  }
0x3f1: {  	s2 =	sshra.s32 s7, $0x7  }
0x3f2: {  	p0 =	seq.s32 s2, s15  }
.Ltmp18:
0x3f3: {  	_ = 	snop;
	(pc) =	sbr.rel @p0 .LBB2_32-.Ltmp18, $2  }
0x3f4: {  	_ =	sdelay $0x2  }
0x3f5: {  	s6 =	spop (v2sf)  }
0x3f6: {  	p0 =	slt.s32 s8, $0x1FF  }
0x3f7: {  	s8 =	simm.s32 @!p0 $0x1FF  }
0x3f8: {  	s9 =	sand.u32 $0xFFFFFFF0, s8  }
0x3f9: {  	v7 =	vld [tilespmem:s9+$0x400];
	_ =	sdelay $0x1  }
0x3fa: {  	s8 =	sand.u32 $0xF, s8  }
0x3fb: {  	v8 =	vmov s8  }
0x3fc: {  	vm0 =	veq.s32 v8, v0  }
0x3fd: {  	v7 =	vnsel vm0, $0x0, v7  }
0x3fe: {  	(xrf0) =	vadd.scan.msk.s32 $0xffff, v7;
	_ =	sdelay $0x5  }
0x3ff: {  	v7, _, _ =	vpop (xrf0)  }
0x400: {  	(v2sf) =	vpush v7, $0xF;
	_ =	sdelay $0xa  }
0x401: {  	s8 =	sand.u32 $0x3, s5  }
0x402: {  	p0 =	sgt.s32 s8, $0x1  }
0x403: {  	p1 =	seq.s32 @p0 s8, $0x2  }
0x404: {  	p2 =	por !p1, !p0  }
0x405: {  	p1 =	por p1, !p0;
	s10 =	simm.s32 @!p2 $0x3;
	s16 =	spop (v2sf)  }
0x406: {  	s12 =	simm.s32 @!p2 $0x7A1400;
	s9 =	sshll.u32 s16, $0x7;
	_ =	swait.ge @!p2 [sflag:s10], $0x2000  }
0x407: {  	s16 =	simm.s32 @!p2 $0x2600;
	s9 =	sand.u32 $0x1FFFFF80, s9;
	[sflag:s10] =	ssyncset.done @!p2 $0x0  }
0x408: {  	s9 =	sadd.s32 s1, s9;
	[sflag:s10] =	ssyncadd.s32 @!p2 $0xFFFFE000;
	s10 =	simm.s32 @!p2 $0x400  }
0x409: {  	[tilespmem:s16], [sflag:$0x2] =	stream.strided.gather @!p2 [hbm4b:s9+s10], $0x2000, s12, s10, $0x38;
	[tilespmem:$0x8E00] =	vst v63  }
0x40a: {  	s10 =	simm.s32 @!p1 $0x4  }
0x40b: {  	_ =	swait.ge @!p1 [sflag:s10], $0x2000  }
0x40c: {  	s12 =	simm.s32 @!p1 $0x7A1400;
	[sflag:s10] =	ssyncset.done @!p1 $0x0  }
0x40d: {  	s16 =	simm.s32 @!p1 $0x4600;
	[sflag:s10] =	ssyncadd.s32 @!p1 $0xFFFFE000;
	s10 =	simm.s32 @!p1 $0x400  }
0x40e: {  	[tilespmem:s16], [sflag:$0x3] =	stream.strided.gather @!p1 [hbm4b:s9+s10], $0x2000, s12, s10, $0x38;
	[tilespmem:$0x8E00] =	vst v63  }
0x40f: {  	p1 =	seq.s32 @!p0 s8, $0x0  }
0x410: {  	p2 =	por !p1, p0  }
0x411: {  	s8 =	simm.s32 @!p2 $0x1  }
0x412: {  	_ =	swait.ge @!p2 [sflag:s8], $0x2000  }
0x413: {  	p0 =	por p1, p0;
	s10 =	simm.s32 @!p2 $0x7A1400;
	[sflag:s8] =	ssyncset.done @!p2 $0x0  }
0x414: {  	s12 =	simm.s32 @!p2 $0x6600;
	[sflag:s8] =	ssyncadd.s32 @!p2 $0xFFFFE000;
	s8 =	simm.s32 @!p2 $0x400  }
0x415: {  	[tilespmem:s12], [sflag:$0x4] =	stream.strided.gather @!p2 [hbm4b:s9+s8], $0x2000, s10, s8, $0x38;
	[tilespmem:$0x8E00] =	vst v63  }
0x416: {  	s8 =	simm.s32 @!p0 $0x2  }
0x417: {  	_ =	swait.ge @!p0 [sflag:s8], $0x2000  }
0x418: {  	s10 =	simm.s32 @!p0 $0x7A1400;
	[sflag:s8] =	ssyncset.done @!p0 $0x0  }
0x419: {  	s12 =	simm.s32 @!p0 $0x600;
	[sflag:s8] =	ssyncadd.s32 @!p0 $0xFFFFE000;
	s8 =	simm.s32 @!p0 $0x400  }
0x41a: {  	[tilespmem:s12], [sflag:$0x1] =	stream.strided.gather @!p0 [hbm4b:s9+s8], $0x2000, s10, s8, $0x38;
	[tilespmem:$0x8E00] =	vst v63  }
.LBB2_32:
0x41b: {  	p0 =	sne.s32 s2, s15;
	s8 =	simm.s32 $0x1  }
0x41c: {  	s8 =	simm.s32 @!p0 $0x0  }
0x41d: {  	s5 =	sadd.s32 s8, s5  }
0x41e: {  	s8 =	sadd.s32 $0x3, s5  }
0x41f: {  	s9 =	sand.u32 $0x3, s8  }
0x420: {  	s7 =	sand.u32 $0x7F, s7;
	s9 =	sshll.u32 s9, $0xD  }
0x421: {  	s7 =	sor.u32 s7, s9  }
0x422: {  	v7 =	vor.u32 s7, v1;
	_ =	sdelay $0x4  }
0x423: {  	v7 =	vld.idx.msk [tilespmem:v7+s13+$0x0], $0xffff  }
0x424: {  	v8 =	vor.u32 s7, v2;
	_ =	sdelay $0x1  }
0x425: {  	(v2sf) =	vpush v6, $0xF;
	_ =	sdelay $0x1  }
0x426: {  	[tilespmem:$0x8D00] =	vst v7  }
0x427: {  	v7 =	vld.idx.msk [tilespmem:v8+s13+$0x0], $0xffff  }
0x428: {  	v63 =	vor.u32 s7, v3;
	_ =	sdelay $0x2  }
0x429: {  	(v2sf) =	vpush v5, $0xF  }
0x42a: {  	[tilespmem:$0x8D10] =	vst v7  }
0x42b: {  	v6 =	vld.idx.msk [tilespmem:v63+s13+$0x0], $0xffff  }
0x42c: {  	v5 =	vor.u32 s7, v4;
	_ =	sdelay $0x3  }
0x42d: {  	[tilespmem:$0x8D20] =	vst v6  }
0x42e: {  	s7 =	spop (v2sf);
	v5 =	vld.idx.msk [tilespmem:v5+s13+$0x0], $0xffff  }
0x42f: {  	s15 =	sshra.s32 s7, $0x7  }
0x430: {  	p0 =	seq.s32 s15, s2  }
.Ltmp19:
0x431: {  	s6 =	sshll.u32 s6, $0x4;
	(pc) =	sbr.rel @p0 .LBB2_34-.Ltmp19, $4  }
0x432: {  	s6 =	sand.u32 $0x1FFFFFF0, s6  }
0x433: {  	s6 =	sadd.s32 s4, s6;
	[tilespmem:$0x8D30] =	vst v5  }
0x434: {  	[hbm4b:s6+s3] =	stream.linear.scatter [tilespmem:s31], [sflag:$0x5], $0x80, $0x38;
	[tilespmem:$0x8E00] =	vst v63  }
0x435: {  	s6 =	spop (v2sf)  }
0x436: {  	p0 =	slt.s32 s8, $0x1FF  }
0x437: {  	s8 =	simm.s32 @!p0 $0x1FF  }
0x438: {  	s9 =	sand.u32 $0xFFFFFFF0, s8  }
0x439: {  	v5 =	vld [tilespmem:s9+$0x400];
	_ =	sdelay $0x1  }
0x43a: {  	s8 =	sand.u32 $0xF, s8  }
0x43b: {  	v6 =	vmov s8  }
0x43c: {  	vm0 =	veq.s32 v6, v0  }
0x43d: {  	v5 =	vnsel vm0, $0x0, v5  }
0x43e: {  	(xrf0) =	vadd.scan.msk.s32 $0xffff, v5;
	_ =	sdelay $0x5  }
0x43f: {  	v5, _, _ =	vpop (xrf0)  }
0x440: {  	(v2sf) =	vpush v5, $0xF;
	_ =	sdelay $0xa  }
0x441: {  	s8 =	sand.u32 $0x3, s5  }
0x442: {  	p0 =	sgt.s32 s8, $0x1  }
0x443: {  	p1 =	seq.s32 @p0 s8, $0x2  }
0x444: {  	p2 =	por !p1, !p0  }
0x445: {  	p1 =	por p1, !p0;
	s10 =	simm.s32 @!p2 $0x3;
	s16 =	spop (v2sf)  }
0x446: {  	s12 =	simm.s32 @!p2 $0x7A1400;
	s9 =	sshll.u32 s16, $0x7;
	_ =	swait.ge @!p2 [sflag:s10], $0x2000  }
0x447: {  	s16 =	simm.s32 @!p2 $0x2600;
	s9 =	sand.u32 $0x1FFFFF80, s9;
	[sflag:s10] =	ssyncset.done @!p2 $0x0  }
0x448: {  	s9 =	sadd.s32 s1, s9;
	[sflag:s10] =	ssyncadd.s32 @!p2 $0xFFFFE000;
	s10 =	simm.s32 @!p2 $0x400  }
0x449: {  	[tilespmem:s16], [sflag:$0x2] =	stream.strided.gather @!p2 [hbm4b:s9+s10], $0x2000, s12, s10, $0x38;
	[tilespmem:$0x8E00] =	vst v63  }
0x44a: {  	s10 =	simm.s32 @!p1 $0x4  }
0x44b: {  	_ =	swait.ge @!p1 [sflag:s10], $0x2000  }
0x44c: {  	s12 =	simm.s32 @!p1 $0x7A1400;
	[sflag:s10] =	ssyncset.done @!p1 $0x0  }
0x44d: {  	s16 =	simm.s32 @!p1 $0x4600;
	[sflag:s10] =	ssyncadd.s32 @!p1 $0xFFFFE000;
	s10 =	simm.s32 @!p1 $0x400  }
0x44e: {  	[tilespmem:s16], [sflag:$0x3] =	stream.strided.gather @!p1 [hbm4b:s9+s10], $0x2000, s12, s10, $0x38;
	[tilespmem:$0x8E00] =	vst v63  }
0x44f: {  	p1 =	seq.s32 @!p0 s8, $0x0  }
0x450: {  	p2 =	por !p1, p0  }
0x451: {  	s8 =	simm.s32 @!p2 $0x1  }
0x452: {  	_ =	swait.ge @!p2 [sflag:s8], $0x2000  }
0x453: {  	p0 =	por p1, p0;
	s10 =	simm.s32 @!p2 $0x7A1400;
	[sflag:s8] =	ssyncset.done @!p2 $0x0  }
0x454: {  	s12 =	simm.s32 @!p2 $0x6600;
	[sflag:s8] =	ssyncadd.s32 @!p2 $0xFFFFE000;
	s8 =	simm.s32 @!p2 $0x400  }
0x455: {  	[tilespmem:s12], [sflag:$0x4] =	stream.strided.gather @!p2 [hbm4b:s9+s8], $0x2000, s10, s8, $0x38;
	[tilespmem:$0x8E00] =	vst v63  }
.Ltmp20:
0x456: {  	s8 =	simm.s32 @!p0 $0x2;
	(pc) =	sbr.rel .LBB2_34-.Ltmp20, $4  }
0x457: {  	_ =	swait.ge @!p0 [sflag:s8], $0x2000  }
0x458: {  	s10 =	simm.s32 @!p0 $0x7A1400;
	[sflag:s8] =	ssyncset.done @!p0 $0x0  }
0x459: {  	s12 =	simm.s32 @!p0 $0x600;
	[sflag:s8] =	ssyncadd.s32 @!p0 $0xFFFFE000;
	s8 =	simm.s32 @!p0 $0x400  }
0x45a: {  	[tilespmem:s12], [sflag:$0x1] =	stream.strided.gather @!p0 [hbm4b:s9+s8], $0x2000, s10, s8, $0x38;
	[tilespmem:$0x8E00] =	vst v63  }
.LBB2_36:
0x45b: {  	_ =	sfence.sel $0x180000  }
0x45c: {  	[bflag:$0x0] =	sbarrier.arrive $0xFFFF  }
0x45d: {  	_ =	strace $0x90000047  }
0x45e: {  	s0 =	stileid.u32;
	[bflag:$0x2] =	sbarrier.arrive $0xFFFF  }
0x45f: {  	p0 =	sne.s32 s0, $0x0;
	s0 =	rddreg [dreg:$0x5]  }
0x460: {  	s0 =	sadd.s32 @!p0 $0x100000, s0  }
0x461: {  	[sflag:s0] =	ssyncadd.tile.s32 @!p0 $0x1;
	_ =	shalt  }
.Lfunc_end2:
_tile_overlayer_lowered:
.L_overlay_start_2:
0x462: {  	(tag) =	ssettag $0x2  }
0x463: {  	s0 =	rddreg [dreg:$0x0];
	s2 =	stileid.u32  }
0x464: {  	s1 =	rddreg [dreg:$0x1];
	p0 =	sne.s32 s2, $0x0  }
0x465: {  	s3 =	rddreg [dreg:$0x2];
	[bflag:$0x3] =	sbarrier.arrive $0xFFFF;
	s2 =	simm.s32 @!p0 $0x1C06  }
0x466: {  	[timem:s3], [sflag:s2] =	dma.local @!p0 [hbm:s0], s1  }
0x467: {  	s0 =	simm.s32 @!p0 $0x6  }
0x468: {  	_ =	swait.ge @!p0 [sflag:s0], s1  }
0x469: {  	s1 =	ssub.s32 @!p0 $0x0, s1;
	[sflag:s0] =	ssyncset.done @!p0 $0x0  }
0x46a: {  	[sflag:s0] =	ssyncadd.s32 @!p0 s1  }
0x46b: {  	[bflag:$0x3] =	sbarrier.arrive $0xFFFF  }
0x46c: {  	_ =	shalt  }

</sc_bundles>
